<compile_context>
chip_gen: v7x
topology: tpu7x:2x2x1
jax: 0.10.2.dev20260603
libtpu: 0.0.44.dev20260713+nightly
codegen_flags: <defaults>
</compile_context>

<pallas_src>
import functools
import math

import jax
import jax.numpy as jnp
from jax import lax
from jax.experimental import pallas as pl
from jax.experimental.pallas import tpu as pltpu
from jax.experimental.pallas import tpu_sc as plsc

N_SAMPLES = 4_194_304
N_HIT = 8192
N_RAYS = 16384
SIGMA = 1.0
SIGMA_SCALE = 3.0
STD = SIGMA / SIGMA_SCALE
INV2STD2 = 1.0 / (2.0 * STD * STD)
PDF_C = 1.0 / (STD * math.sqrt(2.0 * math.pi))

NC = 2
NS = 16
L = 16
NW = NC * NS
CHUNK = N_SAMPLES // NW
BLK = 8192
RING = 4
NBLK = CHUNK // BLK
HIT_PER_T = N_HIT // NS
IDX_CHUNK = 128
NIC = HIT_PER_T // IDX_CHUNK
UNROLL = 8


def _log(x):
    xi = plsc.bitcast(x, jnp.int32)
    y = xi.astype(jnp.float32) * 8.262958405176314e-8 - 87.98997108999257
    for _ in range(3):
        y = y - 1.0 + x * jnp.exp(-y)
    return y


_mesh = plsc.VectorSubcoreMesh(
    core_axis_name="c", subcore_axis_name="s", num_cores=NC, num_subcores=NS
)

_scratch = (
    [
        pltpu.VMEM((N_HIT,), jnp.float32),
        pltpu.VMEM((HIT_PER_T,), jnp.float32),
        pltpu.VMEM((4, L), jnp.float32),
        pltpu.VMEM_SHARED((N_HIT,), jnp.float32),
    ]
    + [pltpu.VMEM((IDX_CHUNK,), jnp.int32) for _ in range(NIC)]
    + [pltpu.VMEM((IDX_CHUNK,), jnp.float32) for _ in range(NIC)]
    + [pltpu.VMEM((IDX_CHUNK,), jnp.float32) for _ in range(NIC)]
    + [pltpu.VMEM((BLK,), jnp.float32) for _ in range(RING)]
    + [pltpu.VMEM((BLK,), jnp.float32) for _ in range(RING)]
    + [pltpu.VMEM((BLK,), jnp.int32) for _ in range(RING)]
    + [pltpu.SemaphoreType.DMA for _ in range(RING)]
    + [pltpu.SemaphoreType.DMA]
)


@functools.partial(
    pl.kernel,
    out_type=jax.ShapeDtypeStruct((NW, 4, L), jnp.float32),
    mesh=_mesh,
    compiler_params=pltpu.CompilerParams(needs_layout_passes=False),
    scratch_types=_scratch,
)
def _lidar_sc(t_hbm, vw_hbm, ranges_hbm, dv_hbm, seg_hbm, rhit_hbm, maskf_hbm,
              out_hbm,
              gp_v, dv_v, outs_v, gp_sh, *scr):
    rhit_c = scr[0:NIC]
    g_c = scr[NIC:2 * NIC]
    m_c = scr[2 * NIC:3 * NIC]
    base = 3 * NIC
    t_bufs = scr[base:base + RING]
    vw_bufs = scr[base + RING:base + 2 * RING]
    seg_bufs = scr[base + 2 * RING:base + 3 * RING]
    sems = scr[base + 3 * RING:base + 4 * RING]
    semt = scr[base + 4 * RING]

    tid = lax.axis_index("s")
    core = lax.axis_index("c")
    wid = tid * NC + core
    samp_base = wid * CHUNK
    hit_base = tid * HIT_PER_T

    def start_blk(j, slot):
        off = samp_base + j * BLK
        pltpu.async_copy(t_hbm.at[pl.ds(off, BLK)], t_bufs[slot], sems[slot])
        pltpu.async_copy(vw_hbm.at[pl.ds(off, BLK)], vw_bufs[slot], sems[slot])
        pltpu.async_copy(seg_hbm.at[pl.ds(off, BLK)], seg_bufs[slot], sems[slot])

    def wait_blk(slot):
        pltpu.make_async_copy(t_hbm.at[pl.ds(0, BLK)], t_bufs[slot], sems[slot]).wait()
        pltpu.make_async_copy(vw_hbm.at[pl.ds(0, BLK)], vw_bufs[slot], sems[slot]).wait()
        pltpu.make_async_copy(seg_hbm.at[pl.ds(0, BLK)], seg_bufs[slot], sems[slot]).wait()

    hc = [
        pltpu.async_copy(
            rhit_hbm.at[pl.ds(hit_base + k * IDX_CHUNK, IDX_CHUNK)], rhit_c[k], semt
        )
        for k in range(NIC)
    ]
    cdv = pltpu.async_copy(dv_hbm.at[pl.ds(hit_base, HIT_PER_T)], dv_v, semt)
    for c in hc:
        c.wait()

    gc = [
        pltpu.async_copy(ranges_hbm.at[rhit_c[k]], g_c[k], semt) for k in range(NIC)
    ] + [
        pltpu.async_copy(maskf_hbm.at[rhit_c[k]], m_c[k], semt) for k in range(NIC)
    ]
    for s in range(RING):
        start_blk(s, s)
    for c in gc:
        c.wait()
    cdv.wait()

    for k in range(NIC):
        gk, mk = g_c[k], m_c[k]

        def mask_body(i, gk=gk, mk=mk):
            sl = pl.ds(i, L)
            gk[sl] = jnp.where(mk[sl] > 0.5, gk[sl], -1e9)

        plsc.parallel_loop(0, IDX_CHUNK, step=L)(mask_body)
        pltpu.sync_copy(g_c[k], gp_sh.at[pl.ds(hit_base + k * IDX_CHUNK, IDX_CHUNK)])

    plsc.subcore_barrier()
    pltpu.sync_copy(gp_sh, gp_v)

    zero = jnp.zeros((L,), jnp.float32)

    def compute_blk(slot, accs):
        tb = t_bufs[slot]
        vb = vw_bufs[slot]
        sb = seg_bufs[slot]

        def vec_body(i, accs2):
            accs3 = list(accs2)
            for u in range(UNROLL):
                sl = pl.ds(i + u * L, L)
                seg = sb[sl]
                gp = plsc.load_gather(gp_v, [seg])
                tt = tb[sl]
                vv = vb[sl]
                diff = tt - gp
                d2 = diff * diff
                p = PDF_C * jnp.exp(d2 * (-INV2STD2))
                r = vv - p
                nb = jnp.where(d2 <= SIGMA * SIGMA, r * r, 0.0)
                eb = jnp.where(diff < -SIGMA, vv * vv, 0.0)
                accs3[2 * u] = accs3[2 * u] + nb
                accs3[2 * u + 1] = accs3[2 * u + 1] + eb
            return tuple(accs3)

        return plsc.parallel_loop(0, BLK, step=L * UNROLL, carry=tuple(accs))(vec_body)

    def blk_body(k, accs):
        for slot in range(RING):
            j = k * RING + slot
            wait_blk(slot)
            accs = compute_blk(slot, accs)

            @pl.when(j + RING < NBLK)
            def _():
                start_blk(j + RING, slot)

        return accs

    accs = tuple([zero] * (2 * UNROLL))
    accs = lax.fori_loop(0, NBLK // RING, blk_body, accs)
    accn = accs[0]
    acce = accs[1]
    for u in range(1, UNROLL):
        accn = accn + accs[2 * u]
        acce = acce + accs[2 * u + 1]

    accd, accm = zero, zero
    for k in range(NIC):
        gk, mk = g_c[k], m_c[k]

        def depth_body(i, accs2, gk=gk, mk=mk, k=k):
            acd, acm = accs2
            sl = pl.ds(i, L)
            m = mk[sl]
            gp = gk[sl]
            dvv = dv_v[pl.ds(k * IDX_CHUNK + i, L)]
            g_safe = jnp.where(m > 0.5, gp, 1.0)
            d = jnp.abs(_log(dvv + 1.0) - _log(g_safe + 1.0)) * m
            return acd + d, acm + m

        accd, accm = plsc.parallel_loop(
            0, IDX_CHUNK, step=L, carry=(accd, accm)
        )(depth_body)
    accd = accd * 0.5
    accm = accm * 0.5

    outs_v[0, :] = accn
    outs_v[1, :] = acce
    outs_v[2, :] = accd
    outs_v[3, :] = accm
    pltpu.sync_copy(outs_v, out_hbm.at[wid])


def kernel(t, vw, ranges, depth_volume, segment_ids, rays_inds_hit, mask):
    seg = segment_ids.astype(jnp.int32)
    rhit = rays_inds_hit.astype(jnp.int32)
    maskf = mask.astype(jnp.float32)
    parts = _lidar_sc(t, vw, ranges, depth_volume, seg, rhit, maskf)
    s = jnp.sum(parts, axis=(0, 2))
    depth_loss = s[2] / jnp.maximum(s[3], 1.0)
    neighbor_loss = s[0] / N_HIT
    empty_loss = s[1] / N_HIT
    return jnp.stack([depth_loss, neighbor_loss, empty_loss])

# --- scband reference (transcript-rebuilt; emitter-appended) ---
"""Pipeline reference for scband-lidar-loss-71262097375537 (READ-ONLY COPY).

The authoritative reference and input builder live on the scoring server;
editing this copy changes nothing except your own understanding.
"""

import jax, jax.numpy as jnp
import numpy as np

N_SAMPLES = 4_194_304
N_HIT = 8192
N_RAYS = 16384
SIGMA = 1.0
SIGMA_SCALE = 3.0
W = 1.0


def setup_inputs(seed: int = 0) -> dict:
    key = jax.random.key(seed)
    ks = jax.random.split(key, 7)
    # ragged packed volume buffer: depth samples along rays (scaled to lidar range ~[0,60m])
    t = jax.random.uniform(ks[0], (N_SAMPLES,), dtype=jnp.float32) * 60.0
    # visibility weights from volume rendering
    vw = jax.random.uniform(ks[1], (N_SAMPLES,), dtype=jnp.float32)
    # sorted segment ids mapping each sample to its hit-ray (ragged pack structure)
    segment_ids = jnp.sort(jax.random.randint(ks[2], (N_SAMPLES,), 0, N_HIT, dtype=jnp.int64))
    # which global rays were hit
    rays_inds_hit = jax.random.randint(ks[3], (N_HIT,), 0, N_RAYS, dtype=jnp.int64)
    # lidar ground-truth ranges per global ray
    ranges = jax.random.uniform(ks[4], (N_RAYS,), dtype=jnp.float32) * 60.0 + 1.0
    # rendered depth per hit ray
    depth_volume = jax.random.uniform(ks[5], (N_HIT,), dtype=jnp.float32) * 60.0 + 1.0
    mask = jnp.ones((N_RAYS,), dtype=bool)
    return {
        't': t,
        'vw': vw,
        'ranges': ranges,
        'depth_volume': depth_volume,
        'segment_ids': segment_ids,
        'rays_inds_hit': rays_inds_hit,
        'mask': mask,
    }


def reference(t, vw, ranges, depth_volume, segment_ids, rays_inds_hit, mask):
    std = SIGMA / SIGMA_SCALE
    # gather ground truth / mask onto hit rays
    depth_gt_hit = jnp.take(ranges, rays_inds_hit, axis=0)            # [N_HIT]
    mask_on_hit = jnp.take(mask, rays_inds_hit, axis=0)               # [N_HIT] bool
    mask_on_hit_f = mask_on_hit.astype(jnp.float32)

    # ---- DepthLoss (fn_type='l1_log', reduction='mean' over masked rays) ----
    l1 = jnp.abs(jnp.log(depth_volume + 1.0) - jnp.log(depth_gt_hit + 1.0))
    denom = jnp.maximum(jnp.sum(mask_on_hit_f), 1.0)
    depth_loss = jnp.sum(l1 * mask_on_hit_f) / denom

    # ---- LineOfSightLoss (fn_type='nerf', packed buffer) ----
    # expand per-ray gt range to every sample via segment_ids (== repeat_interleave)
    depth_gt_ex = jnp.take(depth_gt_hit, segment_ids, axis=0)         # [N_SAMPLES]
    diff = t - depth_gt_ex
    neighbor_mask = ((t <= depth_gt_ex + SIGMA) & (t >= depth_gt_ex - SIGMA)).astype(jnp.float32)
    # Normal(0, std).log_prob -> pdf
    log_prob = -(diff ** 2) / (2.0 * std * std) - jnp.log(std * jnp.sqrt(2.0 * jnp.pi))
    neighbor_loss_samples = (vw - jnp.exp(log_prob)) ** 2
    neighbor_per_ray = jax.ops.segment_sum(neighbor_mask * neighbor_loss_samples, segment_ids, num_segments=N_HIT)
    empty_mask = (t < depth_gt_ex - SIGMA).astype(jnp.float32)
    empty_per_ray = jax.ops.segment_sum(empty_mask * vw ** 2, segment_ids, num_segments=N_HIT)

    neighbor_loss = jnp.mean(neighbor_per_ray * mask_on_hit_f)
    empty_loss = jnp.mean(empty_per_ray * mask_on_hit_f)

    return jnp.stack([W * depth_loss, W * neighbor_loss, W * empty_loss])

if __name__ == "__main__":
    import jax
    _d = setup_inputs()
    print(jax.jit(kernel)(*tuple(_d.values())))

</pallas_src>

<mosaic_0001>
#map = affine_map<(d0, d1) -> (0)>
#map1 = affine_map<(d0, d1) -> (0, 0, 0)>
module attributes {stable_mosaic.version = 14 : i64} {
  func.func @_lidar_sc(%arg0: i32, %arg1: i32, %arg2: memref<4194304xf32, #tpu.memory_space<hbm>>, %arg3: memref<4194304xf32, #tpu.memory_space<hbm>>, %arg4: memref<16384xf32, #tpu.memory_space<hbm>>, %arg5: memref<8192xf32, #tpu.memory_space<hbm>>, %arg6: memref<4194304xi32, #tpu.memory_space<hbm>>, %arg7: memref<8192xi32, #tpu.memory_space<hbm>>, %arg8: memref<16384xf32, #tpu.memory_space<hbm>>, %arg9: memref<32x4x16xf32, #tpu.memory_space<hbm>>, %arg10: memref<8192xf32, #tpu.memory_space<vmem>>, %arg11: memref<512xf32, #tpu.memory_space<vmem>>, %arg12: memref<4x16xf32, #tpu.memory_space<vmem>>, %arg13: memref<8192xf32, #tpu.memory_space<vmem_shared>>, %arg14: memref<128xi32, #tpu.memory_space<vmem>>, %arg15: memref<128xi32, #tpu.memory_space<vmem>>, %arg16: memref<128xi32, #tpu.memory_space<vmem>>, %arg17: memref<128xi32, #tpu.memory_space<vmem>>, %arg18: memref<128xf32, #tpu.memory_space<vmem>>, %arg19: memref<128xf32, #tpu.memory_space<vmem>>, %arg20: memref<128xf32, #tpu.memory_space<vmem>>, %arg21: memref<128xf32, #tpu.memory_space<vmem>>, %arg22: memref<128xf32, #tpu.memory_space<vmem>>, %arg23: memref<128xf32, #tpu.memory_space<vmem>>, %arg24: memref<128xf32, #tpu.memory_space<vmem>>, %arg25: memref<128xf32, #tpu.memory_space<vmem>>, %arg26: memref<8192xf32, #tpu.memory_space<vmem>>, %arg27: memref<8192xf32, #tpu.memory_space<vmem>>, %arg28: memref<8192xf32, #tpu.memory_space<vmem>>, %arg29: memref<8192xf32, #tpu.memory_space<vmem>>, %arg30: memref<8192xf32, #tpu.memory_space<vmem>>, %arg31: memref<8192xf32, #tpu.memory_space<vmem>>, %arg32: memref<8192xf32, #tpu.memory_space<vmem>>, %arg33: memref<8192xf32, #tpu.memory_space<vmem>>, %arg34: memref<8192xi32, #tpu.memory_space<vmem>>, %arg35: memref<8192xi32, #tpu.memory_space<vmem>>, %arg36: memref<8192xi32, #tpu.memory_space<vmem>>, %arg37: memref<8192xi32, #tpu.memory_space<vmem>>, %arg38: memref<!tpu.dma_semaphore, #tpu.memory_space<semaphore_mem>>, %arg39: memref<!tpu.dma_semaphore, #tpu.memory_space<semaphore_mem>>, %arg40: memref<!tpu.dma_semaphore, #tpu.memory_space<semaphore_mem>>, %arg41: memref<!tpu.dma_semaphore, #tpu.memory_space<semaphore_mem>>, %arg42: memref<!tpu.dma_semaphore, #tpu.memory_space<semaphore_mem>>) attributes {dimension_semantics = [#tpu.dimension_semantics<core_parallel>, #tpu.dimension_semantics<subcore_parallel>], iteration_bounds = array<i64: 2, 16>, scalar_prefetch = 0 : i64, scratch_operands = 33 : i64, tpu.core_type = #tpu.core_type<sc_vector_subcore>, window_params = [{transform_indices = #map}, {transform_indices = #map}, {transform_indices = #map}, {transform_indices = #map}, {transform_indices = #map}, {transform_indices = #map}, {transform_indices = #map}, {transform_indices = #map1}]} {
    %mul3A = arith.constant 2 : i32
    %mul3A_0 = arith.muli %arg1, %mul3A : i32
    %add3A = arith.addi %mul3A_0, %arg0 : i32
    %mul3A_1 = arith.constant 131072 : i32
    %mul3A_2 = arith.muli %add3A, %mul3A_1 : i32
    %mul3A_3 = arith.constant 512 : i32
    %mul3A_4 = arith.muli %arg1, %mul3A_3 : i32
    %add3A_5 = arith.constant 0 : i32
    %add3A_6 = arith.addi %mul3A_4, %add3A_5 : i32
    %dma_start3A = tpu.memref_slice %arg7[%add3A_6] : memref<8192xi32, #tpu.memory_space<hbm>> -> memref<128xi32, #tpu.memory_space<hbm>>
    %dma_start3A_7 = tpu.memref_slice %arg7[%add3A_6] : memref<8192xi32, #tpu.memory_space<hbm>> -> memref<128xi32, #tpu.memory_space<hbm>>
    tpu.enqueue_dma source(%dma_start3A_7 : memref<128xi32, #tpu.memory_space<hbm>>) target(%arg14 : memref<128xi32, #tpu.memory_space<vmem>>) target_semaphore(%arg42 : memref<!tpu.dma_semaphore, #tpu.memory_space<semaphore_mem>>)
    %add3A_8 = arith.constant 128 : i32
    %add3A_9 = arith.addi %mul3A_4, %add3A_8 : i32
    %dma_start3A_10 = tpu.memref_slice %arg7[%add3A_9] : memref<8192xi32, #tpu.memory_space<hbm>> -> memref<128xi32, #tpu.memory_space<hbm>>
    %dma_start3A_11 = tpu.memref_slice %arg7[%add3A_9] : memref<8192xi32, #tpu.memory_space<hbm>> -> memref<128xi32, #tpu.memory_space<hbm>>
    tpu.enqueue_dma source(%dma_start3A_11 : memref<128xi32, #tpu.memory_space<hbm>>) target(%arg15 : memref<128xi32, #tpu.memory_space<vmem>>) target_semaphore(%arg42 : memref<!tpu.dma_semaphore, #tpu.memory_space<semaphore_mem>>)
    %add3A_12 = arith.constant 256 : i32
    %add3A_13 = arith.addi %mul3A_4, %add3A_12 : i32
    %dma_start3A_14 = tpu.memref_slice %arg7[%add3A_13] : memref<8192xi32, #tpu.memory_space<hbm>> -> memref<128xi32, #tpu.memory_space<hbm>>
    %dma_start3A_15 = tpu.memref_slice %arg7[%add3A_13] : memref<8192xi32, #tpu.memory_space<hbm>> -> memref<128xi32, #tpu.memory_space<hbm>>
    tpu.enqueue_dma source(%dma_start3A_15 : memref<128xi32, #tpu.memory_space<hbm>>) target(%arg16 : memref<128xi32, #tpu.memory_space<vmem>>) target_semaphore(%arg42 : memref<!tpu.dma_semaphore, #tpu.memory_space<semaphore_mem>>)
    %add3A_16 = arith.constant 384 : i32
    %add3A_17 = arith.addi %mul3A_4, %add3A_16 : i32
    %dma_start3A_18 = tpu.memref_slice %arg7[%add3A_17] : memref<8192xi32, #tpu.memory_space<hbm>> -> memref<128xi32, #tpu.memory_space<hbm>>
    %dma_start3A_19 = tpu.memref_slice %arg7[%add3A_17] : memref<8192xi32, #tpu.memory_space<hbm>> -> memref<128xi32, #tpu.memory_space<hbm>>
    tpu.enqueue_dma source(%dma_start3A_19 : memref<128xi32, #tpu.memory_space<hbm>>) target(%arg17 : memref<128xi32, #tpu.memory_space<vmem>>) target_semaphore(%arg42 : memref<!tpu.dma_semaphore, #tpu.memory_space<semaphore_mem>>)
    %dma_start3A_20 = tpu.memref_slice %arg5[%mul3A_4] : memref<8192xf32, #tpu.memory_space<hbm>> -> memref<512xf32, #tpu.memory_space<hbm>>
    %dma_start3A_21 = tpu.memref_slice %arg5[%mul3A_4] : memref<8192xf32, #tpu.memory_space<hbm>> -> memref<512xf32, #tpu.memory_space<hbm>>
    tpu.enqueue_dma source(%dma_start3A_21 : memref<512xf32, #tpu.memory_space<hbm>>) target(%arg11 : memref<512xf32, #tpu.memory_space<vmem>>) target_semaphore(%arg42 : memref<!tpu.dma_semaphore, #tpu.memory_space<semaphore_mem>>)
    %dma_wait3A = tpu.memref_slice %arg7[%add3A_6] : memref<8192xi32, #tpu.memory_space<hbm>> -> memref<128xi32, #tpu.memory_space<hbm>>
    %dma_wait3A_22 = tpu.memref_slice %arg7[%add3A_6] : memref<8192xi32, #tpu.memory_space<hbm>> -> memref<128xi32, #tpu.memory_space<hbm>>
    tpu.wait_dma2 semaphore(%arg42 : memref<!tpu.dma_semaphore, #tpu.memory_space<semaphore_mem>>) src(%dma_wait3A_22 : memref<128xi32, #tpu.memory_space<hbm>>) dst(%arg14 : memref<128xi32, #tpu.memory_space<vmem>>)
    %dma_wait3A_23 = tpu.memref_slice %arg7[%add3A_9] : memref<8192xi32, #tpu.memory_space<hbm>> -> memref<128xi32, #tpu.memory_space<hbm>>
    %dma_wait3A_24 = tpu.memref_slice %arg7[%add3A_9] : memref<8192xi32, #tpu.memory_space<hbm>> -> memref<128xi32, #tpu.memory_space<hbm>>
    tpu.wait_dma2 semaphore(%arg42 : memref<!tpu.dma_semaphore, #tpu.memory_space<semaphore_mem>>) src(%dma_wait3A_24 : memref<128xi32, #tpu.memory_space<hbm>>) dst(%arg15 : memref<128xi32, #tpu.memory_space<vmem>>)
    %dma_wait3A_25 = tpu.memref_slice %arg7[%add3A_13] : memref<8192xi32, #tpu.memory_space<hbm>> -> memref<128xi32, #tpu.memory_space<hbm>>
    %dma_wait3A_26 = tpu.memref_slice %arg7[%add3A_13] : memref<8192xi32, #tpu.memory_space<hbm>> -> memref<128xi32, #tpu.memory_space<hbm>>
    tpu.wait_dma2 semaphore(%arg42 : memref<!tpu.dma_semaphore, #tpu.memory_space<semaphore_mem>>) src(%dma_wait3A_26 : memref<128xi32, #tpu.memory_space<hbm>>) dst(%arg16 : memref<128xi32, #tpu.memory_space<vmem>>)
    %dma_wait3A_27 = tpu.memref_slice %arg7[%add3A_17] : memref<8192xi32, #tpu.memory_space<hbm>> -> memref<128xi32, #tpu.memory_space<hbm>>
    %dma_wait3A_28 = tpu.memref_slice %arg7[%add3A_17] : memref<8192xi32, #tpu.memory_space<hbm>> -> memref<128xi32, #tpu.memory_space<hbm>>
    tpu.wait_dma2 semaphore(%arg42 : memref<!tpu.dma_semaphore, #tpu.memory_space<semaphore_mem>>) src(%dma_wait3A_28 : memref<128xi32, #tpu.memory_space<hbm>>) dst(%arg17 : memref<128xi32, #tpu.memory_space<vmem>>)
    %dma_start3A_29 = arith.constant 0 : i32
    %dma_start3A_30 = tpu.memref_slice %arg4[%dma_start3A_29] : memref<16384xf32, #tpu.memory_space<hbm>> -> memref<16384xf32, #tpu.memory_space<hbm>>
    tpu.enqueue_indirect_dma source(%dma_start3A_30 : memref<16384xf32, #tpu.memory_space<hbm>>) target(%arg18 : memref<128xf32, #tpu.memory_space<vmem>>) offsets(%arg14 : memref<128xi32, #tpu.memory_space<vmem>>) semaphore(%arg42 : memref<!tpu.dma_semaphore, #tpu.memory_space<semaphore_mem>>)
    %dma_start3A_31 = arith.constant 0 : i32
    %dma_start3A_32 = tpu.memref_slice %arg4[%dma_start3A_31] : memref<16384xf32, #tpu.memory_space<hbm>> -> memref<16384xf32, #tpu.memory_space<hbm>>
    tpu.enqueue_indirect_dma source(%dma_start3A_32 : memref<16384xf32, #tpu.memory_space<hbm>>) target(%arg19 : memref<128xf32, #tpu.memory_space<vmem>>) offsets(%arg15 : memref<128xi32, #tpu.memory_space<vmem>>) semaphore(%arg42 : memref<!tpu.dma_semaphore, #tpu.memory_space<semaphore_mem>>)
    %dma_start3A_33 = arith.constant 0 : i32
    %dma_start3A_34 = tpu.memref_slice %arg4[%dma_start3A_33] : memref<16384xf32, #tpu.memory_space<hbm>> -> memref<16384xf32, #tpu.memory_space<hbm>>
    tpu.enqueue_indirect_dma source(%dma_start3A_34 : memref<16384xf32, #tpu.memory_space<hbm>>) target(%arg20 : memref<128xf32, #tpu.memory_space<vmem>>) offsets(%arg16 : memref<128xi32, #tpu.memory_space<vmem>>) semaphore(%arg42 : memref<!tpu.dma_semaphore, #tpu.memory_space<semaphore_mem>>)
    %dma_start3A_35 = arith.constant 0 : i32
    %dma_start3A_36 = tpu.memref_slice %arg4[%dma_start3A_35] : memref<16384xf32, #tpu.memory_space<hbm>> -> memref<16384xf32, #tpu.memory_space<hbm>>
    tpu.enqueue_indirect_dma source(%dma_start3A_36 : memref<16384xf32, #tpu.memory_space<hbm>>) target(%arg21 : memref<128xf32, #tpu.memory_space<vmem>>) offsets(%arg17 : memref<128xi32, #tpu.memory_space<vmem>>) semaphore(%arg42 : memref<!tpu.dma_semaphore, #tpu.memory_space<semaphore_mem>>)
    %dma_start3A_37 = arith.constant 0 : i32
    %dma_start3A_38 = tpu.memref_slice %arg8[%dma_start3A_37] : memref<16384xf32, #tpu.memory_space<hbm>> -> memref<16384xf32, #tpu.memory_space<hbm>>
    tpu.enqueue_indirect_dma source(%dma_start3A_38 : memref<16384xf32, #tpu.memory_space<hbm>>) target(%arg22 : memref<128xf32, #tpu.memory_space<vmem>>) offsets(%arg14 : memref<128xi32, #tpu.memory_space<vmem>>) semaphore(%arg42 : memref<!tpu.dma_semaphore, #tpu.memory_space<semaphore_mem>>)
    %dma_start3A_39 = arith.constant 0 : i32
    %dma_start3A_40 = tpu.memref_slice %arg8[%dma_start3A_39] : memref<16384xf32, #tpu.memory_space<hbm>> -> memref<16384xf32, #tpu.memory_space<hbm>>
    tpu.enqueue_indirect_dma source(%dma_start3A_40 : memref<16384xf32, #tpu.memory_space<hbm>>) target(%arg23 : memref<128xf32, #tpu.memory_space<vmem>>) offsets(%arg15 : memref<128xi32, #tpu.memory_space<vmem>>) semaphore(%arg42 : memref<!tpu.dma_semaphore, #tpu.memory_space<semaphore_mem>>)
    %dma_start3A_41 = arith.constant 0 : i32
    %dma_start3A_42 = tpu.memref_slice %arg8[%dma_start3A_41] : memref<16384xf32, #tpu.memory_space<hbm>> -> memref<16384xf32, #tpu.memory_space<hbm>>
    tpu.enqueue_indirect_dma source(%dma_start3A_42 : memref<16384xf32, #tpu.memory_space<hbm>>) target(%arg24 : memref<128xf32, #tpu.memory_space<vmem>>) offsets(%arg16 : memref<128xi32, #tpu.memory_space<vmem>>) semaphore(%arg42 : memref<!tpu.dma_semaphore, #tpu.memory_space<semaphore_mem>>)
    %dma_start3A_43 = arith.constant 0 : i32
    %dma_start3A_44 = tpu.memref_slice %arg8[%dma_start3A_43] : memref<16384xf32, #tpu.memory_space<hbm>> -> memref<16384xf32, #tpu.memory_space<hbm>>
    tpu.enqueue_indirect_dma source(%dma_start3A_44 : memref<16384xf32, #tpu.memory_space<hbm>>) target(%arg25 : memref<128xf32, #tpu.memory_space<vmem>>) offsets(%arg17 : memref<128xi32, #tpu.memory_space<vmem>>) semaphore(%arg42 : memref<!tpu.dma_semaphore, #tpu.memory_space<semaphore_mem>>)
    %add3A_45 = arith.constant 0 : i32
    %add3A_46 = arith.addi %mul3A_2, %add3A_45 : i32
    %dma_start3A_47 = tpu.memref_slice %arg2[%add3A_46] : memref<4194304xf32, #tpu.memory_space<hbm>> -> memref<8192xf32, #tpu.memory_space<hbm>>
    %dma_start3A_48 = tpu.memref_slice %arg2[%add3A_46] : memref<4194304xf32, #tpu.memory_space<hbm>> -> memref<8192xf32, #tpu.memory_space<hbm>>
    tpu.enqueue_dma source(%dma_start3A_48 : memref<8192xf32, #tpu.memory_space<hbm>>) target(%arg26 : memref<8192xf32, #tpu.memory_space<vmem>>) target_semaphore(%arg38 : memref<!tpu.dma_semaphore, #tpu.memory_space<semaphore_mem>>)
    %dma_start3A_49 = tpu.memref_slice %arg3[%add3A_46] : memref<4194304xf32, #tpu.memory_space<hbm>> -> memref<8192xf32, #tpu.memory_space<hbm>>
    %dma_start3A_50 = tpu.memref_slice %arg3[%add3A_46] : memref<4194304xf32, #tpu.memory_space<hbm>> -> memref<8192xf32, #tpu.memory_space<hbm>>
    tpu.enqueue_dma source(%dma_start3A_50 : memref<8192xf32, #tpu.memory_space<hbm>>) target(%arg30 : memref<8192xf32, #tpu.memory_space<vmem>>) target_semaphore(%arg38 : memref<!tpu.dma_semaphore, #tpu.memory_space<semaphore_mem>>)
    %dma_start3A_51 = tpu.memref_slice %arg6[%add3A_46] : memref<4194304xi32, #tpu.memory_space<hbm>> -> memref<8192xi32, #tpu.memory_space<hbm>>
    %dma_start3A_52 = tpu.memref_slice %arg6[%add3A_46] : memref<4194304xi32, #tpu.memory_space<hbm>> -> memref<8192xi32, #tpu.memory_space<hbm>>
    tpu.enqueue_dma source(%dma_start3A_52 : memref<8192xi32, #tpu.memory_space<hbm>>) target(%arg34 : memref<8192xi32, #tpu.memory_space<vmem>>) target_semaphore(%arg38 : memref<!tpu.dma_semaphore, #tpu.memory_space<semaphore_mem>>)
    %add3A_53 = arith.constant 8192 : i32
    %add3A_54 = arith.addi %mul3A_2, %add3A_53 : i32
    %dma_start3A_55 = tpu.memref_slice %arg2[%add3A_54] : memref<4194304xf32, #tpu.memory_space<hbm>> -> memref<8192xf32, #tpu.memory_space<hbm>>
    %dma_start3A_56 = tpu.memref_slice %arg2[%add3A_54] : memref<4194304xf32, #tpu.memory_space<hbm>> -> memref<8192xf32, #tpu.memory_space<hbm>>
    tpu.enqueue_dma source(%dma_start3A_56 : memref<8192xf32, #tpu.memory_space<hbm>>) target(%arg27 : memref<8192xf32, #tpu.memory_space<vmem>>) target_semaphore(%arg39 : memref<!tpu.dma_semaphore, #tpu.memory_space<semaphore_mem>>)
    %dma_start3A_57 = tpu.memref_slice %arg3[%add3A_54] : memref<4194304xf32, #tpu.memory_space<hbm>> -> memref<8192xf32, #tpu.memory_space<hbm>>
    %dma_start3A_58 = tpu.memref_slice %arg3[%add3A_54] : memref<4194304xf32, #tpu.memory_space<hbm>> -> memref<8192xf32, #tpu.memory_space<hbm>>
    tpu.enqueue_dma source(%dma_start3A_58 : memref<8192xf32, #tpu.memory_space<hbm>>) target(%arg31 : memref<8192xf32, #tpu.memory_space<vmem>>) target_semaphore(%arg39 : memref<!tpu.dma_semaphore, #tpu.memory_space<semaphore_mem>>)
    %dma_start3A_59 = tpu.memref_slice %arg6[%add3A_54] : memref<4194304xi32, #tpu.memory_space<hbm>> -> memref<8192xi32, #tpu.memory_space<hbm>>
    %dma_start3A_60 = tpu.memref_slice %arg6[%add3A_54] : memref<4194304xi32, #tpu.memory_space<hbm>> -> memref<8192xi32, #tpu.memory_space<hbm>>
    tpu.enqueue_dma source(%dma_start3A_60 : memref<8192xi32, #tpu.memory_space<hbm>>) target(%arg35 : memref<8192xi32, #tpu.memory_space<vmem>>) target_semaphore(%arg39 : memref<!tpu.dma_semaphore, #tpu.memory_space<semaphore_mem>>)
    %add3A_61 = arith.constant 16384 : i32
    %add3A_62 = arith.addi %mul3A_2, %add3A_61 : i32
    %dma_start3A_63 = tpu.memref_slice %arg2[%add3A_62] : memref<4194304xf32, #tpu.memory_space<hbm>> -> memref<8192xf32, #tpu.memory_space<hbm>>
    %dma_start3A_64 = tpu.memref_slice %arg2[%add3A_62] : memref<4194304xf32, #tpu.memory_space<hbm>> -> memref<8192xf32, #tpu.memory_space<hbm>>
    tpu.enqueue_dma source(%dma_start3A_64 : memref<8192xf32, #tpu.memory_space<hbm>>) target(%arg28 : memref<8192xf32, #tpu.memory_space<vmem>>) target_semaphore(%arg40 : memref<!tpu.dma_semaphore, #tpu.memory_space<semaphore_mem>>)
    %dma_start3A_65 = tpu.memref_slice %arg3[%add3A_62] : memref<4194304xf32, #tpu.memory_space<hbm>> -> memref<8192xf32, #tpu.memory_space<hbm>>
    %dma_start3A_66 = tpu.memref_slice %arg3[%add3A_62] : memref<4194304xf32, #tpu.memory_space<hbm>> -> memref<8192xf32, #tpu.memory_space<hbm>>
    tpu.enqueue_dma source(%dma_start3A_66 : memref<8192xf32, #tpu.memory_space<hbm>>) target(%arg32 : memref<8192xf32, #tpu.memory_space<vmem>>) target_semaphore(%arg40 : memref<!tpu.dma_semaphore, #tpu.memory_space<semaphore_mem>>)
    %dma_start3A_67 = tpu.memref_slice %arg6[%add3A_62] : memref<4194304xi32, #tpu.memory_space<hbm>> -> memref<8192xi32, #tpu.memory_space<hbm>>
    %dma_start3A_68 = tpu.memref_slice %arg6[%add3A_62] : memref<4194304xi32, #tpu.memory_space<hbm>> -> memref<8192xi32, #tpu.memory_space<hbm>>
    tpu.enqueue_dma source(%dma_start3A_68 : memref<8192xi32, #tpu.memory_space<hbm>>) target(%arg36 : memref<8192xi32, #tpu.memory_space<vmem>>) target_semaphore(%arg40 : memref<!tpu.dma_semaphore, #tpu.memory_space<semaphore_mem>>)
    %add3A_69 = arith.constant 24576 : i32
    %add3A_70 = arith.addi %mul3A_2, %add3A_69 : i32
    %dma_start3A_71 = tpu.memref_slice %arg2[%add3A_70] : memref<4194304xf32, #tpu.memory_space<hbm>> -> memref<8192xf32, #tpu.memory_space<hbm>>
    %dma_start3A_72 = tpu.memref_slice %arg2[%add3A_70] : memref<4194304xf32, #tpu.memory_space<hbm>> -> memref<8192xf32, #tpu.memory_space<hbm>>
    tpu.enqueue_dma source(%dma_start3A_72 : memref<8192xf32, #tpu.memory_space<hbm>>) target(%arg29 : memref<8192xf32, #tpu.memory_space<vmem>>) target_semaphore(%arg41 : memref<!tpu.dma_semaphore, #tpu.memory_space<semaphore_mem>>)
    %dma_start3A_73 = tpu.memref_slice %arg3[%add3A_70] : memref<4194304xf32, #tpu.memory_space<hbm>> -> memref<8192xf32, #tpu.memory_space<hbm>>
    %dma_start3A_74 = tpu.memref_slice %arg3[%add3A_70] : memref<4194304xf32, #tpu.memory_space<hbm>> -> memref<8192xf32, #tpu.memory_space<hbm>>
    tpu.enqueue_dma source(%dma_start3A_74 : memref<8192xf32, #tpu.memory_space<hbm>>) target(%arg33 : memref<8192xf32, #tpu.memory_space<vmem>>) target_semaphore(%arg41 : memref<!tpu.dma_semaphore, #tpu.memory_space<semaphore_mem>>)
    %dma_start3A_75 = tpu.memref_slice %arg6[%add3A_70] : memref<4194304xi32, #tpu.memory_space<hbm>> -> memref<8192xi32, #tpu.memory_space<hbm>>
    %dma_start3A_76 = tpu.memref_slice %arg6[%add3A_70] : memref<4194304xi32, #tpu.memory_space<hbm>> -> memref<8192xi32, #tpu.memory_space<hbm>>
    tpu.enqueue_dma source(%dma_start3A_76 : memref<8192xi32, #tpu.memory_space<hbm>>) target(%arg37 : memref<8192xi32, #tpu.memory_space<vmem>>) target_semaphore(%arg41 : memref<!tpu.dma_semaphore, #tpu.memory_space<semaphore_mem>>)
    %dma_wait3A_77 = arith.constant 0 : i32
    %dma_wait3A_78 = tpu.memref_slice %arg4[%dma_wait3A_77] : memref<16384xf32, #tpu.memory_space<hbm>> -> memref<16384xf32, #tpu.memory_space<hbm>>
    tpu.wait_indirect_dma semaphore(%arg42 : memref<!tpu.dma_semaphore, #tpu.memory_space<semaphore_mem>>) src(%dma_wait3A_78 : memref<16384xf32, #tpu.memory_space<hbm>>) dst(%arg18 : memref<128xf32, #tpu.memory_space<vmem>>)
    %dma_wait3A_79 = arith.constant 0 : i32
    %dma_wait3A_80 = tpu.memref_slice %arg4[%dma_wait3A_79] : memref<16384xf32, #tpu.memory_space<hbm>> -> memref<16384xf32, #tpu.memory_space<hbm>>
    tpu.wait_indirect_dma semaphore(%arg42 : memref<!tpu.dma_semaphore, #tpu.memory_space<semaphore_mem>>) src(%dma_wait3A_80 : memref<16384xf32, #tpu.memory_space<hbm>>) dst(%arg19 : memref<128xf32, #tpu.memory_space<vmem>>)
    %dma_wait3A_81 = arith.constant 0 : i32
    %dma_wait3A_82 = tpu.memref_slice %arg4[%dma_wait3A_81] : memref<16384xf32, #tpu.memory_space<hbm>> -> memref<16384xf32, #tpu.memory_space<hbm>>
    tpu.wait_indirect_dma semaphore(%arg42 : memref<!tpu.dma_semaphore, #tpu.memory_space<semaphore_mem>>) src(%dma_wait3A_82 : memref<16384xf32, #tpu.memory_space<hbm>>) dst(%arg20 : memref<128xf32, #tpu.memory_space<vmem>>)
    %dma_wait3A_83 = arith.constant 0 : i32
    %dma_wait3A_84 = tpu.memref_slice %arg4[%dma_wait3A_83] : memref<16384xf32, #tpu.memory_space<hbm>> -> memref<16384xf32, #tpu.memory_space<hbm>>
    tpu.wait_indirect_dma semaphore(%arg42 : memref<!tpu.dma_semaphore, #tpu.memory_space<semaphore_mem>>) src(%dma_wait3A_84 : memref<16384xf32, #tpu.memory_space<hbm>>) dst(%arg21 : memref<128xf32, #tpu.memory_space<vmem>>)
    %dma_wait3A_85 = arith.constant 0 : i32
    %dma_wait3A_86 = tpu.memref_slice %arg8[%dma_wait3A_85] : memref<16384xf32, #tpu.memory_space<hbm>> -> memref<16384xf32, #tpu.memory_space<hbm>>
    tpu.wait_indirect_dma semaphore(%arg42 : memref<!tpu.dma_semaphore, #tpu.memory_space<semaphore_mem>>) src(%dma_wait3A_86 : memref<16384xf32, #tpu.memory_space<hbm>>) dst(%arg22 : memref<128xf32, #tpu.memory_space<vmem>>)
    %dma_wait3A_87 = arith.constant 0 : i32
    %dma_wait3A_88 = tpu.memref_slice %arg8[%dma_wait3A_87] : memref<16384xf32, #tpu.memory_space<hbm>> -> memref<16384xf32, #tpu.memory_space<hbm>>
    tpu.wait_indirect_dma semaphore(%arg42 : memref<!tpu.dma_semaphore, #tpu.memory_space<semaphore_mem>>) src(%dma_wait3A_88 : memref<16384xf32, #tpu.memory_space<hbm>>) dst(%arg23 : memref<128xf32, #tpu.memory_space<vmem>>)
    %dma_wait3A_89 = arith.constant 0 : i32
    %dma_wait3A_90 = tpu.memref_slice %arg8[%dma_wait3A_89] : memref<16384xf32, #tpu.memory_space<hbm>> -> memref<16384xf32, #tpu.memory_space<hbm>>
    tpu.wait_indirect_dma semaphore(%arg42 : memref<!tpu.dma_semaphore, #tpu.memory_space<semaphore_mem>>) src(%dma_wait3A_90 : memref<16384xf32, #tpu.memory_space<hbm>>) dst(%arg24 : memref<128xf32, #tpu.memory_space<vmem>>)
    %dma_wait3A_91 = arith.constant 0 : i32
    %dma_wait3A_92 = tpu.memref_slice %arg8[%dma_wait3A_91] : memref<16384xf32, #tpu.memory_space<hbm>> -> memref<16384xf32, #tpu.memory_space<hbm>>
    tpu.wait_indirect_dma semaphore(%arg42 : memref<!tpu.dma_semaphore, #tpu.memory_space<semaphore_mem>>) src(%dma_wait3A_92 : memref<16384xf32, #tpu.memory_space<hbm>>) dst(%arg25 : memref<128xf32, #tpu.memory_space<vmem>>)
    %dma_wait3A_93 = tpu.memref_slice %arg5[%mul3A_4] : memref<8192xf32, #tpu.memory_space<hbm>> -> memref<512xf32, #tpu.memory_space<hbm>>
    %dma_wait3A_94 = tpu.memref_slice %arg5[%mul3A_4] : memref<8192xf32, #tpu.memory_space<hbm>> -> memref<512xf32, #tpu.memory_space<hbm>>
    tpu.wait_dma2 semaphore(%arg42 : memref<!tpu.dma_semaphore, #tpu.memory_space<semaphore_mem>>) src(%dma_wait3A_94 : memref<512xf32, #tpu.memory_space<hbm>>) dst(%arg11 : memref<512xf32, #tpu.memory_space<vmem>>)
    %parallel_loop3A = arith.constant 0 : i32
    %parallel_loop3A_95 = arith.constant 128 : i32
    %parallel_loop3A_96 = arith.constant 16 : i32
    scf.for %parallel_loop3A_171 = %parallel_loop3A to %parallel_loop3A_95 step %parallel_loop3A_96  : i32 {
      %parallel_loop3A_172 = arith.index_cast %parallel_loop3A_171 : i32 to index
      %parallel_loop3A_173 = tpu.vector_load %arg22[%parallel_loop3A_172] {strides = array<i32>} : memref<128xf32, #tpu.memory_space<vmem>>, vector<16xf32>,
      %parallel_loop3A_174 = arith.constant 5.000000e-01 : f32
      %parallel_loop3A_175 = vector.broadcast %parallel_loop3A_174 : f32 to vector<16xf32>
      %parallel_loop3A_176 = arith.cmpf ogt, %parallel_loop3A_173, %parallel_loop3A_175 : vector<16xf32>
      %parallel_loop3A_177 = arith.index_cast %parallel_loop3A_171 : i32 to index
      %parallel_loop3A_178 = tpu.vector_load %arg18[%parallel_loop3A_177] {strides = array<i32>} : memref<128xf32, #tpu.memory_space<vmem>>, vector<16xf32>,
      %parallel_loop3A_179 = arith.constant -1.000000e+09 : f32
      %parallel_loop3A_180 = vector.broadcast %parallel_loop3A_179 : f32 to vector<16xf32>
      %parallel_loop3A_181 = arith.select %parallel_loop3A_176, %parallel_loop3A_178, %parallel_loop3A_180 : vector<16xi1>, vector<16xf32>
      %parallel_loop3A_182 = arith.index_cast %parallel_loop3A_171 : i32 to index
      %parallel_loop3A_183 = tpu.vector_load %arg18[%parallel_loop3A_182] {strides = array<i32>} : memref<128xf32, #tpu.memory_space<vmem>>, vector<16xf32>,
      tpu.vector_store %arg18[%parallel_loop3A_182], %parallel_loop3A_181 {strides = array<i32>} : memref<128xf32, #tpu.memory_space<vmem>>, vector<16xf32>,
    } {sc.loop_unroll_factor = 1 : i64, sc.parallel_access}
    %add3A_97 = arith.constant 0 : i32
    %add3A_98 = arith.addi %mul3A_4, %add3A_97 : i32
    "tpu.region"() ({
      %run_scoped3A = tpu.sem_alloc : memref<!tpu.dma_semaphore, #tpu.memory_space<semaphore_mem>>
      %dma_start3A_171 = tpu.memref_slice %arg13[%add3A_98] : memref<8192xf32, #tpu.memory_space<vmem_shared>> -> memref<128xf32, #tpu.memory_space<vmem_shared>>
      %dma_start3A_172 = tpu.memref_slice %arg13[%add3A_98] : memref<8192xf32, #tpu.memory_space<vmem_shared>> -> memref<128xf32, #tpu.memory_space<vmem_shared>>
      tpu.enqueue_dma source(%arg18 : memref<128xf32, #tpu.memory_space<vmem>>) target(%dma_start3A_172 : memref<128xf32, #tpu.memory_space<vmem_shared>>) target_semaphore(%run_scoped3A : memref<!tpu.dma_semaphore, #tpu.memory_space<semaphore_mem>>)
      %dma_wait3A_173 = tpu.memref_slice %arg13[%add3A_98] : memref<8192xf32, #tpu.memory_space<vmem_shared>> -> memref<128xf32, #tpu.memory_space<vmem_shared>>
      %dma_wait3A_174 = tpu.memref_slice %arg13[%add3A_98] : memref<8192xf32, #tpu.memory_space<vmem_shared>> -> memref<128xf32, #tpu.memory_space<vmem_shared>>
      tpu.wait_dma2 semaphore(%run_scoped3A : memref<!tpu.dma_semaphore, #tpu.memory_space<semaphore_mem>>) src(%arg18 : memref<128xf32, #tpu.memory_space<vmem>>) dst(%dma_wait3A_174 : memref<128xf32, #tpu.memory_space<vmem_shared>>)
      tpu.yield
    }) : () -> ()
    %parallel_loop3A_99 = arith.constant 0 : i32
    %parallel_loop3A_100 = arith.constant 128 : i32
    %parallel_loop3A_101 = arith.constant 16 : i32
    scf.for %parallel_loop3A_171 = %parallel_loop3A_99 to %parallel_loop3A_100 step %parallel_loop3A_101  : i32 {
      %parallel_loop3A_172 = arith.index_cast %parallel_loop3A_171 : i32 to index
      %parallel_loop3A_173 = tpu.vector_load %arg23[%parallel_loop3A_172] {strides = array<i32>} : memref<128xf32, #tpu.memory_space<vmem>>, vector<16xf32>,
      %parallel_loop3A_174 = arith.constant 5.000000e-01 : f32
      %parallel_loop3A_175 = vector.broadcast %parallel_loop3A_174 : f32 to vector<16xf32>
      %parallel_loop3A_176 = arith.cmpf ogt, %parallel_loop3A_173, %parallel_loop3A_175 : vector<16xf32>
      %parallel_loop3A_177 = arith.index_cast %parallel_loop3A_171 : i32 to index
      %parallel_loop3A_178 = tpu.vector_load %arg19[%parallel_loop3A_177] {strides = array<i32>} : memref<128xf32, #tpu.memory_space<vmem>>, vector<16xf32>,
      %parallel_loop3A_179 = arith.constant -1.000000e+09 : f32
      %parallel_loop3A_180 = vector.broadcast %parallel_loop3A_179 : f32 to vector<16xf32>
      %parallel_loop3A_181 = arith.select %parallel_loop3A_176, %parallel_loop3A_178, %parallel_loop3A_180 : vector<16xi1>, vector<16xf32>
      %parallel_loop3A_182 = arith.index_cast %parallel_loop3A_171 : i32 to index
      %parallel_loop3A_183 = tpu.vector_load %arg19[%parallel_loop3A_182] {strides = array<i32>} : memref<128xf32, #tpu.memory_space<vmem>>, vector<16xf32>,
      tpu.vector_store %arg19[%parallel_loop3A_182], %parallel_loop3A_181 {strides = array<i32>} : memref<128xf32, #tpu.memory_space<vmem>>, vector<16xf32>,
    } {sc.loop_unroll_factor = 1 : i64, sc.parallel_access}
    %add3A_102 = arith.constant 128 : i32
    %add3A_103 = arith.addi %mul3A_4, %add3A_102 : i32
    "tpu.region"() ({
      %run_scoped3A = tpu.sem_alloc : memref<!tpu.dma_semaphore, #tpu.memory_space<semaphore_mem>>
      %dma_start3A_171 = tpu.memref_slice %arg13[%add3A_103] : memref<8192xf32, #tpu.memory_space<vmem_shared>> -> memref<128xf32, #tpu.memory_space<vmem_shared>>
      %dma_start3A_172 = tpu.memref_slice %arg13[%add3A_103] : memref<8192xf32, #tpu.memory_space<vmem_shared>> -> memref<128xf32, #tpu.memory_space<vmem_shared>>
      tpu.enqueue_dma source(%arg19 : memref<128xf32, #tpu.memory_space<vmem>>) target(%dma_start3A_172 : memref<128xf32, #tpu.memory_space<vmem_shared>>) target_semaphore(%run_scoped3A : memref<!tpu.dma_semaphore, #tpu.memory_space<semaphore_mem>>)
      %dma_wait3A_173 = tpu.memref_slice %arg13[%add3A_103] : memref<8192xf32, #tpu.memory_space<vmem_shared>> -> memref<128xf32, #tpu.memory_space<vmem_shared>>
      %dma_wait3A_174 = tpu.memref_slice %arg13[%add3A_103] : memref<8192xf32, #tpu.memory_space<vmem_shared>> -> memref<128xf32, #tpu.memory_space<vmem_shared>>
      tpu.wait_dma2 semaphore(%run_scoped3A : memref<!tpu.dma_semaphore, #tpu.memory_space<semaphore_mem>>) src(%arg19 : memref<128xf32, #tpu.memory_space<vmem>>) dst(%dma_wait3A_174 : memref<128xf32, #tpu.memory_space<vmem_shared>>)
      tpu.yield
    }) : () -> ()
    %parallel_loop3A_104 = arith.constant 0 : i32
    %parallel_loop3A_105 = arith.constant 128 : i32
    %parallel_loop3A_106 = arith.constant 16 : i32
    scf.for %parallel_loop3A_171 = %parallel_loop3A_104 to %parallel_loop3A_105 step %parallel_loop3A_106  : i32 {
      %parallel_loop3A_172 = arith.index_cast %parallel_loop3A_171 : i32 to index
      %parallel_loop3A_173 = tpu.vector_load %arg24[%parallel_loop3A_172] {strides = array<i32>} : memref<128xf32, #tpu.memory_space<vmem>>, vector<16xf32>,
      %parallel_loop3A_174 = arith.constant 5.000000e-01 : f32
      %parallel_loop3A_175 = vector.broadcast %parallel_loop3A_174 : f32 to vector<16xf32>
      %parallel_loop3A_176 = arith.cmpf ogt, %parallel_loop3A_173, %parallel_loop3A_175 : vector<16xf32>
      %parallel_loop3A_177 = arith.index_cast %parallel_loop3A_171 : i32 to index
      %parallel_loop3A_178 = tpu.vector_load %arg20[%parallel_loop3A_177] {strides = array<i32>} : memref<128xf32, #tpu.memory_space<vmem>>, vector<16xf32>,
      %parallel_loop3A_179 = arith.constant -1.000000e+09 : f32
      %parallel_loop3A_180 = vector.broadcast %parallel_loop3A_179 : f32 to vector<16xf32>
      %parallel_loop3A_181 = arith.select %parallel_loop3A_176, %parallel_loop3A_178, %parallel_loop3A_180 : vector<16xi1>, vector<16xf32>
      %parallel_loop3A_182 = arith.index_cast %parallel_loop3A_171 : i32 to index
      %parallel_loop3A_183 = tpu.vector_load %arg20[%parallel_loop3A_182] {strides = array<i32>} : memref<128xf32, #tpu.memory_space<vmem>>, vector<16xf32>,
      tpu.vector_store %arg20[%parallel_loop3A_182], %parallel_loop3A_181 {strides = array<i32>} : memref<128xf32, #tpu.memory_space<vmem>>, vector<16xf32>,
    } {sc.loop_unroll_factor = 1 : i64, sc.parallel_access}
    %add3A_107 = arith.constant 256 : i32
    %add3A_108 = arith.addi %mul3A_4, %add3A_107 : i32
    "tpu.region"() ({
      %run_scoped3A = tpu.sem_alloc : memref<!tpu.dma_semaphore, #tpu.memory_space<semaphore_mem>>
      %dma_start3A_171 = tpu.memref_slice %arg13[%add3A_108] : memref<8192xf32, #tpu.memory_space<vmem_shared>> -> memref<128xf32, #tpu.memory_space<vmem_shared>>
      %dma_start3A_172 = tpu.memref_slice %arg13[%add3A_108] : memref<8192xf32, #tpu.memory_space<vmem_shared>> -> memref<128xf32, #tpu.memory_space<vmem_shared>>
      tpu.enqueue_dma source(%arg20 : memref<128xf32, #tpu.memory_space<vmem>>) target(%dma_start3A_172 : memref<128xf32, #tpu.memory_space<vmem_shared>>) target_semaphore(%run_scoped3A : memref<!tpu.dma_semaphore, #tpu.memory_space<semaphore_mem>>)
      %dma_wait3A_173 = tpu.memref_slice %arg13[%add3A_108] : memref<8192xf32, #tpu.memory_space<vmem_shared>> -> memref<128xf32, #tpu.memory_space<vmem_shared>>
      %dma_wait3A_174 = tpu.memref_slice %arg13[%add3A_108] : memref<8192xf32, #tpu.memory_space<vmem_shared>> -> memref<128xf32, #tpu.memory_space<vmem_shared>>
      tpu.wait_dma2 semaphore(%run_scoped3A : memref<!tpu.dma_semaphore, #tpu.memory_space<semaphore_mem>>) src(%arg20 : memref<128xf32, #tpu.memory_space<vmem>>) dst(%dma_wait3A_174 : memref<128xf32, #tpu.memory_space<vmem_shared>>)
      tpu.yield
    }) : () -> ()
    %parallel_loop3A_109 = arith.constant 0 : i32
    %parallel_loop3A_110 = arith.constant 128 : i32
    %parallel_loop3A_111 = arith.constant 16 : i32
    scf.for %parallel_loop3A_171 = %parallel_loop3A_109 to %parallel_loop3A_110 step %parallel_loop3A_111  : i32 {
      %parallel_loop3A_172 = arith.index_cast %parallel_loop3A_171 : i32 to index
      %parallel_loop3A_173 = tpu.vector_load %arg25[%parallel_loop3A_172] {strides = array<i32>} : memref<128xf32, #tpu.memory_space<vmem>>, vector<16xf32>,
      %parallel_loop3A_174 = arith.constant 5.000000e-01 : f32
      %parallel_loop3A_175 = vector.broadcast %parallel_loop3A_174 : f32 to vector<16xf32>
      %parallel_loop3A_176 = arith.cmpf ogt, %parallel_loop3A_173, %parallel_loop3A_175 : vector<16xf32>
      %parallel_loop3A_177 = arith.index_cast %parallel_loop3A_171 : i32 to index
      %parallel_loop3A_178 = tpu.vector_load %arg21[%parallel_loop3A_177] {strides = array<i32>} : memref<128xf32, #tpu.memory_space<vmem>>, vector<16xf32>,
      %parallel_loop3A_179 = arith.constant -1.000000e+09 : f32
      %parallel_loop3A_180 = vector.broadcast %parallel_loop3A_179 : f32 to vector<16xf32>
      %parallel_loop3A_181 = arith.select %parallel_loop3A_176, %parallel_loop3A_178, %parallel_loop3A_180 : vector<16xi1>, vector<16xf32>
      %parallel_loop3A_182 = arith.index_cast %parallel_loop3A_171 : i32 to index
      %parallel_loop3A_183 = tpu.vector_load %arg21[%parallel_loop3A_182] {strides = array<i32>} : memref<128xf32, #tpu.memory_space<vmem>>, vector<16xf32>,
      tpu.vector_store %arg21[%parallel_loop3A_182], %parallel_loop3A_181 {strides = array<i32>} : memref<128xf32, #tpu.memory_space<vmem>>, vector<16xf32>,
    } {sc.loop_unroll_factor = 1 : i64, sc.parallel_access}
    %add3A_112 = arith.constant 384 : i32
    %add3A_113 = arith.addi %mul3A_4, %add3A_112 : i32
    "tpu.region"() ({
      %run_scoped3A = tpu.sem_alloc : memref<!tpu.dma_semaphore, #tpu.memory_space<semaphore_mem>>
      %dma_start3A_171 = tpu.memref_slice %arg13[%add3A_113] : memref<8192xf32, #tpu.memory_space<vmem_shared>> -> memref<128xf32, #tpu.memory_space<vmem_shared>>
      %dma_start3A_172 = tpu.memref_slice %arg13[%add3A_113] : memref<8192xf32, #tpu.memory_space<vmem_shared>> -> memref<128xf32, #tpu.memory_space<vmem_shared>>
      tpu.enqueue_dma source(%arg21 : memref<128xf32, #tpu.memory_space<vmem>>) target(%dma_start3A_172 : memref<128xf32, #tpu.memory_space<vmem_shared>>) target_semaphore(%run_scoped3A : memref<!tpu.dma_semaphore, #tpu.memory_space<semaphore_mem>>)
      %dma_wait3A_173 = tpu.memref_slice %arg13[%add3A_113] : memref<8192xf32, #tpu.memory_space<vmem_shared>> -> memref<128xf32, #tpu.memory_space<vmem_shared>>
      %dma_wait3A_174 = tpu.memref_slice %arg13[%add3A_113] : memref<8192xf32, #tpu.memory_space<vmem_shared>> -> memref<128xf32, #tpu.memory_space<vmem_shared>>
      tpu.wait_dma2 semaphore(%run_scoped3A : memref<!tpu.dma_semaphore, #tpu.memory_space<semaphore_mem>>) src(%arg21 : memref<128xf32, #tpu.memory_space<vmem>>) dst(%dma_wait3A_174 : memref<128xf32, #tpu.memory_space<vmem_shared>>)
      tpu.yield
    }) : () -> ()
    %barrier3A = arith.constant 0 : index
    tpu.barrier barrier_id(%barrier3A)
    "tpu.region"() ({
      %run_scoped3A = tpu.sem_alloc : memref<!tpu.dma_semaphore, #tpu.memory_space<semaphore_mem>>
      tpu.enqueue_dma source(%arg13 : memref<8192xf32, #tpu.memory_space<vmem_shared>>) target(%arg10 : memref<8192xf32, #tpu.memory_space<vmem>>) target_semaphore(%run_scoped3A : memref<!tpu.dma_semaphore, #tpu.memory_space<semaphore_mem>>)
      tpu.wait_dma2 semaphore(%run_scoped3A : memref<!tpu.dma_semaphore, #tpu.memory_space<semaphore_mem>>) src(%arg13 : memref<8192xf32, #tpu.memory_space<vmem_shared>>) dst(%arg10 : memref<8192xf32, #tpu.memory_space<vmem>>)
      tpu.yield
    }) : () -> ()
    %broadcast_in_dim3A = arith.constant 0.000000e+00 : f32
    %broadcast_in_dim3A_114 = vector.broadcast %broadcast_in_dim3A : f32 to vector<16xf32>
    %scan3A = arith.constant 0 : i32
    %scan3A_115 = arith.constant 4 : i32
    %scan3A_116 = arith.addi %scan3A, %scan3A_115 : i32
    %scan3A_117 = arith.constant 1 : i32
    %scan3A_118:16 = scf.for %scan3A_171 = %scan3A to %scan3A_116 step %scan3A_117 iter_args(%scan3A_172 = %broadcast_in_dim3A_114, %scan3A_173 = %broadcast_in_dim3A_114, %scan3A_174 = %broadcast_in_dim3A_114, %scan3A_175 = %broadcast_in_dim3A_114, %scan3A_176 = %broadcast_in_dim3A_114, %scan3A_177 = %broadcast_in_dim3A_114, %scan3A_178 = %broadcast_in_dim3A_114, %scan3A_179 = %broadcast_in_dim3A_114, %scan3A_180 = %broadcast_in_dim3A_114, %scan3A_181 = %broadcast_in_dim3A_114, %scan3A_182 = %broadcast_in_dim3A_114, %scan3A_183 = %broadcast_in_dim3A_114, %scan3A_184 = %broadcast_in_dim3A_114, %scan3A_185 = %broadcast_in_dim3A_114, %scan3A_186 = %broadcast_in_dim3A_114, %scan3A_187 = %broadcast_in_dim3A_114) -> (vector<16xf32>, vector<16xf32>, vector<16xf32>, vector<16xf32>, vector<16xf32>, vector<16xf32>, vector<16xf32>, vector<16xf32>, vector<16xf32>, vector<16xf32>, vector<16xf32>, vector<16xf32>, vector<16xf32>, vector<16xf32>, vector<16xf32>, vector<16xf32>)  : i32 {
      %mul3A_188 = arith.constant 4 : i32
      %mul3A_189 = arith.muli %scan3A_171, %mul3A_188 : i32
      %add3A_190 = arith.constant 0 : i32
      %add3A_191 = arith.addi %mul3A_189, %add3A_190 : i32
      %dma_wait3A_192 = arith.constant 0 : i32
      %dma_wait3A_193 = tpu.memref_slice %arg2[%dma_wait3A_192] : memref<4194304xf32, #tpu.memory_space<hbm>> -> memref<8192xf32, #tpu.memory_space<hbm>>
      %dma_wait3A_194 = arith.constant 0 : i32
      %dma_wait3A_195 = tpu.memref_slice %arg2[%dma_wait3A_194] : memref<4194304xf32, #tpu.memory_space<hbm>> -> memref<8192xf32, #tpu.memory_space<hbm>>
      tpu.wait_dma2 semaphore(%arg38 : memref<!tpu.dma_semaphore, #tpu.memory_space<semaphore_mem>>) src(%dma_wait3A_195 : memref<8192xf32, #tpu.memory_space<hbm>>) dst(%arg26 : memref<8192xf32, #tpu.memory_space<vmem>>)
      %dma_wait3A_196 = arith.constant 0 : i32
      %dma_wait3A_197 = tpu.memref_slice %arg3[%dma_wait3A_196] : memref<4194304xf32, #tpu.memory_space<hbm>> -> memref<8192xf32, #tpu.memory_space<hbm>>
      %dma_wait3A_198 = arith.constant 0 : i32
      %dma_wait3A_199 = tpu.memref_slice %arg3[%dma_wait3A_198] : memref<4194304xf32, #tpu.memory_space<hbm>> -> memref<8192xf32, #tpu.memory_space<hbm>>
      tpu.wait_dma2 semaphore(%arg38 : memref<!tpu.dma_semaphore, #tpu.memory_space<semaphore_mem>>) src(%dma_wait3A_199 : memref<8192xf32, #tpu.memory_space<hbm>>) dst(%arg30 : memref<8192xf32, #tpu.memory_space<vmem>>)
      %dma_wait3A_200 = arith.constant 0 : i32
      %dma_wait3A_201 = tpu.memref_slice %arg6[%dma_wait3A_200] : memref<4194304xi32, #tpu.memory_space<hbm>> -> memref<8192xi32, #tpu.memory_space<hbm>>
      %dma_wait3A_202 = arith.constant 0 : i32
      %dma_wait3A_203 = tpu.memref_slice %arg6[%dma_wait3A_202] : memref<4194304xi32, #tpu.memory_space<hbm>> -> memref<8192xi32, #tpu.memory_space<hbm>>
      tpu.wait_dma2 semaphore(%arg38 : memref<!tpu.dma_semaphore, #tpu.memory_space<semaphore_mem>>) src(%dma_wait3A_203 : memref<8192xi32, #tpu.memory_space<hbm>>) dst(%arg34 : memref<8192xi32, #tpu.memory_space<vmem>>)
      %parallel_loop3A_204 = arith.constant 0 : i32
      %parallel_loop3A_205 = arith.constant 8192 : i32
      %parallel_loop3A_206 = arith.constant 128 : i32
      %parallel_loop3A_207:16 = scf.for %parallel_loop3A_293 = %parallel_loop3A_204 to %parallel_loop3A_205 step %parallel_loop3A_206 iter_args(%parallel_loop3A_294 = %scan3A_172, %parallel_loop3A_295 = %scan3A_173, %parallel_loop3A_296 = %scan3A_174, %parallel_loop3A_297 = %scan3A_175, %parallel_loop3A_298 = %scan3A_176, %parallel_loop3A_299 = %scan3A_177, %parallel_loop3A_300 = %scan3A_178, %parallel_loop3A_301 = %scan3A_179, %parallel_loop3A_302 = %scan3A_180, %parallel_loop3A_303 = %scan3A_181, %parallel_loop3A_304 = %scan3A_182, %parallel_loop3A_305 = %scan3A_183, %parallel_loop3A_306 = %scan3A_184, %parallel_loop3A_307 = %scan3A_185, %parallel_loop3A_308 = %scan3A_186, %parallel_loop3A_309 = %scan3A_187) -> (vector<16xf32>, vector<16xf32>, vector<16xf32>, vector<16xf32>, vector<16xf32>, vector<16xf32>, vector<16xf32>, vector<16xf32>, vector<16xf32>, vector<16xf32>, vector<16xf32>, vector<16xf32>, vector<16xf32>, vector<16xf32>, vector<16xf32>, vector<16xf32>)  : i32 {
        %parallel_loop3A_310 = arith.constant 0 : i32
        %parallel_loop3A_311 = arith.addi %parallel_loop3A_293, %parallel_loop3A_310 : i32
        %parallel_loop3A_312 = arith.index_cast %parallel_loop3A_311 : i32 to index
        %parallel_loop3A_313 = tpu.vector_load %arg34[%parallel_loop3A_312] {strides = array<i32>} : memref<8192xi32, #tpu.memory_space<vmem>>, vector<16xi32>,
        %parallel_loop3A_314 = tpu.vector_load_idx %arg10[%parallel_loop3A_313] : memref<8192xf32, #tpu.memory_space<vmem>>[vector<16xi32>], vector<16xf32>,
        %parallel_loop3A_315 = arith.index_cast %parallel_loop3A_311 : i32 to index
        %parallel_loop3A_316 = tpu.vector_load %arg26[%parallel_loop3A_315] {strides = array<i32>} : memref<8192xf32, #tpu.memory_space<vmem>>, vector<16xf32>,
        %parallel_loop3A_317 = arith.index_cast %parallel_loop3A_311 : i32 to index
        %parallel_loop3A_318 = tpu.vector_load %arg30[%parallel_loop3A_317] {strides = array<i32>} : memref<8192xf32, #tpu.memory_space<vmem>>, vector<16xf32>,
        %parallel_loop3A_319 = arith.subf %parallel_loop3A_316, %parallel_loop3A_314 : vector<16xf32>
        %parallel_loop3A_320 = arith.mulf %parallel_loop3A_319, %parallel_loop3A_319 : vector<16xf32>
        %parallel_loop3A_321 = arith.constant -4.500000e+00 : f32
        %parallel_loop3A_322 = vector.broadcast %parallel_loop3A_321 : f32 to vector<16xf32>
        %parallel_loop3A_323 = arith.mulf %parallel_loop3A_320, %parallel_loop3A_322 : vector<16xf32>
        %parallel_loop3A_324 = math.exp %parallel_loop3A_323 : vector<16xf32>
        %parallel_loop3A_325 = arith.constant 1.19682682 : f32
        %parallel_loop3A_326 = vector.broadcast %parallel_loop3A_325 : f32 to vector<16xf32>
        %parallel_loop3A_327 = arith.mulf %parallel_loop3A_326, %parallel_loop3A_324 : vector<16xf32>
        %parallel_loop3A_328 = arith.subf %parallel_loop3A_318, %parallel_loop3A_327 : vector<16xf32>
        %parallel_loop3A_329 = arith.constant 1.000000e+00 : f32
        %parallel_loop3A_330 = vector.broadcast %parallel_loop3A_329 : f32 to vector<16xf32>
        %parallel_loop3A_331 = arith.cmpf ole, %parallel_loop3A_320, %parallel_loop3A_330 : vector<16xf32>
        %parallel_loop3A_332 = arith.mulf %parallel_loop3A_328, %parallel_loop3A_328 : vector<16xf32>
        %parallel_loop3A_333 = arith.constant 0.000000e+00 : f32
        %parallel_loop3A_334 = vector.broadcast %parallel_loop3A_333 : f32 to vector<16xf32>
        %parallel_loop3A_335 = arith.select %parallel_loop3A_331, %parallel_loop3A_332, %parallel_loop3A_334 : vector<16xi1>, vector<16xf32>
        %parallel_loop3A_336 = arith.constant -1.000000e+00 : f32
        %parallel_loop3A_337 = vector.broadcast %parallel_loop3A_336 : f32 to vector<16xf32>
        %parallel_loop3A_338 = arith.cmpf olt, %parallel_loop3A_319, %parallel_loop3A_337 : vector<16xf32>
        %parallel_loop3A_339 = arith.mulf %parallel_loop3A_318, %parallel_loop3A_318 : vector<16xf32>
        %parallel_loop3A_340 = arith.constant 0.000000e+00 : f32
        %parallel_loop3A_341 = vector.broadcast %parallel_loop3A_340 : f32 to vector<16xf32>
        %parallel_loop3A_342 = arith.select %parallel_loop3A_338, %parallel_loop3A_339, %parallel_loop3A_341 : vector<16xi1>, vector<16xf32>
        %parallel_loop3A_343 = arith.addf %parallel_loop3A_294, %parallel_loop3A_335 : vector<16xf32>
        %parallel_loop3A_344 = arith.addf %parallel_loop3A_295, %parallel_loop3A_342 : vector<16xf32>
        %parallel_loop3A_345 = arith.constant 16 : i32
        %parallel_loop3A_346 = arith.addi %parallel_loop3A_293, %parallel_loop3A_345 : i32
        %parallel_loop3A_347 = arith.index_cast %parallel_loop3A_346 : i32 to index
        %parallel_loop3A_348 = tpu.vector_load %arg34[%parallel_loop3A_347] {strides = array<i32>} : memref<8192xi32, #tpu.memory_space<vmem>>, vector<16xi32>,
        %parallel_loop3A_349 = tpu.vector_load_idx %arg10[%parallel_loop3A_348] : memref<8192xf32, #tpu.memory_space<vmem>>[vector<16xi32>], vector<16xf32>,
        %parallel_loop3A_350 = arith.index_cast %parallel_loop3A_346 : i32 to index
        %parallel_loop3A_351 = tpu.vector_load %arg26[%parallel_loop3A_350] {strides = array<i32>} : memref<8192xf32, #tpu.memory_space<vmem>>, vector<16xf32>,
        %parallel_loop3A_352 = arith.index_cast %parallel_loop3A_346 : i32 to index
        %parallel_loop3A_353 = tpu.vector_load %arg30[%parallel_loop3A_352] {strides = array<i32>} : memref<8192xf32, #tpu.memory_space<vmem>>, vector<16xf32>,
        %parallel_loop3A_354 = arith.subf %parallel_loop3A_351, %parallel_loop3A_349 : vector<16xf32>
        %parallel_loop3A_355 = arith.mulf %parallel_loop3A_354, %parallel_loop3A_354 : vector<16xf32>
        %parallel_loop3A_356 = arith.constant -4.500000e+00 : f32
        %parallel_loop3A_357 = vector.broadcast %parallel_loop3A_356 : f32 to vector<16xf32>
        %parallel_loop3A_358 = arith.mulf %parallel_loop3A_355, %parallel_loop3A_357 : vector<16xf32>
        %parallel_loop3A_359 = math.exp %parallel_loop3A_358 : vector<16xf32>
        %parallel_loop3A_360 = arith.constant 1.19682682 : f32
        %parallel_loop3A_361 = vector.broadcast %parallel_loop3A_360 : f32 to vector<16xf32>
        %parallel_loop3A_362 = arith.mulf %parallel_loop3A_361, %parallel_loop3A_359 : vector<16xf32>
        %parallel_loop3A_363 = arith.subf %parallel_loop3A_353, %parallel_loop3A_362 : vector<16xf32>
        %parallel_loop3A_364 = arith.constant 1.000000e+00 : f32
        %parallel_loop3A_365 = vector.broadcast %parallel_loop3A_364 : f32 to vector<16xf32>
        %parallel_loop3A_366 = arith.cmpf ole, %parallel_loop3A_355, %parallel_loop3A_365 : vector<16xf32>
        %parallel_loop3A_367 = arith.mulf %parallel_loop3A_363, %parallel_loop3A_363 : vector<16xf32>
        %parallel_loop3A_368 = arith.constant 0.000000e+00 : f32
        %parallel_loop3A_369 = vector.broadcast %parallel_loop3A_368 : f32 to vector<16xf32>
        %parallel_loop3A_370 = arith.select %parallel_loop3A_366, %parallel_loop3A_367, %parallel_loop3A_369 : vector<16xi1>, vector<16xf32>
        %parallel_loop3A_371 = arith.constant -1.000000e+00 : f32
        %parallel_loop3A_372 = vector.broadcast %parallel_loop3A_371 : f32 to vector<16xf32>
        %parallel_loop3A_373 = arith.cmpf olt, %parallel_loop3A_354, %parallel_loop3A_372 : vector<16xf32>
        %parallel_loop3A_374 = arith.mulf %parallel_loop3A_353, %parallel_loop3A_353 : vector<16xf32>
        %parallel_loop3A_375 = arith.constant 0.000000e+00 : f32
        %parallel_loop3A_376 = vector.broadcast %parallel_loop3A_375 : f32 to vector<16xf32>
        %parallel_loop3A_377 = arith.select %parallel_loop3A_373, %parallel_loop3A_374, %parallel_loop3A_376 : vector<16xi1>, vector<16xf32>
        %parallel_loop3A_378 = arith.addf %parallel_loop3A_296, %parallel_loop3A_370 : vector<16xf32>
        %parallel_loop3A_379 = arith.addf %parallel_loop3A_297, %parallel_loop3A_377 : vector<16xf32>
        %parallel_loop3A_380 = arith.constant 32 : i32
        %parallel_loop3A_381 = arith.addi %parallel_loop3A_293, %parallel_loop3A_380 : i32
        %parallel_loop3A_382 = arith.index_cast %parallel_loop3A_381 : i32 to index
        %parallel_loop3A_383 = tpu.vector_load %arg34[%parallel_loop3A_382] {strides = array<i32>} : memref<8192xi32, #tpu.memory_space<vmem>>, vector<16xi32>,
        %parallel_loop3A_384 = tpu.vector_load_idx %arg10[%parallel_loop3A_383] : memref<8192xf32, #tpu.memory_space<vmem>>[vector<16xi32>], vector<16xf32>,
        %parallel_loop3A_385 = arith.index_cast %parallel_loop3A_381 : i32 to index
        %parallel_loop3A_386 = tpu.vector_load %arg26[%parallel_loop3A_385] {strides = array<i32>} : memref<8192xf32, #tpu.memory_space<vmem>>, vector<16xf32>,
        %parallel_loop3A_387 = arith.index_cast %parallel_loop3A_381 : i32 to index
        %parallel_loop3A_388 = tpu.vector_load %arg30[%parallel_loop3A_387] {strides = array<i32>} : memref<8192xf32, #tpu.memory_space<vmem>>, vector<16xf32>,
        %parallel_loop3A_389 = arith.subf %parallel_loop3A_386, %parallel_loop3A_384 : vector<16xf32>
        %parallel_loop3A_390 = arith.mulf %parallel_loop3A_389, %parallel_loop3A_389 : vector<16xf32>
        %parallel_loop3A_391 = arith.constant -4.500000e+00 : f32
        %parallel_loop3A_392 = vector.broadcast %parallel_loop3A_391 : f32 to vector<16xf32>
        %parallel_loop3A_393 = arith.mulf %parallel_loop3A_390, %parallel_loop3A_392 : vector<16xf32>
        %parallel_loop3A_394 = math.exp %parallel_loop3A_393 : vector<16xf32>
        %parallel_loop3A_395 = arith.constant 1.19682682 : f32
        %parallel_loop3A_396 = vector.broadcast %parallel_loop3A_395 : f32 to vector<16xf32>
        %parallel_loop3A_397 = arith.mulf %parallel_loop3A_396, %parallel_loop3A_394 : vector<16xf32>
        %parallel_loop3A_398 = arith.subf %parallel_loop3A_388, %parallel_loop3A_397 : vector<16xf32>
        %parallel_loop3A_399 = arith.constant 1.000000e+00 : f32
        %parallel_loop3A_400 = vector.broadcast %parallel_loop3A_399 : f32 to vector<16xf32>
        %parallel_loop3A_401 = arith.cmpf ole, %parallel_loop3A_390, %parallel_loop3A_400 : vector<16xf32>
        %parallel_loop3A_402 = arith.mulf %parallel_loop3A_398, %parallel_loop3A_398 : vector<16xf32>
        %parallel_loop3A_403 = arith.constant 0.000000e+00 : f32
        %parallel_loop3A_404 = vector.broadcast %parallel_loop3A_403 : f32 to vector<16xf32>
        %parallel_loop3A_405 = arith.select %parallel_loop3A_401, %parallel_loop3A_402, %parallel_loop3A_404 : vector<16xi1>, vector<16xf32>
        %parallel_loop3A_406 = arith.constant -1.000000e+00 : f32
        %parallel_loop3A_407 = vector.broadcast %parallel_loop3A_406 : f32 to vector<16xf32>
        %parallel_loop3A_408 = arith.cmpf olt, %parallel_loop3A_389, %parallel_loop3A_407 : vector<16xf32>
        %parallel_loop3A_409 = arith.mulf %parallel_loop3A_388, %parallel_loop3A_388 : vector<16xf32>
        %parallel_loop3A_410 = arith.constant 0.000000e+00 : f32
        %parallel_loop3A_411 = vector.broadcast %parallel_loop3A_410 : f32 to vector<16xf32>
        %parallel_loop3A_412 = arith.select %parallel_loop3A_408, %parallel_loop3A_409, %parallel_loop3A_411 : vector<16xi1>, vector<16xf32>
        %parallel_loop3A_413 = arith.addf %parallel_loop3A_298, %parallel_loop3A_405 : vector<16xf32>
        %parallel_loop3A_414 = arith.addf %parallel_loop3A_299, %parallel_loop3A_412 : vector<16xf32>
        %parallel_loop3A_415 = arith.constant 48 : i32
        %parallel_loop3A_416 = arith.addi %parallel_loop3A_293, %parallel_loop3A_415 : i32
        %parallel_loop3A_417 = arith.index_cast %parallel_loop3A_416 : i32 to index
        %parallel_loop3A_418 = tpu.vector_load %arg34[%parallel_loop3A_417] {strides = array<i32>} : memref<8192xi32, #tpu.memory_space<vmem>>, vector<16xi32>,
        %parallel_loop3A_419 = tpu.vector_load_idx %arg10[%parallel_loop3A_418] : memref<8192xf32, #tpu.memory_space<vmem>>[vector<16xi32>], vector<16xf32>,
        %parallel_loop3A_420 = arith.index_cast %parallel_loop3A_416 : i32 to index
        %parallel_loop3A_421 = tpu.vector_load %arg26[%parallel_loop3A_420] {strides = array<i32>} : memref<8192xf32, #tpu.memory_space<vmem>>, vector<16xf32>,
        %parallel_loop3A_422 = arith.index_cast %parallel_loop3A_416 : i32 to index
        %parallel_loop3A_423 = tpu.vector_load %arg30[%parallel_loop3A_422] {strides = array<i32>} : memref<8192xf32, #tpu.memory_space<vmem>>, vector<16xf32>,
        %parallel_loop3A_424 = arith.subf %parallel_loop3A_421, %parallel_loop3A_419 : vector<16xf32>
        %parallel_loop3A_425 = arith.mulf %parallel_loop3A_424, %parallel_loop3A_424 : vector<16xf32>
        %parallel_loop3A_426 = arith.constant -4.500000e+00 : f32
        %parallel_loop3A_427 = vector.broadcast %parallel_loop3A_426 : f32 to vector<16xf32>
        %parallel_loop3A_428 = arith.mulf %parallel_loop3A_425, %parallel_loop3A_427 : vector<16xf32>
        %parallel_loop3A_429 = math.exp %parallel_loop3A_428 : vector<16xf32>
        %parallel_loop3A_430 = arith.constant 1.19682682 : f32
        %parallel_loop3A_431 = vector.broadcast %parallel_loop3A_430 : f32 to vector<16xf32>
        %parallel_loop3A_432 = arith.mulf %parallel_loop3A_431, %parallel_loop3A_429 : vector<16xf32>
        %parallel_loop3A_433 = arith.subf %parallel_loop3A_423, %parallel_loop3A_432 : vector<16xf32>
        %parallel_loop3A_434 = arith.constant 1.000000e+00 : f32
        %parallel_loop3A_435 = vector.broadcast %parallel_loop3A_434 : f32 to vector<16xf32>
        %parallel_loop3A_436 = arith.cmpf ole, %parallel_loop3A_425, %parallel_loop3A_435 : vector<16xf32>
        %parallel_loop3A_437 = arith.mulf %parallel_loop3A_433, %parallel_loop3A_433 : vector<16xf32>
        %parallel_loop3A_438 = arith.constant 0.000000e+00 : f32
        %parallel_loop3A_439 = vector.broadcast %parallel_loop3A_438 : f32 to vector<16xf32>
        %parallel_loop3A_440 = arith.select %parallel_loop3A_436, %parallel_loop3A_437, %parallel_loop3A_439 : vector<16xi1>, vector<16xf32>
        %parallel_loop3A_441 = arith.constant -1.000000e+00 : f32
        %parallel_loop3A_442 = vector.broadcast %parallel_loop3A_441 : f32 to vector<16xf32>
        %parallel_loop3A_443 = arith.cmpf olt, %parallel_loop3A_424, %parallel_loop3A_442 : vector<16xf32>
        %parallel_loop3A_444 = arith.mulf %parallel_loop3A_423, %parallel_loop3A_423 : vector<16xf32>
        %parallel_loop3A_445 = arith.constant 0.000000e+00 : f32
        %parallel_loop3A_446 = vector.broadcast %parallel_loop3A_445 : f32 to vector<16xf32>
        %parallel_loop3A_447 = arith.select %parallel_loop3A_443, %parallel_loop3A_444, %parallel_loop3A_446 : vector<16xi1>, vector<16xf32>
        %parallel_loop3A_448 = arith.addf %parallel_loop3A_300, %parallel_loop3A_440 : vector<16xf32>
        %parallel_loop3A_449 = arith.addf %parallel_loop3A_301, %parallel_loop3A_447 : vector<16xf32>
        %parallel_loop3A_450 = arith.constant 64 : i32
        %parallel_loop3A_451 = arith.addi %parallel_loop3A_293, %parallel_loop3A_450 : i32
        %parallel_loop3A_452 = arith.index_cast %parallel_loop3A_451 : i32 to index
        %parallel_loop3A_453 = tpu.vector_load %arg34[%parallel_loop3A_452] {strides = array<i32>} : memref<8192xi32, #tpu.memory_space<vmem>>, vector<16xi32>,
        %parallel_loop3A_454 = tpu.vector_load_idx %arg10[%parallel_loop3A_453] : memref<8192xf32, #tpu.memory_space<vmem>>[vector<16xi32>], vector<16xf32>,
        %parallel_loop3A_455 = arith.index_cast %parallel_loop3A_451 : i32 to index
        %parallel_loop3A_456 = tpu.vector_load %arg26[%parallel_loop3A_455] {strides = array<i32>} : memref<8192xf32, #tpu.memory_space<vmem>>, vector<16xf32>,
        %parallel_loop3A_457 = arith.index_cast %parallel_loop3A_451 : i32 to index
        %parallel_loop3A_458 = tpu.vector_load %arg30[%parallel_loop3A_457] {strides = array<i32>} : memref<8192xf32, #tpu.memory_space<vmem>>, vector<16xf32>,
        %parallel_loop3A_459 = arith.subf %parallel_loop3A_456, %parallel_loop3A_454 : vector<16xf32>
        %parallel_loop3A_460 = arith.mulf %parallel_loop3A_459, %parallel_loop3A_459 : vector<16xf32>
        %parallel_loop3A_461 = arith.constant -4.500000e+00 : f32
        %parallel_loop3A_462 = vector.broadcast %parallel_loop3A_461 : f32 to vector<16xf32>
        %parallel_loop3A_463 = arith.mulf %parallel_loop3A_460, %parallel_loop3A_462 : vector<16xf32>
        %parallel_loop3A_464 = math.exp %parallel_loop3A_463 : vector<16xf32>
        %parallel_loop3A_465 = arith.constant 1.19682682 : f32
        %parallel_loop3A_466 = vector.broadcast %parallel_loop3A_465 : f32 to vector<16xf32>
        %parallel_loop3A_467 = arith.mulf %parallel_loop3A_466, %parallel_loop3A_464 : vector<16xf32>
        %parallel_loop3A_468 = arith.subf %parallel_loop3A_458, %parallel_loop3A_467 : vector<16xf32>
        %parallel_loop3A_469 = arith.constant 1.000000e+00 : f32
        %parallel_loop3A_470 = vector.broadcast %parallel_loop3A_469 : f32 to vector<16xf32>
        %parallel_loop3A_471 = arith.cmpf ole, %parallel_loop3A_460, %parallel_loop3A_470 : vector<16xf32>
        %parallel_loop3A_472 = arith.mulf %parallel_loop3A_468, %parallel_loop3A_468 : vector<16xf32>
        %parallel_loop3A_473 = arith.constant 0.000000e+00 : f32
        %parallel_loop3A_474 = vector.broadcast %parallel_loop3A_473 : f32 to vector<16xf32>
        %parallel_loop3A_475 = arith.select %parallel_loop3A_471, %parallel_loop3A_472, %parallel_loop3A_474 : vector<16xi1>, vector<16xf32>
        %parallel_loop3A_476 = arith.constant -1.000000e+00 : f32
        %parallel_loop3A_477 = vector.broadcast %parallel_loop3A_476 : f32 to vector<16xf32>
        %parallel_loop3A_478 = arith.cmpf olt, %parallel_loop3A_459, %parallel_loop3A_477 : vector<16xf32>
        %parallel_loop3A_479 = arith.mulf %parallel_loop3A_458, %parallel_loop3A_458 : vector<16xf32>
        %parallel_loop3A_480 = arith.constant 0.000000e+00 : f32
        %parallel_loop3A_481 = vector.broadcast %parallel_loop3A_480 : f32 to vector<16xf32>
        %parallel_loop3A_482 = arith.select %parallel_loop3A_478, %parallel_loop3A_479, %parallel_loop3A_481 : vector<16xi1>, vector<16xf32>
        %parallel_loop3A_483 = arith.addf %parallel_loop3A_302, %parallel_loop3A_475 : vector<16xf32>
        %parallel_loop3A_484 = arith.addf %parallel_loop3A_303, %parallel_loop3A_482 : vector<16xf32>
        %parallel_loop3A_485 = arith.constant 80 : i32
        %parallel_loop3A_486 = arith.addi %parallel_loop3A_293, %parallel_loop3A_485 : i32
        %parallel_loop3A_487 = arith.index_cast %parallel_loop3A_486 : i32 to index
        %parallel_loop3A_488 = tpu.vector_load %arg34[%parallel_loop3A_487] {strides = array<i32>} : memref<8192xi32, #tpu.memory_space<vmem>>, vector<16xi32>,
        %parallel_loop3A_489 = tpu.vector_load_idx %arg10[%parallel_loop3A_488] : memref<8192xf32, #tpu.memory_space<vmem>>[vector<16xi32>], vector<16xf32>,
        %parallel_loop3A_490 = arith.index_cast %parallel_loop3A_486 : i32 to index
        %parallel_loop3A_491 = tpu.vector_load %arg26[%parallel_loop3A_490] {strides = array<i32>} : memref<8192xf32, #tpu.memory_space<vmem>>, vector<16xf32>,
        %parallel_loop3A_492 = arith.index_cast %parallel_loop3A_486 : i32 to index
        %parallel_loop3A_493 = tpu.vector_load %arg30[%parallel_loop3A_492] {strides = array<i32>} : memref<8192xf32, #tpu.memory_space<vmem>>, vector<16xf32>,
        %parallel_loop3A_494 = arith.subf %parallel_loop3A_491, %parallel_loop3A_489 : vector<16xf32>
        %parallel_loop3A_495 = arith.mulf %parallel_loop3A_494, %parallel_loop3A_494 : vector<16xf32>
        %parallel_loop3A_496 = arith.constant -4.500000e+00 : f32
        %parallel_loop3A_497 = vector.broadcast %parallel_loop3A_496 : f32 to vector<16xf32>
        %parallel_loop3A_498 = arith.mulf %parallel_loop3A_495, %parallel_loop3A_497 : vector<16xf32>
        %parallel_loop3A_499 = math.exp %parallel_loop3A_498 : vector<16xf32>
        %parallel_loop3A_500 = arith.constant 1.19682682 : f32
        %parallel_loop3A_501 = vector.broadcast %parallel_loop3A_500 : f32 to vector<16xf32>
        %parallel_loop3A_502 = arith.mulf %parallel_loop3A_501, %parallel_loop3A_499 : vector<16xf32>
        %parallel_loop3A_503 = arith.subf %parallel_loop3A_493, %parallel_loop3A_502 : vector<16xf32>
        %parallel_loop3A_504 = arith.constant 1.000000e+00 : f32
        %parallel_loop3A_505 = vector.broadcast %parallel_loop3A_504 : f32 to vector<16xf32>
        %parallel_loop3A_506 = arith.cmpf ole, %parallel_loop3A_495, %parallel_loop3A_505 : vector<16xf32>
        %parallel_loop3A_507 = arith.mulf %parallel_loop3A_503, %parallel_loop3A_503 : vector<16xf32>
        %parallel_loop3A_508 = arith.constant 0.000000e+00 : f32
        %parallel_loop3A_509 = vector.broadcast %parallel_loop3A_508 : f32 to vector<16xf32>
        %parallel_loop3A_510 = arith.select %parallel_loop3A_506, %parallel_loop3A_507, %parallel_loop3A_509 : vector<16xi1>, vector<16xf32>
        %parallel_loop3A_511 = arith.constant -1.000000e+00 : f32
        %parallel_loop3A_512 = vector.broadcast %parallel_loop3A_511 : f32 to vector<16xf32>
        %parallel_loop3A_513 = arith.cmpf olt, %parallel_loop3A_494, %parallel_loop3A_512 : vector<16xf32>
        %parallel_loop3A_514 = arith.mulf %parallel_loop3A_493, %parallel_loop3A_493 : vector<16xf32>
        %parallel_loop3A_515 = arith.constant 0.000000e+00 : f32
        %parallel_loop3A_516 = vector.broadcast %parallel_loop3A_515 : f32 to vector<16xf32>
        %parallel_loop3A_517 = arith.select %parallel_loop3A_513, %parallel_loop3A_514, %parallel_loop3A_516 : vector<16xi1>, vector<16xf32>
        %parallel_loop3A_518 = arith.addf %parallel_loop3A_304, %parallel_loop3A_510 : vector<16xf32>
        %parallel_loop3A_519 = arith.addf %parallel_loop3A_305, %parallel_loop3A_517 : vector<16xf32>
        %parallel_loop3A_520 = arith.constant 96 : i32
        %parallel_loop3A_521 = arith.addi %parallel_loop3A_293, %parallel_loop3A_520 : i32
        %parallel_loop3A_522 = arith.index_cast %parallel_loop3A_521 : i32 to index
        %parallel_loop3A_523 = tpu.vector_load %arg34[%parallel_loop3A_522] {strides = array<i32>} : memref<8192xi32, #tpu.memory_space<vmem>>, vector<16xi32>,
        %parallel_loop3A_524 = tpu.vector_load_idx %arg10[%parallel_loop3A_523] : memref<8192xf32, #tpu.memory_space<vmem>>[vector<16xi32>], vector<16xf32>,
        %parallel_loop3A_525 = arith.index_cast %parallel_loop3A_521 : i32 to index
        %parallel_loop3A_526 = tpu.vector_load %arg26[%parallel_loop3A_525] {strides = array<i32>} : memref<8192xf32, #tpu.memory_space<vmem>>, vector<16xf32>,
        %parallel_loop3A_527 = arith.index_cast %parallel_loop3A_521 : i32 to index
        %parallel_loop3A_528 = tpu.vector_load %arg30[%parallel_loop3A_527] {strides = array<i32>} : memref<8192xf32, #tpu.memory_space<vmem>>, vector<16xf32>,
        %parallel_loop3A_529 = arith.subf %parallel_loop3A_526, %parallel_loop3A_524 : vector<16xf32>
        %parallel_loop3A_530 = arith.mulf %parallel_loop3A_529, %parallel_loop3A_529 : vector<16xf32>
        %parallel_loop3A_531 = arith.constant -4.500000e+00 : f32
        %parallel_loop3A_532 = vector.broadcast %parallel_loop3A_531 : f32 to vector<16xf32>
        %parallel_loop3A_533 = arith.mulf %parallel_loop3A_530, %parallel_loop3A_532 : vector<16xf32>
        %parallel_loop3A_534 = math.exp %parallel_loop3A_533 : vector<16xf32>
        %parallel_loop3A_535 = arith.constant 1.19682682 : f32
        %parallel_loop3A_536 = vector.broadcast %parallel_loop3A_535 : f32 to vector<16xf32>
        %parallel_loop3A_537 = arith.mulf %parallel_loop3A_536, %parallel_loop3A_534 : vector<16xf32>
        %parallel_loop3A_538 = arith.subf %parallel_loop3A_528, %parallel_loop3A_537 : vector<16xf32>
        %parallel_loop3A_539 = arith.constant 1.000000e+00 : f32
        %parallel_loop3A_540 = vector.broadcast %parallel_loop3A_539 : f32 to vector<16xf32>
        %parallel_loop3A_541 = arith.cmpf ole, %parallel_loop3A_530, %parallel_loop3A_540 : vector<16xf32>
        %parallel_loop3A_542 = arith.mulf %parallel_loop3A_538, %parallel_loop3A_538 : vector<16xf32>
        %parallel_loop3A_543 = arith.constant 0.000000e+00 : f32
        %parallel_loop3A_544 = vector.broadcast %parallel_loop3A_543 : f32 to vector<16xf32>
        %parallel_loop3A_545 = arith.select %parallel_loop3A_541, %parallel_loop3A_542, %parallel_loop3A_544 : vector<16xi1>, vector<16xf32>
        %parallel_loop3A_546 = arith.constant -1.000000e+00 : f32
        %parallel_loop3A_547 = vector.broadcast %parallel_loop3A_546 : f32 to vector<16xf32>
        %parallel_loop3A_548 = arith.cmpf olt, %parallel_loop3A_529, %parallel_loop3A_547 : vector<16xf32>
        %parallel_loop3A_549 = arith.mulf %parallel_loop3A_528, %parallel_loop3A_528 : vector<16xf32>
        %parallel_loop3A_550 = arith.constant 0.000000e+00 : f32
        %parallel_loop3A_551 = vector.broadcast %parallel_loop3A_550 : f32 to vector<16xf32>
        %parallel_loop3A_552 = arith.select %parallel_loop3A_548, %parallel_loop3A_549, %parallel_loop3A_551 : vector<16xi1>, vector<16xf32>
        %parallel_loop3A_553 = arith.addf %parallel_loop3A_306, %parallel_loop3A_545 : vector<16xf32>
        %parallel_loop3A_554 = arith.addf %parallel_loop3A_307, %parallel_loop3A_552 : vector<16xf32>
        %parallel_loop3A_555 = arith.constant 112 : i32
        %parallel_loop3A_556 = arith.addi %parallel_loop3A_293, %parallel_loop3A_555 : i32
        %parallel_loop3A_557 = arith.index_cast %parallel_loop3A_556 : i32 to index
        %parallel_loop3A_558 = tpu.vector_load %arg34[%parallel_loop3A_557] {strides = array<i32>} : memref<8192xi32, #tpu.memory_space<vmem>>, vector<16xi32>,
        %parallel_loop3A_559 = tpu.vector_load_idx %arg10[%parallel_loop3A_558] : memref<8192xf32, #tpu.memory_space<vmem>>[vector<16xi32>], vector<16xf32>,
        %parallel_loop3A_560 = arith.index_cast %parallel_loop3A_556 : i32 to index
        %parallel_loop3A_561 = tpu.vector_load %arg26[%parallel_loop3A_560] {strides = array<i32>} : memref<8192xf32, #tpu.memory_space<vmem>>, vector<16xf32>,
        %parallel_loop3A_562 = arith.index_cast %parallel_loop3A_556 : i32 to index
        %parallel_loop3A_563 = tpu.vector_load %arg30[%parallel_loop3A_562] {strides = array<i32>} : memref<8192xf32, #tpu.memory_space<vmem>>, vector<16xf32>,
        %parallel_loop3A_564 = arith.subf %parallel_loop3A_561, %parallel_loop3A_559 : vector<16xf32>
        %parallel_loop3A_565 = arith.mulf %parallel_loop3A_564, %parallel_loop3A_564 : vector<16xf32>
        %parallel_loop3A_566 = arith.constant -4.500000e+00 : f32
        %parallel_loop3A_567 = vector.broadcast %parallel_loop3A_566 : f32 to vector<16xf32>
        %parallel_loop3A_568 = arith.mulf %parallel_loop3A_565, %parallel_loop3A_567 : vector<16xf32>
        %parallel_loop3A_569 = math.exp %parallel_loop3A_568 : vector<16xf32>
        %parallel_loop3A_570 = arith.constant 1.19682682 : f32
        %parallel_loop3A_571 = vector.broadcast %parallel_loop3A_570 : f32 to vector<16xf32>
        %parallel_loop3A_572 = arith.mulf %parallel_loop3A_571, %parallel_loop3A_569 : vector<16xf32>
        %parallel_loop3A_573 = arith.subf %parallel_loop3A_563, %parallel_loop3A_572 : vector<16xf32>
        %parallel_loop3A_574 = arith.constant 1.000000e+00 : f32
        %parallel_loop3A_575 = vector.broadcast %parallel_loop3A_574 : f32 to vector<16xf32>
        %parallel_loop3A_576 = arith.cmpf ole, %parallel_loop3A_565, %parallel_loop3A_575 : vector<16xf32>
        %parallel_loop3A_577 = arith.mulf %parallel_loop3A_573, %parallel_loop3A_573 : vector<16xf32>
        %parallel_loop3A_578 = arith.constant 0.000000e+00 : f32
        %parallel_loop3A_579 = vector.broadcast %parallel_loop3A_578 : f32 to vector<16xf32>
        %parallel_loop3A_580 = arith.select %parallel_loop3A_576, %parallel_loop3A_577, %parallel_loop3A_579 : vector<16xi1>, vector<16xf32>
        %parallel_loop3A_581 = arith.constant -1.000000e+00 : f32
        %parallel_loop3A_582 = vector.broadcast %parallel_loop3A_581 : f32 to vector<16xf32>
        %parallel_loop3A_583 = arith.cmpf olt, %parallel_loop3A_564, %parallel_loop3A_582 : vector<16xf32>
        %parallel_loop3A_584 = arith.mulf %parallel_loop3A_563, %parallel_loop3A_563 : vector<16xf32>
        %parallel_loop3A_585 = arith.constant 0.000000e+00 : f32
        %parallel_loop3A_586 = vector.broadcast %parallel_loop3A_585 : f32 to vector<16xf32>
        %parallel_loop3A_587 = arith.select %parallel_loop3A_583, %parallel_loop3A_584, %parallel_loop3A_586 : vector<16xi1>, vector<16xf32>
        %parallel_loop3A_588 = arith.addf %parallel_loop3A_308, %parallel_loop3A_580 : vector<16xf32>
        %parallel_loop3A_589 = arith.addf %parallel_loop3A_309, %parallel_loop3A_587 : vector<16xf32>
        scf.yield %parallel_loop3A_343, %parallel_loop3A_344, %parallel_loop3A_378, %parallel_loop3A_379, %parallel_loop3A_413, %parallel_loop3A_414, %parallel_loop3A_448, %parallel_loop3A_449, %parallel_loop3A_483, %parallel_loop3A_484, %parallel_loop3A_518, %parallel_loop3A_519, %parallel_loop3A_553, %parallel_loop3A_554, %parallel_loop3A_588, %parallel_loop3A_589 : vector<16xf32>, vector<16xf32>, vector<16xf32>, vector<16xf32>, vector<16xf32>, vector<16xf32>, vector<16xf32>, vector<16xf32>, vector<16xf32>, vector<16xf32>, vector<16xf32>, vector<16xf32>, vector<16xf32>, vector<16xf32>, vector<16xf32>, vector<16xf32>
      } {sc.loop_unroll_factor = 1 : i64, sc.parallel_access}
      %add3A_208 = arith.constant 4 : i32
      %add3A_209 = arith.addi %add3A_191, %add3A_208 : i32
      %lt3A = arith.constant 16 : i32
      %lt3A_210 = arith.cmpi slt, %add3A_209, %lt3A : i32
      %convert_element_type3A = arith.extui %lt3A_210 : i1 to i32
      %cond3A = arith.constant 0 : i32
      %cond3A_211 = arith.cmpi ne, %convert_element_type3A, %cond3A : i32
      scf.if %cond3A_211 {
        %add3A_293 = arith.constant 4 : i32
        %add3A_294 = arith.addi %add3A_191, %add3A_293 : i32
        %mul3A_295 = arith.constant 8192 : i32
        %mul3A_296 = arith.muli %add3A_294, %mul3A_295 : i32
        %add3A_297 = arith.addi %mul3A_2, %mul3A_296 : i32
        %dma_start3A_298 = tpu.memref_slice %arg2[%add3A_297] : memref<4194304xf32, #tpu.memory_space<hbm>> -> memref<8192xf32, #tpu.memory_space<hbm>>
        %dma_start3A_299 = tpu.memref_slice %arg2[%add3A_297] : memref<4194304xf32, #tpu.memory_space<hbm>> -> memref<8192xf32, #tpu.memory_space<hbm>>
        tpu.enqueue_dma source(%dma_start3A_299 : memref<8192xf32, #tpu.memory_space<hbm>>) target(%arg26 : memref<8192xf32, #tpu.memory_space<vmem>>) target_semaphore(%arg38 : memref<!tpu.dma_semaphore, #tpu.memory_space<semaphore_mem>>)
        %dma_start3A_300 = tpu.memref_slice %arg3[%add3A_297] : memref<4194304xf32, #tpu.memory_space<hbm>> -> memref<8192xf32, #tpu.memory_space<hbm>>
        %dma_start3A_301 = tpu.memref_slice %arg3[%add3A_297] : memref<4194304xf32, #tpu.memory_space<hbm>> -> memref<8192xf32, #tpu.memory_space<hbm>>
        tpu.enqueue_dma source(%dma_start3A_301 : memref<8192xf32, #tpu.memory_space<hbm>>) target(%arg30 : memref<8192xf32, #tpu.memory_space<vmem>>) target_semaphore(%arg38 : memref<!tpu.dma_semaphore, #tpu.memory_space<semaphore_mem>>)
        %dma_start3A_302 = tpu.memref_slice %arg6[%add3A_297] : memref<4194304xi32, #tpu.memory_space<hbm>> -> memref<8192xi32, #tpu.memory_space<hbm>>
        %dma_start3A_303 = tpu.memref_slice %arg6[%add3A_297] : memref<4194304xi32, #tpu.memory_space<hbm>> -> memref<8192xi32, #tpu.memory_space<hbm>>
        tpu.enqueue_dma source(%dma_start3A_303 : memref<8192xi32, #tpu.memory_space<hbm>>) target(%arg34 : memref<8192xi32, #tpu.memory_space<vmem>>) target_semaphore(%arg38 : memref<!tpu.dma_semaphore, #tpu.memory_space<semaphore_mem>>)
      } else {
      }
      %mul3A_212 = arith.constant 4 : i32
      %mul3A_213 = arith.muli %scan3A_171, %mul3A_212 : i32
      %add3A_214 = arith.constant 1 : i32
      %add3A_215 = arith.addi %mul3A_213, %add3A_214 : i32
      %dma_wait3A_216 = arith.constant 0 : i32
      %dma_wait3A_217 = tpu.memref_slice %arg2[%dma_wait3A_216] : memref<4194304xf32, #tpu.memory_space<hbm>> -> memref<8192xf32, #tpu.memory_space<hbm>>
      %dma_wait3A_218 = arith.constant 0 : i32
      %dma_wait3A_219 = tpu.memref_slice %arg2[%dma_wait3A_218] : memref<4194304xf32, #tpu.memory_space<hbm>> -> memref<8192xf32, #tpu.memory_space<hbm>>
      tpu.wait_dma2 semaphore(%arg39 : memref<!tpu.dma_semaphore, #tpu.memory_space<semaphore_mem>>) src(%dma_wait3A_219 : memref<8192xf32, #tpu.memory_space<hbm>>) dst(%arg27 : memref<8192xf32, #tpu.memory_space<vmem>>)
      %dma_wait3A_220 = arith.constant 0 : i32
      %dma_wait3A_221 = tpu.memref_slice %arg3[%dma_wait3A_220] : memref<4194304xf32, #tpu.memory_space<hbm>> -> memref<8192xf32, #tpu.memory_space<hbm>>
      %dma_wait3A_222 = arith.constant 0 : i32
      %dma_wait3A_223 = tpu.memref_slice %arg3[%dma_wait3A_222] : memref<4194304xf32, #tpu.memory_space<hbm>> -> memref<8192xf32, #tpu.memory_space<hbm>>
      tpu.wait_dma2 semaphore(%arg39 : memref<!tpu.dma_semaphore, #tpu.memory_space<semaphore_mem>>) src(%dma_wait3A_223 : memref<8192xf32, #tpu.memory_space<hbm>>) dst(%arg31 : memref<8192xf32, #tpu.memory_space<vmem>>)
      %dma_wait3A_224 = arith.constant 0 : i32
      %dma_wait3A_225 = tpu.memref_slice %arg6[%dma_wait3A_224] : memref<4194304xi32, #tpu.memory_space<hbm>> -> memref<8192xi32, #tpu.memory_space<hbm>>
      %dma_wait3A_226 = arith.constant 0 : i32
      %dma_wait3A_227 = tpu.memref_slice %arg6[%dma_wait3A_226] : memref<4194304xi32, #tpu.memory_space<hbm>> -> memref<8192xi32, #tpu.memory_space<hbm>>
      tpu.wait_dma2 semaphore(%arg39 : memref<!tpu.dma_semaphore, #tpu.memory_space<semaphore_mem>>) src(%dma_wait3A_227 : memref<8192xi32, #tpu.memory_space<hbm>>) dst(%arg35 : memref<8192xi32, #tpu.memory_space<vmem>>)
      %parallel_loop3A_228 = arith.constant 0 : i32
      %parallel_loop3A_229 = arith.constant 8192 : i32
      %parallel_loop3A_230 = arith.constant 128 : i32
      %parallel_loop3A_231:16 = scf.for %parallel_loop3A_293 = %parallel_loop3A_228 to %parallel_loop3A_229 step %parallel_loop3A_230 iter_args(%parallel_loop3A_294 = %parallel_loop3A_207#0, %parallel_loop3A_295 = %parallel_loop3A_207#1, %parallel_loop3A_296 = %parallel_loop3A_207#2, %parallel_loop3A_297 = %parallel_loop3A_207#3, %parallel_loop3A_298 = %parallel_loop3A_207#4, %parallel_loop3A_299 = %parallel_loop3A_207#5, %parallel_loop3A_300 = %parallel_loop3A_207#6, %parallel_loop3A_301 = %parallel_loop3A_207#7, %parallel_loop3A_302 = %parallel_loop3A_207#8, %parallel_loop3A_303 = %parallel_loop3A_207#9, %parallel_loop3A_304 = %parallel_loop3A_207#10, %parallel_loop3A_305 = %parallel_loop3A_207#11, %parallel_loop3A_306 = %parallel_loop3A_207#12, %parallel_loop3A_307 = %parallel_loop3A_207#13, %parallel_loop3A_308 = %parallel_loop3A_207#14, %parallel_loop3A_309 = %parallel_loop3A_207#15) -> (vector<16xf32>, vector<16xf32>, vector<16xf32>, vector<16xf32>, vector<16xf32>, vector<16xf32>, vector<16xf32>, vector<16xf32>, vector<16xf32>, vector<16xf32>, vector<16xf32>, vector<16xf32>, vector<16xf32>, vector<16xf32>, vector<16xf32>, vector<16xf32>)  : i32 {
        %parallel_loop3A_310 = arith.constant 0 : i32
        %parallel_loop3A_311 = arith.addi %parallel_loop3A_293, %parallel_loop3A_310 : i32
        %parallel_loop3A_312 = arith.index_cast %parallel_loop3A_311 : i32 to index
        %parallel_loop3A_313 = tpu.vector_load %arg35[%parallel_loop3A_312] {strides = array<i32>} : memref<8192xi32, #tpu.memory_space<vmem>>, vector<16xi32>,
        %parallel_loop3A_314 = tpu.vector_load_idx %arg10[%parallel_loop3A_313] : memref<8192xf32, #tpu.memory_space<vmem>>[vector<16xi32>], vector<16xf32>,
        %parallel_loop3A_315 = arith.index_cast %parallel_loop3A_311 : i32 to index
        %parallel_loop3A_316 = tpu.vector_load %arg27[%parallel_loop3A_315] {strides = array<i32>} : memref<8192xf32, #tpu.memory_space<vmem>>, vector<16xf32>,
        %parallel_loop3A_317 = arith.index_cast %parallel_loop3A_311 : i32 to index
        %parallel_loop3A_318 = tpu.vector_load %arg31[%parallel_loop3A_317] {strides = array<i32>} : memref<8192xf32, #tpu.memory_space<vmem>>, vector<16xf32>,
        %parallel_loop3A_319 = arith.subf %parallel_loop3A_316, %parallel_loop3A_314 : vector<16xf32>
        %parallel_loop3A_320 = arith.mulf %parallel_loop3A_319, %parallel_loop3A_319 : vector<16xf32>
        %parallel_loop3A_321 = arith.constant -4.500000e+00 : f32
        %parallel_loop3A_322 = vector.broadcast %parallel_loop3A_321 : f32 to vector<16xf32>
        %parallel_loop3A_323 = arith.mulf %parallel_loop3A_320, %parallel_loop3A_322 : vector<16xf32>
        %parallel_loop3A_324 = math.exp %parallel_loop3A_323 : vector<16xf32>
        %parallel_loop3A_325 = arith.constant 1.19682682 : f32
        %parallel_loop3A_326 = vector.broadcast %parallel_loop3A_325 : f32 to vector<16xf32>
        %parallel_loop3A_327 = arith.mulf %parallel_loop3A_326, %parallel_loop3A_324 : vector<16xf32>
        %parallel_loop3A_328 = arith.subf %parallel_loop3A_318, %parallel_loop3A_327 : vector<16xf32>
        %parallel_loop3A_329 = arith.constant 1.000000e+00 : f32
        %parallel_loop3A_330 = vector.broadcast %parallel_loop3A_329 : f32 to vector<16xf32>
        %parallel_loop3A_331 = arith.cmpf ole, %parallel_loop3A_320, %parallel_loop3A_330 : vector<16xf32>
        %parallel_loop3A_332 = arith.mulf %parallel_loop3A_328, %parallel_loop3A_328 : vector<16xf32>
        %parallel_loop3A_333 = arith.constant 0.000000e+00 : f32
        %parallel_loop3A_334 = vector.broadcast %parallel_loop3A_333 : f32 to vector<16xf32>
        %parallel_loop3A_335 = arith.select %parallel_loop3A_331, %parallel_loop3A_332, %parallel_loop3A_334 : vector<16xi1>, vector<16xf32>
        %parallel_loop3A_336 = arith.constant -1.000000e+00 : f32
        %parallel_loop3A_337 = vector.broadcast %parallel_loop3A_336 : f32 to vector<16xf32>
        %parallel_loop3A_338 = arith.cmpf olt, %parallel_loop3A_319, %parallel_loop3A_337 : vector<16xf32>
        %parallel_loop3A_339 = arith.mulf %parallel_loop3A_318, %parallel_loop3A_318 : vector<16xf32>
        %parallel_loop3A_340 = arith.constant 0.000000e+00 : f32
        %parallel_loop3A_341 = vector.broadcast %parallel_loop3A_340 : f32 to vector<16xf32>
        %parallel_loop3A_342 = arith.select %parallel_loop3A_338, %parallel_loop3A_339, %parallel_loop3A_341 : vector<16xi1>, vector<16xf32>
        %parallel_loop3A_343 = arith.addf %parallel_loop3A_294, %parallel_loop3A_335 : vector<16xf32>
        %parallel_loop3A_344 = arith.addf %parallel_loop3A_295, %parallel_loop3A_342 : vector<16xf32>
        %parallel_loop3A_345 = arith.constant 16 : i32
        %parallel_loop3A_346 = arith.addi %parallel_loop3A_293, %parallel_loop3A_345 : i32
        %parallel_loop3A_347 = arith.index_cast %parallel_loop3A_346 : i32 to index
        %parallel_loop3A_348 = tpu.vector_load %arg35[%parallel_loop3A_347] {strides = array<i32>} : memref<8192xi32, #tpu.memory_space<vmem>>, vector<16xi32>,
        %parallel_loop3A_349 = tpu.vector_load_idx %arg10[%parallel_loop3A_348] : memref<8192xf32, #tpu.memory_space<vmem>>[vector<16xi32>], vector<16xf32>,
        %parallel_loop3A_350 = arith.index_cast %parallel_loop3A_346 : i32 to index
        %parallel_loop3A_351 = tpu.vector_load %arg27[%parallel_loop3A_350] {strides = array<i32>} : memref<8192xf32, #tpu.memory_space<vmem>>, vector<16xf32>,
        %parallel_loop3A_352 = arith.index_cast %parallel_loop3A_346 : i32 to index
        %parallel_loop3A_353 = tpu.vector_load %arg31[%parallel_loop3A_352] {strides = array<i32>} : memref<8192xf32, #tpu.memory_space<vmem>>, vector<16xf32>,
        %parallel_loop3A_354 = arith.subf %parallel_loop3A_351, %parallel_loop3A_349 : vector<16xf32>
        %parallel_loop3A_355 = arith.mulf %parallel_loop3A_354, %parallel_loop3A_354 : vector<16xf32>
        %parallel_loop3A_356 = arith.constant -4.500000e+00 : f32
        %parallel_loop3A_357 = vector.broadcast %parallel_loop3A_356 : f32 to vector<16xf32>
        %parallel_loop3A_358 = arith.mulf %parallel_loop3A_355, %parallel_loop3A_357 : vector<16xf32>
        %parallel_loop3A_359 = math.exp %parallel_loop3A_358 : vector<16xf32>
        %parallel_loop3A_360 = arith.constant 1.19682682 : f32
        %parallel_loop3A_361 = vector.broadcast %parallel_loop3A_360 : f32 to vector<16xf32>
        %parallel_loop3A_362 = arith.mulf %parallel_loop3A_361, %parallel_loop3A_359 : vector<16xf32>
        %parallel_loop3A_363 = arith.subf %parallel_loop3A_353, %parallel_loop3A_362 : vector<16xf32>
        %parallel_loop3A_364 = arith.constant 1.000000e+00 : f32
        %parallel_loop3A_365 = vector.broadcast %parallel_loop3A_364 : f32 to vector<16xf32>
        %parallel_loop3A_366 = arith.cmpf ole, %parallel_loop3A_355, %parallel_loop3A_365 : vector<16xf32>
        %parallel_loop3A_367 = arith.mulf %parallel_loop3A_363, %parallel_loop3A_363 : vector<16xf32>
        %parallel_loop3A_368 = arith.constant 0.000000e+00 : f32
        %parallel_loop3A_369 = vector.broadcast %parallel_loop3A_368 : f32 to vector<16xf32>
        %parallel_loop3A_370 = arith.select %parallel_loop3A_366, %parallel_loop3A_367, %parallel_loop3A_369 : vector<16xi1>, vector<16xf32>
        %parallel_loop3A_371 = arith.constant -1.000000e+00 : f32
        %parallel_loop3A_372 = vector.broadcast %parallel_loop3A_371 : f32 to vector<16xf32>
        %parallel_loop3A_373 = arith.cmpf olt, %parallel_loop3A_354, %parallel_loop3A_372 : vector<16xf32>
        %parallel_loop3A_374 = arith.mulf %parallel_loop3A_353, %parallel_loop3A_353 : vector<16xf32>
        %parallel_loop3A_375 = arith.constant 0.000000e+00 : f32
        %parallel_loop3A_376 = vector.broadcast %parallel_loop3A_375 : f32 to vector<16xf32>
        %parallel_loop3A_377 = arith.select %parallel_loop3A_373, %parallel_loop3A_374, %parallel_loop3A_376 : vector<16xi1>, vector<16xf32>
        %parallel_loop3A_378 = arith.addf %parallel_loop3A_296, %parallel_loop3A_370 : vector<16xf32>
        %parallel_loop3A_379 = arith.addf %parallel_loop3A_297, %parallel_loop3A_377 : vector<16xf32>
        %parallel_loop3A_380 = arith.constant 32 : i32
        %parallel_loop3A_381 = arith.addi %parallel_loop3A_293, %parallel_loop3A_380 : i32
        %parallel_loop3A_382 = arith.index_cast %parallel_loop3A_381 : i32 to index
        %parallel_loop3A_383 = tpu.vector_load %arg35[%parallel_loop3A_382] {strides = array<i32>} : memref<8192xi32, #tpu.memory_space<vmem>>, vector<16xi32>,
        %parallel_loop3A_384 = tpu.vector_load_idx %arg10[%parallel_loop3A_383] : memref<8192xf32, #tpu.memory_space<vmem>>[vector<16xi32>], vector<16xf32>,
        %parallel_loop3A_385 = arith.index_cast %parallel_loop3A_381 : i32 to index
        %parallel_loop3A_386 = tpu.vector_load %arg27[%parallel_loop3A_385] {strides = array<i32>} : memref<8192xf32, #tpu.memory_space<vmem>>, vector<16xf32>,
        %parallel_loop3A_387 = arith.index_cast %parallel_loop3A_381 : i32 to index
        %parallel_loop3A_388 = tpu.vector_load %arg31[%parallel_loop3A_387] {strides = array<i32>} : memref<8192xf32, #tpu.memory_space<vmem>>, vector<16xf32>,
        %parallel_loop3A_389 = arith.subf %parallel_loop3A_386, %parallel_loop3A_384 : vector<16xf32>
        %parallel_loop3A_390 = arith.mulf %parallel_loop3A_389, %parallel_loop3A_389 : vector<16xf32>
        %parallel_loop3A_391 = arith.constant -4.500000e+00 : f32
        %parallel_loop3A_392 = vector.broadcast %parallel_loop3A_391 : f32 to vector<16xf32>
        %parallel_loop3A_393 = arith.mulf %parallel_loop3A_390, %parallel_loop3A_392 : vector<16xf32>
        %parallel_loop3A_394 = math.exp %parallel_loop3A_393 : vector<16xf32>
        %parallel_loop3A_395 = arith.constant 1.19682682 : f32
        %parallel_loop3A_396 = vector.broadcast %parallel_loop3A_395 : f32 to vector<16xf32>
        %parallel_loop3A_397 = arith.mulf %parallel_loop3A_396, %parallel_loop3A_394 : vector<16xf32>
        %parallel_loop3A_398 = arith.subf %parallel_loop3A_388, %parallel_loop3A_397 : vector<16xf32>
        %parallel_loop3A_399 = arith.constant 1.000000e+00 : f32
        %parallel_loop3A_400 = vector.broadcast %parallel_loop3A_399 : f32 to vector<16xf32>
        %parallel_loop3A_401 = arith.cmpf ole, %parallel_loop3A_390, %parallel_loop3A_400 : vector<16xf32>
        %parallel_loop3A_402 = arith.mulf %parallel_loop3A_398, %parallel_loop3A_398 : vector<16xf32>
        %parallel_loop3A_403 = arith.constant 0.000000e+00 : f32
        %parallel_loop3A_404 = vector.broadcast %parallel_loop3A_403 : f32 to vector<16xf32>
        %parallel_loop3A_405 = arith.select %parallel_loop3A_401, %parallel_loop3A_402, %parallel_loop3A_404 : vector<16xi1>, vector<16xf32>
        %parallel_loop3A_406 = arith.constant -1.000000e+00 : f32
        %parallel_loop3A_407 = vector.broadcast %parallel_loop3A_406 : f32 to vector<16xf32>
        %parallel_loop3A_408 = arith.cmpf olt, %parallel_loop3A_389, %parallel_loop3A_407 : vector<16xf32>
        %parallel_loop3A_409 = arith.mulf %parallel_loop3A_388, %parallel_loop3A_388 : vector<16xf32>
        %parallel_loop3A_410 = arith.constant 0.000000e+00 : f32
        %parallel_loop3A_411 = vector.broadcast %parallel_loop3A_410 : f32 to vector<16xf32>
        %parallel_loop3A_412 = arith.select %parallel_loop3A_408, %parallel_loop3A_409, %parallel_loop3A_411 : vector<16xi1>, vector<16xf32>
        %parallel_loop3A_413 = arith.addf %parallel_loop3A_298, %parallel_loop3A_405 : vector<16xf32>
        %parallel_loop3A_414 = arith.addf %parallel_loop3A_299, %parallel_loop3A_412 : vector<16xf32>
        %parallel_loop3A_415 = arith.constant 48 : i32
        %parallel_loop3A_416 = arith.addi %parallel_loop3A_293, %parallel_loop3A_415 : i32
        %parallel_loop3A_417 = arith.index_cast %parallel_loop3A_416 : i32 to index
        %parallel_loop3A_418 = tpu.vector_load %arg35[%parallel_loop3A_417] {strides = array<i32>} : memref<8192xi32, #tpu.memory_space<vmem>>, vector<16xi32>,
        %parallel_loop3A_419 = tpu.vector_load_idx %arg10[%parallel_loop3A_418] : memref<8192xf32, #tpu.memory_space<vmem>>[vector<16xi32>], vector<16xf32>,
        %parallel_loop3A_420 = arith.index_cast %parallel_loop3A_416 : i32 to index
        %parallel_loop3A_421 = tpu.vector_load %arg27[%parallel_loop3A_420] {strides = array<i32>} : memref<8192xf32, #tpu.memory_space<vmem>>, vector<16xf32>,
        %parallel_loop3A_422 = arith.index_cast %parallel_loop3A_416 : i32 to index
        %parallel_loop3A_423 = tpu.vector_load %arg31[%parallel_loop3A_422] {strides = array<i32>} : memref<8192xf32, #tpu.memory_space<vmem>>, vector<16xf32>,
        %parallel_loop3A_424 = arith.subf %parallel_loop3A_421, %parallel_loop3A_419 : vector<16xf32>
        %parallel_loop3A_425 = arith.mulf %parallel_loop3A_424, %parallel_loop3A_424 : vector<16xf32>
        %parallel_loop3A_426 = arith.constant -4.500000e+00 : f32
        %parallel_loop3A_427 = vector.broadcast %parallel_loop3A_426 : f32 to vector<16xf32>
        %parallel_loop3A_428 = arith.mulf %parallel_loop3A_425, %parallel_loop3A_427 : vector<16xf32>
        %parallel_loop3A_429 = math.exp %parallel_loop3A_428 : vector<16xf32>
        %parallel_loop3A_430 = arith.constant 1.19682682 : f32
        %parallel_loop3A_431 = vector.broadcast %parallel_loop3A_430 : f32 to vector<16xf32>
        %parallel_loop3A_432 = arith.mulf %parallel_loop3A_431, %parallel_loop3A_429 : vector<16xf32>
        %parallel_loop3A_433 = arith.subf %parallel_loop3A_423, %parallel_loop3A_432 : vector<16xf32>
        %parallel_loop3A_434 = arith.constant 1.000000e+00 : f32
        %parallel_loop3A_435 = vector.broadcast %parallel_loop3A_434 : f32 to vector<16xf32>
        %parallel_loop3A_436 = arith.cmpf ole, %parallel_loop3A_425, %parallel_loop3A_435 : vector<16xf32>
        %parallel_loop3A_437 = arith.mulf %parallel_loop3A_433, %parallel_loop3A_433 : vector<16xf32>
        %parallel_loop3A_438 = arith.constant 0.000000e+00 : f32
        %parallel_loop3A_439 = vector.broadcast %parallel_loop3A_438 : f32 to vector<16xf32>
        %parallel_loop3A_440 = arith.select %parallel_loop3A_436, %parallel_loop3A_437, %parallel_loop3A_439 : vector<16xi1>, vector<16xf32>
        %parallel_loop3A_441 = arith.constant -1.000000e+00 : f32
        %parallel_loop3A_442 = vector.broadcast %parallel_loop3A_441 : f32 to vector<16xf32>
        %parallel_loop3A_443 = arith.cmpf olt, %parallel_loop3A_424, %parallel_loop3A_442 : vector<16xf32>
        %parallel_loop3A_444 = arith.mulf %parallel_loop3A_423, %parallel_loop3A_423 : vector<16xf32>
        %parallel_loop3A_445 = arith.constant 0.000000e+00 : f32
        %parallel_loop3A_446 = vector.broadcast %parallel_loop3A_445 : f32 to vector<16xf32>
        %parallel_loop3A_447 = arith.select %parallel_loop3A_443, %parallel_loop3A_444, %parallel_loop3A_446 : vector<16xi1>, vector<16xf32>
        %parallel_loop3A_448 = arith.addf %parallel_loop3A_300, %parallel_loop3A_440 : vector<16xf32>
        %parallel_loop3A_449 = arith.addf %parallel_loop3A_301, %parallel_loop3A_447 : vector<16xf32>
        %parallel_loop3A_450 = arith.constant 64 : i32
        %parallel_loop3A_451 = arith.addi %parallel_loop3A_293, %parallel_loop3A_450 : i32
        %parallel_loop3A_452 = arith.index_cast %parallel_loop3A_451 : i32 to index
        %parallel_loop3A_453 = tpu.vector_load %arg35[%parallel_loop3A_452] {strides = array<i32>} : memref<8192xi32, #tpu.memory_space<vmem>>, vector<16xi32>,
        %parallel_loop3A_454 = tpu.vector_load_idx %arg10[%parallel_loop3A_453] : memref<8192xf32, #tpu.memory_space<vmem>>[vector<16xi32>], vector<16xf32>,
        %parallel_loop3A_455 = arith.index_cast %parallel_loop3A_451 : i32 to index
        %parallel_loop3A_456 = tpu.vector_load %arg27[%parallel_loop3A_455] {strides = array<i32>} : memref<8192xf32, #tpu.memory_space<vmem>>, vector<16xf32>,
        %parallel_loop3A_457 = arith.index_cast %parallel_loop3A_451 : i32 to index
        %parallel_loop3A_458 = tpu.vector_load %arg31[%parallel_loop3A_457] {strides = array<i32>} : memref<8192xf32, #tpu.memory_space<vmem>>, vector<16xf32>,
        %parallel_loop3A_459 = arith.subf %parallel_loop3A_456, %parallel_loop3A_454 : vector<16xf32>
        %parallel_loop3A_460 = arith.mulf %parallel_loop3A_459, %parallel_loop3A_459 : vector<16xf32>
        %parallel_loop3A_461 = arith.constant -4.500000e+00 : f32
        %parallel_loop3A_462 = vector.broadcast %parallel_loop3A_461 : f32 to vector<16xf32>
        %parallel_loop3A_463 = arith.mulf %parallel_loop3A_460, %parallel_loop3A_462 : vector<16xf32>
        %parallel_loop3A_464 = math.exp %parallel_loop3A_463 : vector<16xf32>
        %parallel_loop3A_465 = arith.constant 1.19682682 : f32
        %parallel_loop3A_466 = vector.broadcast %parallel_loop3A_465 : f32 to vector<16xf32>
        %parallel_loop3A_467 = arith.mulf %parallel_loop3A_466, %parallel_loop3A_464 : vector<16xf32>
        %parallel_loop3A_468 = arith.subf %parallel_loop3A_458, %parallel_loop3A_467 : vector<16xf32>
        %parallel_loop3A_469 = arith.constant 1.000000e+00 : f32
        %parallel_loop3A_470 = vector.broadcast %parallel_loop3A_469 : f32 to vector<16xf32>
        %parallel_loop3A_471 = arith.cmpf ole, %parallel_loop3A_460, %parallel_loop3A_470 : vector<16xf32>
        %parallel_loop3A_472 = arith.mulf %parallel_loop3A_468, %parallel_loop3A_468 : vector<16xf32>
        %parallel_loop3A_473 = arith.constant 0.000000e+00 : f32
        %parallel_loop3A_474 = vector.broadcast %parallel_loop3A_473 : f32 to vector<16xf32>
        %parallel_loop3A_475 = arith.select %parallel_loop3A_471, %parallel_loop3A_472, %parallel_loop3A_474 : vector<16xi1>, vector<16xf32>
        %parallel_loop3A_476 = arith.constant -1.000000e+00 : f32
        %parallel_loop3A_477 = vector.broadcast %parallel_loop3A_476 : f32 to vector<16xf32>
        %parallel_loop3A_478 = arith.cmpf olt, %parallel_loop3A_459, %parallel_loop3A_477 : vector<16xf32>
        %parallel_loop3A_479 = arith.mulf %parallel_loop3A_458, %parallel_loop3A_458 : vector<16xf32>
        %parallel_loop3A_480 = arith.constant 0.000000e+00 : f32
        %parallel_loop3A_481 = vector.broadcast %parallel_loop3A_480 : f32 to vector<16xf32>
        %parallel_loop3A_482 = arith.select %parallel_loop3A_478, %parallel_loop3A_479, %parallel_loop3A_481 : vector<16xi1>, vector<16xf32>
        %parallel_loop3A_483 = arith.addf %parallel_loop3A_302, %parallel_loop3A_475 : vector<16xf32>
        %parallel_loop3A_484 = arith.addf %parallel_loop3A_303, %parallel_loop3A_482 : vector<16xf32>
        %parallel_loop3A_485 = arith.constant 80 : i32
        %parallel_loop3A_486 = arith.addi %parallel_loop3A_293, %parallel_loop3A_485 : i32
        %parallel_loop3A_487 = arith.index_cast %parallel_loop3A_486 : i32 to index
        %parallel_loop3A_488 = tpu.vector_load %arg35[%parallel_loop3A_487] {strides = array<i32>} : memref<8192xi32, #tpu.memory_space<vmem>>, vector<16xi32>,
        %parallel_loop3A_489 = tpu.vector_load_idx %arg10[%parallel_loop3A_488] : memref<8192xf32, #tpu.memory_space<vmem>>[vector<16xi32>], vector<16xf32>,
        %parallel_loop3A_490 = arith.index_cast %parallel_loop3A_486 : i32 to index
        %parallel_loop3A_491 = tpu.vector_load %arg27[%parallel_loop3A_490] {strides = array<i32>} : memref<8192xf32, #tpu.memory_space<vmem>>, vector<16xf32>,
        %parallel_loop3A_492 = arith.index_cast %parallel_loop3A_486 : i32 to index
        %parallel_loop3A_493 = tpu.vector_load %arg31[%parallel_loop3A_492] {strides = array<i32>} : memref<8192xf32, #tpu.memory_space<vmem>>, vector<16xf32>,
        %parallel_loop3A_494 = arith.subf %parallel_loop3A_491, %parallel_loop3A_489 : vector<16xf32>
        %parallel_loop3A_495 = arith.mulf %parallel_loop3A_494, %parallel_loop3A_494 : vector<16xf32>
        %parallel_loop3A_496 = arith.constant -4.500000e+00 : f32
        %parallel_loop3A_497 = vector.broadcast %parallel_loop3A_496 : f32 to vector<16xf32>
        %parallel_loop3A_498 = arith.mulf %parallel_loop3A_495, %parallel_loop3A_497 : vector<16xf32>
        %parallel_loop3A_499 = math.exp %parallel_loop3A_498 : vector<16xf32>
        %parallel_loop3A_500 = arith.constant 1.19682682 : f32
        %parallel_loop3A_501 = vector.broadcast %parallel_loop3A_500 : f32 to vector<16xf32>
        %parallel_loop3A_502 = arith.mulf %parallel_loop3A_501, %parallel_loop3A_499 : vector<16xf32>
        %parallel_loop3A_503 = arith.subf %parallel_loop3A_493, %parallel_loop3A_502 : vector<16xf32>
        %parallel_loop3A_504 = arith.constant 1.000000e+00 : f32
        %parallel_loop3A_505 = vector.broadcast %parallel_loop3A_504 : f32 to vector<16xf32>
        %parallel_loop3A_506 = arith.cmpf ole, %parallel_loop3A_495, %parallel_loop3A_505 : vector<16xf32>
        %parallel_loop3A_507 = arith.mulf %parallel_loop3A_503, %parallel_loop3A_503 : vector<16xf32>
        %parallel_loop3A_508 = arith.constant 0.000000e+00 : f32
        %parallel_loop3A_509 = vector.broadcast %parallel_loop3A_508 : f32 to vector<16xf32>
        %parallel_loop3A_510 = arith.select %parallel_loop3A_506, %parallel_loop3A_507, %parallel_loop3A_509 : vector<16xi1>, vector<16xf32>
        %parallel_loop3A_511 = arith.constant -1.000000e+00 : f32
        %parallel_loop3A_512 = vector.broadcast %parallel_loop3A_511 : f32 to vector<16xf32>
        %parallel_loop3A_513 = arith.cmpf olt, %parallel_loop3A_494, %parallel_loop3A_512 : vector<16xf32>
        %parallel_loop3A_514 = arith.mulf %parallel_loop3A_493, %parallel_loop3A_493 : vector<16xf32>
        %parallel_loop3A_515 = arith.constant 0.000000e+00 : f32
        %parallel_loop3A_516 = vector.broadcast %parallel_loop3A_515 : f32 to vector<16xf32>
        %parallel_loop3A_517 = arith.select %parallel_loop3A_513, %parallel_loop3A_514, %parallel_loop3A_516 : vector<16xi1>, vector<16xf32>
        %parallel_loop3A_518 = arith.addf %parallel_loop3A_304, %parallel_loop3A_510 : vector<16xf32>
        %parallel_loop3A_519 = arith.addf %parallel_loop3A_305, %parallel_loop3A_517 : vector<16xf32>
        %parallel_loop3A_520 = arith.constant 96 : i32
        %parallel_loop3A_521 = arith.addi %parallel_loop3A_293, %parallel_loop3A_520 : i32
        %parallel_loop3A_522 = arith.index_cast %parallel_loop3A_521 : i32 to index
        %parallel_loop3A_523 = tpu.vector_load %arg35[%parallel_loop3A_522] {strides = array<i32>} : memref<8192xi32, #tpu.memory_space<vmem>>, vector<16xi32>,
        %parallel_loop3A_524 = tpu.vector_load_idx %arg10[%parallel_loop3A_523] : memref<8192xf32, #tpu.memory_space<vmem>>[vector<16xi32>], vector<16xf32>,
        %parallel_loop3A_525 = arith.index_cast %parallel_loop3A_521 : i32 to index
        %parallel_loop3A_526 = tpu.vector_load %arg27[%parallel_loop3A_525] {strides = array<i32>} : memref<8192xf32, #tpu.memory_space<vmem>>, vector<16xf32>,
        %parallel_loop3A_527 = arith.index_cast %parallel_loop3A_521 : i32 to index
        %parallel_loop3A_528 = tpu.vector_load %arg31[%parallel_loop3A_527] {strides = array<i32>} : memref<8192xf32, #tpu.memory_space<vmem>>, vector<16xf32>,
        %parallel_loop3A_529 = arith.subf %parallel_loop3A_526, %parallel_loop3A_524 : vector<16xf32>
        %parallel_loop3A_530 = arith.mulf %parallel_loop3A_529, %parallel_loop3A_529 : vector<16xf32>
        %parallel_loop3A_531 = arith.constant -4.500000e+00 : f32
        %parallel_loop3A_532 = vector.broadcast %parallel_loop3A_531 : f32 to vector<16xf32>
        %parallel_loop3A_533 = arith.mulf %parallel_loop3A_530, %parallel_loop3A_532 : vector<16xf32>
        %parallel_loop3A_534 = math.exp %parallel_loop3A_533 : vector<16xf32>
        %parallel_loop3A_535 = arith.constant 1.19682682 : f32
        %parallel_loop3A_536 = vector.broadcast %parallel_loop3A_535 : f32 to vector<16xf32>
        %parallel_loop3A_537 = arith.mulf %parallel_loop3A_536, %parallel_loop3A_534 : vector<16xf32>
        %parallel_loop3A_538 = arith.subf %parallel_loop3A_528, %parallel_loop3A_537 : vector<16xf32>
        %parallel_loop3A_539 = arith.constant 1.000000e+00 : f32
        %parallel_loop3A_540 = vector.broadcast %parallel_loop3A_539 : f32 to vector<16xf32>
        %parallel_loop3A_541 = arith.cmpf ole, %parallel_loop3A_530, %parallel_loop3A_540 : vector<16xf32>
        %parallel_loop3A_542 = arith.mulf %parallel_loop3A_538, %parallel_loop3A_538 : vector<16xf32>
        %parallel_loop3A_543 = arith.constant 0.000000e+00 : f32
        %parallel_loop3A_544 = vector.broadcast %parallel_loop3A_543 : f32 to vector<16xf32>
        %parallel_loop3A_545 = arith.select %parallel_loop3A_541, %parallel_loop3A_542, %parallel_loop3A_544 : vector<16xi1>, vector<16xf32>
        %parallel_loop3A_546 = arith.constant -1.000000e+00 : f32
        %parallel_loop3A_547 = vector.broadcast %parallel_loop3A_546 : f32 to vector<16xf32>
        %parallel_loop3A_548 = arith.cmpf olt, %parallel_loop3A_529, %parallel_loop3A_547 : vector<16xf32>
        %parallel_loop3A_549 = arith.mulf %parallel_loop3A_528, %parallel_loop3A_528 : vector<16xf32>
        %parallel_loop3A_550 = arith.constant 0.000000e+00 : f32
        %parallel_loop3A_551 = vector.broadcast %parallel_loop3A_550 : f32 to vector<16xf32>
        %parallel_loop3A_552 = arith.select %parallel_loop3A_548, %parallel_loop3A_549, %parallel_loop3A_551 : vector<16xi1>, vector<16xf32>
        %parallel_loop3A_553 = arith.addf %parallel_loop3A_306, %parallel_loop3A_545 : vector<16xf32>
        %parallel_loop3A_554 = arith.addf %parallel_loop3A_307, %parallel_loop3A_552 : vector<16xf32>
        %parallel_loop3A_555 = arith.constant 112 : i32
        %parallel_loop3A_556 = arith.addi %parallel_loop3A_293, %parallel_loop3A_555 : i32
        %parallel_loop3A_557 = arith.index_cast %parallel_loop3A_556 : i32 to index
        %parallel_loop3A_558 = tpu.vector_load %arg35[%parallel_loop3A_557] {strides = array<i32>} : memref<8192xi32, #tpu.memory_space<vmem>>, vector<16xi32>,
        %parallel_loop3A_559 = tpu.vector_load_idx %arg10[%parallel_loop3A_558] : memref<8192xf32, #tpu.memory_space<vmem>>[vector<16xi32>], vector<16xf32>,
        %parallel_loop3A_560 = arith.index_cast %parallel_loop3A_556 : i32 to index
        %parallel_loop3A_561 = tpu.vector_load %arg27[%parallel_loop3A_560] {strides = array<i32>} : memref<8192xf32, #tpu.memory_space<vmem>>, vector<16xf32>,
        %parallel_loop3A_562 = arith.index_cast %parallel_loop3A_556 : i32 to index
        %parallel_loop3A_563 = tpu.vector_load %arg31[%parallel_loop3A_562] {strides = array<i32>} : memref<8192xf32, #tpu.memory_space<vmem>>, vector<16xf32>,
        %parallel_loop3A_564 = arith.subf %parallel_loop3A_561, %parallel_loop3A_559 : vector<16xf32>
        %parallel_loop3A_565 = arith.mulf %parallel_loop3A_564, %parallel_loop3A_564 : vector<16xf32>
        %parallel_loop3A_566 = arith.constant -4.500000e+00 : f32
        %parallel_loop3A_567 = vector.broadcast %parallel_loop3A_566 : f32 to vector<16xf32>
        %parallel_loop3A_568 = arith.mulf %parallel_loop3A_565, %parallel_loop3A_567 : vector<16xf32>
        %parallel_loop3A_569 = math.exp %parallel_loop3A_568 : vector<16xf32>
        %parallel_loop3A_570 = arith.constant 1.19682682 : f32
        %parallel_loop3A_571 = vector.broadcast %parallel_loop3A_570 : f32 to vector<16xf32>
        %parallel_loop3A_572 = arith.mulf %parallel_loop3A_571, %parallel_loop3A_569 : vector<16xf32>
        %parallel_loop3A_573 = arith.subf %parallel_loop3A_563, %parallel_loop3A_572 : vector<16xf32>
        %parallel_loop3A_574 = arith.constant 1.000000e+00 : f32
        %parallel_loop3A_575 = vector.broadcast %parallel_loop3A_574 : f32 to vector<16xf32>
        %parallel_loop3A_576 = arith.cmpf ole, %parallel_loop3A_565, %parallel_loop3A_575 : vector<16xf32>
        %parallel_loop3A_577 = arith.mulf %parallel_loop3A_573, %parallel_loop3A_573 : vector<16xf32>
        %parallel_loop3A_578 = arith.constant 0.000000e+00 : f32
        %parallel_loop3A_579 = vector.broadcast %parallel_loop3A_578 : f32 to vector<16xf32>
        %parallel_loop3A_580 = arith.select %parallel_loop3A_576, %parallel_loop3A_577, %parallel_loop3A_579 : vector<16xi1>, vector<16xf32>
        %parallel_loop3A_581 = arith.constant -1.000000e+00 : f32
        %parallel_loop3A_582 = vector.broadcast %parallel_loop3A_581 : f32 to vector<16xf32>
        %parallel_loop3A_583 = arith.cmpf olt, %parallel_loop3A_564, %parallel_loop3A_582 : vector<16xf32>
        %parallel_loop3A_584 = arith.mulf %parallel_loop3A_563, %parallel_loop3A_563 : vector<16xf32>
        %parallel_loop3A_585 = arith.constant 0.000000e+00 : f32
        %parallel_loop3A_586 = vector.broadcast %parallel_loop3A_585 : f32 to vector<16xf32>
        %parallel_loop3A_587 = arith.select %parallel_loop3A_583, %parallel_loop3A_584, %parallel_loop3A_586 : vector<16xi1>, vector<16xf32>
        %parallel_loop3A_588 = arith.addf %parallel_loop3A_308, %parallel_loop3A_580 : vector<16xf32>
        %parallel_loop3A_589 = arith.addf %parallel_loop3A_309, %parallel_loop3A_587 : vector<16xf32>
        scf.yield %parallel_loop3A_343, %parallel_loop3A_344, %parallel_loop3A_378, %parallel_loop3A_379, %parallel_loop3A_413, %parallel_loop3A_414, %parallel_loop3A_448, %parallel_loop3A_449, %parallel_loop3A_483, %parallel_loop3A_484, %parallel_loop3A_518, %parallel_loop3A_519, %parallel_loop3A_553, %parallel_loop3A_554, %parallel_loop3A_588, %parallel_loop3A_589 : vector<16xf32>, vector<16xf32>, vector<16xf32>, vector<16xf32>, vector<16xf32>, vector<16xf32>, vector<16xf32>, vector<16xf32>, vector<16xf32>, vector<16xf32>, vector<16xf32>, vector<16xf32>, vector<16xf32>, vector<16xf32>, vector<16xf32>, vector<16xf32>
      } {sc.loop_unroll_factor = 1 : i64, sc.parallel_access}
      %add3A_232 = arith.constant 4 : i32
      %add3A_233 = arith.addi %add3A_215, %add3A_232 : i32
      %lt3A_234 = arith.constant 16 : i32
      %lt3A_235 = arith.cmpi slt, %add3A_233, %lt3A_234 : i32
      %convert_element_type3A_236 = arith.extui %lt3A_235 : i1 to i32
      %cond3A_237 = arith.constant 0 : i32
      %cond3A_238 = arith.cmpi ne, %convert_element_type3A_236, %cond3A_237 : i32
      scf.if %cond3A_238 {
        %add3A_293 = arith.constant 4 : i32
        %add3A_294 = arith.addi %add3A_215, %add3A_293 : i32
        %mul3A_295 = arith.constant 8192 : i32
        %mul3A_296 = arith.muli %add3A_294, %mul3A_295 : i32
        %add3A_297 = arith.addi %mul3A_2, %mul3A_296 : i32
        %dma_start3A_298 = tpu.memref_slice %arg2[%add3A_297] : memref<4194304xf32, #tpu.memory_space<hbm>> -> memref<8192xf32, #tpu.memory_space<hbm>>
        %dma_start3A_299 = tpu.memref_slice %arg2[%add3A_297] : memref<4194304xf32, #tpu.memory_space<hbm>> -> memref<8192xf32, #tpu.memory_space<hbm>>
        tpu.enqueue_dma source(%dma_start3A_299 : memref<8192xf32, #tpu.memory_space<hbm>>) target(%arg27 : memref<8192xf32, #tpu.memory_space<vmem>>) target_semaphore(%arg39 : memref<!tpu.dma_semaphore, #tpu.memory_space<semaphore_mem>>)
        %dma_start3A_300 = tpu.memref_slice %arg3[%add3A_297] : memref<4194304xf32, #tpu.memory_space<hbm>> -> memref<8192xf32, #tpu.memory_space<hbm>>
        %dma_start3A_301 = tpu.memref_slice %arg3[%add3A_297] : memref<4194304xf32, #tpu.memory_space<hbm>> -> memref<8192xf32, #tpu.memory_space<hbm>>
        tpu.enqueue_dma source(%dma_start3A_301 : memref<8192xf32, #tpu.memory_space<hbm>>) target(%arg31 : memref<8192xf32, #tpu.memory_space<vmem>>) target_semaphore(%arg39 : memref<!tpu.dma_semaphore, #tpu.memory_space<semaphore_mem>>)
        %dma_start3A_302 = tpu.memref_slice %arg6[%add3A_297] : memref<4194304xi32, #tpu.memory_space<hbm>> -> memref<8192xi32, #tpu.memory_space<hbm>>
        %dma_start3A_303 = tpu.memref_slice %arg6[%add3A_297] : memref<4194304xi32, #tpu.memory_space<hbm>> -> memref<8192xi32, #tpu.memory_space<hbm>>
        tpu.enqueue_dma source(%dma_start3A_303 : memref<8192xi32, #tpu.memory_space<hbm>>) target(%arg35 : memref<8192xi32, #tpu.memory_space<vmem>>) target_semaphore(%arg39 : memref<!tpu.dma_semaphore, #tpu.memory_space<semaphore_mem>>)
      } else {
      }
      %mul3A_239 = arith.constant 4 : i32
      %mul3A_240 = arith.muli %scan3A_171, %mul3A_239 : i32
      %add3A_241 = arith.constant 2 : i32
      %add3A_242 = arith.addi %mul3A_240, %add3A_241 : i32
      %dma_wait3A_243 = arith.constant 0 : i32
      %dma_wait3A_244 = tpu.memref_slice %arg2[%dma_wait3A_243] : memref<4194304xf32, #tpu.memory_space<hbm>> -> memref<8192xf32, #tpu.memory_space<hbm>>
      %dma_wait3A_245 = arith.constant 0 : i32
      %dma_wait3A_246 = tpu.memref_slice %arg2[%dma_wait3A_245] : memref<4194304xf32, #tpu.memory_space<hbm>> -> memref<8192xf32, #tpu.memory_space<hbm>>
      tpu.wait_dma2 semaphore(%arg40 : memref<!tpu.dma_semaphore, #tpu.memory_space<semaphore_mem>>) src(%dma_wait3A_246 : memref<8192xf32, #tpu.memory_space<hbm>>) dst(%arg28 : memref<8192xf32, #tpu.memory_space<vmem>>)
      %dma_wait3A_247 = arith.constant 0 : i32
      %dma_wait3A_248 = tpu.memref_slice %arg3[%dma_wait3A_247] : memref<4194304xf32, #tpu.memory_space<hbm>> -> memref<8192xf32, #tpu.memory_space<hbm>>
      %dma_wait3A_249 = arith.constant 0 : i32
      %dma_wait3A_250 = tpu.memref_slice %arg3[%dma_wait3A_249] : memref<4194304xf32, #tpu.memory_space<hbm>> -> memref<8192xf32, #tpu.memory_space<hbm>>
      tpu.wait_dma2 semaphore(%arg40 : memref<!tpu.dma_semaphore, #tpu.memory_space<semaphore_mem>>) src(%dma_wait3A_250 : memref<8192xf32, #tpu.memory_space<hbm>>) dst(%arg32 : memref<8192xf32, #tpu.memory_space<vmem>>)
      %dma_wait3A_251 = arith.constant 0 : i32
      %dma_wait3A_252 = tpu.memref_slice %arg6[%dma_wait3A_251] : memref<4194304xi32, #tpu.memory_space<hbm>> -> memref<8192xi32, #tpu.memory_space<hbm>>
      %dma_wait3A_253 = arith.constant 0 : i32
      %dma_wait3A_254 = tpu.memref_slice %arg6[%dma_wait3A_253] : memref<4194304xi32, #tpu.memory_space<hbm>> -> memref<8192xi32, #tpu.memory_space<hbm>>
      tpu.wait_dma2 semaphore(%arg40 : memref<!tpu.dma_semaphore, #tpu.memory_space<semaphore_mem>>) src(%dma_wait3A_254 : memref<8192xi32, #tpu.memory_space<hbm>>) dst(%arg36 : memref<8192xi32, #tpu.memory_space<vmem>>)
      %parallel_loop3A_255 = arith.constant 0 : i32
      %parallel_loop3A_256 = arith.constant 8192 : i32
      %parallel_loop3A_257 = arith.constant 128 : i32
      %parallel_loop3A_258:16 = scf.for %parallel_loop3A_293 = %parallel_loop3A_255 to %parallel_loop3A_256 step %parallel_loop3A_257 iter_args(%parallel_loop3A_294 = %parallel_loop3A_231#0, %parallel_loop3A_295 = %parallel_loop3A_231#1, %parallel_loop3A_296 = %parallel_loop3A_231#2, %parallel_loop3A_297 = %parallel_loop3A_231#3, %parallel_loop3A_298 = %parallel_loop3A_231#4, %parallel_loop3A_299 = %parallel_loop3A_231#5, %parallel_loop3A_300 = %parallel_loop3A_231#6, %parallel_loop3A_301 = %parallel_loop3A_231#7, %parallel_loop3A_302 = %parallel_loop3A_231#8, %parallel_loop3A_303 = %parallel_loop3A_231#9, %parallel_loop3A_304 = %parallel_loop3A_231#10, %parallel_loop3A_305 = %parallel_loop3A_231#11, %parallel_loop3A_306 = %parallel_loop3A_231#12, %parallel_loop3A_307 = %parallel_loop3A_231#13, %parallel_loop3A_308 = %parallel_loop3A_231#14, %parallel_loop3A_309 = %parallel_loop3A_231#15) -> (vector<16xf32>, vector<16xf32>, vector<16xf32>, vector<16xf32>, vector<16xf32>, vector<16xf32>, vector<16xf32>, vector<16xf32>, vector<16xf32>, vector<16xf32>, vector<16xf32>, vector<16xf32>, vector<16xf32>, vector<16xf32>, vector<16xf32>, vector<16xf32>)  : i32 {
        %parallel_loop3A_310 = arith.constant 0 : i32
        %parallel_loop3A_311 = arith.addi %parallel_loop3A_293, %parallel_loop3A_310 : i32
        %parallel_loop3A_312 = arith.index_cast %parallel_loop3A_311 : i32 to index
        %parallel_loop3A_313 = tpu.vector_load %arg36[%parallel_loop3A_312] {strides = array<i32>} : memref<8192xi32, #tpu.memory_space<vmem>>, vector<16xi32>,
        %parallel_loop3A_314 = tpu.vector_load_idx %arg10[%parallel_loop3A_313] : memref<8192xf32, #tpu.memory_space<vmem>>[vector<16xi32>], vector<16xf32>,
        %parallel_loop3A_315 = arith.index_cast %parallel_loop3A_311 : i32 to index
        %parallel_loop3A_316 = tpu.vector_load %arg28[%parallel_loop3A_315] {strides = array<i32>} : memref<8192xf32, #tpu.memory_space<vmem>>, vector<16xf32>,
        %parallel_loop3A_317 = arith.index_cast %parallel_loop3A_311 : i32 to index
        %parallel_loop3A_318 = tpu.vector_load %arg32[%parallel_loop3A_317] {strides = array<i32>} : memref<8192xf32, #tpu.memory_space<vmem>>, vector<16xf32>,
        %parallel_loop3A_319 = arith.subf %parallel_loop3A_316, %parallel_loop3A_314 : vector<16xf32>
        %parallel_loop3A_320 = arith.mulf %parallel_loop3A_319, %parallel_loop3A_319 : vector<16xf32>
        %parallel_loop3A_321 = arith.constant -4.500000e+00 : f32
        %parallel_loop3A_322 = vector.broadcast %parallel_loop3A_321 : f32 to vector<16xf32>
        %parallel_loop3A_323 = arith.mulf %parallel_loop3A_320, %parallel_loop3A_322 : vector<16xf32>
        %parallel_loop3A_324 = math.exp %parallel_loop3A_323 : vector<16xf32>
        %parallel_loop3A_325 = arith.constant 1.19682682 : f32
        %parallel_loop3A_326 = vector.broadcast %parallel_loop3A_325 : f32 to vector<16xf32>
        %parallel_loop3A_327 = arith.mulf %parallel_loop3A_326, %parallel_loop3A_324 : vector<16xf32>
        %parallel_loop3A_328 = arith.subf %parallel_loop3A_318, %parallel_loop3A_327 : vector<16xf32>
        %parallel_loop3A_329 = arith.constant 1.000000e+00 : f32
        %parallel_loop3A_330 = vector.broadcast %parallel_loop3A_329 : f32 to vector<16xf32>
        %parallel_loop3A_331 = arith.cmpf ole, %parallel_loop3A_320, %parallel_loop3A_330 : vector<16xf32>
        %parallel_loop3A_332 = arith.mulf %parallel_loop3A_328, %parallel_loop3A_328 : vector<16xf32>
        %parallel_loop3A_333 = arith.constant 0.000000e+00 : f32
        %parallel_loop3A_334 = vector.broadcast %parallel_loop3A_333 : f32 to vector<16xf32>
        %parallel_loop3A_335 = arith.select %parallel_loop3A_331, %parallel_loop3A_332, %parallel_loop3A_334 : vector<16xi1>, vector<16xf32>
        %parallel_loop3A_336 = arith.constant -1.000000e+00 : f32
        %parallel_loop3A_337 = vector.broadcast %parallel_loop3A_336 : f32 to vector<16xf32>
        %parallel_loop3A_338 = arith.cmpf olt, %parallel_loop3A_319, %parallel_loop3A_337 : vector<16xf32>
        %parallel_loop3A_339 = arith.mulf %parallel_loop3A_318, %parallel_loop3A_318 : vector<16xf32>
        %parallel_loop3A_340 = arith.constant 0.000000e+00 : f32
        %parallel_loop3A_341 = vector.broadcast %parallel_loop3A_340 : f32 to vector<16xf32>
        %parallel_loop3A_342 = arith.select %parallel_loop3A_338, %parallel_loop3A_339, %parallel_loop3A_341 : vector<16xi1>, vector<16xf32>
        %parallel_loop3A_343 = arith.addf %parallel_loop3A_294, %parallel_loop3A_335 : vector<16xf32>
        %parallel_loop3A_344 = arith.addf %parallel_loop3A_295, %parallel_loop3A_342 : vector<16xf32>
        %parallel_loop3A_345 = arith.constant 16 : i32
        %parallel_loop3A_346 = arith.addi %parallel_loop3A_293, %parallel_loop3A_345 : i32
        %parallel_loop3A_347 = arith.index_cast %parallel_loop3A_346 : i32 to index
        %parallel_loop3A_348 = tpu.vector_load %arg36[%parallel_loop3A_347] {strides = array<i32>} : memref<8192xi32, #tpu.memory_space<vmem>>, vector<16xi32>,
        %parallel_loop3A_349 = tpu.vector_load_idx %arg10[%parallel_loop3A_348] : memref<8192xf32, #tpu.memory_space<vmem>>[vector<16xi32>], vector<16xf32>,
        %parallel_loop3A_350 = arith.index_cast %parallel_loop3A_346 : i32 to index
        %parallel_loop3A_351 = tpu.vector_load %arg28[%parallel_loop3A_350] {strides = array<i32>} : memref<8192xf32, #tpu.memory_space<vmem>>, vector<16xf32>,
        %parallel_loop3A_352 = arith.index_cast %parallel_loop3A_346 : i32 to index
        %parallel_loop3A_353 = tpu.vector_load %arg32[%parallel_loop3A_352] {strides = array<i32>} : memref<8192xf32, #tpu.memory_space<vmem>>, vector<16xf32>,
        %parallel_loop3A_354 = arith.subf %parallel_loop3A_351, %parallel_loop3A_349 : vector<16xf32>
        %parallel_loop3A_355 = arith.mulf %parallel_loop3A_354, %parallel_loop3A_354 : vector<16xf32>
        %parallel_loop3A_356 = arith.constant -4.500000e+00 : f32
        %parallel_loop3A_357 = vector.broadcast %parallel_loop3A_356 : f32 to vector<16xf32>
        %parallel_loop3A_358 = arith.mulf %parallel_loop3A_355, %parallel_loop3A_357 : vector<16xf32>
        %parallel_loop3A_359 = math.exp %parallel_loop3A_358 : vector<16xf32>
        %parallel_loop3A_360 = arith.constant 1.19682682 : f32
        %parallel_loop3A_361 = vector.broadcast %parallel_loop3A_360 : f32 to vector<16xf32>
        %parallel_loop3A_362 = arith.mulf %parallel_loop3A_361, %parallel_loop3A_359 : vector<16xf32>
        %parallel_loop3A_363 = arith.subf %parallel_loop3A_353, %parallel_loop3A_362 : vector<16xf32>
        %parallel_loop3A_364 = arith.constant 1.000000e+00 : f32
        %parallel_loop3A_365 = vector.broadcast %parallel_loop3A_364 : f32 to vector<16xf32>
        %parallel_loop3A_366 = arith.cmpf ole, %parallel_loop3A_355, %parallel_loop3A_365 : vector<16xf32>
        %parallel_loop3A_367 = arith.mulf %parallel_loop3A_363, %parallel_loop3A_363 : vector<16xf32>
        %parallel_loop3A_368 = arith.constant 0.000000e+00 : f32
        %parallel_loop3A_369 = vector.broadcast %parallel_loop3A_368 : f32 to vector<16xf32>
        %parallel_loop3A_370 = arith.select %parallel_loop3A_366, %parallel_loop3A_367, %parallel_loop3A_369 : vector<16xi1>, vector<16xf32>
        %parallel_loop3A_371 = arith.constant -1.000000e+00 : f32
        %parallel_loop3A_372 = vector.broadcast %parallel_loop3A_371 : f32 to vector<16xf32>
        %parallel_loop3A_373 = arith.cmpf olt, %parallel_loop3A_354, %parallel_loop3A_372 : vector<16xf32>
        %parallel_loop3A_374 = arith.mulf %parallel_loop3A_353, %parallel_loop3A_353 : vector<16xf32>
        %parallel_loop3A_375 = arith.constant 0.000000e+00 : f32
        %parallel_loop3A_376 = vector.broadcast %parallel_loop3A_375 : f32 to vector<16xf32>
        %parallel_loop3A_377 = arith.select %parallel_loop3A_373, %parallel_loop3A_374, %parallel_loop3A_376 : vector<16xi1>, vector<16xf32>
        %parallel_loop3A_378 = arith.addf %parallel_loop3A_296, %parallel_loop3A_370 : vector<16xf32>
        %parallel_loop3A_379 = arith.addf %parallel_loop3A_297, %parallel_loop3A_377 : vector<16xf32>
        %parallel_loop3A_380 = arith.constant 32 : i32
        %parallel_loop3A_381 = arith.addi %parallel_loop3A_293, %parallel_loop3A_380 : i32
        %parallel_loop3A_382 = arith.index_cast %parallel_loop3A_381 : i32 to index
        %parallel_loop3A_383 = tpu.vector_load %arg36[%parallel_loop3A_382] {strides = array<i32>} : memref<8192xi32, #tpu.memory_space<vmem>>, vector<16xi32>,
        %parallel_loop3A_384 = tpu.vector_load_idx %arg10[%parallel_loop3A_383] : memref<8192xf32, #tpu.memory_space<vmem>>[vector<16xi32>], vector<16xf32>,
        %parallel_loop3A_385 = arith.index_cast %parallel_loop3A_381 : i32 to index
        %parallel_loop3A_386 = tpu.vector_load %arg28[%parallel_loop3A_385] {strides = array<i32>} : memref<8192xf32, #tpu.memory_space<vmem>>, vector<16xf32>,
        %parallel_loop3A_387 = arith.index_cast %parallel_loop3A_381 : i32 to index
        %parallel_loop3A_388 = tpu.vector_load %arg32[%parallel_loop3A_387] {strides = array<i32>} : memref<8192xf32, #tpu.memory_space<vmem>>, vector<16xf32>,
        %parallel_loop3A_389 = arith.subf %parallel_loop3A_386, %parallel_loop3A_384 : vector<16xf32>
        %parallel_loop3A_390 = arith.mulf %parallel_loop3A_389, %parallel_loop3A_389 : vector<16xf32>
        %parallel_loop3A_391 = arith.constant -4.500000e+00 : f32
        %parallel_loop3A_392 = vector.broadcast %parallel_loop3A_391 : f32 to vector<16xf32>
        %parallel_loop3A_393 = arith.mulf %parallel_loop3A_390, %parallel_loop3A_392 : vector<16xf32>
        %parallel_loop3A_394 = math.exp %parallel_loop3A_393 : vector<16xf32>
        %parallel_loop3A_395 = arith.constant 1.19682682 : f32
        %parallel_loop3A_396 = vector.broadcast %parallel_loop3A_395 : f32 to vector<16xf32>
        %parallel_loop3A_397 = arith.mulf %parallel_loop3A_396, %parallel_loop3A_394 : vector<16xf32>
        %parallel_loop3A_398 = arith.subf %parallel_loop3A_388, %parallel_loop3A_397 : vector<16xf32>
        %parallel_loop3A_399 = arith.constant 1.000000e+00 : f32
        %parallel_loop3A_400 = vector.broadcast %parallel_loop3A_399 : f32 to vector<16xf32>
        %parallel_loop3A_401 = arith.cmpf ole, %parallel_loop3A_390, %parallel_loop3A_400 : vector<16xf32>
        %parallel_loop3A_402 = arith.mulf %parallel_loop3A_398, %parallel_loop3A_398 : vector<16xf32>
        %parallel_loop3A_403 = arith.constant 0.000000e+00 : f32
        %parallel_loop3A_404 = vector.broadcast %parallel_loop3A_403 : f32 to vector<16xf32>
        %parallel_loop3A_405 = arith.select %parallel_loop3A_401, %parallel_loop3A_402, %parallel_loop3A_404 : vector<16xi1>, vector<16xf32>
        %parallel_loop3A_406 = arith.constant -1.000000e+00 : f32
        %parallel_loop3A_407 = vector.broadcast %parallel_loop3A_406 : f32 to vector<16xf32>
        %parallel_loop3A_408 = arith.cmpf olt, %parallel_loop3A_389, %parallel_loop3A_407 : vector<16xf32>
        %parallel_loop3A_409 = arith.mulf %parallel_loop3A_388, %parallel_loop3A_388 : vector<16xf32>
        %parallel_loop3A_410 = arith.constant 0.000000e+00 : f32
        %parallel_loop3A_411 = vector.broadcast %parallel_loop3A_410 : f32 to vector<16xf32>
        %parallel_loop3A_412 = arith.select %parallel_loop3A_408, %parallel_loop3A_409, %parallel_loop3A_411 : vector<16xi1>, vector<16xf32>
        %parallel_loop3A_413 = arith.addf %parallel_loop3A_298, %parallel_loop3A_405 : vector<16xf32>
        %parallel_loop3A_414 = arith.addf %parallel_loop3A_299, %parallel_loop3A_412 : vector<16xf32>
        %parallel_loop3A_415 = arith.constant 48 : i32
        %parallel_loop3A_416 = arith.addi %parallel_loop3A_293, %parallel_loop3A_415 : i32
        %parallel_loop3A_417 = arith.index_cast %parallel_loop3A_416 : i32 to index
        %parallel_loop3A_418 = tpu.vector_load %arg36[%parallel_loop3A_417] {strides = array<i32>} : memref<8192xi32, #tpu.memory_space<vmem>>, vector<16xi32>,
        %parallel_loop3A_419 = tpu.vector_load_idx %arg10[%parallel_loop3A_418] : memref<8192xf32, #tpu.memory_space<vmem>>[vector<16xi32>], vector<16xf32>,
        %parallel_loop3A_420 = arith.index_cast %parallel_loop3A_416 : i32 to index
        %parallel_loop3A_421 = tpu.vector_load %arg28[%parallel_loop3A_420] {strides = array<i32>} : memref<8192xf32, #tpu.memory_space<vmem>>, vector<16xf32>,
        %parallel_loop3A_422 = arith.index_cast %parallel_loop3A_416 : i32 to index
        %parallel_loop3A_423 = tpu.vector_load %arg32[%parallel_loop3A_422] {strides = array<i32>} : memref<8192xf32, #tpu.memory_space<vmem>>, vector<16xf32>,
        %parallel_loop3A_424 = arith.subf %parallel_loop3A_421, %parallel_loop3A_419 : vector<16xf32>
        %parallel_loop3A_425 = arith.mulf %parallel_loop3A_424, %parallel_loop3A_424 : vector<16xf32>
        %parallel_loop3A_426 = arith.constant -4.500000e+00 : f32
        %parallel_loop3A_427 = vector.broadcast %parallel_loop3A_426 : f32 to vector<16xf32>
        %parallel_loop3A_428 = arith.mulf %parallel_loop3A_425, %parallel_loop3A_427 : vector<16xf32>
        %parallel_loop3A_429 = math.exp %parallel_loop3A_428 : vector<16xf32>
        %parallel_loop3A_430 = arith.constant 1.19682682 : f32
        %parallel_loop3A_431 = vector.broadcast %parallel_loop3A_430 : f32 to vector<16xf32>
        %parallel_loop3A_432 = arith.mulf %parallel_loop3A_431, %parallel_loop3A_429 : vector<16xf32>
        %parallel_loop3A_433 = arith.subf %parallel_loop3A_423, %parallel_loop3A_432 : vector<16xf32>
        %parallel_loop3A_434 = arith.constant 1.000000e+00 : f32
        %parallel_loop3A_435 = vector.broadcast %parallel_loop3A_434 : f32 to vector<16xf32>
        %parallel_loop3A_436 = arith.cmpf ole, %parallel_loop3A_425, %parallel_loop3A_435 : vector<16xf32>
        %parallel_loop3A_437 = arith.mulf %parallel_loop3A_433, %parallel_loop3A_433 : vector<16xf32>
        %parallel_loop3A_438 = arith.constant 0.000000e+00 : f32
        %parallel_loop3A_439 = vector.broadcast %parallel_loop3A_438 : f32 to vector<16xf32>
        %parallel_loop3A_440 = arith.select %parallel_loop3A_436, %parallel_loop3A_437, %parallel_loop3A_439 : vector<16xi1>, vector<16xf32>
        %parallel_loop3A_441 = arith.constant -1.000000e+00 : f32
        %parallel_loop3A_442 = vector.broadcast %parallel_loop3A_441 : f32 to vector<16xf32>
        %parallel_loop3A_443 = arith.cmpf olt, %parallel_loop3A_424, %parallel_loop3A_442 : vector<16xf32>
        %parallel_loop3A_444 = arith.mulf %parallel_loop3A_423, %parallel_loop3A_423 : vector<16xf32>
        %parallel_loop3A_445 = arith.constant 0.000000e+00 : f32
        %parallel_loop3A_446 = vector.broadcast %parallel_loop3A_445 : f32 to vector<16xf32>
        %parallel_loop3A_447 = arith.select %parallel_loop3A_443, %parallel_loop3A_444, %parallel_loop3A_446 : vector<16xi1>, vector<16xf32>
        %parallel_loop3A_448 = arith.addf %parallel_loop3A_300, %parallel_loop3A_440 : vector<16xf32>
        %parallel_loop3A_449 = arith.addf %parallel_loop3A_301, %parallel_loop3A_447 : vector<16xf32>
        %parallel_loop3A_450 = arith.constant 64 : i32
        %parallel_loop3A_451 = arith.addi %parallel_loop3A_293, %parallel_loop3A_450 : i32
        %parallel_loop3A_452 = arith.index_cast %parallel_loop3A_451 : i32 to index
        %parallel_loop3A_453 = tpu.vector_load %arg36[%parallel_loop3A_452] {strides = array<i32>} : memref<8192xi32, #tpu.memory_space<vmem>>, vector<16xi32>,
        %parallel_loop3A_454 = tpu.vector_load_idx %arg10[%parallel_loop3A_453] : memref<8192xf32, #tpu.memory_space<vmem>>[vector<16xi32>], vector<16xf32>,
        %parallel_loop3A_455 = arith.index_cast %parallel_loop3A_451 : i32 to index
        %parallel_loop3A_456 = tpu.vector_load %arg28[%parallel_loop3A_455] {strides = array<i32>} : memref<8192xf32, #tpu.memory_space<vmem>>, vector<16xf32>,
        %parallel_loop3A_457 = arith.index_cast %parallel_loop3A_451 : i32 to index
        %parallel_loop3A_458 = tpu.vector_load %arg32[%parallel_loop3A_457] {strides = array<i32>} : memref<8192xf32, #tpu.memory_space<vmem>>, vector<16xf32>,
        %parallel_loop3A_459 = arith.subf %parallel_loop3A_456, %parallel_loop3A_454 : vector<16xf32>
        %parallel_loop3A_460 = arith.mulf %parallel_loop3A_459, %parallel_loop3A_459 : vector<16xf32>
        %parallel_loop3A_461 = arith.constant -4.500000e+00 : f32
        %parallel_loop3A_462 = vector.broadcast %parallel_loop3A_461 : f32 to vector<16xf32>
        %parallel_loop3A_463 = arith.mulf %parallel_loop3A_460, %parallel_loop3A_462 : vector<16xf32>
        %parallel_loop3A_464 = math.exp %parallel_loop3A_463 : vector<16xf32>
        %parallel_loop3A_465 = arith.constant 1.19682682 : f32
        %parallel_loop3A_466 = vector.broadcast %parallel_loop3A_465 : f32 to vector<16xf32>
        %parallel_loop3A_467 = arith.mulf %parallel_loop3A_466, %parallel_loop3A_464 : vector<16xf32>
        %parallel_loop3A_468 = arith.subf %parallel_loop3A_458, %parallel_loop3A_467 : vector<16xf32>
        %parallel_loop3A_469 = arith.constant 1.000000e+00 : f32
        %parallel_loop3A_470 = vector.broadcast %parallel_loop3A_469 : f32 to vector<16xf32>
        %parallel_loop3A_471 = arith.cmpf ole, %parallel_loop3A_460, %parallel_loop3A_470 : vector<16xf32>
        %parallel_loop3A_472 = arith.mulf %parallel_loop3A_468, %parallel_loop3A_468 : vector<16xf32>
        %parallel_loop3A_473 = arith.constant 0.000000e+00 : f32
        %parallel_loop3A_474 = vector.broadcast %parallel_loop3A_473 : f32 to vector<16xf32>
        %parallel_loop3A_475 = arith.select %parallel_loop3A_471, %parallel_loop3A_472, %parallel_loop3A_474 : vector<16xi1>, vector<16xf32>
        %parallel_loop3A_476 = arith.constant -1.000000e+00 : f32
        %parallel_loop3A_477 = vector.broadcast %parallel_loop3A_476 : f32 to vector<16xf32>
        %parallel_loop3A_478 = arith.cmpf olt, %parallel_loop3A_459, %parallel_loop3A_477 : vector<16xf32>
        %parallel_loop3A_479 = arith.mulf %parallel_loop3A_458, %parallel_loop3A_458 : vector<16xf32>
        %parallel_loop3A_480 = arith.constant 0.000000e+00 : f32
        %parallel_loop3A_481 = vector.broadcast %parallel_loop3A_480 : f32 to vector<16xf32>
        %parallel_loop3A_482 = arith.select %parallel_loop3A_478, %parallel_loop3A_479, %parallel_loop3A_481 : vector<16xi1>, vector<16xf32>
        %parallel_loop3A_483 = arith.addf %parallel_loop3A_302, %parallel_loop3A_475 : vector<16xf32>
        %parallel_loop3A_484 = arith.addf %parallel_loop3A_303, %parallel_loop3A_482 : vector<16xf32>
        %parallel_loop3A_485 = arith.constant 80 : i32
        %parallel_loop3A_486 = arith.addi %parallel_loop3A_293, %parallel_loop3A_485 : i32
        %parallel_loop3A_487 = arith.index_cast %parallel_loop3A_486 : i32 to index
        %parallel_loop3A_488 = tpu.vector_load %arg36[%parallel_loop3A_487] {strides = array<i32>} : memref<8192xi32, #tpu.memory_space<vmem>>, vector<16xi32>,
        %parallel_loop3A_489 = tpu.vector_load_idx %arg10[%parallel_loop3A_488] : memref<8192xf32, #tpu.memory_space<vmem>>[vector<16xi32>], vector<16xf32>,
        %parallel_loop3A_490 = arith.index_cast %parallel_loop3A_486 : i32 to index
        %parallel_loop3A_491 = tpu.vector_load %arg28[%parallel_loop3A_490] {strides = array<i32>} : memref<8192xf32, #tpu.memory_space<vmem>>, vector<16xf32>,
        %parallel_loop3A_492 = arith.index_cast %parallel_loop3A_486 : i32 to index
        %parallel_loop3A_493 = tpu.vector_load %arg32[%parallel_loop3A_492] {strides = array<i32>} : memref<8192xf32, #tpu.memory_space<vmem>>, vector<16xf32>,
        %parallel_loop3A_494 = arith.subf %parallel_loop3A_491, %parallel_loop3A_489 : vector<16xf32>
        %parallel_loop3A_495 = arith.mulf %parallel_loop3A_494, %parallel_loop3A_494 : vector<16xf32>
        %parallel_loop3A_496 = arith.constant -4.500000e+00 : f32
        %parallel_loop3A_497 = vector.broadcast %parallel_loop3A_496 : f32 to vector<16xf32>
        %parallel_loop3A_498 = arith.mulf %parallel_loop3A_495, %parallel_loop3A_497 : vector<16xf32>
        %parallel_loop3A_499 = math.exp %parallel_loop3A_498 : vector<16xf32>
        %parallel_loop3A_500 = arith.constant 1.19682682 : f32
        %parallel_loop3A_501 = vector.broadcast %parallel_loop3A_500 : f32 to vector<16xf32>
        %parallel_loop3A_502 = arith.mulf %parallel_loop3A_501, %parallel_loop3A_499 : vector<16xf32>
        %parallel_loop3A_503 = arith.subf %parallel_loop3A_493, %parallel_loop3A_502 : vector<16xf32>
        %parallel_loop3A_504 = arith.constant 1.000000e+00 : f32
        %parallel_loop3A_505 = vector.broadcast %parallel_loop3A_504 : f32 to vector<16xf32>
        %parallel_loop3A_506 = arith.cmpf ole, %parallel_loop3A_495, %parallel_loop3A_505 : vector<16xf32>
        %parallel_loop3A_507 = arith.mulf %parallel_loop3A_503, %parallel_loop3A_503 : vector<16xf32>
        %parallel_loop3A_508 = arith.constant 0.000000e+00 : f32
        %parallel_loop3A_509 = vector.broadcast %parallel_loop3A_508 : f32 to vector<16xf32>
        %parallel_loop3A_510 = arith.select %parallel_loop3A_506, %parallel_loop3A_507, %parallel_loop3A_509 : vector<16xi1>, vector<16xf32>
        %parallel_loop3A_511 = arith.constant -1.000000e+00 : f32
        %parallel_loop3A_512 = vector.broadcast %parallel_loop3A_511 : f32 to vector<16xf32>
        %parallel_loop3A_513 = arith.cmpf olt, %parallel_loop3A_494, %parallel_loop3A_512 : vector<16xf32>
        %parallel_loop3A_514 = arith.mulf %parallel_loop3A_493, %parallel_loop3A_493 : vector<16xf32>
        %parallel_loop3A_515 = arith.constant 0.000000e+00 : f32
        %parallel_loop3A_516 = vector.broadcast %parallel_loop3A_515 : f32 to vector<16xf32>
        %parallel_loop3A_517 = arith.select %parallel_loop3A_513, %parallel_loop3A_514, %parallel_loop3A_516 : vector<16xi1>, vector<16xf32>
        %parallel_loop3A_518 = arith.addf %parallel_loop3A_304, %parallel_loop3A_510 : vector<16xf32>
        %parallel_loop3A_519 = arith.addf %parallel_loop3A_305, %parallel_loop3A_517 : vector<16xf32>
        %parallel_loop3A_520 = arith.constant 96 : i32
        %parallel_loop3A_521 = arith.addi %parallel_loop3A_293, %parallel_loop3A_520 : i32
        %parallel_loop3A_522 = arith.index_cast %parallel_loop3A_521 : i32 to index
        %parallel_loop3A_523 = tpu.vector_load %arg36[%parallel_loop3A_522] {strides = array<i32>} : memref<8192xi32, #tpu.memory_space<vmem>>, vector<16xi32>,
        %parallel_loop3A_524 = tpu.vector_load_idx %arg10[%parallel_loop3A_523] : memref<8192xf32, #tpu.memory_space<vmem>>[vector<16xi32>], vector<16xf32>,
        %parallel_loop3A_525 = arith.index_cast %parallel_loop3A_521 : i32 to index
        %parallel_loop3A_526 = tpu.vector_load %arg28[%parallel_loop3A_525] {strides = array<i32>} : memref<8192xf32, #tpu.memory_space<vmem>>, vector<16xf32>,
        %parallel_loop3A_527 = arith.index_cast %parallel_loop3A_521 : i32 to index
        %parallel_loop3A_528 = tpu.vector_load %arg32[%parallel_loop3A_527] {strides = array<i32>} : memref<8192xf32, #tpu.memory_space<vmem>>, vector<16xf32>,
        %parallel_loop3A_529 = arith.subf %parallel_loop3A_526, %parallel_loop3A_524 : vector<16xf32>
        %parallel_loop3A_530 = arith.mulf %parallel_loop3A_529, %parallel_loop3A_529 : vector<16xf32>
        %parallel_loop3A_531 = arith.constant -4.500000e+00 : f32
        %parallel_loop3A_532 = vector.broadcast %parallel_loop3A_531 : f32 to vector<16xf32>
        %parallel_loop3A_533 = arith.mulf %parallel_loop3A_530, %parallel_loop3A_532 : vector<16xf32>
        %parallel_loop3A_534 = math.exp %parallel_loop3A_533 : vector<16xf32>
        %parallel_loop3A_535 = arith.constant 1.19682682 : f32
        %parallel_loop3A_536 = vector.broadcast %parallel_loop3A_535 : f32 to vector<16xf32>
        %parallel_loop3A_537 = arith.mulf %parallel_loop3A_536, %parallel_loop3A_534 : vector<16xf32>
        %parallel_loop3A_538 = arith.subf %parallel_loop3A_528, %parallel_loop3A_537 : vector<16xf32>
        %parallel_loop3A_539 = arith.constant 1.000000e+00 : f32
        %parallel_loop3A_540 = vector.broadcast %parallel_loop3A_539 : f32 to vector<16xf32>
        %parallel_loop3A_541 = arith.cmpf ole, %parallel_loop3A_530, %parallel_loop3A_540 : vector<16xf32>
        %parallel_loop3A_542 = arith.mulf %parallel_loop3A_538, %parallel_loop3A_538 : vector<16xf32>
        %parallel_loop3A_543 = arith.constant 0.000000e+00 : f32
        %parallel_loop3A_544 = vector.broadcast %parallel_loop3A_543 : f32 to vector<16xf32>
        %parallel_loop3A_545 = arith.select %parallel_loop3A_541, %parallel_loop3A_542, %parallel_loop3A_544 : vector<16xi1>, vector<16xf32>
        %parallel_loop3A_546 = arith.constant -1.000000e+00 : f32
        %parallel_loop3A_547 = vector.broadcast %parallel_loop3A_546 : f32 to vector<16xf32>
        %parallel_loop3A_548 = arith.cmpf olt, %parallel_loop3A_529, %parallel_loop3A_547 : vector<16xf32>
        %parallel_loop3A_549 = arith.mulf %parallel_loop3A_528, %parallel_loop3A_528 : vector<16xf32>
        %parallel_loop3A_550 = arith.constant 0.000000e+00 : f32
        %parallel_loop3A_551 = vector.broadcast %parallel_loop3A_550 : f32 to vector<16xf32>
        %parallel_loop3A_552 = arith.select %parallel_loop3A_548, %parallel_loop3A_549, %parallel_loop3A_551 : vector<16xi1>, vector<16xf32>
        %parallel_loop3A_553 = arith.addf %parallel_loop3A_306, %parallel_loop3A_545 : vector<16xf32>
        %parallel_loop3A_554 = arith.addf %parallel_loop3A_307, %parallel_loop3A_552 : vector<16xf32>
        %parallel_loop3A_555 = arith.constant 112 : i32
        %parallel_loop3A_556 = arith.addi %parallel_loop3A_293, %parallel_loop3A_555 : i32
        %parallel_loop3A_557 = arith.index_cast %parallel_loop3A_556 : i32 to index
        %parallel_loop3A_558 = tpu.vector_load %arg36[%parallel_loop3A_557] {strides = array<i32>} : memref<8192xi32, #tpu.memory_space<vmem>>, vector<16xi32>,
        %parallel_loop3A_559 = tpu.vector_load_idx %arg10[%parallel_loop3A_558] : memref<8192xf32, #tpu.memory_space<vmem>>[vector<16xi32>], vector<16xf32>,
        %parallel_loop3A_560 = arith.index_cast %parallel_loop3A_556 : i32 to index
        %parallel_loop3A_561 = tpu.vector_load %arg28[%parallel_loop3A_560] {strides = array<i32>} : memref<8192xf32, #tpu.memory_space<vmem>>, vector<16xf32>,
        %parallel_loop3A_562 = arith.index_cast %parallel_loop3A_556 : i32 to index
        %parallel_loop3A_563 = tpu.vector_load %arg32[%parallel_loop3A_562] {strides = array<i32>} : memref<8192xf32, #tpu.memory_space<vmem>>, vector<16xf32>,
        %parallel_loop3A_564 = arith.subf %parallel_loop3A_561, %parallel_loop3A_559 : vector<16xf32>
        %parallel_loop3A_565 = arith.mulf %parallel_loop3A_564, %parallel_loop3A_564 : vector<16xf32>
        %parallel_loop3A_566 = arith.constant -4.500000e+00 : f32
        %parallel_loop3A_567 = vector.broadcast %parallel_loop3A_566 : f32 to vector<16xf32>
        %parallel_loop3A_568 = arith.mulf %parallel_loop3A_565, %parallel_loop3A_567 : vector<16xf32>
        %parallel_loop3A_569 = math.exp %parallel_loop3A_568 : vector<16xf32>
        %parallel_loop3A_570 = arith.constant 1.19682682 : f32
        %parallel_loop3A_571 = vector.broadcast %parallel_loop3A_570 : f32 to vector<16xf32>
        %parallel_loop3A_572 = arith.mulf %parallel_loop3A_571, %parallel_loop3A_569 : vector<16xf32>
        %parallel_loop3A_573 = arith.subf %parallel_loop3A_563, %parallel_loop3A_572 : vector<16xf32>
        %parallel_loop3A_574 = arith.constant 1.000000e+00 : f32
        %parallel_loop3A_575 = vector.broadcast %parallel_loop3A_574 : f32 to vector<16xf32>
        %parallel_loop3A_576 = arith.cmpf ole, %parallel_loop3A_565, %parallel_loop3A_575 : vector<16xf32>
        %parallel_loop3A_577 = arith.mulf %parallel_loop3A_573, %parallel_loop3A_573 : vector<16xf32>
        %parallel_loop3A_578 = arith.constant 0.000000e+00 : f32
        %parallel_loop3A_579 = vector.broadcast %parallel_loop3A_578 : f32 to vector<16xf32>
        %parallel_loop3A_580 = arith.select %parallel_loop3A_576, %parallel_loop3A_577, %parallel_loop3A_579 : vector<16xi1>, vector<16xf32>
        %parallel_loop3A_581 = arith.constant -1.000000e+00 : f32
        %parallel_loop3A_582 = vector.broadcast %parallel_loop3A_581 : f32 to vector<16xf32>
        %parallel_loop3A_583 = arith.cmpf olt, %parallel_loop3A_564, %parallel_loop3A_582 : vector<16xf32>
        %parallel_loop3A_584 = arith.mulf %parallel_loop3A_563, %parallel_loop3A_563 : vector<16xf32>
        %parallel_loop3A_585 = arith.constant 0.000000e+00 : f32
        %parallel_loop3A_586 = vector.broadcast %parallel_loop3A_585 : f32 to vector<16xf32>
        %parallel_loop3A_587 = arith.select %parallel_loop3A_583, %parallel_loop3A_584, %parallel_loop3A_586 : vector<16xi1>, vector<16xf32>
        %parallel_loop3A_588 = arith.addf %parallel_loop3A_308, %parallel_loop3A_580 : vector<16xf32>
        %parallel_loop3A_589 = arith.addf %parallel_loop3A_309, %parallel_loop3A_587 : vector<16xf32>
        scf.yield %parallel_loop3A_343, %parallel_loop3A_344, %parallel_loop3A_378, %parallel_loop3A_379, %parallel_loop3A_413, %parallel_loop3A_414, %parallel_loop3A_448, %parallel_loop3A_449, %parallel_loop3A_483, %parallel_loop3A_484, %parallel_loop3A_518, %parallel_loop3A_519, %parallel_loop3A_553, %parallel_loop3A_554, %parallel_loop3A_588, %parallel_loop3A_589 : vector<16xf32>, vector<16xf32>, vector<16xf32>, vector<16xf32>, vector<16xf32>, vector<16xf32>, vector<16xf32>, vector<16xf32>, vector<16xf32>, vector<16xf32>, vector<16xf32>, vector<16xf32>, vector<16xf32>, vector<16xf32>, vector<16xf32>, vector<16xf32>
      } {sc.loop_unroll_factor = 1 : i64, sc.parallel_access}
      %add3A_259 = arith.constant 4 : i32
      %add3A_260 = arith.addi %add3A_242, %add3A_259 : i32
      %lt3A_261 = arith.constant 16 : i32
      %lt3A_262 = arith.cmpi slt, %add3A_260, %lt3A_261 : i32
      %convert_element_type3A_263 = arith.extui %lt3A_262 : i1 to i32
      %cond3A_264 = arith.constant 0 : i32
      %cond3A_265 = arith.cmpi ne, %convert_element_type3A_263, %cond3A_264 : i32
      scf.if %cond3A_265 {
        %add3A_293 = arith.constant 4 : i32
        %add3A_294 = arith.addi %add3A_242, %add3A_293 : i32
        %mul3A_295 = arith.constant 8192 : i32
        %mul3A_296 = arith.muli %add3A_294, %mul3A_295 : i32
        %add3A_297 = arith.addi %mul3A_2, %mul3A_296 : i32
        %dma_start3A_298 = tpu.memref_slice %arg2[%add3A_297] : memref<4194304xf32, #tpu.memory_space<hbm>> -> memref<8192xf32, #tpu.memory_space<hbm>>
        %dma_start3A_299 = tpu.memref_slice %arg2[%add3A_297] : memref<4194304xf32, #tpu.memory_space<hbm>> -> memref<8192xf32, #tpu.memory_space<hbm>>
        tpu.enqueue_dma source(%dma_start3A_299 : memref<8192xf32, #tpu.memory_space<hbm>>) target(%arg28 : memref<8192xf32, #tpu.memory_space<vmem>>) target_semaphore(%arg40 : memref<!tpu.dma_semaphore, #tpu.memory_space<semaphore_mem>>)
        %dma_start3A_300 = tpu.memref_slice %arg3[%add3A_297] : memref<4194304xf32, #tpu.memory_space<hbm>> -> memref<8192xf32, #tpu.memory_space<hbm>>
        %dma_start3A_301 = tpu.memref_slice %arg3[%add3A_297] : memref<4194304xf32, #tpu.memory_space<hbm>> -> memref<8192xf32, #tpu.memory_space<hbm>>
        tpu.enqueue_dma source(%dma_start3A_301 : memref<8192xf32, #tpu.memory_space<hbm>>) target(%arg32 : memref<8192xf32, #tpu.memory_space<vmem>>) target_semaphore(%arg40 : memref<!tpu.dma_semaphore, #tpu.memory_space<semaphore_mem>>)
        %dma_start3A_302 = tpu.memref_slice %arg6[%add3A_297] : memref<4194304xi32, #tpu.memory_space<hbm>> -> memref<8192xi32, #tpu.memory_space<hbm>>
        %dma_start3A_303 = tpu.memref_slice %arg6[%add3A_297] : memref<4194304xi32, #tpu.memory_space<hbm>> -> memref<8192xi32, #tpu.memory_space<hbm>>
        tpu.enqueue_dma source(%dma_start3A_303 : memref<8192xi32, #tpu.memory_space<hbm>>) target(%arg36 : memref<8192xi32, #tpu.memory_space<vmem>>) target_semaphore(%arg40 : memref<!tpu.dma_semaphore, #tpu.memory_space<semaphore_mem>>)
      } else {
      }
      %mul3A_266 = arith.constant 4 : i32
      %mul3A_267 = arith.muli %scan3A_171, %mul3A_266 : i32
      %add3A_268 = arith.constant 3 : i32
      %add3A_269 = arith.addi %mul3A_267, %add3A_268 : i32
      %dma_wait3A_270 = arith.constant 0 : i32
      %dma_wait3A_271 = tpu.memref_slice %arg2[%dma_wait3A_270] : memref<4194304xf32, #tpu.memory_space<hbm>> -> memref<8192xf32, #tpu.memory_space<hbm>>
      %dma_wait3A_272 = arith.constant 0 : i32
      %dma_wait3A_273 = tpu.memref_slice %arg2[%dma_wait3A_272] : memref<4194304xf32, #tpu.memory_space<hbm>> -> memref<8192xf32, #tpu.memory_space<hbm>>
      tpu.wait_dma2 semaphore(%arg41 : memref<!tpu.dma_semaphore, #tpu.memory_space<semaphore_mem>>) src(%dma_wait3A_273 : memref<8192xf32, #tpu.memory_space<hbm>>) dst(%arg29 : memref<8192xf32, #tpu.memory_space<vmem>>)
      %dma_wait3A_274 = arith.constant 0 : i32
      %dma_wait3A_275 = tpu.memref_slice %arg3[%dma_wait3A_274] : memref<4194304xf32, #tpu.memory_space<hbm>> -> memref<8192xf32, #tpu.memory_space<hbm>>
      %dma_wait3A_276 = arith.constant 0 : i32
      %dma_wait3A_277 = tpu.memref_slice %arg3[%dma_wait3A_276] : memref<4194304xf32, #tpu.memory_space<hbm>> -> memref<8192xf32, #tpu.memory_space<hbm>>
      tpu.wait_dma2 semaphore(%arg41 : memref<!tpu.dma_semaphore, #tpu.memory_space<semaphore_mem>>) src(%dma_wait3A_277 : memref<8192xf32, #tpu.memory_space<hbm>>) dst(%arg33 : memref<8192xf32, #tpu.memory_space<vmem>>)
      %dma_wait3A_278 = arith.constant 0 : i32
      %dma_wait3A_279 = tpu.memref_slice %arg6[%dma_wait3A_278] : memref<4194304xi32, #tpu.memory_space<hbm>> -> memref<8192xi32, #tpu.memory_space<hbm>>
      %dma_wait3A_280 = arith.constant 0 : i32
      %dma_wait3A_281 = tpu.memref_slice %arg6[%dma_wait3A_280] : memref<4194304xi32, #tpu.memory_space<hbm>> -> memref<8192xi32, #tpu.memory_space<hbm>>
      tpu.wait_dma2 semaphore(%arg41 : memref<!tpu.dma_semaphore, #tpu.memory_space<semaphore_mem>>) src(%dma_wait3A_281 : memref<8192xi32, #tpu.memory_space<hbm>>) dst(%arg37 : memref<8192xi32, #tpu.memory_space<vmem>>)
      %parallel_loop3A_282 = arith.constant 0 : i32
      %parallel_loop3A_283 = arith.constant 8192 : i32
      %parallel_loop3A_284 = arith.constant 128 : i32
      %parallel_loop3A_285:16 = scf.for %parallel_loop3A_293 = %parallel_loop3A_282 to %parallel_loop3A_283 step %parallel_loop3A_284 iter_args(%parallel_loop3A_294 = %parallel_loop3A_258#0, %parallel_loop3A_295 = %parallel_loop3A_258#1, %parallel_loop3A_296 = %parallel_loop3A_258#2, %parallel_loop3A_297 = %parallel_loop3A_258#3, %parallel_loop3A_298 = %parallel_loop3A_258#4, %parallel_loop3A_299 = %parallel_loop3A_258#5, %parallel_loop3A_300 = %parallel_loop3A_258#6, %parallel_loop3A_301 = %parallel_loop3A_258#7, %parallel_loop3A_302 = %parallel_loop3A_258#8, %parallel_loop3A_303 = %parallel_loop3A_258#9, %parallel_loop3A_304 = %parallel_loop3A_258#10, %parallel_loop3A_305 = %parallel_loop3A_258#11, %parallel_loop3A_306 = %parallel_loop3A_258#12, %parallel_loop3A_307 = %parallel_loop3A_258#13, %parallel_loop3A_308 = %parallel_loop3A_258#14, %parallel_loop3A_309 = %parallel_loop3A_258#15) -> (vector<16xf32>, vector<16xf32>, vector<16xf32>, vector<16xf32>, vector<16xf32>, vector<16xf32>, vector<16xf32>, vector<16xf32>, vector<16xf32>, vector<16xf32>, vector<16xf32>, vector<16xf32>, vector<16xf32>, vector<16xf32>, vector<16xf32>, vector<16xf32>)  : i32 {
        %parallel_loop3A_310 = arith.constant 0 : i32
        %parallel_loop3A_311 = arith.addi %parallel_loop3A_293, %parallel_loop3A_310 : i32
        %parallel_loop3A_312 = arith.index_cast %parallel_loop3A_311 : i32 to index
        %parallel_loop3A_313 = tpu.vector_load %arg37[%parallel_loop3A_312] {strides = array<i32>} : memref<8192xi32, #tpu.memory_space<vmem>>, vector<16xi32>,
        %parallel_loop3A_314 = tpu.vector_load_idx %arg10[%parallel_loop3A_313] : memref<8192xf32, #tpu.memory_space<vmem>>[vector<16xi32>], vector<16xf32>,
        %parallel_loop3A_315 = arith.index_cast %parallel_loop3A_311 : i32 to index
        %parallel_loop3A_316 = tpu.vector_load %arg29[%parallel_loop3A_315] {strides = array<i32>} : memref<8192xf32, #tpu.memory_space<vmem>>, vector<16xf32>,
        %parallel_loop3A_317 = arith.index_cast %parallel_loop3A_311 : i32 to index
        %parallel_loop3A_318 = tpu.vector_load %arg33[%parallel_loop3A_317] {strides = array<i32>} : memref<8192xf32, #tpu.memory_space<vmem>>, vector<16xf32>,
        %parallel_loop3A_319 = arith.subf %parallel_loop3A_316, %parallel_loop3A_314 : vector<16xf32>
        %parallel_loop3A_320 = arith.mulf %parallel_loop3A_319, %parallel_loop3A_319 : vector<16xf32>
        %parallel_loop3A_321 = arith.constant -4.500000e+00 : f32
        %parallel_loop3A_322 = vector.broadcast %parallel_loop3A_321 : f32 to vector<16xf32>
        %parallel_loop3A_323 = arith.mulf %parallel_loop3A_320, %parallel_loop3A_322 : vector<16xf32>
        %parallel_loop3A_324 = math.exp %parallel_loop3A_323 : vector<16xf32>
        %parallel_loop3A_325 = arith.constant 1.19682682 : f32
        %parallel_loop3A_326 = vector.broadcast %parallel_loop3A_325 : f32 to vector<16xf32>
        %parallel_loop3A_327 = arith.mulf %parallel_loop3A_326, %parallel_loop3A_324 : vector<16xf32>
        %parallel_loop3A_328 = arith.subf %parallel_loop3A_318, %parallel_loop3A_327 : vector<16xf32>
        %parallel_loop3A_329 = arith.constant 1.000000e+00 : f32
        %parallel_loop3A_330 = vector.broadcast %parallel_loop3A_329 : f32 to vector<16xf32>
        %parallel_loop3A_331 = arith.cmpf ole, %parallel_loop3A_320, %parallel_loop3A_330 : vector<16xf32>
        %parallel_loop3A_332 = arith.mulf %parallel_loop3A_328, %parallel_loop3A_328 : vector<16xf32>
        %parallel_loop3A_333 = arith.constant 0.000000e+00 : f32
        %parallel_loop3A_334 = vector.broadcast %parallel_loop3A_333 : f32 to vector<16xf32>
        %parallel_loop3A_335 = arith.select %parallel_loop3A_331, %parallel_loop3A_332, %parallel_loop3A_334 : vector<16xi1>, vector<16xf32>
        %parallel_loop3A_336 = arith.constant -1.000000e+00 : f32
        %parallel_loop3A_337 = vector.broadcast %parallel_loop3A_336 : f32 to vector<16xf32>
        %parallel_loop3A_338 = arith.cmpf olt, %parallel_loop3A_319, %parallel_loop3A_337 : vector<16xf32>
        %parallel_loop3A_339 = arith.mulf %parallel_loop3A_318, %parallel_loop3A_318 : vector<16xf32>
        %parallel_loop3A_340 = arith.constant 0.000000e+00 : f32
        %parallel_loop3A_341 = vector.broadcast %parallel_loop3A_340 : f32 to vector<16xf32>
        %parallel_loop3A_342 = arith.select %parallel_loop3A_338, %parallel_loop3A_339, %parallel_loop3A_341 : vector<16xi1>, vector<16xf32>
        %parallel_loop3A_343 = arith.addf %parallel_loop3A_294, %parallel_loop3A_335 : vector<16xf32>
        %parallel_loop3A_344 = arith.addf %parallel_loop3A_295, %parallel_loop3A_342 : vector<16xf32>
        %parallel_loop3A_345 = arith.constant 16 : i32
        %parallel_loop3A_346 = arith.addi %parallel_loop3A_293, %parallel_loop3A_345 : i32
        %parallel_loop3A_347 = arith.index_cast %parallel_loop3A_346 : i32 to index
        %parallel_loop3A_348 = tpu.vector_load %arg37[%parallel_loop3A_347] {strides = array<i32>} : memref<8192xi32, #tpu.memory_space<vmem>>, vector<16xi32>,
        %parallel_loop3A_349 = tpu.vector_load_idx %arg10[%parallel_loop3A_348] : memref<8192xf32, #tpu.memory_space<vmem>>[vector<16xi32>], vector<16xf32>,
        %parallel_loop3A_350 = arith.index_cast %parallel_loop3A_346 : i32 to index
        %parallel_loop3A_351 = tpu.vector_load %arg29[%parallel_loop3A_350] {strides = array<i32>} : memref<8192xf32, #tpu.memory_space<vmem>>, vector<16xf32>,
        %parallel_loop3A_352 = arith.index_cast %parallel_loop3A_346 : i32 to index
        %parallel_loop3A_353 = tpu.vector_load %arg33[%parallel_loop3A_352] {strides = array<i32>} : memref<8192xf32, #tpu.memory_space<vmem>>, vector<16xf32>,
        %parallel_loop3A_354 = arith.subf %parallel_loop3A_351, %parallel_loop3A_349 : vector<16xf32>
        %parallel_loop3A_355 = arith.mulf %parallel_loop3A_354, %parallel_loop3A_354 : vector<16xf32>
        %parallel_loop3A_356 = arith.constant -4.500000e+00 : f32
        %parallel_loop3A_357 = vector.broadcast %parallel_loop3A_356 : f32 to vector<16xf32>
        %parallel_loop3A_358 = arith.mulf %parallel_loop3A_355, %parallel_loop3A_357 : vector<16xf32>
        %parallel_loop3A_359 = math.exp %parallel_loop3A_358 : vector<16xf32>
        %parallel_loop3A_360 = arith.constant 1.19682682 : f32
        %parallel_loop3A_361 = vector.broadcast %parallel_loop3A_360 : f32 to vector<16xf32>
        %parallel_loop3A_362 = arith.mulf %parallel_loop3A_361, %parallel_loop3A_359 : vector<16xf32>
        %parallel_loop3A_363 = arith.subf %parallel_loop3A_353, %parallel_loop3A_362 : vector<16xf32>
        %parallel_loop3A_364 = arith.constant 1.000000e+00 : f32
        %parallel_loop3A_365 = vector.broadcast %parallel_loop3A_364 : f32 to vector<16xf32>
        %parallel_loop3A_366 = arith.cmpf ole, %parallel_loop3A_355, %parallel_loop3A_365 : vector<16xf32>
        %parallel_loop3A_367 = arith.mulf %parallel_loop3A_363, %parallel_loop3A_363 : vector<16xf32>
        %parallel_loop3A_368 = arith.constant 0.000000e+00 : f32
        %parallel_loop3A_369 = vector.broadcast %parallel_loop3A_368 : f32 to vector<16xf32>
        %parallel_loop3A_370 = arith.select %parallel_loop3A_366, %parallel_loop3A_367, %parallel_loop3A_369 : vector<16xi1>, vector<16xf32>
        %parallel_loop3A_371 = arith.constant -1.000000e+00 : f32
        %parallel_loop3A_372 = vector.broadcast %parallel_loop3A_371 : f32 to vector<16xf32>
        %parallel_loop3A_373 = arith.cmpf olt, %parallel_loop3A_354, %parallel_loop3A_372 : vector<16xf32>
        %parallel_loop3A_374 = arith.mulf %parallel_loop3A_353, %parallel_loop3A_353 : vector<16xf32>
        %parallel_loop3A_375 = arith.constant 0.000000e+00 : f32
        %parallel_loop3A_376 = vector.broadcast %parallel_loop3A_375 : f32 to vector<16xf32>
        %parallel_loop3A_377 = arith.select %parallel_loop3A_373, %parallel_loop3A_374, %parallel_loop3A_376 : vector<16xi1>, vector<16xf32>
        %parallel_loop3A_378 = arith.addf %parallel_loop3A_296, %parallel_loop3A_370 : vector<16xf32>
        %parallel_loop3A_379 = arith.addf %parallel_loop3A_297, %parallel_loop3A_377 : vector<16xf32>
        %parallel_loop3A_380 = arith.constant 32 : i32
        %parallel_loop3A_381 = arith.addi %parallel_loop3A_293, %parallel_loop3A_380 : i32
        %parallel_loop3A_382 = arith.index_cast %parallel_loop3A_381 : i32 to index
        %parallel_loop3A_383 = tpu.vector_load %arg37[%parallel_loop3A_382] {strides = array<i32>} : memref<8192xi32, #tpu.memory_space<vmem>>, vector<16xi32>,
        %parallel_loop3A_384 = tpu.vector_load_idx %arg10[%parallel_loop3A_383] : memref<8192xf32, #tpu.memory_space<vmem>>[vector<16xi32>], vector<16xf32>,
        %parallel_loop3A_385 = arith.index_cast %parallel_loop3A_381 : i32 to index
        %parallel_loop3A_386 = tpu.vector_load %arg29[%parallel_loop3A_385] {strides = array<i32>} : memref<8192xf32, #tpu.memory_space<vmem>>, vector<16xf32>,
        %parallel_loop3A_387 = arith.index_cast %parallel_loop3A_381 : i32 to index
        %parallel_loop3A_388 = tpu.vector_load %arg33[%parallel_loop3A_387] {strides = array<i32>} : memref<8192xf32, #tpu.memory_space<vmem>>, vector<16xf32>,
        %parallel_loop3A_389 = arith.subf %parallel_loop3A_386, %parallel_loop3A_384 : vector<16xf32>
        %parallel_loop3A_390 = arith.mulf %parallel_loop3A_389, %parallel_loop3A_389 : vector<16xf32>
        %parallel_loop3A_391 = arith.constant -4.500000e+00 : f32
        %parallel_loop3A_392 = vector.broadcast %parallel_loop3A_391 : f32 to vector<16xf32>
        %parallel_loop3A_393 = arith.mulf %parallel_loop3A_390, %parallel_loop3A_392 : vector<16xf32>
        %parallel_loop3A_394 = math.exp %parallel_loop3A_393 : vector<16xf32>
        %parallel_loop3A_395 = arith.constant 1.19682682 : f32
        %parallel_loop3A_396 = vector.broadcast %parallel_loop3A_395 : f32 to vector<16xf32>
        %parallel_loop3A_397 = arith.mulf %parallel_loop3A_396, %parallel_loop3A_394 : vector<16xf32>
        %parallel_loop3A_398 = arith.subf %parallel_loop3A_388, %parallel_loop3A_397 : vector<16xf32>
        %parallel_loop3A_399 = arith.constant 1.000000e+00 : f32
        %parallel_loop3A_400 = vector.broadcast %parallel_loop3A_399 : f32 to vector<16xf32>
        %parallel_loop3A_401 = arith.cmpf ole, %parallel_loop3A_390, %parallel_loop3A_400 : vector<16xf32>
        %parallel_loop3A_402 = arith.mulf %parallel_loop3A_398, %parallel_loop3A_398 : vector<16xf32>
        %parallel_loop3A_403 = arith.constant 0.000000e+00 : f32
        %parallel_loop3A_404 = vector.broadcast %parallel_loop3A_403 : f32 to vector<16xf32>
        %parallel_loop3A_405 = arith.select %parallel_loop3A_401, %parallel_loop3A_402, %parallel_loop3A_404 : vector<16xi1>, vector<16xf32>
        %parallel_loop3A_406 = arith.constant -1.000000e+00 : f32
        %parallel_loop3A_407 = vector.broadcast %parallel_loop3A_406 : f32 to vector<16xf32>
        %parallel_loop3A_408 = arith.cmpf olt, %parallel_loop3A_389, %parallel_loop3A_407 : vector<16xf32>
        %parallel_loop3A_409 = arith.mulf %parallel_loop3A_388, %parallel_loop3A_388 : vector<16xf32>
        %parallel_loop3A_410 = arith.constant 0.000000e+00 : f32
        %parallel_loop3A_411 = vector.broadcast %parallel_loop3A_410 : f32 to vector<16xf32>
        %parallel_loop3A_412 = arith.select %parallel_loop3A_408, %parallel_loop3A_409, %parallel_loop3A_411 : vector<16xi1>, vector<16xf32>
        %parallel_loop3A_413 = arith.addf %parallel_loop3A_298, %parallel_loop3A_405 : vector<16xf32>
        %parallel_loop3A_414 = arith.addf %parallel_loop3A_299, %parallel_loop3A_412 : vector<16xf32>
        %parallel_loop3A_415 = arith.constant 48 : i32
        %parallel_loop3A_416 = arith.addi %parallel_loop3A_293, %parallel_loop3A_415 : i32
        %parallel_loop3A_417 = arith.index_cast %parallel_loop3A_416 : i32 to index
        %parallel_loop3A_418 = tpu.vector_load %arg37[%parallel_loop3A_417] {strides = array<i32>} : memref<8192xi32, #tpu.memory_space<vmem>>, vector<16xi32>,
        %parallel_loop3A_419 = tpu.vector_load_idx %arg10[%parallel_loop3A_418] : memref<8192xf32, #tpu.memory_space<vmem>>[vector<16xi32>], vector<16xf32>,
        %parallel_loop3A_420 = arith.index_cast %parallel_loop3A_416 : i32 to index
        %parallel_loop3A_421 = tpu.vector_load %arg29[%parallel_loop3A_420] {strides = array<i32>} : memref<8192xf32, #tpu.memory_space<vmem>>, vector<16xf32>,
        %parallel_loop3A_422 = arith.index_cast %parallel_loop3A_416 : i32 to index
        %parallel_loop3A_423 = tpu.vector_load %arg33[%parallel_loop3A_422] {strides = array<i32>} : memref<8192xf32, #tpu.memory_space<vmem>>, vector<16xf32>,
        %parallel_loop3A_424 = arith.subf %parallel_loop3A_421, %parallel_loop3A_419 : vector<16xf32>
        %parallel_loop3A_425 = arith.mulf %parallel_loop3A_424, %parallel_loop3A_424 : vector<16xf32>
        %parallel_loop3A_426 = arith.constant -4.500000e+00 : f32
        %parallel_loop3A_427 = vector.broadcast %parallel_loop3A_426 : f32 to vector<16xf32>
        %parallel_loop3A_428 = arith.mulf %parallel_loop3A_425, %parallel_loop3A_427 : vector<16xf32>
        %parallel_loop3A_429 = math.exp %parallel_loop3A_428 : vector<16xf32>
        %parallel_loop3A_430 = arith.constant 1.19682682 : f32
        %parallel_loop3A_431 = vector.broadcast %parallel_loop3A_430 : f32 to vector<16xf32>
        %parallel_loop3A_432 = arith.mulf %parallel_loop3A_431, %parallel_loop3A_429 : vector<16xf32>
        %parallel_loop3A_433 = arith.subf %parallel_loop3A_423, %parallel_loop3A_432 : vector<16xf32>
        %parallel_loop3A_434 = arith.constant 1.000000e+00 : f32
        %parallel_loop3A_435 = vector.broadcast %parallel_loop3A_434 : f32 to vector<16xf32>
        %parallel_loop3A_436 = arith.cmpf ole, %parallel_loop3A_425, %parallel_loop3A_435 : vector<16xf32>
        %parallel_loop3A_437 = arith.mulf %parallel_loop3A_433, %parallel_loop3A_433 : vector<16xf32>
        %parallel_loop3A_438 = arith.constant 0.000000e+00 : f32
        %parallel_loop3A_439 = vector.broadcast %parallel_loop3A_438 : f32 to vector<16xf32>
        %parallel_loop3A_440 = arith.select %parallel_loop3A_436, %parallel_loop3A_437, %parallel_loop3A_439 : vector<16xi1>, vector<16xf32>
        %parallel_loop3A_441 = arith.constant -1.000000e+00 : f32
        %parallel_loop3A_442 = vector.broadcast %parallel_loop3A_441 : f32 to vector<16xf32>
        %parallel_loop3A_443 = arith.cmpf olt, %parallel_loop3A_424, %parallel_loop3A_442 : vector<16xf32>
        %parallel_loop3A_444 = arith.mulf %parallel_loop3A_423, %parallel_loop3A_423 : vector<16xf32>
        %parallel_loop3A_445 = arith.constant 0.000000e+00 : f32
        %parallel_loop3A_446 = vector.broadcast %parallel_loop3A_445 : f32 to vector<16xf32>
        %parallel_loop3A_447 = arith.select %parallel_loop3A_443, %parallel_loop3A_444, %parallel_loop3A_446 : vector<16xi1>, vector<16xf32>
        %parallel_loop3A_448 = arith.addf %parallel_loop3A_300, %parallel_loop3A_440 : vector<16xf32>
        %parallel_loop3A_449 = arith.addf %parallel_loop3A_301, %parallel_loop3A_447 : vector<16xf32>
        %parallel_loop3A_450 = arith.constant 64 : i32
        %parallel_loop3A_451 = arith.addi %parallel_loop3A_293, %parallel_loop3A_450 : i32
        %parallel_loop3A_452 = arith.index_cast %parallel_loop3A_451 : i32 to index
        %parallel_loop3A_453 = tpu.vector_load %arg37[%parallel_loop3A_452] {strides = array<i32>} : memref<8192xi32, #tpu.memory_space<vmem>>, vector<16xi32>,
        %parallel_loop3A_454 = tpu.vector_load_idx %arg10[%parallel_loop3A_453] : memref<8192xf32, #tpu.memory_space<vmem>>[vector<16xi32>], vector<16xf32>,
        %parallel_loop3A_455 = arith.index_cast %parallel_loop3A_451 : i32 to index
        %parallel_loop3A_456 = tpu.vector_load %arg29[%parallel_loop3A_455] {strides = array<i32>} : memref<8192xf32, #tpu.memory_space<vmem>>, vector<16xf32>,
        %parallel_loop3A_457 = arith.index_cast %parallel_loop3A_451 : i32 to index
        %parallel_loop3A_458 = tpu.vector_load %arg33[%parallel_loop3A_457] {strides = array<i32>} : memref<8192xf32, #tpu.memory_space<vmem>>, vector<16xf32>,
        %parallel_loop3A_459 = arith.subf %parallel_loop3A_456, %parallel_loop3A_454 : vector<16xf32>
        %parallel_loop3A_460 = arith.mulf %parallel_loop3A_459, %parallel_loop3A_459 : vector<16xf32>
        %parallel_loop3A_461 = arith.constant -4.500000e+00 : f32
        %parallel_loop3A_462 = vector.broadcast %parallel_loop3A_461 : f32 to vector<16xf32>
        %parallel_loop3A_463 = arith.mulf %parallel_loop3A_460, %parallel_loop3A_462 : vector<16xf32>
        %parallel_loop3A_464 = math.exp %parallel_loop3A_463 : vector<16xf32>
        %parallel_loop3A_465 = arith.constant 1.19682682 : f32
        %parallel_loop3A_466 = vector.broadcast %parallel_loop3A_465 : f32 to vector<16xf32>
        %parallel_loop3A_467 = arith.mulf %parallel_loop3A_466, %parallel_loop3A_464 : vector<16xf32>
        %parallel_loop3A_468 = arith.subf %parallel_loop3A_458, %parallel_loop3A_467 : vector<16xf32>
        %parallel_loop3A_469 = arith.constant 1.000000e+00 : f32
        %parallel_loop3A_470 = vector.broadcast %parallel_loop3A_469 : f32 to vector<16xf32>
        %parallel_loop3A_471 = arith.cmpf ole, %parallel_loop3A_460, %parallel_loop3A_470 : vector<16xf32>
        %parallel_loop3A_472 = arith.mulf %parallel_loop3A_468, %parallel_loop3A_468 : vector<16xf32>
        %parallel_loop3A_473 = arith.constant 0.000000e+00 : f32
        %parallel_loop3A_474 = vector.broadcast %parallel_loop3A_473 : f32 to vector<16xf32>
        %parallel_loop3A_475 = arith.select %parallel_loop3A_471, %parallel_loop3A_472, %parallel_loop3A_474 : vector<16xi1>, vector<16xf32>
        %parallel_loop3A_476 = arith.constant -1.000000e+00 : f32
        %parallel_loop3A_477 = vector.broadcast %parallel_loop3A_476 : f32 to vector<16xf32>
        %parallel_loop3A_478 = arith.cmpf olt, %parallel_loop3A_459, %parallel_loop3A_477 : vector<16xf32>
        %parallel_loop3A_479 = arith.mulf %parallel_loop3A_458, %parallel_loop3A_458 : vector<16xf32>
        %parallel_loop3A_480 = arith.constant 0.000000e+00 : f32
        %parallel_loop3A_481 = vector.broadcast %parallel_loop3A_480 : f32 to vector<16xf32>
        %parallel_loop3A_482 = arith.select %parallel_loop3A_478, %parallel_loop3A_479, %parallel_loop3A_481 : vector<16xi1>, vector<16xf32>
        %parallel_loop3A_483 = arith.addf %parallel_loop3A_302, %parallel_loop3A_475 : vector<16xf32>
        %parallel_loop3A_484 = arith.addf %parallel_loop3A_303, %parallel_loop3A_482 : vector<16xf32>
        %parallel_loop3A_485 = arith.constant 80 : i32
        %parallel_loop3A_486 = arith.addi %parallel_loop3A_293, %parallel_loop3A_485 : i32
        %parallel_loop3A_487 = arith.index_cast %parallel_loop3A_486 : i32 to index
        %parallel_loop3A_488 = tpu.vector_load %arg37[%parallel_loop3A_487] {strides = array<i32>} : memref<8192xi32, #tpu.memory_space<vmem>>, vector<16xi32>,
        %parallel_loop3A_489 = tpu.vector_load_idx %arg10[%parallel_loop3A_488] : memref<8192xf32, #tpu.memory_space<vmem>>[vector<16xi32>], vector<16xf32>,
        %parallel_loop3A_490 = arith.index_cast %parallel_loop3A_486 : i32 to index
        %parallel_loop3A_491 = tpu.vector_load %arg29[%parallel_loop3A_490] {strides = array<i32>} : memref<8192xf32, #tpu.memory_space<vmem>>, vector<16xf32>,
        %parallel_loop3A_492 = arith.index_cast %parallel_loop3A_486 : i32 to index
        %parallel_loop3A_493 = tpu.vector_load %arg33[%parallel_loop3A_492] {strides = array<i32>} : memref<8192xf32, #tpu.memory_space<vmem>>, vector<16xf32>,
        %parallel_loop3A_494 = arith.subf %parallel_loop3A_491, %parallel_loop3A_489 : vector<16xf32>
        %parallel_loop3A_495 = arith.mulf %parallel_loop3A_494, %parallel_loop3A_494 : vector<16xf32>
        %parallel_loop3A_496 = arith.constant -4.500000e+00 : f32
        %parallel_loop3A_497 = vector.broadcast %parallel_loop3A_496 : f32 to vector<16xf32>
        %parallel_loop3A_498 = arith.mulf %parallel_loop3A_495, %parallel_loop3A_497 : vector<16xf32>
        %parallel_loop3A_499 = math.exp %parallel_loop3A_498 : vector<16xf32>
        %parallel_loop3A_500 = arith.constant 1.19682682 : f32
        %parallel_loop3A_501 = vector.broadcast %parallel_loop3A_500 : f32 to vector<16xf32>
        %parallel_loop3A_502 = arith.mulf %parallel_loop3A_501, %parallel_loop3A_499 : vector<16xf32>
        %parallel_loop3A_503 = arith.subf %parallel_loop3A_493, %parallel_loop3A_502 : vector<16xf32>
        %parallel_loop3A_504 = arith.constant 1.000000e+00 : f32
        %parallel_loop3A_505 = vector.broadcast %parallel_loop3A_504 : f32 to vector<16xf32>
        %parallel_loop3A_506 = arith.cmpf ole, %parallel_loop3A_495, %parallel_loop3A_505 : vector<16xf32>
        %parallel_loop3A_507 = arith.mulf %parallel_loop3A_503, %parallel_loop3A_503 : vector<16xf32>
        %parallel_loop3A_508 = arith.constant 0.000000e+00 : f32
        %parallel_loop3A_509 = vector.broadcast %parallel_loop3A_508 : f32 to vector<16xf32>
        %parallel_loop3A_510 = arith.select %parallel_loop3A_506, %parallel_loop3A_507, %parallel_loop3A_509 : vector<16xi1>, vector<16xf32>
        %parallel_loop3A_511 = arith.constant -1.000000e+00 : f32
        %parallel_loop3A_512 = vector.broadcast %parallel_loop3A_511 : f32 to vector<16xf32>
        %parallel_loop3A_513 = arith.cmpf olt, %parallel_loop3A_494, %parallel_loop3A_512 : vector<16xf32>
        %parallel_loop3A_514 = arith.mulf %parallel_loop3A_493, %parallel_loop3A_493 : vector<16xf32>
        %parallel_loop3A_515 = arith.constant 0.000000e+00 : f32
        %parallel_loop3A_516 = vector.broadcast %parallel_loop3A_515 : f32 to vector<16xf32>
        %parallel_loop3A_517 = arith.select %parallel_loop3A_513, %parallel_loop3A_514, %parallel_loop3A_516 : vector<16xi1>, vector<16xf32>
        %parallel_loop3A_518 = arith.addf %parallel_loop3A_304, %parallel_loop3A_510 : vector<16xf32>
        %parallel_loop3A_519 = arith.addf %parallel_loop3A_305, %parallel_loop3A_517 : vector<16xf32>
        %parallel_loop3A_520 = arith.constant 96 : i32
        %parallel_loop3A_521 = arith.addi %parallel_loop3A_293, %parallel_loop3A_520 : i32
        %parallel_loop3A_522 = arith.index_cast %parallel_loop3A_521 : i32 to index
        %parallel_loop3A_523 = tpu.vector_load %arg37[%parallel_loop3A_522] {strides = array<i32>} : memref<8192xi32, #tpu.memory_space<vmem>>, vector<16xi32>,
        %parallel_loop3A_524 = tpu.vector_load_idx %arg10[%parallel_loop3A_523] : memref<8192xf32, #tpu.memory_space<vmem>>[vector<16xi32>], vector<16xf32>,
        %parallel_loop3A_525 = arith.index_cast %parallel_loop3A_521 : i32 to index
        %parallel_loop3A_526 = tpu.vector_load %arg29[%parallel_loop3A_525] {strides = array<i32>} : memref<8192xf32, #tpu.memory_space<vmem>>, vector<16xf32>,
        %parallel_loop3A_527 = arith.index_cast %parallel_loop3A_521 : i32 to index
        %parallel_loop3A_528 = tpu.vector_load %arg33[%parallel_loop3A_527] {strides = array<i32>} : memref<8192xf32, #tpu.memory_space<vmem>>, vector<16xf32>,
        %parallel_loop3A_529 = arith.subf %parallel_loop3A_526, %parallel_loop3A_524 : vector<16xf32>
        %parallel_loop3A_530 = arith.mulf %parallel_loop3A_529, %parallel_loop3A_529 : vector<16xf32>
        %parallel_loop3A_531 = arith.constant -4.500000e+00 : f32
        %parallel_loop3A_532 = vector.broadcast %parallel_loop3A_531 : f32 to vector<16xf32>
        %parallel_loop3A_533 = arith.mulf %parallel_loop3A_530, %parallel_loop3A_532 : vector<16xf32>
        %parallel_loop3A_534 = math.exp %parallel_loop3A_533 : vector<16xf32>
        %parallel_loop3A_535 = arith.constant 1.19682682 : f32
        %parallel_loop3A_536 = vector.broadcast %parallel_loop3A_535 : f32 to vector<16xf32>
        %parallel_loop3A_537 = arith.mulf %parallel_loop3A_536, %parallel_loop3A_534 : vector<16xf32>
        %parallel_loop3A_538 = arith.subf %parallel_loop3A_528, %parallel_loop3A_537 : vector<16xf32>
        %parallel_loop3A_539 = arith.constant 1.000000e+00 : f32
        %parallel_loop3A_540 = vector.broadcast %parallel_loop3A_539 : f32 to vector<16xf32>
        %parallel_loop3A_541 = arith.cmpf ole, %parallel_loop3A_530, %parallel_loop3A_540 : vector<16xf32>
        %parallel_loop3A_542 = arith.mulf %parallel_loop3A_538, %parallel_loop3A_538 : vector<16xf32>
        %parallel_loop3A_543 = arith.constant 0.000000e+00 : f32
        %parallel_loop3A_544 = vector.broadcast %parallel_loop3A_543 : f32 to vector<16xf32>
        %parallel_loop3A_545 = arith.select %parallel_loop3A_541, %parallel_loop3A_542, %parallel_loop3A_544 : vector<16xi1>, vector<16xf32>
        %parallel_loop3A_546 = arith.constant -1.000000e+00 : f32
        %parallel_loop3A_547 = vector.broadcast %parallel_loop3A_546 : f32 to vector<16xf32>
        %parallel_loop3A_548 = arith.cmpf olt, %parallel_loop3A_529, %parallel_loop3A_547 : vector<16xf32>
        %parallel_loop3A_549 = arith.mulf %parallel_loop3A_528, %parallel_loop3A_528 : vector<16xf32>
        %parallel_loop3A_550 = arith.constant 0.000000e+00 : f32
        %parallel_loop3A_551 = vector.broadcast %parallel_loop3A_550 : f32 to vector<16xf32>
        %parallel_loop3A_552 = arith.select %parallel_loop3A_548, %parallel_loop3A_549, %parallel_loop3A_551 : vector<16xi1>, vector<16xf32>
        %parallel_loop3A_553 = arith.addf %parallel_loop3A_306, %parallel_loop3A_545 : vector<16xf32>
        %parallel_loop3A_554 = arith.addf %parallel_loop3A_307, %parallel_loop3A_552 : vector<16xf32>
        %parallel_loop3A_555 = arith.constant 112 : i32
        %parallel_loop3A_556 = arith.addi %parallel_loop3A_293, %parallel_loop3A_555 : i32
        %parallel_loop3A_557 = arith.index_cast %parallel_loop3A_556 : i32 to index
        %parallel_loop3A_558 = tpu.vector_load %arg37[%parallel_loop3A_557] {strides = array<i32>} : memref<8192xi32, #tpu.memory_space<vmem>>, vector<16xi32>,
        %parallel_loop3A_559 = tpu.vector_load_idx %arg10[%parallel_loop3A_558] : memref<8192xf32, #tpu.memory_space<vmem>>[vector<16xi32>], vector<16xf32>,
        %parallel_loop3A_560 = arith.index_cast %parallel_loop3A_556 : i32 to index
        %parallel_loop3A_561 = tpu.vector_load %arg29[%parallel_loop3A_560] {strides = array<i32>} : memref<8192xf32, #tpu.memory_space<vmem>>, vector<16xf32>,
        %parallel_loop3A_562 = arith.index_cast %parallel_loop3A_556 : i32 to index
        %parallel_loop3A_563 = tpu.vector_load %arg33[%parallel_loop3A_562] {strides = array<i32>} : memref<8192xf32, #tpu.memory_space<vmem>>, vector<16xf32>,
        %parallel_loop3A_564 = arith.subf %parallel_loop3A_561, %parallel_loop3A_559 : vector<16xf32>
        %parallel_loop3A_565 = arith.mulf %parallel_loop3A_564, %parallel_loop3A_564 : vector<16xf32>
        %parallel_loop3A_566 = arith.constant -4.500000e+00 : f32
        %parallel_loop3A_567 = vector.broadcast %parallel_loop3A_566 : f32 to vector<16xf32>
        %parallel_loop3A_568 = arith.mulf %parallel_loop3A_565, %parallel_loop3A_567 : vector<16xf32>
        %parallel_loop3A_569 = math.exp %parallel_loop3A_568 : vector<16xf32>
        %parallel_loop3A_570 = arith.constant 1.19682682 : f32
        %parallel_loop3A_571 = vector.broadcast %parallel_loop3A_570 : f32 to vector<16xf32>
        %parallel_loop3A_572 = arith.mulf %parallel_loop3A_571, %parallel_loop3A_569 : vector<16xf32>
        %parallel_loop3A_573 = arith.subf %parallel_loop3A_563, %parallel_loop3A_572 : vector<16xf32>
        %parallel_loop3A_574 = arith.constant 1.000000e+00 : f32
        %parallel_loop3A_575 = vector.broadcast %parallel_loop3A_574 : f32 to vector<16xf32>
        %parallel_loop3A_576 = arith.cmpf ole, %parallel_loop3A_565, %parallel_loop3A_575 : vector<16xf32>
        %parallel_loop3A_577 = arith.mulf %parallel_loop3A_573, %parallel_loop3A_573 : vector<16xf32>
        %parallel_loop3A_578 = arith.constant 0.000000e+00 : f32
        %parallel_loop3A_579 = vector.broadcast %parallel_loop3A_578 : f32 to vector<16xf32>
        %parallel_loop3A_580 = arith.select %parallel_loop3A_576, %parallel_loop3A_577, %parallel_loop3A_579 : vector<16xi1>, vector<16xf32>
        %parallel_loop3A_581 = arith.constant -1.000000e+00 : f32
        %parallel_loop3A_582 = vector.broadcast %parallel_loop3A_581 : f32 to vector<16xf32>
        %parallel_loop3A_583 = arith.cmpf olt, %parallel_loop3A_564, %parallel_loop3A_582 : vector<16xf32>
        %parallel_loop3A_584 = arith.mulf %parallel_loop3A_563, %parallel_loop3A_563 : vector<16xf32>
        %parallel_loop3A_585 = arith.constant 0.000000e+00 : f32
        %parallel_loop3A_586 = vector.broadcast %parallel_loop3A_585 : f32 to vector<16xf32>
        %parallel_loop3A_587 = arith.select %parallel_loop3A_583, %parallel_loop3A_584, %parallel_loop3A_586 : vector<16xi1>, vector<16xf32>
        %parallel_loop3A_588 = arith.addf %parallel_loop3A_308, %parallel_loop3A_580 : vector<16xf32>
        %parallel_loop3A_589 = arith.addf %parallel_loop3A_309, %parallel_loop3A_587 : vector<16xf32>
        scf.yield %parallel_loop3A_343, %parallel_loop3A_344, %parallel_loop3A_378, %parallel_loop3A_379, %parallel_loop3A_413, %parallel_loop3A_414, %parallel_loop3A_448, %parallel_loop3A_449, %parallel_loop3A_483, %parallel_loop3A_484, %parallel_loop3A_518, %parallel_loop3A_519, %parallel_loop3A_553, %parallel_loop3A_554, %parallel_loop3A_588, %parallel_loop3A_589 : vector<16xf32>, vector<16xf32>, vector<16xf32>, vector<16xf32>, vector<16xf32>, vector<16xf32>, vector<16xf32>, vector<16xf32>, vector<16xf32>, vector<16xf32>, vector<16xf32>, vector<16xf32>, vector<16xf32>, vector<16xf32>, vector<16xf32>, vector<16xf32>
      } {sc.loop_unroll_factor = 1 : i64, sc.parallel_access}
      %add3A_286 = arith.constant 4 : i32
      %add3A_287 = arith.addi %add3A_269, %add3A_286 : i32
      %lt3A_288 = arith.constant 16 : i32
      %lt3A_289 = arith.cmpi slt, %add3A_287, %lt3A_288 : i32
      %convert_element_type3A_290 = arith.extui %lt3A_289 : i1 to i32
      %cond3A_291 = arith.constant 0 : i32
      %cond3A_292 = arith.cmpi ne, %convert_element_type3A_290, %cond3A_291 : i32
      scf.if %cond3A_292 {
        %add3A_293 = arith.constant 4 : i32
        %add3A_294 = arith.addi %add3A_269, %add3A_293 : i32
        %mul3A_295 = arith.constant 8192 : i32
        %mul3A_296 = arith.muli %add3A_294, %mul3A_295 : i32
        %add3A_297 = arith.addi %mul3A_2, %mul3A_296 : i32
        %dma_start3A_298 = tpu.memref_slice %arg2[%add3A_297] : memref<4194304xf32, #tpu.memory_space<hbm>> -> memref<8192xf32, #tpu.memory_space<hbm>>
        %dma_start3A_299 = tpu.memref_slice %arg2[%add3A_297] : memref<4194304xf32, #tpu.memory_space<hbm>> -> memref<8192xf32, #tpu.memory_space<hbm>>
        tpu.enqueue_dma source(%dma_start3A_299 : memref<8192xf32, #tpu.memory_space<hbm>>) target(%arg29 : memref<8192xf32, #tpu.memory_space<vmem>>) target_semaphore(%arg41 : memref<!tpu.dma_semaphore, #tpu.memory_space<semaphore_mem>>)
        %dma_start3A_300 = tpu.memref_slice %arg3[%add3A_297] : memref<4194304xf32, #tpu.memory_space<hbm>> -> memref<8192xf32, #tpu.memory_space<hbm>>
        %dma_start3A_301 = tpu.memref_slice %arg3[%add3A_297] : memref<4194304xf32, #tpu.memory_space<hbm>> -> memref<8192xf32, #tpu.memory_space<hbm>>
        tpu.enqueue_dma source(%dma_start3A_301 : memref<8192xf32, #tpu.memory_space<hbm>>) target(%arg33 : memref<8192xf32, #tpu.memory_space<vmem>>) target_semaphore(%arg41 : memref<!tpu.dma_semaphore, #tpu.memory_space<semaphore_mem>>)
        %dma_start3A_302 = tpu.memref_slice %arg6[%add3A_297] : memref<4194304xi32, #tpu.memory_space<hbm>> -> memref<8192xi32, #tpu.memory_space<hbm>>
        %dma_start3A_303 = tpu.memref_slice %arg6[%add3A_297] : memref<4194304xi32, #tpu.memory_space<hbm>> -> memref<8192xi32, #tpu.memory_space<hbm>>
        tpu.enqueue_dma source(%dma_start3A_303 : memref<8192xi32, #tpu.memory_space<hbm>>) target(%arg37 : memref<8192xi32, #tpu.memory_space<vmem>>) target_semaphore(%arg41 : memref<!tpu.dma_semaphore, #tpu.memory_space<semaphore_mem>>)
      } else {
      }
      scf.yield %parallel_loop3A_285#0, %parallel_loop3A_285#1, %parallel_loop3A_285#2, %parallel_loop3A_285#3, %parallel_loop3A_285#4, %parallel_loop3A_285#5, %parallel_loop3A_285#6, %parallel_loop3A_285#7, %parallel_loop3A_285#8, %parallel_loop3A_285#9, %parallel_loop3A_285#10, %parallel_loop3A_285#11, %parallel_loop3A_285#12, %parallel_loop3A_285#13, %parallel_loop3A_285#14, %parallel_loop3A_285#15 : vector<16xf32>, vector<16xf32>, vector<16xf32>, vector<16xf32>, vector<16xf32>, vector<16xf32>, vector<16xf32>, vector<16xf32>, vector<16xf32>, vector<16xf32>, vector<16xf32>, vector<16xf32>, vector<16xf32>, vector<16xf32>, vector<16xf32>, vector<16xf32>
    }
    %scan3A_119 = arith.constant 4 : i32
    %add3A_120 = arith.addf %scan3A_118#0, %scan3A_118#2 : vector<16xf32>
    %add3A_121 = arith.addf %scan3A_118#1, %scan3A_118#3 : vector<16xf32>
    %add3A_122 = arith.addf %add3A_120, %scan3A_118#4 : vector<16xf32>
    %add3A_123 = arith.addf %add3A_121, %scan3A_118#5 : vector<16xf32>
    %add3A_124 = arith.addf %add3A_122, %scan3A_118#6 : vector<16xf32>
    %add3A_125 = arith.addf %add3A_123, %scan3A_118#7 : vector<16xf32>
    %add3A_126 = arith.addf %add3A_124, %scan3A_118#8 : vector<16xf32>
    %add3A_127 = arith.addf %add3A_125, %scan3A_118#9 : vector<16xf32>
    %add3A_128 = arith.addf %add3A_126, %scan3A_118#10 : vector<16xf32>
    %add3A_129 = arith.addf %add3A_127, %scan3A_118#11 : vector<16xf32>
    %add3A_130 = arith.addf %add3A_128, %scan3A_118#12 : vector<16xf32>
    %add3A_131 = arith.addf %add3A_129, %scan3A_118#13 : vector<16xf32>
    %add3A_132 = arith.addf %add3A_130, %scan3A_118#14 : vector<16xf32>
    %add3A_133 = arith.addf %add3A_131, %scan3A_118#15 : vector<16xf32>
    %parallel_loop3A_134 = arith.constant 0 : i32
    %parallel_loop3A_135 = arith.constant 128 : i32
    %parallel_loop3A_136 = arith.constant 16 : i32
    %parallel_loop3A_137:2 = scf.for %parallel_loop3A_171 = %parallel_loop3A_134 to %parallel_loop3A_135 step %parallel_loop3A_136 iter_args(%parallel_loop3A_172 = %broadcast_in_dim3A_114, %parallel_loop3A_173 = %broadcast_in_dim3A_114) -> (vector<16xf32>, vector<16xf32>)  : i32 {
      %parallel_loop3A_174 = arith.index_cast %parallel_loop3A_171 : i32 to index
      %parallel_loop3A_175 = tpu.vector_load %arg22[%parallel_loop3A_174] {strides = array<i32>} : memref<128xf32, #tpu.memory_space<vmem>>, vector<16xf32>,
      %parallel_loop3A_176 = arith.index_cast %parallel_loop3A_171 : i32 to index
      %parallel_loop3A_177 = tpu.vector_load %arg18[%parallel_loop3A_176] {strides = array<i32>} : memref<128xf32, #tpu.memory_space<vmem>>, vector<16xf32>,
      %parallel_loop3A_178 = arith.constant 0 : i32
      %parallel_loop3A_179 = arith.addi %parallel_loop3A_178, %parallel_loop3A_171 : i32
      %parallel_loop3A_180 = arith.index_cast %parallel_loop3A_179 : i32 to index
      %parallel_loop3A_181 = tpu.vector_load %arg11[%parallel_loop3A_180] {strides = array<i32>} : memref<512xf32, #tpu.memory_space<vmem>>, vector<16xf32>,
      %parallel_loop3A_182 = arith.constant 5.000000e-01 : f32
      %parallel_loop3A_183 = vector.broadcast %parallel_loop3A_182 : f32 to vector<16xf32>
      %parallel_loop3A_184 = arith.cmpf ogt, %parallel_loop3A_175, %parallel_loop3A_183 : vector<16xf32>
      %parallel_loop3A_185 = arith.constant 1.000000e+00 : f32
      %parallel_loop3A_186 = vector.broadcast %parallel_loop3A_185 : f32 to vector<16xf32>
      %parallel_loop3A_187 = arith.select %parallel_loop3A_184, %parallel_loop3A_177, %parallel_loop3A_186 : vector<16xi1>, vector<16xf32>
      %parallel_loop3A_188 = arith.constant 1.000000e+00 : f32
      %parallel_loop3A_189 = vector.broadcast %parallel_loop3A_188 : f32 to vector<16xf32>
      %parallel_loop3A_190 = arith.addf %parallel_loop3A_181, %parallel_loop3A_189 : vector<16xf32>
      %parallel_loop3A_191 = vector.bitcast %parallel_loop3A_190 : vector<16xf32> to vector<16xi32>
      %parallel_loop3A_192 = arith.sitofp %parallel_loop3A_191 : vector<16xi32> to vector<16xf32>
      %parallel_loop3A_193 = arith.constant 8.26295832E-8 : f32
      %parallel_loop3A_194 = vector.broadcast %parallel_loop3A_193 : f32 to vector<16xf32>
      %parallel_loop3A_195 = arith.mulf %parallel_loop3A_192, %parallel_loop3A_194 : vector<16xf32>
      %parallel_loop3A_196 = arith.constant 87.9899673 : f32
      %parallel_loop3A_197 = vector.broadcast %parallel_loop3A_196 : f32 to vector<16xf32>
      %parallel_loop3A_198 = arith.subf %parallel_loop3A_195, %parallel_loop3A_197 : vector<16xf32>
      %parallel_loop3A_199 = arith.constant 1.000000e+00 : f32
      %parallel_loop3A_200 = vector.broadcast %parallel_loop3A_199 : f32 to vector<16xf32>
      %parallel_loop3A_201 = arith.subf %parallel_loop3A_198, %parallel_loop3A_200 : vector<16xf32>
      %parallel_loop3A_202 = arith.constant 0.000000e+00 : f32
      %parallel_loop3A_203 = vector.broadcast %parallel_loop3A_202 : f32 to vector<16xf32>
      %parallel_loop3A_204 = arith.subf %parallel_loop3A_203, %parallel_loop3A_198 : vector<16xf32>
      %parallel_loop3A_205 = math.exp %parallel_loop3A_204 : vector<16xf32>
      %parallel_loop3A_206 = arith.mulf %parallel_loop3A_190, %parallel_loop3A_205 : vector<16xf32>
      %parallel_loop3A_207 = arith.addf %parallel_loop3A_201, %parallel_loop3A_206 : vector<16xf32>
      %parallel_loop3A_208 = arith.constant 1.000000e+00 : f32
      %parallel_loop3A_209 = vector.broadcast %parallel_loop3A_208 : f32 to vector<16xf32>
      %parallel_loop3A_210 = arith.subf %parallel_loop3A_207, %parallel_loop3A_209 : vector<16xf32>
      %parallel_loop3A_211 = arith.constant 0.000000e+00 : f32
      %parallel_loop3A_212 = vector.broadcast %parallel_loop3A_211 : f32 to vector<16xf32>
      %parallel_loop3A_213 = arith.subf %parallel_loop3A_212, %parallel_loop3A_207 : vector<16xf32>
      %parallel_loop3A_214 = math.exp %parallel_loop3A_213 : vector<16xf32>
      %parallel_loop3A_215 = arith.mulf %parallel_loop3A_190, %parallel_loop3A_214 : vector<16xf32>
      %parallel_loop3A_216 = arith.addf %parallel_loop3A_210, %parallel_loop3A_215 : vector<16xf32>
      %parallel_loop3A_217 = arith.constant 1.000000e+00 : f32
      %parallel_loop3A_218 = vector.broadcast %parallel_loop3A_217 : f32 to vector<16xf32>
      %parallel_loop3A_219 = arith.subf %parallel_loop3A_216, %parallel_loop3A_218 : vector<16xf32>
      %parallel_loop3A_220 = arith.constant 0.000000e+00 : f32
      %parallel_loop3A_221 = vector.broadcast %parallel_loop3A_220 : f32 to vector<16xf32>
      %parallel_loop3A_222 = arith.subf %parallel_loop3A_221, %parallel_loop3A_216 : vector<16xf32>
      %parallel_loop3A_223 = math.exp %parallel_loop3A_222 : vector<16xf32>
      %parallel_loop3A_224 = arith.mulf %parallel_loop3A_190, %parallel_loop3A_223 : vector<16xf32>
      %parallel_loop3A_225 = arith.addf %parallel_loop3A_219, %parallel_loop3A_224 : vector<16xf32>
      %parallel_loop3A_226 = arith.constant 1.000000e+00 : f32
      %parallel_loop3A_227 = vector.broadcast %parallel_loop3A_226 : f32 to vector<16xf32>
      %parallel_loop3A_228 = arith.addf %parallel_loop3A_187, %parallel_loop3A_227 : vector<16xf32>
      %parallel_loop3A_229 = vector.bitcast %parallel_loop3A_228 : vector<16xf32> to vector<16xi32>
      %parallel_loop3A_230 = arith.sitofp %parallel_loop3A_229 : vector<16xi32> to vector<16xf32>
      %parallel_loop3A_231 = arith.constant 8.26295832E-8 : f32
      %parallel_loop3A_232 = vector.broadcast %parallel_loop3A_231 : f32 to vector<16xf32>
      %parallel_loop3A_233 = arith.mulf %parallel_loop3A_230, %parallel_loop3A_232 : vector<16xf32>
      %parallel_loop3A_234 = arith.constant 87.9899673 : f32
      %parallel_loop3A_235 = vector.broadcast %parallel_loop3A_234 : f32 to vector<16xf32>
      %parallel_loop3A_236 = arith.subf %parallel_loop3A_233, %parallel_loop3A_235 : vector<16xf32>
      %parallel_loop3A_237 = arith.constant 1.000000e+00 : f32
      %parallel_loop3A_238 = vector.broadcast %parallel_loop3A_237 : f32 to vector<16xf32>
      %parallel_loop3A_239 = arith.subf %parallel_loop3A_236, %parallel_loop3A_238 : vector<16xf32>
      %parallel_loop3A_240 = arith.constant 0.000000e+00 : f32
      %parallel_loop3A_241 = vector.broadcast %parallel_loop3A_240 : f32 to vector<16xf32>
      %parallel_loop3A_242 = arith.subf %parallel_loop3A_241, %parallel_loop3A_236 : vector<16xf32>
      %parallel_loop3A_243 = math.exp %parallel_loop3A_242 : vector<16xf32>
      %parallel_loop3A_244 = arith.mulf %parallel_loop3A_228, %parallel_loop3A_243 : vector<16xf32>
      %parallel_loop3A_245 = arith.addf %parallel_loop3A_239, %parallel_loop3A_244 : vector<16xf32>
      %parallel_loop3A_246 = arith.constant 1.000000e+00 : f32
      %parallel_loop3A_247 = vector.broadcast %parallel_loop3A_246 : f32 to vector<16xf32>
      %parallel_loop3A_248 = arith.subf %parallel_loop3A_245, %parallel_loop3A_247 : vector<16xf32>
      %parallel_loop3A_249 = arith.constant 0.000000e+00 : f32
      %parallel_loop3A_250 = vector.broadcast %parallel_loop3A_249 : f32 to vector<16xf32>
      %parallel_loop3A_251 = arith.subf %parallel_loop3A_250, %parallel_loop3A_245 : vector<16xf32>
      %parallel_loop3A_252 = math.exp %parallel_loop3A_251 : vector<16xf32>
      %parallel_loop3A_253 = arith.mulf %parallel_loop3A_228, %parallel_loop3A_252 : vector<16xf32>
      %parallel_loop3A_254 = arith.addf %parallel_loop3A_248, %parallel_loop3A_253 : vector<16xf32>
      %parallel_loop3A_255 = arith.constant 1.000000e+00 : f32
      %parallel_loop3A_256 = vector.broadcast %parallel_loop3A_255 : f32 to vector<16xf32>
      %parallel_loop3A_257 = arith.subf %parallel_loop3A_254, %parallel_loop3A_256 : vector<16xf32>
      %parallel_loop3A_258 = arith.constant 0.000000e+00 : f32
      %parallel_loop3A_259 = vector.broadcast %parallel_loop3A_258 : f32 to vector<16xf32>
      %parallel_loop3A_260 = arith.subf %parallel_loop3A_259, %parallel_loop3A_254 : vector<16xf32>
      %parallel_loop3A_261 = math.exp %parallel_loop3A_260 : vector<16xf32>
      %parallel_loop3A_262 = arith.mulf %parallel_loop3A_228, %parallel_loop3A_261 : vector<16xf32>
      %parallel_loop3A_263 = arith.addf %parallel_loop3A_257, %parallel_loop3A_262 : vector<16xf32>
      %parallel_loop3A_264 = arith.subf %parallel_loop3A_225, %parallel_loop3A_263 : vector<16xf32>
      %parallel_loop3A_265 = math.absf %parallel_loop3A_264 : vector<16xf32>
      %parallel_loop3A_266 = arith.mulf %parallel_loop3A_265, %parallel_loop3A_175 : vector<16xf32>
      %parallel_loop3A_267 = arith.addf %parallel_loop3A_172, %parallel_loop3A_266 : vector<16xf32>
      %parallel_loop3A_268 = arith.addf %parallel_loop3A_173, %parallel_loop3A_175 : vector<16xf32>
      scf.yield %parallel_loop3A_267, %parallel_loop3A_268 : vector<16xf32>, vector<16xf32>
    } {sc.loop_unroll_factor = 1 : i64, sc.parallel_access}
    %parallel_loop3A_138 = arith.constant 0 : i32
    %parallel_loop3A_139 = arith.constant 128 : i32
    %parallel_loop3A_140 = arith.constant 16 : i32
    %parallel_loop3A_141:2 = scf.for %parallel_loop3A_171 = %parallel_loop3A_138 to %parallel_loop3A_139 step %parallel_loop3A_140 iter_args(%parallel_loop3A_172 = %parallel_loop3A_137#0, %parallel_loop3A_173 = %parallel_loop3A_137#1) -> (vector<16xf32>, vector<16xf32>)  : i32 {
      %parallel_loop3A_174 = arith.index_cast %parallel_loop3A_171 : i32 to index
      %parallel_loop3A_175 = tpu.vector_load %arg23[%parallel_loop3A_174] {strides = array<i32>} : memref<128xf32, #tpu.memory_space<vmem>>, vector<16xf32>,
      %parallel_loop3A_176 = arith.index_cast %parallel_loop3A_171 : i32 to index
      %parallel_loop3A_177 = tpu.vector_load %arg19[%parallel_loop3A_176] {strides = array<i32>} : memref<128xf32, #tpu.memory_space<vmem>>, vector<16xf32>,
      %parallel_loop3A_178 = arith.constant 128 : i32
      %parallel_loop3A_179 = arith.addi %parallel_loop3A_178, %parallel_loop3A_171 : i32
      %parallel_loop3A_180 = arith.index_cast %parallel_loop3A_179 : i32 to index
      %parallel_loop3A_181 = tpu.vector_load %arg11[%parallel_loop3A_180] {strides = array<i32>} : memref<512xf32, #tpu.memory_space<vmem>>, vector<16xf32>,
      %parallel_loop3A_182 = arith.constant 5.000000e-01 : f32
      %parallel_loop3A_183 = vector.broadcast %parallel_loop3A_182 : f32 to vector<16xf32>
      %parallel_loop3A_184 = arith.cmpf ogt, %parallel_loop3A_175, %parallel_loop3A_183 : vector<16xf32>
      %parallel_loop3A_185 = arith.constant 1.000000e+00 : f32
      %parallel_loop3A_186 = vector.broadcast %parallel_loop3A_185 : f32 to vector<16xf32>
      %parallel_loop3A_187 = arith.select %parallel_loop3A_184, %parallel_loop3A_177, %parallel_loop3A_186 : vector<16xi1>, vector<16xf32>
      %parallel_loop3A_188 = arith.constant 1.000000e+00 : f32
      %parallel_loop3A_189 = vector.broadcast %parallel_loop3A_188 : f32 to vector<16xf32>
      %parallel_loop3A_190 = arith.addf %parallel_loop3A_181, %parallel_loop3A_189 : vector<16xf32>
      %parallel_loop3A_191 = vector.bitcast %parallel_loop3A_190 : vector<16xf32> to vector<16xi32>
      %parallel_loop3A_192 = arith.sitofp %parallel_loop3A_191 : vector<16xi32> to vector<16xf32>
      %parallel_loop3A_193 = arith.constant 8.26295832E-8 : f32
      %parallel_loop3A_194 = vector.broadcast %parallel_loop3A_193 : f32 to vector<16xf32>
      %parallel_loop3A_195 = arith.mulf %parallel_loop3A_192, %parallel_loop3A_194 : vector<16xf32>
      %parallel_loop3A_196 = arith.constant 87.9899673 : f32
      %parallel_loop3A_197 = vector.broadcast %parallel_loop3A_196 : f32 to vector<16xf32>
      %parallel_loop3A_198 = arith.subf %parallel_loop3A_195, %parallel_loop3A_197 : vector<16xf32>
      %parallel_loop3A_199 = arith.constant 1.000000e+00 : f32
      %parallel_loop3A_200 = vector.broadcast %parallel_loop3A_199 : f32 to vector<16xf32>
      %parallel_loop3A_201 = arith.subf %parallel_loop3A_198, %parallel_loop3A_200 : vector<16xf32>
      %parallel_loop3A_202 = arith.constant 0.000000e+00 : f32
      %parallel_loop3A_203 = vector.broadcast %parallel_loop3A_202 : f32 to vector<16xf32>
      %parallel_loop3A_204 = arith.subf %parallel_loop3A_203, %parallel_loop3A_198 : vector<16xf32>
      %parallel_loop3A_205 = math.exp %parallel_loop3A_204 : vector<16xf32>
      %parallel_loop3A_206 = arith.mulf %parallel_loop3A_190, %parallel_loop3A_205 : vector<16xf32>
      %parallel_loop3A_207 = arith.addf %parallel_loop3A_201, %parallel_loop3A_206 : vector<16xf32>
      %parallel_loop3A_208 = arith.constant 1.000000e+00 : f32
      %parallel_loop3A_209 = vector.broadcast %parallel_loop3A_208 : f32 to vector<16xf32>
      %parallel_loop3A_210 = arith.subf %parallel_loop3A_207, %parallel_loop3A_209 : vector<16xf32>
      %parallel_loop3A_211 = arith.constant 0.000000e+00 : f32
      %parallel_loop3A_212 = vector.broadcast %parallel_loop3A_211 : f32 to vector<16xf32>
      %parallel_loop3A_213 = arith.subf %parallel_loop3A_212, %parallel_loop3A_207 : vector<16xf32>
      %parallel_loop3A_214 = math.exp %parallel_loop3A_213 : vector<16xf32>
      %parallel_loop3A_215 = arith.mulf %parallel_loop3A_190, %parallel_loop3A_214 : vector<16xf32>
      %parallel_loop3A_216 = arith.addf %parallel_loop3A_210, %parallel_loop3A_215 : vector<16xf32>
      %parallel_loop3A_217 = arith.constant 1.000000e+00 : f32
      %parallel_loop3A_218 = vector.broadcast %parallel_loop3A_217 : f32 to vector<16xf32>
      %parallel_loop3A_219 = arith.subf %parallel_loop3A_216, %parallel_loop3A_218 : vector<16xf32>
      %parallel_loop3A_220 = arith.constant 0.000000e+00 : f32
      %parallel_loop3A_221 = vector.broadcast %parallel_loop3A_220 : f32 to vector<16xf32>
      %parallel_loop3A_222 = arith.subf %parallel_loop3A_221, %parallel_loop3A_216 : vector<16xf32>
      %parallel_loop3A_223 = math.exp %parallel_loop3A_222 : vector<16xf32>
      %parallel_loop3A_224 = arith.mulf %parallel_loop3A_190, %parallel_loop3A_223 : vector<16xf32>
      %parallel_loop3A_225 = arith.addf %parallel_loop3A_219, %parallel_loop3A_224 : vector<16xf32>
      %parallel_loop3A_226 = arith.constant 1.000000e+00 : f32
      %parallel_loop3A_227 = vector.broadcast %parallel_loop3A_226 : f32 to vector<16xf32>
      %parallel_loop3A_228 = arith.addf %parallel_loop3A_187, %parallel_loop3A_227 : vector<16xf32>
      %parallel_loop3A_229 = vector.bitcast %parallel_loop3A_228 : vector<16xf32> to vector<16xi32>
      %parallel_loop3A_230 = arith.sitofp %parallel_loop3A_229 : vector<16xi32> to vector<16xf32>
      %parallel_loop3A_231 = arith.constant 8.26295832E-8 : f32
      %parallel_loop3A_232 = vector.broadcast %parallel_loop3A_231 : f32 to vector<16xf32>
      %parallel_loop3A_233 = arith.mulf %parallel_loop3A_230, %parallel_loop3A_232 : vector<16xf32>
      %parallel_loop3A_234 = arith.constant 87.9899673 : f32
      %parallel_loop3A_235 = vector.broadcast %parallel_loop3A_234 : f32 to vector<16xf32>
      %parallel_loop3A_236 = arith.subf %parallel_loop3A_233, %parallel_loop3A_235 : vector<16xf32>
      %parallel_loop3A_237 = arith.constant 1.000000e+00 : f32
      %parallel_loop3A_238 = vector.broadcast %parallel_loop3A_237 : f32 to vector<16xf32>
      %parallel_loop3A_239 = arith.subf %parallel_loop3A_236, %parallel_loop3A_238 : vector<16xf32>
      %parallel_loop3A_240 = arith.constant 0.000000e+00 : f32
      %parallel_loop3A_241 = vector.broadcast %parallel_loop3A_240 : f32 to vector<16xf32>
      %parallel_loop3A_242 = arith.subf %parallel_loop3A_241, %parallel_loop3A_236 : vector<16xf32>
      %parallel_loop3A_243 = math.exp %parallel_loop3A_242 : vector<16xf32>
      %parallel_loop3A_244 = arith.mulf %parallel_loop3A_228, %parallel_loop3A_243 : vector<16xf32>
      %parallel_loop3A_245 = arith.addf %parallel_loop3A_239, %parallel_loop3A_244 : vector<16xf32>
      %parallel_loop3A_246 = arith.constant 1.000000e+00 : f32
      %parallel_loop3A_247 = vector.broadcast %parallel_loop3A_246 : f32 to vector<16xf32>
      %parallel_loop3A_248 = arith.subf %parallel_loop3A_245, %parallel_loop3A_247 : vector<16xf32>
      %parallel_loop3A_249 = arith.constant 0.000000e+00 : f32
      %parallel_loop3A_250 = vector.broadcast %parallel_loop3A_249 : f32 to vector<16xf32>
      %parallel_loop3A_251 = arith.subf %parallel_loop3A_250, %parallel_loop3A_245 : vector<16xf32>
      %parallel_loop3A_252 = math.exp %parallel_loop3A_251 : vector<16xf32>
      %parallel_loop3A_253 = arith.mulf %parallel_loop3A_228, %parallel_loop3A_252 : vector<16xf32>
      %parallel_loop3A_254 = arith.addf %parallel_loop3A_248, %parallel_loop3A_253 : vector<16xf32>
      %parallel_loop3A_255 = arith.constant 1.000000e+00 : f32
      %parallel_loop3A_256 = vector.broadcast %parallel_loop3A_255 : f32 to vector<16xf32>
      %parallel_loop3A_257 = arith.subf %parallel_loop3A_254, %parallel_loop3A_256 : vector<16xf32>
      %parallel_loop3A_258 = arith.constant 0.000000e+00 : f32
      %parallel_loop3A_259 = vector.broadcast %parallel_loop3A_258 : f32 to vector<16xf32>
      %parallel_loop3A_260 = arith.subf %parallel_loop3A_259, %parallel_loop3A_254 : vector<16xf32>
      %parallel_loop3A_261 = math.exp %parallel_loop3A_260 : vector<16xf32>
      %parallel_loop3A_262 = arith.mulf %parallel_loop3A_228, %parallel_loop3A_261 : vector<16xf32>
      %parallel_loop3A_263 = arith.addf %parallel_loop3A_257, %parallel_loop3A_262 : vector<16xf32>
      %parallel_loop3A_264 = arith.subf %parallel_loop3A_225, %parallel_loop3A_263 : vector<16xf32>
      %parallel_loop3A_265 = math.absf %parallel_loop3A_264 : vector<16xf32>
      %parallel_loop3A_266 = arith.mulf %parallel_loop3A_265, %parallel_loop3A_175 : vector<16xf32>
      %parallel_loop3A_267 = arith.addf %parallel_loop3A_172, %parallel_loop3A_266 : vector<16xf32>
      %parallel_loop3A_268 = arith.addf %parallel_loop3A_173, %parallel_loop3A_175 : vector<16xf32>
      scf.yield %parallel_loop3A_267, %parallel_loop3A_268 : vector<16xf32>, vector<16xf32>
    } {sc.loop_unroll_factor = 1 : i64, sc.parallel_access}
    %parallel_loop3A_142 = arith.constant 0 : i32
    %parallel_loop3A_143 = arith.constant 128 : i32
    %parallel_loop3A_144 = arith.constant 16 : i32
    %parallel_loop3A_145:2 = scf.for %parallel_loop3A_171 = %parallel_loop3A_142 to %parallel_loop3A_143 step %parallel_loop3A_144 iter_args(%parallel_loop3A_172 = %parallel_loop3A_141#0, %parallel_loop3A_173 = %parallel_loop3A_141#1) -> (vector<16xf32>, vector<16xf32>)  : i32 {
      %parallel_loop3A_174 = arith.index_cast %parallel_loop3A_171 : i32 to index
      %parallel_loop3A_175 = tpu.vector_load %arg24[%parallel_loop3A_174] {strides = array<i32>} : memref<128xf32, #tpu.memory_space<vmem>>, vector<16xf32>,
      %parallel_loop3A_176 = arith.index_cast %parallel_loop3A_171 : i32 to index
      %parallel_loop3A_177 = tpu.vector_load %arg20[%parallel_loop3A_176] {strides = array<i32>} : memref<128xf32, #tpu.memory_space<vmem>>, vector<16xf32>,
      %parallel_loop3A_178 = arith.constant 256 : i32
      %parallel_loop3A_179 = arith.addi %parallel_loop3A_178, %parallel_loop3A_171 : i32
      %parallel_loop3A_180 = arith.index_cast %parallel_loop3A_179 : i32 to index
      %parallel_loop3A_181 = tpu.vector_load %arg11[%parallel_loop3A_180] {strides = array<i32>} : memref<512xf32, #tpu.memory_space<vmem>>, vector<16xf32>,
      %parallel_loop3A_182 = arith.constant 5.000000e-01 : f32
      %parallel_loop3A_183 = vector.broadcast %parallel_loop3A_182 : f32 to vector<16xf32>
      %parallel_loop3A_184 = arith.cmpf ogt, %parallel_loop3A_175, %parallel_loop3A_183 : vector<16xf32>
      %parallel_loop3A_185 = arith.constant 1.000000e+00 : f32
      %parallel_loop3A_186 = vector.broadcast %parallel_loop3A_185 : f32 to vector<16xf32>
      %parallel_loop3A_187 = arith.select %parallel_loop3A_184, %parallel_loop3A_177, %parallel_loop3A_186 : vector<16xi1>, vector<16xf32>
      %parallel_loop3A_188 = arith.constant 1.000000e+00 : f32
      %parallel_loop3A_189 = vector.broadcast %parallel_loop3A_188 : f32 to vector<16xf32>
      %parallel_loop3A_190 = arith.addf %parallel_loop3A_181, %parallel_loop3A_189 : vector<16xf32>
      %parallel_loop3A_191 = vector.bitcast %parallel_loop3A_190 : vector<16xf32> to vector<16xi32>
      %parallel_loop3A_192 = arith.sitofp %parallel_loop3A_191 : vector<16xi32> to vector<16xf32>
      %parallel_loop3A_193 = arith.constant 8.26295832E-8 : f32
      %parallel_loop3A_194 = vector.broadcast %parallel_loop3A_193 : f32 to vector<16xf32>
      %parallel_loop3A_195 = arith.mulf %parallel_loop3A_192, %parallel_loop3A_194 : vector<16xf32>
      %parallel_loop3A_196 = arith.constant 87.9899673 : f32
      %parallel_loop3A_197 = vector.broadcast %parallel_loop3A_196 : f32 to vector<16xf32>
      %parallel_loop3A_198 = arith.subf %parallel_loop3A_195, %parallel_loop3A_197 : vector<16xf32>
      %parallel_loop3A_199 = arith.constant 1.000000e+00 : f32
      %parallel_loop3A_200 = vector.broadcast %parallel_loop3A_199 : f32 to vector<16xf32>
      %parallel_loop3A_201 = arith.subf %parallel_loop3A_198, %parallel_loop3A_200 : vector<16xf32>
      %parallel_loop3A_202 = arith.constant 0.000000e+00 : f32
      %parallel_loop3A_203 = vector.broadcast %parallel_loop3A_202 : f32 to vector<16xf32>
      %parallel_loop3A_204 = arith.subf %parallel_loop3A_203, %parallel_loop3A_198 : vector<16xf32>
      %parallel_loop3A_205 = math.exp %parallel_loop3A_204 : vector<16xf32>
      %parallel_loop3A_206 = arith.mulf %parallel_loop3A_190, %parallel_loop3A_205 : vector<16xf32>
      %parallel_loop3A_207 = arith.addf %parallel_loop3A_201, %parallel_loop3A_206 : vector<16xf32>
      %parallel_loop3A_208 = arith.constant 1.000000e+00 : f32
      %parallel_loop3A_209 = vector.broadcast %parallel_loop3A_208 : f32 to vector<16xf32>
      %parallel_loop3A_210 = arith.subf %parallel_loop3A_207, %parallel_loop3A_209 : vector<16xf32>
      %parallel_loop3A_211 = arith.constant 0.000000e+00 : f32
      %parallel_loop3A_212 = vector.broadcast %parallel_loop3A_211 : f32 to vector<16xf32>
      %parallel_loop3A_213 = arith.subf %parallel_loop3A_212, %parallel_loop3A_207 : vector<16xf32>
      %parallel_loop3A_214 = math.exp %parallel_loop3A_213 : vector<16xf32>
      %parallel_loop3A_215 = arith.mulf %parallel_loop3A_190, %parallel_loop3A_214 : vector<16xf32>
      %parallel_loop3A_216 = arith.addf %parallel_loop3A_210, %parallel_loop3A_215 : vector<16xf32>
      %parallel_loop3A_217 = arith.constant 1.000000e+00 : f32
      %parallel_loop3A_218 = vector.broadcast %parallel_loop3A_217 : f32 to vector<16xf32>
      %parallel_loop3A_219 = arith.subf %parallel_loop3A_216, %parallel_loop3A_218 : vector<16xf32>
      %parallel_loop3A_220 = arith.constant 0.000000e+00 : f32
      %parallel_loop3A_221 = vector.broadcast %parallel_loop3A_220 : f32 to vector<16xf32>
      %parallel_loop3A_222 = arith.subf %parallel_loop3A_221, %parallel_loop3A_216 : vector<16xf32>
      %parallel_loop3A_223 = math.exp %parallel_loop3A_222 : vector<16xf32>
      %parallel_loop3A_224 = arith.mulf %parallel_loop3A_190, %parallel_loop3A_223 : vector<16xf32>
      %parallel_loop3A_225 = arith.addf %parallel_loop3A_219, %parallel_loop3A_224 : vector<16xf32>
      %parallel_loop3A_226 = arith.constant 1.000000e+00 : f32
      %parallel_loop3A_227 = vector.broadcast %parallel_loop3A_226 : f32 to vector<16xf32>
      %parallel_loop3A_228 = arith.addf %parallel_loop3A_187, %parallel_loop3A_227 : vector<16xf32>
      %parallel_loop3A_229 = vector.bitcast %parallel_loop3A_228 : vector<16xf32> to vector<16xi32>
      %parallel_loop3A_230 = arith.sitofp %parallel_loop3A_229 : vector<16xi32> to vector<16xf32>
      %parallel_loop3A_231 = arith.constant 8.26295832E-8 : f32
      %parallel_loop3A_232 = vector.broadcast %parallel_loop3A_231 : f32 to vector<16xf32>
      %parallel_loop3A_233 = arith.mulf %parallel_loop3A_230, %parallel_loop3A_232 : vector<16xf32>
      %parallel_loop3A_234 = arith.constant 87.9899673 : f32
      %parallel_loop3A_235 = vector.broadcast %parallel_loop3A_234 : f32 to vector<16xf32>
      %parallel_loop3A_236 = arith.subf %parallel_loop3A_233, %parallel_loop3A_235 : vector<16xf32>
      %parallel_loop3A_237 = arith.constant 1.000000e+00 : f32
      %parallel_loop3A_238 = vector.broadcast %parallel_loop3A_237 : f32 to vector<16xf32>
      %parallel_loop3A_239 = arith.subf %parallel_loop3A_236, %parallel_loop3A_238 : vector<16xf32>
      %parallel_loop3A_240 = arith.constant 0.000000e+00 : f32
      %parallel_loop3A_241 = vector.broadcast %parallel_loop3A_240 : f32 to vector<16xf32>
      %parallel_loop3A_242 = arith.subf %parallel_loop3A_241, %parallel_loop3A_236 : vector<16xf32>
      %parallel_loop3A_243 = math.exp %parallel_loop3A_242 : vector<16xf32>
      %parallel_loop3A_244 = arith.mulf %parallel_loop3A_228, %parallel_loop3A_243 : vector<16xf32>
      %parallel_loop3A_245 = arith.addf %parallel_loop3A_239, %parallel_loop3A_244 : vector<16xf32>
      %parallel_loop3A_246 = arith.constant 1.000000e+00 : f32
      %parallel_loop3A_247 = vector.broadcast %parallel_loop3A_246 : f32 to vector<16xf32>
      %parallel_loop3A_248 = arith.subf %parallel_loop3A_245, %parallel_loop3A_247 : vector<16xf32>
      %parallel_loop3A_249 = arith.constant 0.000000e+00 : f32
      %parallel_loop3A_250 = vector.broadcast %parallel_loop3A_249 : f32 to vector<16xf32>
      %parallel_loop3A_251 = arith.subf %parallel_loop3A_250, %parallel_loop3A_245 : vector<16xf32>
      %parallel_loop3A_252 = math.exp %parallel_loop3A_251 : vector<16xf32>
      %parallel_loop3A_253 = arith.mulf %parallel_loop3A_228, %parallel_loop3A_252 : vector<16xf32>
      %parallel_loop3A_254 = arith.addf %parallel_loop3A_248, %parallel_loop3A_253 : vector<16xf32>
      %parallel_loop3A_255 = arith.constant 1.000000e+00 : f32
      %parallel_loop3A_256 = vector.broadcast %parallel_loop3A_255 : f32 to vector<16xf32>
      %parallel_loop3A_257 = arith.subf %parallel_loop3A_254, %parallel_loop3A_256 : vector<16xf32>
      %parallel_loop3A_258 = arith.constant 0.000000e+00 : f32
      %parallel_loop3A_259 = vector.broadcast %parallel_loop3A_258 : f32 to vector<16xf32>
      %parallel_loop3A_260 = arith.subf %parallel_loop3A_259, %parallel_loop3A_254 : vector<16xf32>
      %parallel_loop3A_261 = math.exp %parallel_loop3A_260 : vector<16xf32>
      %parallel_loop3A_262 = arith.mulf %parallel_loop3A_228, %parallel_loop3A_261 : vector<16xf32>
      %parallel_loop3A_263 = arith.addf %parallel_loop3A_257, %parallel_loop3A_262 : vector<16xf32>
      %parallel_loop3A_264 = arith.subf %parallel_loop3A_225, %parallel_loop3A_263 : vector<16xf32>
      %parallel_loop3A_265 = math.absf %parallel_loop3A_264 : vector<16xf32>
      %parallel_loop3A_266 = arith.mulf %parallel_loop3A_265, %parallel_loop3A_175 : vector<16xf32>
      %parallel_loop3A_267 = arith.addf %parallel_loop3A_172, %parallel_loop3A_266 : vector<16xf32>
      %parallel_loop3A_268 = arith.addf %parallel_loop3A_173, %parallel_loop3A_175 : vector<16xf32>
      scf.yield %parallel_loop3A_267, %parallel_loop3A_268 : vector<16xf32>, vector<16xf32>
    } {sc.loop_unroll_factor = 1 : i64, sc.parallel_access}
    %parallel_loop3A_146 = arith.constant 0 : i32
    %parallel_loop3A_147 = arith.constant 128 : i32
    %parallel_loop3A_148 = arith.constant 16 : i32
    %parallel_loop3A_149:2 = scf.for %parallel_loop3A_171 = %parallel_loop3A_146 to %parallel_loop3A_147 step %parallel_loop3A_148 iter_args(%parallel_loop3A_172 = %parallel_loop3A_145#0, %parallel_loop3A_173 = %parallel_loop3A_145#1) -> (vector<16xf32>, vector<16xf32>)  : i32 {
      %parallel_loop3A_174 = arith.index_cast %parallel_loop3A_171 : i32 to index
      %parallel_loop3A_175 = tpu.vector_load %arg25[%parallel_loop3A_174] {strides = array<i32>} : memref<128xf32, #tpu.memory_space<vmem>>, vector<16xf32>,
      %parallel_loop3A_176 = arith.index_cast %parallel_loop3A_171 : i32 to index
      %parallel_loop3A_177 = tpu.vector_load %arg21[%parallel_loop3A_176] {strides = array<i32>} : memref<128xf32, #tpu.memory_space<vmem>>, vector<16xf32>,
      %parallel_loop3A_178 = arith.constant 384 : i32
      %parallel_loop3A_179 = arith.addi %parallel_loop3A_178, %parallel_loop3A_171 : i32
      %parallel_loop3A_180 = arith.index_cast %parallel_loop3A_179 : i32 to index
      %parallel_loop3A_181 = tpu.vector_load %arg11[%parallel_loop3A_180] {strides = array<i32>} : memref<512xf32, #tpu.memory_space<vmem>>, vector<16xf32>,
      %parallel_loop3A_182 = arith.constant 5.000000e-01 : f32
      %parallel_loop3A_183 = vector.broadcast %parallel_loop3A_182 : f32 to vector<16xf32>
      %parallel_loop3A_184 = arith.cmpf ogt, %parallel_loop3A_175, %parallel_loop3A_183 : vector<16xf32>
      %parallel_loop3A_185 = arith.constant 1.000000e+00 : f32
      %parallel_loop3A_186 = vector.broadcast %parallel_loop3A_185 : f32 to vector<16xf32>
      %parallel_loop3A_187 = arith.select %parallel_loop3A_184, %parallel_loop3A_177, %parallel_loop3A_186 : vector<16xi1>, vector<16xf32>
      %parallel_loop3A_188 = arith.constant 1.000000e+00 : f32
      %parallel_loop3A_189 = vector.broadcast %parallel_loop3A_188 : f32 to vector<16xf32>
      %parallel_loop3A_190 = arith.addf %parallel_loop3A_181, %parallel_loop3A_189 : vector<16xf32>
      %parallel_loop3A_191 = vector.bitcast %parallel_loop3A_190 : vector<16xf32> to vector<16xi32>
      %parallel_loop3A_192 = arith.sitofp %parallel_loop3A_191 : vector<16xi32> to vector<16xf32>
      %parallel_loop3A_193 = arith.constant 8.26295832E-8 : f32
      %parallel_loop3A_194 = vector.broadcast %parallel_loop3A_193 : f32 to vector<16xf32>
      %parallel_loop3A_195 = arith.mulf %parallel_loop3A_192, %parallel_loop3A_194 : vector<16xf32>
      %parallel_loop3A_196 = arith.constant 87.9899673 : f32
      %parallel_loop3A_197 = vector.broadcast %parallel_loop3A_196 : f32 to vector<16xf32>
      %parallel_loop3A_198 = arith.subf %parallel_loop3A_195, %parallel_loop3A_197 : vector<16xf32>
      %parallel_loop3A_199 = arith.constant 1.000000e+00 : f32
      %parallel_loop3A_200 = vector.broadcast %parallel_loop3A_199 : f32 to vector<16xf32>
      %parallel_loop3A_201 = arith.subf %parallel_loop3A_198, %parallel_loop3A_200 : vector<16xf32>
      %parallel_loop3A_202 = arith.constant 0.000000e+00 : f32
      %parallel_loop3A_203 = vector.broadcast %parallel_loop3A_202 : f32 to vector<16xf32>
      %parallel_loop3A_204 = arith.subf %parallel_loop3A_203, %parallel_loop3A_198 : vector<16xf32>
      %parallel_loop3A_205 = math.exp %parallel_loop3A_204 : vector<16xf32>
      %parallel_loop3A_206 = arith.mulf %parallel_loop3A_190, %parallel_loop3A_205 : vector<16xf32>
      %parallel_loop3A_207 = arith.addf %parallel_loop3A_201, %parallel_loop3A_206 : vector<16xf32>
      %parallel_loop3A_208 = arith.constant 1.000000e+00 : f32
      %parallel_loop3A_209 = vector.broadcast %parallel_loop3A_208 : f32 to vector<16xf32>
      %parallel_loop3A_210 = arith.subf %parallel_loop3A_207, %parallel_loop3A_209 : vector<16xf32>
      %parallel_loop3A_211 = arith.constant 0.000000e+00 : f32
      %parallel_loop3A_212 = vector.broadcast %parallel_loop3A_211 : f32 to vector<16xf32>
      %parallel_loop3A_213 = arith.subf %parallel_loop3A_212, %parallel_loop3A_207 : vector<16xf32>
      %parallel_loop3A_214 = math.exp %parallel_loop3A_213 : vector<16xf32>
      %parallel_loop3A_215 = arith.mulf %parallel_loop3A_190, %parallel_loop3A_214 : vector<16xf32>
      %parallel_loop3A_216 = arith.addf %parallel_loop3A_210, %parallel_loop3A_215 : vector<16xf32>
      %parallel_loop3A_217 = arith.constant 1.000000e+00 : f32
      %parallel_loop3A_218 = vector.broadcast %parallel_loop3A_217 : f32 to vector<16xf32>
      %parallel_loop3A_219 = arith.subf %parallel_loop3A_216, %parallel_loop3A_218 : vector<16xf32>
      %parallel_loop3A_220 = arith.constant 0.000000e+00 : f32
      %parallel_loop3A_221 = vector.broadcast %parallel_loop3A_220 : f32 to vector<16xf32>
      %parallel_loop3A_222 = arith.subf %parallel_loop3A_221, %parallel_loop3A_216 : vector<16xf32>
      %parallel_loop3A_223 = math.exp %parallel_loop3A_222 : vector<16xf32>
      %parallel_loop3A_224 = arith.mulf %parallel_loop3A_190, %parallel_loop3A_223 : vector<16xf32>
      %parallel_loop3A_225 = arith.addf %parallel_loop3A_219, %parallel_loop3A_224 : vector<16xf32>
      %parallel_loop3A_226 = arith.constant 1.000000e+00 : f32
      %parallel_loop3A_227 = vector.broadcast %parallel_loop3A_226 : f32 to vector<16xf32>
      %parallel_loop3A_228 = arith.addf %parallel_loop3A_187, %parallel_loop3A_227 : vector<16xf32>
      %parallel_loop3A_229 = vector.bitcast %parallel_loop3A_228 : vector<16xf32> to vector<16xi32>
      %parallel_loop3A_230 = arith.sitofp %parallel_loop3A_229 : vector<16xi32> to vector<16xf32>
      %parallel_loop3A_231 = arith.constant 8.26295832E-8 : f32
      %parallel_loop3A_232 = vector.broadcast %parallel_loop3A_231 : f32 to vector<16xf32>
      %parallel_loop3A_233 = arith.mulf %parallel_loop3A_230, %parallel_loop3A_232 : vector<16xf32>
      %parallel_loop3A_234 = arith.constant 87.9899673 : f32
      %parallel_loop3A_235 = vector.broadcast %parallel_loop3A_234 : f32 to vector<16xf32>
      %parallel_loop3A_236 = arith.subf %parallel_loop3A_233, %parallel_loop3A_235 : vector<16xf32>
      %parallel_loop3A_237 = arith.constant 1.000000e+00 : f32
      %parallel_loop3A_238 = vector.broadcast %parallel_loop3A_237 : f32 to vector<16xf32>
      %parallel_loop3A_239 = arith.subf %parallel_loop3A_236, %parallel_loop3A_238 : vector<16xf32>
      %parallel_loop3A_240 = arith.constant 0.000000e+00 : f32
      %parallel_loop3A_241 = vector.broadcast %parallel_loop3A_240 : f32 to vector<16xf32>
      %parallel_loop3A_242 = arith.subf %parallel_loop3A_241, %parallel_loop3A_236 : vector<16xf32>
      %parallel_loop3A_243 = math.exp %parallel_loop3A_242 : vector<16xf32>
      %parallel_loop3A_244 = arith.mulf %parallel_loop3A_228, %parallel_loop3A_243 : vector<16xf32>
      %parallel_loop3A_245 = arith.addf %parallel_loop3A_239, %parallel_loop3A_244 : vector<16xf32>
      %parallel_loop3A_246 = arith.constant 1.000000e+00 : f32
      %parallel_loop3A_247 = vector.broadcast %parallel_loop3A_246 : f32 to vector<16xf32>
      %parallel_loop3A_248 = arith.subf %parallel_loop3A_245, %parallel_loop3A_247 : vector<16xf32>
      %parallel_loop3A_249 = arith.constant 0.000000e+00 : f32
      %parallel_loop3A_250 = vector.broadcast %parallel_loop3A_249 : f32 to vector<16xf32>
      %parallel_loop3A_251 = arith.subf %parallel_loop3A_250, %parallel_loop3A_245 : vector<16xf32>
      %parallel_loop3A_252 = math.exp %parallel_loop3A_251 : vector<16xf32>
      %parallel_loop3A_253 = arith.mulf %parallel_loop3A_228, %parallel_loop3A_252 : vector<16xf32>
      %parallel_loop3A_254 = arith.addf %parallel_loop3A_248, %parallel_loop3A_253 : vector<16xf32>
      %parallel_loop3A_255 = arith.constant 1.000000e+00 : f32
      %parallel_loop3A_256 = vector.broadcast %parallel_loop3A_255 : f32 to vector<16xf32>
      %parallel_loop3A_257 = arith.subf %parallel_loop3A_254, %parallel_loop3A_256 : vector<16xf32>
      %parallel_loop3A_258 = arith.constant 0.000000e+00 : f32
      %parallel_loop3A_259 = vector.broadcast %parallel_loop3A_258 : f32 to vector<16xf32>
      %parallel_loop3A_260 = arith.subf %parallel_loop3A_259, %parallel_loop3A_254 : vector<16xf32>
      %parallel_loop3A_261 = math.exp %parallel_loop3A_260 : vector<16xf32>
      %parallel_loop3A_262 = arith.mulf %parallel_loop3A_228, %parallel_loop3A_261 : vector<16xf32>
      %parallel_loop3A_263 = arith.addf %parallel_loop3A_257, %parallel_loop3A_262 : vector<16xf32>
      %parallel_loop3A_264 = arith.subf %parallel_loop3A_225, %parallel_loop3A_263 : vector<16xf32>
      %parallel_loop3A_265 = math.absf %parallel_loop3A_264 : vector<16xf32>
      %parallel_loop3A_266 = arith.mulf %parallel_loop3A_265, %parallel_loop3A_175 : vector<16xf32>
      %parallel_loop3A_267 = arith.addf %parallel_loop3A_172, %parallel_loop3A_266 : vector<16xf32>
      %parallel_loop3A_268 = arith.addf %parallel_loop3A_173, %parallel_loop3A_175 : vector<16xf32>
      scf.yield %parallel_loop3A_267, %parallel_loop3A_268 : vector<16xf32>, vector<16xf32>
    } {sc.loop_unroll_factor = 1 : i64, sc.parallel_access}
    %mul3A_150 = arith.constant 5.000000e-01 : f32
    %mul3A_151 = vector.broadcast %mul3A_150 : f32 to vector<16xf32>
    %mul3A_152 = arith.mulf %parallel_loop3A_149#0, %mul3A_151 : vector<16xf32>
    %mul3A_153 = arith.constant 5.000000e-01 : f32
    %mul3A_154 = vector.broadcast %mul3A_153 : f32 to vector<16xf32>
    %mul3A_155 = arith.mulf %parallel_loop3A_149#1, %mul3A_154 : vector<16xf32>
    %swap3A = arith.constant 0 : i32
    %swap3A_156 = arith.index_cast %swap3A : i32 to index
    %swap3A_157 = arith.constant 0 : index
    %swap3A_158 = tpu.vector_load %arg12[%swap3A_156, %swap3A_157] {strides = array<i32>} : memref<4x16xf32, #tpu.memory_space<vmem>>, vector<16xf32>,
    tpu.vector_store %arg12[%swap3A_156, %swap3A_157], %add3A_132 {strides = array<i32>} : memref<4x16xf32, #tpu.memory_space<vmem>>, vector<16xf32>,
    %swap3A_159 = arith.constant 1 : i32
    %swap3A_160 = arith.index_cast %swap3A_159 : i32 to index
    %swap3A_161 = arith.constant 0 : index
    %swap3A_162 = tpu.vector_load %arg12[%swap3A_160, %swap3A_161] {strides = array<i32>} : memref<4x16xf32, #tpu.memory_space<vmem>>, vector<16xf32>,
    tpu.vector_store %arg12[%swap3A_160, %swap3A_161], %add3A_133 {strides = array<i32>} : memref<4x16xf32, #tpu.memory_space<vmem>>, vector<16xf32>,
    %swap3A_163 = arith.constant 2 : i32
    %swap3A_164 = arith.index_cast %swap3A_163 : i32 to index
    %swap3A_165 = arith.constant 0 : index
    %swap3A_166 = tpu.vector_load %arg12[%swap3A_164, %swap3A_165] {strides = array<i32>} : memref<4x16xf32, #tpu.memory_space<vmem>>, vector<16xf32>,
    tpu.vector_store %arg12[%swap3A_164, %swap3A_165], %mul3A_152 {strides = array<i32>} : memref<4x16xf32, #tpu.memory_space<vmem>>, vector<16xf32>,
    %swap3A_167 = arith.constant 3 : i32
    %swap3A_168 = arith.index_cast %swap3A_167 : i32 to index
    %swap3A_169 = arith.constant 0 : index
    %swap3A_170 = tpu.vector_load %arg12[%swap3A_168, %swap3A_169] {strides = array<i32>} : memref<4x16xf32, #tpu.memory_space<vmem>>, vector<16xf32>,
    tpu.vector_store %arg12[%swap3A_168, %swap3A_169], %mul3A_155 {strides = array<i32>} : memref<4x16xf32, #tpu.memory_space<vmem>>, vector<16xf32>,
    "tpu.region"() ({
      %run_scoped3A = tpu.sem_alloc : memref<!tpu.dma_semaphore, #tpu.memory_space<semaphore_mem>>
      %dma_start3A_171 = arith.constant 0 : i32
      %dma_start3A_172 = arith.constant 0 : i32
      %dma_start3A_173 = tpu.memref_slice %arg9[%add3A, %dma_start3A_171, %dma_start3A_172] : memref<32x4x16xf32, #tpu.memory_space<hbm>> -> memref<1x4x16xf32, #tpu.memory_space<hbm>>
      %dma_start3A_174 = tpu.memref_squeeze %dma_start3A_173 : memref<1x4x16xf32, #tpu.memory_space<hbm>> -> memref<4x16xf32, #tpu.memory_space<hbm>>
      %dma_start3A_175 = arith.constant 0 : i32
      %dma_start3A_176 = arith.constant 0 : i32
      %dma_start3A_177 = tpu.memref_slice %arg9[%add3A, %dma_start3A_175, %dma_start3A_176] : memref<32x4x16xf32, #tpu.memory_space<hbm>> -> memref<1x4x16xf32, #tpu.memory_space<hbm>>
      %dma_start3A_178 = tpu.memref_squeeze %dma_start3A_177 : memref<1x4x16xf32, #tpu.memory_space<hbm>> -> memref<4x16xf32, #tpu.memory_space<hbm>>
      tpu.enqueue_dma source(%arg12 : memref<4x16xf32, #tpu.memory_space<vmem>>) target(%dma_start3A_178 : memref<4x16xf32, #tpu.memory_space<hbm>>) target_semaphore(%run_scoped3A : memref<!tpu.dma_semaphore, #tpu.memory_space<semaphore_mem>>)
      %dma_wait3A_179 = arith.constant 0 : i32
      %dma_wait3A_180 = arith.constant 0 : i32
      %dma_wait3A_181 = tpu.memref_slice %arg9[%add3A, %dma_wait3A_179, %dma_wait3A_180] : memref<32x4x16xf32, #tpu.memory_space<hbm>> -> memref<1x4x16xf32, #tpu.memory_space<hbm>>
      %dma_wait3A_182 = tpu.memref_squeeze %dma_wait3A_181 : memref<1x4x16xf32, #tpu.memory_space<hbm>> -> memref<4x16xf32, #tpu.memory_space<hbm>>
      %dma_wait3A_183 = arith.constant 0 : i32
      %dma_wait3A_184 = arith.constant 0 : i32
      %dma_wait3A_185 = tpu.memref_slice %arg9[%add3A, %dma_wait3A_183, %dma_wait3A_184] : memref<32x4x16xf32, #tpu.memory_space<hbm>> -> memref<1x4x16xf32, #tpu.memory_space<hbm>>
      %dma_wait3A_186 = tpu.memref_squeeze %dma_wait3A_185 : memref<1x4x16xf32, #tpu.memory_space<hbm>> -> memref<4x16xf32, #tpu.memory_space<hbm>>
      tpu.wait_dma2 semaphore(%run_scoped3A : memref<!tpu.dma_semaphore, #tpu.memory_space<semaphore_mem>>) src(%arg12 : memref<4x16xf32, #tpu.memory_space<vmem>>) dst(%dma_wait3A_186 : memref<4x16xf32, #tpu.memory_space<hbm>>)
      tpu.yield
    }) : () -> ()
    return
  }
}

</mosaic_0001>

<sc_bundles>
// kernel: kernel.3.cloned.1.call-start
scs
__scs_entry_jumppad:
0x0: {  	(pc) =	sbr.rel $0x88, $3  }
0x1: {  	(tag) =	ssettag $0x0;
	lr =	simm.s32 $0x1  }
0x2: {  	[smem:$0x3F9A] =	sst lr;
	_ =	strace $0xD0000000  }
0x3: {  	_ = 	snop  }
0x4: {  	_ = 	snop  }
0x5: {  	_ = 	snop  }
0x6: {  	_ = 	snop  }
0x7: {  	_ = 	snop  }
__scs_overlays_trampoline_lowered:
0x8: {  	[smem:$0x3FA9] =	sst s0  }
0x9: {  	[smem:$0x3FAA] =	sst s1  }
0xa: {  	[smem:$0x3FAB] =	sst s2  }
0xb: {  	[smem:$0x3FAC] =	sst s3  }
0xc: {  	[smem:$0x3FAD] =	sst s4  }
0xd: {  	[smem:$0x3FAE] =	sst s5  }
0xe: {  	[smem:$0x3FAF] =	sst s6  }
0xf: {  	[smem:$0x3FB0] =	sst s7  }
0x10: {  	[smem:$0x3FB1] =	sst s8  }
0x11: {  	[smem:$0x3FB2] =	sst s9;
	s0 =	simm.s32 @!p0 $0x0  }
0x12: {  	s1 =	sld [smem:$0x3F98];
	s0 =	simm.s32 @p0 $0x1  }
0x13: {  	[smem:$0x3FB3] =	sst s0;
	s0 =	simm.s32 @!p1 $0x0  }
0x14: {  	s2 =	sld [smem:$0x3F97];
	s0 =	simm.s32 @p1 $0x1  }
0x15: {  	[smem:$0x3FB4] =	sst s0;
	s0 =	simm.s32 @!p2 $0x0  }
0x16: {  	s3 =	sld [smem:$0x3FDB];
	s0 =	simm.s32 @p2 $0x1  }
0x17: {  	s4 =	simm.s32 $0x1BF5;
	[smem:$0x3FB6] =	sst s0  }
0x18: {  	s0 =	sld [smem:$0x3F99];
	_ =	swait.ge [sflag:s4], $0x0  }
0x19: {  	s7 =	sld [smem:$0x3F9A]  }
0x1a: {  	s8 =	sadd.s32 $0xFFFFE003, lr  }
0x1b: {  	s9 =	sadd.s32 $0xFFFFFEF7, lr;
	s5 =	simm.s32 $0xFFFFFFFF;
	p2 =	slt.u32 s8, $0xFFFFF086  }
0x1c: {  	p1 =	slt.u32 s9, $0xF7A;
	s5 =	simm.s32 @!p2 $0x0  }
0x1d: {  	s5 =	simm.s32 @p1 $0x1;
	p0 =	seq.s32 s7, s2  }
0x1e: {  	s7 =	smul.u32 @!p0 $0xF7A, s2;
	p2 =	seq.s32 @!p0 s5, $0x0  }
0x1f: {  	s9 =	smul.u32 $0xF7A, s1;
	s8 =	simm.s32 @!p0 $0x1BF5;
	p2 =	por !p2, p0  }
0x20: {  	[sflag:s8] =	ssyncset.s32 @!p0 $0xFFFFF086;
	s6 =	sadd.s32 @!p0 s3, s7;
	s7 =	simm.s32 @!p0 $0x108  }
0x21: {  	s3 =	sadd.s32 s3, s9;
	s6 =	sadd.s32 @!p0 $0x88, s6;
	s7 =	simm.s32 @p2 $0x1082  }
0x22: {  	[simem:s7], [sflag:s8] =	dma.local @!p0 [hbm:s6], $0xF7A  }
0x23: {  	s9 =	sor.u32 $0xD0000000, s2;
	s6 =	simm.s32 $0x108;
	_ =	swait.ge @!p0 [sflag:s8], $0x0  }
0x24: {  	s3 =	sadd.s32 $0x88, s3;
	s6 =	simm.s32 @!p1 $0x1082;
	[sflag:s4] =	ssyncset.s32 $0xFFFFF086  }
0x25: {  	[simem:s6], [sflag:s4] =	dma.local [hbm:s3], $0xF7A  }
0x26: {  	[smem:$0x3F9A] =	sst s1;
	(tag) =	ssettag s2;
	_ =	strace s9  }
0x27: {  	s1 =	sld [smem:$0x3FAA]  }
0x28: {  	s2 =	sld [smem:$0x3FAB]  }
0x29: {  	s4 =	sld [smem:$0x3FAD]  }
0x2a: {  	p0 =	seq.s32 s5, $0x0;
	s5 =	sld [smem:$0x3FAE]  }
0x2b: {  	s6 =	sld [smem:$0x3FAF]  }
0x2c: {  	s7 =	sld [smem:$0x3FB0]  }
0x2d: {  	s3 =	simm.s32 $0x108;
	s8 =	sld [smem:$0x3FB1]  }
0x2e: {  	s3 =	simm.s32 @!p0 $0x1082;
	s9 =	sld [smem:$0x3FB2]  }
0x2f: {  	lr =	sadd.s32 s0, s3;
	s0 =	sld [smem:$0x3FA9]  }
0x30: {  	s3 =	sld [smem:$0x3FAC]  }
0x31: {  	[smem:$0x3FB5] =	sst s10  }
0x32: {  	s10 =	sld [smem:$0x3FB3];
	_ =	sdelay $0x3  }
0x33: {  	p0 =	seq.s32 s10, $0x1;
	s10 =	sld [smem:$0x3FB5];
	_ =	sdelay $0x3  }
0x34: {  	[smem:$0x3FB5] =	sst s10  }
0x35: {  	s10 =	sld [smem:$0x3FB4];
	_ =	sdelay $0x3  }
0x36: {  	p1 =	seq.s32 s10, $0x1;
	s10 =	sld [smem:$0x3FB5];
	_ =	sdelay $0x3  }
0x37: {  	[smem:$0x3FB5] =	sst s10  }
0x38: {  	s10 =	sld [smem:$0x3FB6]  }
0x39: {  	_ = 	snop;
	(pc) =	sbr.ind lr, $3  }
0x3a: {  	_ = 	snop  }
0x3b: {  	_ = 	snop  }
0x3c: {  	p2 =	seq.s32 s10, $0x1;
	s10 =	sld [smem:$0x3FB5]  }
0x3d: {  	_ =	shalt  }
0x3e: {  	_ =	shalt  }
0x3f: {  	_ =	shalt  }
0x40: {  	_ =	shalt  }
0x41: {  	_ =	shalt  }
0x42: {  	_ =	shalt  }
0x43: {  	_ =	shalt  }
0x44: {  	_ =	shalt  }
0x45: {  	_ =	shalt  }
0x46: {  	_ =	shalt  }
0x47: {  	_ =	shalt  }
0x48: {  	_ =	shalt  }
0x49: {  	_ =	shalt  }
0x4a: {  	_ =	shalt  }
0x4b: {  	_ =	shalt  }
0x4c: {  	_ =	shalt  }
0x4d: {  	_ =	shalt  }
0x4e: {  	_ =	shalt  }
0x4f: {  	_ =	shalt  }
0x50: {  	_ =	shalt  }
0x51: {  	_ =	shalt  }
0x52: {  	_ =	shalt  }
0x53: {  	_ =	shalt  }
0x54: {  	_ =	shalt  }
0x55: {  	_ =	shalt  }
0x56: {  	_ =	shalt  }
0x57: {  	_ =	shalt  }
0x58: {  	_ =	shalt  }
0x59: {  	_ =	shalt  }
0x5a: {  	_ =	shalt  }
0x5b: {  	_ =	shalt  }
0x5c: {  	_ =	shalt  }
0x5d: {  	_ =	shalt  }
0x5e: {  	_ =	shalt  }
0x5f: {  	_ =	shalt  }
0x60: {  	_ =	shalt  }
0x61: {  	_ =	shalt  }
0x62: {  	_ =	shalt  }
0x63: {  	_ =	shalt  }
0x64: {  	_ =	shalt  }
0x65: {  	_ =	shalt  }
0x66: {  	_ =	shalt  }
0x67: {  	_ =	shalt  }
0x68: {  	_ =	shalt  }
0x69: {  	_ =	shalt  }
0x6a: {  	_ =	shalt  }
0x6b: {  	_ =	shalt  }
0x6c: {  	_ =	shalt  }
0x6d: {  	_ =	shalt  }
0x6e: {  	_ =	shalt  }
0x6f: {  	_ =	shalt  }
0x70: {  	_ =	shalt  }
0x71: {  	_ =	shalt  }
0x72: {  	_ =	shalt  }
0x73: {  	_ =	shalt  }
0x74: {  	_ =	shalt  }
0x75: {  	_ =	shalt  }
0x76: {  	_ =	shalt  }
0x77: {  	_ =	shalt  }
0x78: {  	_ =	shalt  }
0x79: {  	_ =	shalt  }
0x7a: {  	_ =	shalt  }
0x7b: {  	_ =	shalt  }
0x7c: {  	_ =	shalt  }
0x7d: {  	_ =	shalt  }
0x7e: {  	_ =	shalt  }
0x7f: {  	_ =	shalt  }
0x80: {  	_ =	shalt  }
0x81: {  	_ =	shalt  }
0x82: {  	_ =	shalt  }
0x83: {  	_ =	shalt  }
0x84: {  	_ =	shalt  }
0x85: {  	_ =	shalt  }
0x86: {  	_ =	shalt  }
0x87: {  	_ =	shalt  }
.Lfunc_end0:
.L_simem_size_0:
called_computation_lowered:
.L_overlay_start_0:
0x88: {  	s2 =	sld [smem:$0x3FD9]  }
0x89: {  	s3 =	sld [smem:$0x3FFE];
	_ =	sdelay $0x1  }
0x8a: {  	s1 =	srdreg.scid  }
0x8b: {  	s0 =	sand.u32 $0x1, s1  }
0x8c: {  	s17 =	sshll.u32 s0, $0xA;
	s2 =	sadd.s32 s3, s2  }
0x8d: {  	s2 =	sadd.s32 s2, s17  }
0x8e: {  	[smem:$0x3FC1] =	sst s2  }
0x8f: {  	_ = 	snop  }
0x90: {  	s2 =	sld [smem:$0x3FC9]  }
0x91: {  	s18 =	sld [smem:$0x3FC8]  }
0x92: {  	s4 =	sld [smem:$0x3FC7]  }
0x93: {  	s5 =	sld [smem:$0x3FC6]  }
0x94: {  	s6 =	sld [smem:$0x3FC5]  }
0x95: {  	s7 =	sld [smem:$0x3FC4];
	(tm) =	ssettm $0x1  }
0x96: {  	s8 =	sld [smem:$0x3FFB];
	_ =	sdelay $0x3  }
0x97: {  	_ =	strace s8  }
0x98: {  	s8 =	sld [smem:$0x3FFC];
	_ =	sdelay $0x3  }
0x99: {  	_ =	strace s8  }
0x9a: {  	s8 =	sld [smem:$0x3FFD];
	_ =	sdelay $0x3  }
0x9b: {  	_ =	strace s8  }
0x9c: {  	_ =	strace $0x8FFFFFFF  }
0x9d: {  	s19 =	sld [smem:$0x3FDB];
	_ =	sdelay $0x1  }
0x9e: {  	s9 =	simm.s32 $_scs_section_size  }
0x9f: {  	s10 =	simm.s32 $_size__tile_overlayer_lowered;
	s11 =	simm.s32 $_tile_overlayer_lowered  }
0xa0: {  	s22 =	simm.s32 $0x1BFF;
	s21 =	sshll.u32 s11, $0x1;
	s8 =	sadd.s32 s9, s19  }
0xa1: {  	s12 =	simm.s32 $0x0;
	s20 =	sshll.u32 s10, $0x1;
	s10 =	sadd.s32 s21, s8  }
0xa2: {  	[timem:s12], [sflag:s22] =	dma.local [hbm:s10], s20  }
0xa3: {  	_ =	swait.ge [sflag:s22], s20  }
0xa4: {  	s9 =	ssub.s32 $0x0, s20;
	[sflag:s22] =	ssyncset.done $0x0  }
0xa5: {  	[sflag:s22] =	ssyncadd.s32 s9;
	_ =	sdelay $0x1  }
0xa6: {  	s23 =	simm.s32 $0x1B8B  }
0xa7: {  	_ =	swait.ge [sflag:s23], $0x1  }
0xa8: {  	[sflag:s23] =	ssyncset.done $0x0  }
0xa9: {  	s25 =	simm.s32 $0x1B8E;
	s24 =	sld [smem:$0x3FFE];
	[sflag:s23] =	ssyncadd.s32 $0xFFFFFFFF  }
0xaa: {  	s26 =	simm.s32 $execute0_lowered;
	[smem:$0x3FD2] =	sst s25  }
0xab: {  	s10 =	sshll.u32 s26, $0x1;
	_ =	strace $0x80000046;
	[dreg:$0x1] =	wrdreg $0xFFFFFFFF  }
0xac: {  	s28 =	simm.s32 $_size_execute0_lowered;
	s8 =	sadd.s32 s8, s10;
	[dreg:$0x0] =	wrdreg $0x0  }
0xad: {  	s10 =	sshll.u32 s28, $0x1;
	[dreg:$0x2] =	wrdreg s8  }
0xae: {  	[dreg:$0x3] =	wrdreg s10  }
0xaf: {  	[dreg:$0x4] =	wrdreg $0xC0  }
0xb0: {  	_ =	task [dreg:s12], $0x5FFFF  }
0xb1: {  	[dreg:$0x1] =	wrdreg $0xFFFFFFFF  }
0xb2: {  	[dreg:$0x0] =	wrdreg $0x60  }
0xb3: {  	[dreg:$0x2] =	wrdreg s2  }
0xb4: {  	[dreg:$0x3] =	wrdreg s18  }
0xb5: {  	[dreg:$0x4] =	wrdreg s4  }
0xb6: {  	[dreg:$0x5] =	wrdreg s5  }
0xb7: {  	[dreg:$0x6] =	wrdreg s6  }
0xb8: {  	[dreg:$0x7] =	wrdreg s7  }
0xb9: {  	[dreg:$0x8] =	wrdreg s24  }
0xba: {  	[dreg:$0x9] =	wrdreg $0x24000  }
0xbb: {  	[dreg:$0xa] =	wrdreg $0x9  }
0xbc: {  	_ =	task.clear_ibuf [dreg:s12], $0xBFFFF;
	_ =	strace $0x90000046  }
0xbd: {  	s29 =	simm.s32 $0x9;
	_ =	strace $0x80000048  }
0xbe: {  	_ =	swait.ge [sflag:s29], $0x1  }
0xbf: {  	[sflag:s29] =	ssyncadd.s32 $0xFFFFFFFF  }
0xc0: {  	_ =	strace $0x90000048  }
0xc1: {  	_ =	sfence  }
0xc2: {  	s30 =	sld [smem:$0x0];
	_ =	sdelay $0x2  }
0xc3: {  	s31 =	sshll.u32 s1, $0xD;
	s1 =	sshrl.u32 s1, $0x2  }
0xc4: {  	s3 =	sand.u32 $0x4000, s31;
	s1 =	sadd.s32 s1, s30  }
0xc5: {  	s0 =	sor.u32 s3, s0;
	s1 =	sshll.u32 s1, $0x11  }
0xc6: {  	s0 =	sor.u32 s1, s0  }
0xc7: {  	s0 =	sadd.s32 $0x8F2B, s0  }
0xc8: {  	[sflag:s0] =	ssyncadd.remote.s32 $0x1  }
0xc9: {  	_ =	sfence.sel $0xFFFF  }
0xca: {  	[dreg:$0x0] =	wrdreg $0xFFFFFFFF;
	(pc) =	sbr.abs _section_cstart, $3  }
0xcb: {  	[dreg:$0x1] =	wrdreg $0xFFFFFFFF  }
0xcc: {  	_ =	task.clear_ibuf [dreg:s12], $0x2FFFF;
	_ =	strace $0x9FFFFFFF  }
0xcd: {  	(tm) =	ssettm $0x7FFFFFFF  }
tec
execute0_lowered:
.L_overlay_start_1:
0x0: {  	(tag) =	ssettag $0x1  }
0x1: {  	s0 =	rddreg [dreg:$0x0]  }
0x2: {  	s1 =	rddreg [dreg:$0x1]  }
0x3: {  	s3 =	rddreg [dreg:$0x2]  }
0x4: {  	s2 =	rddreg [dreg:$0x3]  }
0x5: {  	s4 =	rddreg [dreg:$0x4]  }
0x6: {  	s5 =	rddreg [dreg:$0x5]  }
0x7: {  	s6 =	rddreg [dreg:$0x6]  }
0x8: {  	s18 =	rddreg [dreg:$0x7]  }
0x9: {  	s7 =	simm.s32 $0x0;
	s8 =	srdreg.scid;
	s13 =	stileid.u32  }
0xa: {  	s30 =	simm.s32 $0x2880;
	s8 =	sand.u32 $0x1, s8;
	s9 =	sshll.u32 s13, $0x1  }
0xb: {  	[smem:$0x7FF] =	sst s7;
	s9 =	sor.u32 s8, s9;
	s10 =	ssub.s32 $0x2, s8  }
0xc: {  	_ =	strace $0x80000047;
	s11 =	sshll.u32 s9, $0x6;
	s12 =	sshrl.u32 s10, $0x1  }
0xd: {  	s8 =	sadd.s32 $0x200, s6;
	s11 =	sadd.s32 s11, s6;
	s10 =	ssub.s32 s10, s12  }
0xe: {  	s6 =	sshll.u32 s13, $0x9;
	s12 =	sshll.u32 s9, $0x11;
	s13 =	sshll.u32 s13, $0x6  }
0xf: {  	s9 =	sshll.u32 s9, $0xE;
	s14 =	sor.u32 $0x80, s6;
	s15 =	sadd.s32 s5, s13  }
0x10: {  	s16 =	sor.u32 $0x100, s6;
	s17 =	sor.u32 $0x180, s6;
	s2 =	sadd.s32 s2, s13  }
0x11: {  	s22 =	sor.u32 $0x400, s9;
	s23 =	sadd.s32 s0, s9;
	[dreg:$0x9] =	wrdreg s15  }
0x12: {  	s26 =	sadd.s32 s1, s9;
	s28 =	sor.u32 $0x800, s9;
	[dreg:$0xd] =	wrdreg s2  }
0x13: {  	s29 =	sadd.s32 s4, s9;
	s13 =	sor.u32 $0xC00, s9;
	[dreg:$0xe] =	wrdreg s23  }
0x14: {  	s31 =	sor.u32 $0x8000, s12;
	s19 =	sshrl.u32 s14, $0x3;
	[dreg:$0x12] =	wrdreg s26  }
0x15: {  	s20 =	sshrl.u32 s16, $0x3;
	s24 =	sadd.s32 s0, s22;
	[dreg:$0x13] =	wrdreg s29  }
0x16: {  	s21 =	sshrl.u32 s17, $0x3;
	s25 =	sadd.s32 s1, s22;
	[dreg:$0xf] =	wrdreg s24  }
0x17: {  	s2 =	sadd.s32 s4, s22;
	s22 =	sadd.s32 s4, s13;
	[dreg:$0x10] =	wrdreg s25  }
0x18: {  	s23 =	sadd.s32 s6, s18;
	s26 =	sadd.s32 s17, s18;
	[dreg:$0x11] =	wrdreg s2  }
0x19: {  	s6 =	sor.u32 $0xE000, s12;
	s29 =	smax.u32 s10, $0x1;
	[dreg:$0x19] =	wrdreg s22  }
0x1a: {  	s17 =	simm.s32 $0x8C00;
	s15 =	sadd.s32 s5, s19;
	[dreg:$0x1a] =	wrdreg s23  }
0x1b: {  	s19 =	sadd.s32 s1, s28;
	s2 =	sadd.s32 s4, s28;
	[dreg:$0x1d] =	wrdreg s26  }
0x1c: {  	s24 =	sadd.s32 s14, s18;
	s25 =	sadd.s32 s16, s18;
	[dreg:$0x1f] =	wrdreg s29  }
0x1d: {  	s14 =	simm.s32 $0x2780;
	s16 =	simm.s32 $0x80;
	[dreg:$0xa] =	wrdreg s15  }
0x1e: {  	s18 =	simm.s32 $0x10C00;
	s22 =	simm.s32 $0x1;
	[dreg:$0x15] =	wrdreg s19  }
0x1f: {  	s23 =	simm.s32 $0x2;
	s26 =	simm.s32 $0x0;
	[dreg:$0x16] =	wrdreg s2  }
0x20: {  	s15 =	sadd.s32 s5, s20;
	s5 =	sadd.s32 s5, s21;
	[dreg:$0x1b] =	wrdreg s24  }
0x21: {  	s20 =	sadd.s32 s0, s13;
	s21 =	sadd.s32 s1, s13;
	[dreg:$0x1c] =	wrdreg s25  }
0x22: {  	s2 =	sor.u32 $0xA000, s12;
	s13 =	simm.s32 $0x2700;
	[dreg:$0xb] =	wrdreg s15  }
0x23: {  	s19 =	simm.s32 $0x18C00;
	s24 =	simm.s32 $0x3;
	[dreg:$0xc] =	wrdreg s5  }
0x24: {  	s25 =	simm.s32 $0x4;
	s15 =	sadd.s32 s0, s28;
	[dreg:$0x17] =	wrdreg s20  }
0x25: {  	[dreg:$0x18] =	wrdreg s21;
	s5 =	sor.u32 $0xC000, s12;
	s28 =	sadd.s32 $0xA00, s11  }
0x26: {  	s12 =	simm.s32 $0x2680;
	s20 =	simm.s32 $0x2800;
	[dreg:$0x14] =	wrdreg s15  }
0x27: {  	s21 =	simm.s32 $0x6;
	[dreg:$0x1e] =	wrdreg s28;
	s15 =	simm.s32 $0x5  }
.LBB2_1:
0x28: {  	s9 =	rddreg [dreg:$0x9];
	s10 =	simm.s32 $0x2600  }
0x29: {  	[tilespmem:s10], [sflag:$0x5] =	stream.linear.gather [hbm4b:s9+s7], $0x80, $0x38;
	[tilespmem:$0x1AC00] =	vst v63  }
0x2a: {  	s11 =	rddreg [dreg:$0xa]  }
0x2b: {  	[tilespmem:s12], [sflag:$0x5] =	stream.linear.gather [hbm4b:s11+s7], $0x80, $0x38;
	[tilespmem:$0x1AC00] =	vst v63  }
0x2c: {  	s11 =	rddreg [dreg:$0xb]  }
0x2d: {  	[tilespmem:s13], [sflag:$0x5] =	stream.linear.gather [hbm4b:s11+s7], $0x80, $0x38;
	[tilespmem:$0x1AC00] =	vst v63  }
0x2e: {  	s11 =	rddreg [dreg:$0xc]  }
0x2f: {  	[tilespmem:s14], [sflag:$0x5] =	stream.linear.gather [hbm4b:s11+s7], $0x80, $0x38;
	[tilespmem:$0x1AC00] =	vst v63  }
0x30: {  	s9 =	rddreg [dreg:$0xd];
	s11 =	simm.s32 $0x2000  }
0x31: {  	[tilespmem:s11], [sflag:$0x5] =	stream.linear.gather [hbm4b:s9+s7], $0x200, $0x38;
	[tilespmem:$0x1AC00] =	vst v63  }
0x32: {  	_ =	swait.ge [sflag:s15], $0x80  }
0x33: {  	[sflag:s15] =	ssyncset.done $0x0  }
0x34: {  	[sflag:s15] =	ssyncadd.s32 $0xFFFFFF80  }
0x35: {  	_ =	swait.ge [sflag:s15], $0x80  }
0x36: {  	[sflag:s15] =	ssyncset.done $0x0  }
0x37: {  	[sflag:s15] =	ssyncadd.s32 $0xFFFFFF80  }
0x38: {  	_ =	swait.ge [sflag:s15], $0x80  }
0x39: {  	[sflag:s15] =	ssyncset.done $0x0  }
0x3a: {  	[sflag:s15] =	ssyncadd.s32 $0xFFFFFF80  }
0x3b: {  	_ =	swait.ge [sflag:s15], $0x80  }
0x3c: {  	[sflag:s15] =	ssyncset.done $0x0  }
0x3d: {  	[sflag:s15] =	ssyncadd.s32 $0xFFFFFF80  }
0x3e: {  	[tilespmem:s20], [sflag:$0x5] =	stream.indirect.gather [hbm4b:s3+s16], $0x1, s10, s16, $0xb8;
	[tilespmem:$0x1AC00] =	vst v63  }
0x3f: {  	_ = 	snop  }
0x40: {  	[tilespmem:s30], [sflag:$0x5] =	stream.indirect.gather [hbm4b:s3+s16], $0x1, s12, s16, $0xb8;
	[tilespmem:$0x1AC00] =	vst v63  }
0x41: {  	s11 =	simm.s32 $0x2900  }
0x42: {  	[tilespmem:s11], [sflag:$0x5] =	stream.indirect.gather [hbm4b:s3+s16], $0x1, s13, s16, $0xb8;
	[tilespmem:$0x1AC00] =	vst v63  }
0x43: {  	s11 =	simm.s32 $0x2980  }
0x44: {  	[tilespmem:s11], [sflag:$0x5] =	stream.indirect.gather [hbm4b:s3+s16], $0x1, s14, s16, $0xb8;
	[tilespmem:$0x1AC00] =	vst v63  }
0x45: {  	s9 =	simm.s32 $0x2A00  }
0x46: {  	[tilespmem:s9], [sflag:$0x5] =	stream.indirect.gather [hbm4b:s8+s16], $0x1, s10, s16, $0xb8;
	[tilespmem:$0x1AC00] =	vst v63  }
0x47: {  	s11 =	simm.s32 $0x2A80  }
0x48: {  	[tilespmem:s11], [sflag:$0x5] =	stream.indirect.gather [hbm4b:s8+s16], $0x1, s12, s16, $0xb8;
	[tilespmem:$0x1AC00] =	vst v63  }
0x49: {  	s11 =	simm.s32 $0x2B00  }
0x4a: {  	[tilespmem:s11], [sflag:$0x5] =	stream.indirect.gather [hbm4b:s8+s16], $0x1, s13, s16, $0xb8;
	[tilespmem:$0x1AC00] =	vst v63  }
0x4b: {  	s11 =	simm.s32 $0x2B80  }
0x4c: {  	[tilespmem:s11], [sflag:$0x5] =	stream.indirect.gather [hbm4b:s8+s16], $0x1, s14, s16, $0xb8;
	[tilespmem:$0x1AC00] =	vst v63  }
0x4d: {  	s10 =	rddreg [dreg:$0xe];
	s11 =	simm.s32 $0x2C00  }
0x4e: {  	[tilespmem:s11], [sflag:$0x1] =	stream.linear.gather [hbm4b:s10+s7], $0x2000, $0x38;
	[tilespmem:$0x1AC00] =	vst v63  }
0x4f: {  	s10 =	rddreg [dreg:$0x12];
	s11 =	simm.s32 $0xAC00  }
0x50: {  	[tilespmem:s11], [sflag:$0x1] =	stream.linear.gather [hbm4b:s10+s7], $0x2000, $0x38;
	[tilespmem:$0x1AC00] =	vst v63  }
0x51: {  	s10 =	rddreg [dreg:$0x13];
	s11 =	simm.s32 $0x12C00  }
0x52: {  	[tilespmem:s11], [sflag:$0x1] =	stream.linear.gather [hbm4b:s10+s7], $0x2000, $0x38;
	[tilespmem:$0x1AC00] =	vst v63  }
0x53: {  	s10 =	rddreg [dreg:$0xf];
	s11 =	simm.s32 $0x4C00  }
0x54: {  	[tilespmem:s11], [sflag:$0x2] =	stream.linear.gather [hbm4b:s10+s7], $0x2000, $0x38;
	[tilespmem:$0x1AC00] =	vst v63  }
0x55: {  	s10 =	rddreg [dreg:$0x10];
	s11 =	simm.s32 $0xCC00  }
0x56: {  	[tilespmem:s11], [sflag:$0x2] =	stream.linear.gather [hbm4b:s10+s7], $0x2000, $0x38;
	[tilespmem:$0x1AC00] =	vst v63  }
0x57: {  	s10 =	rddreg [dreg:$0x11];
	s11 =	simm.s32 $0x14C00  }
0x58: {  	[tilespmem:s11], [sflag:$0x2] =	stream.linear.gather [hbm4b:s10+s7], $0x2000, $0x38;
	[tilespmem:$0x1AC00] =	vst v63  }
0x59: {  	s10 =	rddreg [dreg:$0x14];
	s11 =	simm.s32 $0x6C00  }
0x5a: {  	[tilespmem:s11], [sflag:$0x3] =	stream.linear.gather [hbm4b:s10+s7], $0x2000, $0x38;
	[tilespmem:$0x1AC00] =	vst v63  }
0x5b: {  	s10 =	rddreg [dreg:$0x15];
	s11 =	simm.s32 $0xEC00  }
0x5c: {  	[tilespmem:s11], [sflag:$0x3] =	stream.linear.gather [hbm4b:s10+s7], $0x2000, $0x38;
	[tilespmem:$0x1AC00] =	vst v63  }
0x5d: {  	s10 =	rddreg [dreg:$0x16];
	s11 =	simm.s32 $0x16C00  }
0x5e: {  	[tilespmem:s11], [sflag:$0x3] =	stream.linear.gather [hbm4b:s10+s7], $0x2000, $0x38;
	[tilespmem:$0x1AC00] =	vst v63  }
0x5f: {  	s11 =	rddreg [dreg:$0x17]  }
0x60: {  	[tilespmem:s17], [sflag:$0x4] =	stream.linear.gather [hbm4b:s11+s7], $0x2000, $0x38;
	[tilespmem:$0x1AC00] =	vst v63  }
0x61: {  	s11 =	rddreg [dreg:$0x18]  }
0x62: {  	[tilespmem:s18], [sflag:$0x4] =	stream.linear.gather [hbm4b:s11+s7], $0x2000, $0x38;
	[tilespmem:$0x1AC00] =	vst v63  }
0x63: {  	s11 =	rddreg [dreg:$0x19]  }
0x64: {  	[tilespmem:s19], [sflag:$0x4] =	stream.linear.gather [hbm4b:s11+s7], $0x2000, $0x38;
	[tilespmem:$0x1AC00] =	vst v63  }
0x65: {  	_ =	swait.ge [sflag:s15], $0x80  }
0x66: {  	[sflag:s15] =	ssyncset.done $0x0  }
0x67: {  	[sflag:s15] =	ssyncadd.s32 $0xFFFFFF80  }
0x68: {  	_ =	swait.ge [sflag:s15], $0x80  }
0x69: {  	[sflag:s15] =	ssyncset.done $0x0  }
0x6a: {  	[sflag:s15] =	ssyncadd.s32 $0xFFFFFF80  }
0x6b: {  	_ =	swait.ge [sflag:s15], $0x80  }
0x6c: {  	[sflag:s15] =	ssyncset.done $0x0  }
0x6d: {  	[sflag:s15] =	ssyncadd.s32 $0xFFFFFF80  }
0x6e: {  	_ =	swait.ge [sflag:s15], $0x80  }
0x6f: {  	[sflag:s15] =	ssyncset.done $0x0  }
0x70: {  	[sflag:s15] =	ssyncadd.s32 $0xFFFFFF80  }
0x71: {  	_ =	swait.ge [sflag:s15], $0x80  }
0x72: {  	[sflag:s15] =	ssyncset.done $0x0  }
0x73: {  	[sflag:s15] =	ssyncadd.s32 $0xFFFFFF80  }
0x74: {  	_ =	swait.ge [sflag:s15], $0x80  }
0x75: {  	[sflag:s15] =	ssyncset.done $0x0  }
0x76: {  	[sflag:s15] =	ssyncadd.s32 $0xFFFFFF80  }
0x77: {  	_ =	swait.ge [sflag:s15], $0x80  }
0x78: {  	[sflag:s15] =	ssyncset.done $0x0  }
0x79: {  	[sflag:s15] =	ssyncadd.s32 $0xFFFFFF80  }
0x7a: {  	_ =	swait.ge [sflag:s15], $0x80  }
0x7b: {  	[sflag:s15] =	ssyncset.done $0x0  }
0x7c: {  	[sflag:s15] =	ssyncadd.s32 $0xFFFFFF80  }
0x7d: {  	_ =	swait.ge [sflag:s15], $0x200  }
0x7e: {  	[sflag:s15] =	ssyncset.done $0x0  }
0x7f: {  	[sflag:s15] =	ssyncadd.s32 $0xFFFFFE00  }
0x80: {  	v1 =	vld [tilespmem:s9+$0x0]  }
0x81: {  	v2 =	vld [tilespmem:s20+$0x0];
	_ =	sdelay $0x2  }
0x82: {  	s9 =	simm.s32 $0x2810  }
0x83: {  	s10 =	simm.s32 $0x2A10;
	v0 =	vld [tilespmem:s9+$0x0];
	vm0 =	vgt.f32 v1, $5.000000000e-01  }
0x84: {  	s28 =	simm.s32 $0x2820;
	s29 =	simm.s32 $0x2800;
	s11 =	simm.s32 $0x10;
	v1 =	vld [tilespmem:s10+$0x0];
	v2 =	vnsel vm0, $0xCE6E6B28, v2  }
.LBB2_2:
0x85: {  	s11 =	sadd.s32 $0x10, s11  }
0x86: {  	v3 =	vld [tilespmem:s28+$0x0];
	[tilespmem:s29+$0x0] =	vst v2;
	s29 =	smov.u32 s9;
	s9 =	smov.u32 s28;
	p0 =	slt.u32 s11, $0x70  }
.Ltmp0:
0x87: {  	(pc) =	sbr.rel @p0 .LBB2_2-.Ltmp0, $3  }
0x88: {  	_ =	sdelay $0x1  }
0x89: {  	s10 =	sadd.s32 $0x10, s10;
	vm0 =	vgt.f32 v1, $5.000000000e-01  }
0x8a: {  	s28 =	sadd.s32 $0x10, s28;
	v1 =	vld [tilespmem:s10+$0x0];
	v2 =	vnsel vm0, $0xCE6E6B28, v0;
	v0 =	vmov v3  }
0x8b: {  	_ =	sdelay $0x3  }
0x8c: {  	vm0 =	vgt.f32 v1, $5.000000000e-01  }
0x8d: {  	[tilespmem:s29+$0x0] =	vst v2;
	v0 =	vnsel vm0, $0xCE6E6B28, v0  }
0x8e: {  	[tilespmem:s9+$0x0] =	vst v0  }
0x8f: {  	s9 =	rddreg [dreg:$0x1a]  }
0x90: {  	[spmem:s9] =	stream.linear.scatter [tilespmem:s20], [sflag:$0x6], $0x80, $0x38;
	[tilespmem:$0x1AC00] =	vst v63  }
0x91: {  	_ =	swait.ge [sflag:s21], $0x80  }
0x92: {  	[sflag:s21] =	ssyncset.done $0x0  }
0x93: {  	s10 =	simm.s32 $0x2A80;
	[sflag:s21] =	ssyncadd.s32 $0xFFFFFF80  }
0x94: {  	s9 =	simm.s32 $0x2880;
	v1 =	vld [tilespmem:s10+$0x0]  }
0x95: {  	v2 =	vld [tilespmem:s9+$0x0];
	_ =	sdelay $0x2  }
0x96: {  	s10 =	simm.s32 $0x2890  }
0x97: {  	s11 =	simm.s32 $0x2A90;
	v0 =	vld [tilespmem:s10+$0x0];
	vm15 =	vgt.f32 v1, $5.000000000e-01  }
0x98: {  	s28 =	simm.s32 $0x10;
	s29 =	simm.s32 $0x28A0;
	v1 =	vld [tilespmem:s11+$0x0];
	v2 =	vnsel vm15, $0xCE6E6B28, v2  }
.LBB2_4:
0x99: {  	s28 =	sadd.s32 $0x10, s28  }
0x9a: {  	v3 =	vld [tilespmem:s29+$0x0];
	[tilespmem:s9+$0x0] =	vst v2;
	s9 =	smov.u32 s10;
	s10 =	smov.u32 s29;
	p0 =	slt.u32 s28, $0x70  }
.Ltmp1:
0x9b: {  	(pc) =	sbr.rel @p0 .LBB2_4-.Ltmp1, $3  }
0x9c: {  	_ =	sdelay $0x1  }
0x9d: {  	s11 =	sadd.s32 $0x10, s11;
	vm0 =	vgt.f32 v1, $5.000000000e-01  }
0x9e: {  	s29 =	sadd.s32 $0x10, s29;
	v1 =	vld [tilespmem:s11+$0x0];
	v2 =	vnsel vm0, $0xCE6E6B28, v0;
	v0 =	vmov v3  }
0x9f: {  	_ =	sdelay $0x3  }
0xa0: {  	vm0 =	vgt.f32 v1, $5.000000000e-01  }
0xa1: {  	[tilespmem:s9+$0x0] =	vst v2;
	v0 =	vnsel vm0, $0xCE6E6B28, v0  }
0xa2: {  	[tilespmem:s10+$0x0] =	vst v0  }
0xa3: {  	s9 =	rddreg [dreg:$0x1b]  }
0xa4: {  	[spmem:s9] =	stream.linear.scatter [tilespmem:s30], [sflag:$0x6], $0x80, $0x38;
	[tilespmem:$0x1AC00] =	vst v63  }
0xa5: {  	_ =	swait.ge [sflag:s21], $0x80  }
0xa6: {  	[sflag:s21] =	ssyncset.done $0x0  }
0xa7: {  	s30 =	simm.s32 $0x2B00;
	[sflag:s21] =	ssyncadd.s32 $0xFFFFFF80  }
0xa8: {  	s9 =	simm.s32 $0x2900;
	v1 =	vld [tilespmem:s30+$0x0]  }
0xa9: {  	v2 =	vld [tilespmem:s9+$0x0];
	_ =	sdelay $0x2  }
0xaa: {  	s10 =	simm.s32 $0x2910  }
0xab: {  	s11 =	simm.s32 $0x2B10;
	v0 =	vld [tilespmem:s10+$0x0];
	vm15 =	vgt.f32 v1, $5.000000000e-01  }
0xac: {  	s28 =	simm.s32 $0x10;
	s29 =	simm.s32 $0x2920;
	v1 =	vld [tilespmem:s11+$0x0];
	v2 =	vnsel vm15, $0xCE6E6B28, v2  }
.LBB2_6:
0xad: {  	s28 =	sadd.s32 $0x10, s28  }
0xae: {  	v3 =	vld [tilespmem:s29+$0x0];
	[tilespmem:s9+$0x0] =	vst v2;
	s9 =	smov.u32 s10;
	s10 =	smov.u32 s29;
	p0 =	slt.u32 s28, $0x70  }
.Ltmp2:
0xaf: {  	(pc) =	sbr.rel @p0 .LBB2_6-.Ltmp2, $3  }
0xb0: {  	_ =	sdelay $0x1  }
0xb1: {  	s11 =	sadd.s32 $0x10, s11;
	vm0 =	vgt.f32 v1, $5.000000000e-01  }
0xb2: {  	s29 =	sadd.s32 $0x10, s29;
	v1 =	vld [tilespmem:s11+$0x0];
	v2 =	vnsel vm0, $0xCE6E6B28, v0;
	v0 =	vmov v3  }
0xb3: {  	_ =	sdelay $0x3  }
0xb4: {  	vm0 =	vgt.f32 v1, $5.000000000e-01  }
0xb5: {  	[tilespmem:s9+$0x0] =	vst v2;
	v0 =	vnsel vm0, $0xCE6E6B28, v0  }
0xb6: {  	[tilespmem:s10+$0x0] =	vst v0  }
0xb7: {  	s11 =	simm.s32 $0x2900;
	s9 =	rddreg [dreg:$0x1c]  }
0xb8: {  	[spmem:s9] =	stream.linear.scatter [tilespmem:s11], [sflag:$0x6], $0x80, $0x38;
	[tilespmem:$0x1AC00] =	vst v63  }
0xb9: {  	_ =	swait.ge [sflag:s21], $0x80  }
0xba: {  	[sflag:s21] =	ssyncset.done $0x0  }
0xbb: {  	s30 =	simm.s32 $0x2B80;
	[sflag:s21] =	ssyncadd.s32 $0xFFFFFF80  }
0xbc: {  	s9 =	simm.s32 $0x2980;
	v1 =	vld [tilespmem:s30+$0x0]  }
0xbd: {  	v2 =	vld [tilespmem:s9+$0x0];
	_ =	sdelay $0x2  }
0xbe: {  	s10 =	simm.s32 $0x2990  }
0xbf: {  	s11 =	simm.s32 $0x2B90;
	v0 =	vld [tilespmem:s10+$0x0];
	vm15 =	vgt.f32 v1, $5.000000000e-01  }
0xc0: {  	s28 =	simm.s32 $0x10;
	s29 =	simm.s32 $0x29A0;
	v1 =	vld [tilespmem:s11+$0x0];
	v2 =	vnsel vm15, $0xCE6E6B28, v2  }
.LBB2_8:
0xc1: {  	s28 =	sadd.s32 $0x10, s28  }
0xc2: {  	v3 =	vld [tilespmem:s29+$0x0];
	[tilespmem:s9+$0x0] =	vst v2;
	s9 =	smov.u32 s10;
	s10 =	smov.u32 s29;
	p0 =	slt.u32 s28, $0x70  }
.Ltmp3:
0xc3: {  	(pc) =	sbr.rel @p0 .LBB2_8-.Ltmp3, $3  }
0xc4: {  	_ =	sdelay $0x1  }
0xc5: {  	s11 =	sadd.s32 $0x10, s11;
	vm0 =	vgt.f32 v1, $5.000000000e-01  }
0xc6: {  	s29 =	sadd.s32 $0x10, s29;
	v1 =	vld [tilespmem:s11+$0x0];
	v2 =	vnsel vm0, $0xCE6E6B28, v0;
	v0 =	vmov v3  }
0xc7: {  	_ =	sdelay $0x3  }
0xc8: {  	vm0 =	vgt.f32 v1, $5.000000000e-01  }
0xc9: {  	[tilespmem:s9+$0x0] =	vst v2;
	v0 =	vnsel vm0, $0xCE6E6B28, v0  }
0xca: {  	[tilespmem:s10+$0x0] =	vst v0  }
0xcb: {  	s29 =	simm.s32 $0x2980;
	s9 =	rddreg [dreg:$0x1d]  }
0xcc: {  	[spmem:s9] =	stream.linear.scatter [tilespmem:s29], [sflag:$0x6], $0x80, $0x38;
	[tilespmem:$0x1AC00] =	vst v63  }
0xcd: {  	_ =	swait.ge [sflag:s21], $0x80  }
0xce: {  	[sflag:s21] =	ssyncset.done $0x0  }
0xcf: {  	[sflag:s21] =	ssyncadd.s32 $0xFFFFFF80  }
0xd0: {  	v5 =	vimm.f32 $0.0e+00;
	[bflag:$0x0] =	sbarrier.arrive $0xFFFF  }
0xd1: {  	s28 =	simm.s32 $0x0;
	v3 =	vimm.f32 $0.0e+00;
	v4 =	vimm.f32 $0.0e+00;
	v8 =	vimm.f32 $0.0e+00;
	s30 =	rddreg [dreg:$0x7]  }
0xd2: {  	v9 =	vimm.f32 $0.0e+00;
	v63 =	vimm.f32 $0.0e+00;
	v6 =	vimm.f32 $0.0e+00;
	[tilespmem:s28], [sflag:$0x6] =	stream.linear.gather [spmem:s30], $0x2000, $0x38;
	[tilespmem:$0x1AC00] =	vst v63  }
0xd3: {  	v7 =	vimm.f32 $0.0e+00;
	v13 =	vimm.f32 $0.0e+00;
	v10 =	vimm.f32 $0.0e+00;
	_ =	swait.ge [sflag:s21], $0x2000  }
0xd4: {  	v11 =	vimm.f32 $0.0e+00;
	v12 =	vimm.f32 $0.0e+00;
	v14 =	vimm.f32 $0.0e+00;
	[sflag:s21] =	ssyncset.done $0x0  }
0xd5: {  	v15 =	vimm.f32 $0.0e+00;
	v2 =	vimm.f32 $0.0e+00;
	v1 =	vimm.f32 $0.0e+00;
	[sflag:s21] =	ssyncadd.s32 $0xFFFFE000  }
.LBB2_10:
0xd6: {  	_ =	swait.ge [sflag:s22], $0x2000  }
0xd7: {  	[sflag:s22] =	ssyncset.done $0x0  }
0xd8: {  	[sflag:s22] =	ssyncadd.s32 $0xFFFFE000  }
0xd9: {  	_ =	swait.ge [sflag:s22], $0x2000  }
0xda: {  	[sflag:s22] =	ssyncset.done $0x0  }
0xdb: {  	[sflag:s22] =	ssyncadd.s32 $0xFFFFE000  }
0xdc: {  	_ =	swait.ge [sflag:s22], $0x2000  }
0xdd: {  	[sflag:s22] =	ssyncset.done $0x0  }
0xde: {  	s9 =	simm.s32 $0x12C40;
	[sflag:s22] =	ssyncadd.s32 $0xFFFFE000  }
0xdf: {  	s10 =	simm.s32 $0x2C40;
	v19 =	vld [tilespmem:s9+$0x0]  }
0xe0: {  	v20 =	vld [tilespmem:s10+$0xFFFFFFD0]  }
0xe1: {  	s11 =	simm.s32 $0xAC40;
	v21 =	vld [tilespmem:s10+$0xFFFFFFC0]  }
0xe2: {  	v28 =	vld [tilespmem:s11+$0xFFFFFFE0]  }
0xe3: {  	v25 =	vld [tilespmem:s11+$0x20]  }
0xe4: {  	v22 =	vld [tilespmem:s10+$0x20]  }
0xe5: {  	v33 =	vld [tilespmem:s11+$0xFFFFFFF0]  }
0xe6: {  	v16 =	vld [tilespmem:s11+$0xFFFFFFD0]  }
0xe7: {  	v0 =	vld [tilespmem:s11+$0xFFFFFFC0]  }
0xe8: {  	v17 =	vld [tilespmem:s11+$0x10]  }
0xe9: {  	v31 =	vld [tilespmem:s11+$0x30]  }
0xea: {  	v23 =	vld [tilespmem:s10+$0xFFFFFFE0]  }
0xeb: {  	v29 =	vld [tilespmem:s11+$0x0]  }
0xec: {  	v24 =	vld [tilespmem:s9+$0x20]  }
0xed: {  	v26 =	vld [tilespmem:s10+$0x0]  }
0xee: {  	v27 =	vld [tilespmem:s9+$0xFFFFFFE0]  }
0xef: {  	v30 =	vld [tilespmem:s9+$0xFFFFFFC0]  }
0xf0: {  	v34 =	vld [tilespmem:s9+$0x10]  }
0xf1: {  	v35 =	vld [tilespmem:s9+$0xFFFFFFD0]  }
0xf2: {  	v36 =	vld [tilespmem:s9+$0xFFFFFFF0]  }
0xf3: {  	v37 =	vld [tilespmem:s9+$0x30]  }
0xf4: {  	v39 =	vld [tilespmem:s10+$0x30]  }
0xf5: {  	v24 =	vld.idx.msk [tilespmem:v24+s7+$0x0], $0xffff  }
0xf6: {  	v19 =	vld.idx.msk [tilespmem:v19+s7+$0x0], $0xffff  }
0xf7: {  	v27 =	vld.idx.msk [tilespmem:v27+s7+$0x0], $0xffff  }
0xf8: {  	v30 =	vld.idx.msk [tilespmem:v30+s7+$0x0], $0xffff;
	[tilespmem:$0x1FFF0] =	vst v0  }
0xf9: {  	v38 =	vmul.f32 v17, v17;
	v41 =	vmul.f32 v0, v0;
	v35 =	vld.idx.msk [tilespmem:v35+s7+$0x0], $0xffff  }
0xfa: {  	v32 =	vmul.f32 v29, v29;
	v44 =	vmul.f32 v31, v31  }
0xfb: {  	v45 =	vmul.f32 v16, v16;
	v61 =	vmul.f32 v28, v28;
	v43 =	vsub.f32 v22, v24;
	v22 =	vld.idx.msk [tilespmem:v36+s7+$0x0], $0xffff  }
0xfc: {  	v47 =	vmul.f32 v33, v33;
	v19 =	vsub.f32 v26, v19;
	v24 =	vld [tilespmem:s10+$0xFFFFFFF0];
	v23 =	vsub.f32 v23, v27  }
0xfd: {  	v26 =	vld.idx.msk [tilespmem:v37+s7+$0x0], $0xffff;
	v37 =	vmul.f32 v25, v25;
	v27 =	vsub.f32 v21, v30;
	v46 =	vmul.f32 v43, v43  }
0xfe: {  	v51 =	vsub.f32 v20, v35;
	v48 =	vmul.f32 v19, v19;
	v49 =	vmul.f32 v23, v23  }
0xff: {  	v40 =	vmul.f32 v27, v27;
	vm0 =	vlt.f32 v19, $-1.000000000e+00;
	vm1 =	vlt.f32 v23, $-1.000000000e+00  }
0x100: {  	s29 =	simm.s32 $0x2CC0;
	v50 =	vld [tilespmem:s10+$0x10];
	v53 =	vmul.f32 v51, v51;
	v36 =	vnsel vm1, $0x0, v61;
	v21 =	vmul.f32 $-4.500000000e+00, v46  }
0x101: {  	s9 =	simm.s32 $0x12CC0;
	v42 =	vld [tilespmem:s29+$0xFFFFFFD0];
	vm1 =	vlt.f32 v43, $-1.000000000e+00;
	v30 =	vmul.f32 $-4.500000000e+00, v48;
	v20 =	vsub.f32 v24, v22  }
0x102: {  	v24 =	vmul.f32 $-4.500000000e+00, v49;
	v26 =	vsub.f32 v39, v26;
	v39 =	vld [tilespmem:s9+$0x0];
	v21 =	vmul.f32 $1.442695020e+00, v21  }
0x103: {  	v54 =	vld [tilespmem:s29+$0xFFFFFFC0];
	vm5 =	vlt.f32 v51, $-1.000000000e+00;
	v30 =	vmul.f32 $1.442695020e+00, v30;
	v52 =	vmul.f32 v20, v20  }
0x104: {  	s11 =	simm.s32 $0xACC0;
	v32 =	vnsel vm0, $0x0, v32;
	v22 =	vld.idx.msk [tilespmem:v34+s7+$0x0], $0xffff;
	v62 =	vmul.f32 v26, v26;
	(erf) = vpow2.f32 v21  }
0x105: {  	v0 =	vld [tilespmem:s11+$0xFFFFFFE0];
	v43 =	vnsel vm1, $0x0, v37;
	v24 =	vmul.f32 $1.442695020e+00, v24;
	(erf) = vpow2.f32 v30  }
0x106: {  	v57 =	vld [tilespmem:s29+$0x20];
	vm1 =	vle.f32 v48, $1.000000000e+00;
	v21 =	vmul.f32 $-4.500000000e+00, v40;
	v30 =	vmul.f32 $-4.500000000e+00, v52  }
0x107: {  	v35 =	vld [tilespmem:s29+$0x10];
	vm3 =	vlt.f32 v20, $-1.000000000e+00;
	v55 =	vmul.f32 $-4.500000000e+00, v62;
	(erf) = vpow2.f32 v24  }
0x108: {  	v20 =	vld [tilespmem:s11+$0xFFFFFFF0];
	vm4 =	vlt.f32 v26, $-1.000000000e+00;
	v56 =	vmul.f32 $1.442695020e+00, v21;
	v21 =	vmul.f32 $1.442695020e+00, v30  }
0x109: {  	v58 =	vnsel vm4, $0x0, v44;
	v44 =	vld [tilespmem:s29+$0x0];
	v50 =	vsub.f32 v50, v22;
	v23 =	vmul.f32 $1.442695020e+00, v55  }
0x10a: {  	v6 =	vadd.f32 v32, v6;
	v55 =	vmul.f32 $-4.500000000e+00, v53;
	(erf) = vpow2.f32 v21;
	v39 =	vld.idx.msk [tilespmem:v39+s7+$0x0], $0xffff  }
0x10b: {  	v22 =	vld [tilespmem:s11+$0x20];
	vm2 =	vlt.f32 v50, $-1.000000000e+00;
	(erf) = vpow2.f32 v23;
	v23 =	vnsel vm3, $0x0, v47  }
0x10c: {  	v21 =	vnsel vm2, $0x0, v38;
	vm2 =	vlt.f32 v27, $-1.000000000e+00;
	v24 =	vadd.f32 v23, v13;
	v23 =	vld [tilespmem:s11+$0x10]  }
0x10d: {  	v38 =	vmul.f32 v20, v20;
	v26 =	vadd.f32 v21, v9;
	vm3 =	vle.f32 v46, $1.000000000e+00;
	v46 =	vld [tilespmem:s9+$0xFFFFFFE0];
	v30 =	vpop (erf)  }
0x10e: {  	v9 =	vld [tilespmem:s11+$0xFFFFFFC0];
	v27 =	vmul.f32 $1.196826820e+00, v30;
	v30 =	vnsel vm2, $0x0, v41;
	v47 =	vpop (erf);
	vm2 =	vle.f32 v62, $1.000000000e+00  }
0x10f: {  	v13 =	vld [tilespmem:s11+$0x30];
	v39 =	vsub.f32 v44, v39;
	v51 =	vmul.f32 $1.196826820e+00, v47;
	v15 =	vadd.f32 v30, v15  }
0x110: {  	v41 =	vld [tilespmem:s29+$0xFFFFFFE0];
	v30 =	vnsel vm5, $0x0, v45;
	v45 =	vmul.f32 v50, v50;
	v60 =	vpop (erf);
	vm5 =	vle.f32 v40, $1.000000000e+00  }
0x111: {  	v50 =	vld [tilespmem:s9+$0x20];
	v25 =	vsub.f32 v25, v27;
	v34 =	vmul.f32 v23, v23;
	v60 =	vmul.f32 $1.196826820e+00, v60  }
0x112: {  	v27 =	vld [tilespmem:s11+$0x0];
	vm0 =	vlt.f32 v39, $-1.000000000e+00;
	v61 =	vsub.f32 v29, v51;
	v47 =	vmul.f32 $-4.500000000e+00, v45  }
0x113: {  	v51 =	vld [tilespmem:s9+$0xFFFFFFC0];
	vm6 =	vle.f32 v45, $1.000000000e+00;
	v59 =	vmul.f32 v25, v25;
	v25 =	vadd.f32 v30, v14  }
0x114: {  	v14 =	vadd.f32 v58, v5;
	v29 =	vpop (erf);
	v30 =	vmul.f32 v9, v9;
	v58 =	vld [tilespmem:s9+$0x10];
	v28 =	vsub.f32 v28, v60  }
0x115: {  	v46 =	vld.idx.msk [tilespmem:v46+s7+$0x0], $0xffff;
	v62 =	vmul.f32 $1.196826820e+00, v29;
	v29 =	vmul.f32 v13, v13;
	v5 =	vnsel vm3, $0x0, v59  }
0x116: {  	v37 =	vmul.f32 v61, v61;
	v47 =	vmul.f32 $1.442695020e+00, v47;
	v59 =	vld [tilespmem:s9+$0xFFFFFFD0];
	vm3 =	vle.f32 v52, $1.000000000e+00  }
0x117: {  	v52 =	vld [tilespmem:s9+$0x30];
	v28 =	vmul.f32 v28, v28;
	v8 =	vadd.f32 v5, v8;
	v33 =	vsub.f32 v33, v62  }
0x118: {  	v61 =	vnsel vm1, $0x0, v37;
	v37 =	vmul.f32 v0, v0;
	v62 =	vld [tilespmem:s9+$0xFFFFFFF0];
	(erf) = vpow2.f32 v47;
	v5 =	vpop (erf)  }
0x119: {  	v21 =	vld [tilespmem:s11+$0xFFFFFFD0];
	vm1 =	vle.f32 v53, $1.000000000e+00;
	v33 =	vmul.f32 v33, v33;
	v48 =	vmul.f32 $1.196826820e+00, v5  }
0x11a: {  	v7 =	vadd.f32 v61, v7;
	v47 =	vld.idx.msk [tilespmem:v50+s7+$0x0], $0xffff;
	v41 =	vsub.f32 v41, v46;
	v5 =	vmul.f32 v27, v27  }
0x11b: {  	v60 =	vnsel vm3, $0x0, v33;
	v33 =	vmul.f32 v22, v22;
	v50 =	vld.idx.msk [tilespmem:v51+s7+$0x0], $0xffff;
	v48 =	vsub.f32 v31, v48  }
0x11c: {  	v51 =	vmul.f32 $1.442695020e+00, v55;
	vm3 =	vle.f32 v49, $1.000000000e+00;
	v10 =	vadd.f32 v60, v10;
	v53 =	vld.idx.msk [tilespmem:v58+s7+$0x0], $0xffff  }
0x11d: {  	v49 =	vnsel vm3, $0x0, v28;
	v28 =	vadd.f32 v43, v4;
	v58 =	vmul.f32 v48, v48;
	v48 =	vld [tilespmem:s29+$0x30]  }
0x11e: {  	v4 =	vadd.f32 v36, v11;
	v36 =	vmul.f32 v39, v39;
	(erf) = vpow2.f32 v51;
	v60 =	vld.idx.msk [tilespmem:v59+s7+$0x0], $0xffff  }
0x11f: {  	v32 =	vmul.f32 v41, v41;
	v61 =	vld.idx.msk [tilespmem:v52+s7+$0x0], $0xffff;
	v39 =	vsub.f32 v57, v47;
	(erf) = vpow2.f32 v56  }
0x120: {  	v31 =	vmul.f32 v21, v21;
	v57 =	vmul.f32 $-4.500000000e+00, v36;
	v52 =	vld.idx.msk [tilespmem:v62+s7+$0x0], $0xffff;
	v43 =	vsub.f32 v54, v50  }
0x121: {  	v62 =	vld [tilespmem:s29+$0xFFFFFFF0];
	v11 =	vnsel vm2, $0x0, v58;
	vm2 =	vlt.f32 v41, $-1.000000000e+00;
	v41 =	vmul.f32 v39, v39  }
0x122: {  	v51 =	vmul.f32 $-4.500000000e+00, v32;
	v11 =	vadd.f32 v11, v3;
	v3 =	vmul.f32 v43, v43  }
0x123: {  	v12 =	vadd.f32 v49, v12;
	v49 =	vmul.f32 $1.442695020e+00, v57;
	v58 =	vmul.f32 $-4.500000000e+00, v41  }
0x124: {  	v42 =	vsub.f32 v42, v60;
	v60 =	vsub.f32 v48, v61;
	v61 =	vpop (erf);
	v59 =	vmul.f32 $-4.500000000e+00, v3  }
0x125: {  	v44 =	vsub.f32 v35, v53;
	v50 =	vmul.f32 $1.442695020e+00, v58;
	v48 =	vmul.f32 $1.196826820e+00, v61  }
0x126: {  	v18 =	vmovc v0;
	v47 =	vsub.f32 v62, v52;
	v35 =	vmul.f32 v42, v42;
	v45 =	vmul.f32 v60, v60  }
0x127: {  	vm3 =	vlt.f32 v60, $-1.000000000e+00;
	v40 =	vmul.f32 $1.442695020e+00, v59;
	v62 =	vpop (erf);
	(erf) = vpow2.f32 v50  }
0x128: {  	s30 =	simm.s32 $0x80;
	s10 =	simm.s32 $0xAD40;
	s9 =	simm.s32 $0x12D40;
	vm4 =	vlt.f32 v47, $-1.000000000e+00;
	v46 =	vmul.f32 $-4.500000000e+00, v35;
	v50 =	vmul.f32 $1.196826820e+00, v62;
	v52 =	vpop (erf)  }
.LBB2_11:
0x129: {  	v53 =	vld [tilespmem:s9+$0x0];
	v54 =	vmul.f32 v47, v47  }
0x12a: {  	v52 =	vmul.f32 $1.196826820e+00, v52;
	v0 =	vld [tilespmem:$0x1FFF0];
	vm7 =	vlt.f32 v44, $-1.000000000e+00;
	v55 =	vsub.f32 v17, v48  }
0x12b: {  	v19 =	vmovc v23;
	v56 =	vld [tilespmem:s10+$0x20];
	v23 =	vmul.f32 $1.442695020e+00, v51;
	(erf) = vpow2.f32 v49;
	v50 =	vsub.f32 v16, v50  }
0x12c: {  	v57 =	vld [tilespmem:s10+$0xFFFFFFF0];
	v29 =	vnsel vm3, $0x0, v29;
	v17 =	vmovc v21;
	v46 =	vmul.f32 $1.442695020e+00, v46;
	v21 =	vmul.f32 $-4.500000000e+00, v54  }
0x12d: {  	v58 =	vld [tilespmem:s9+$0xFFFFFFC0];
	v14 =	vadd.f32 v29, v14;
	v62 =	vmul.f32 v55, v55;
	v50 =	vmul.f32 v50, v50  }
0x12e: {  	s29 =	sadd.s32 $0x80, s29;
	v60 =	vld [tilespmem:s9+$0x10];
	vm3 =	vle.f32 v54, $1.000000000e+00;
	(erf) = vpow2.f32 v23;
	v21 =	vmul.f32 $1.442695020e+00, v21  }
0x12f: {  	v47 =	vld [tilespmem:s29+$0x10];
	v61 =	vsub.f32 v0, v52;
	v0 =	vmovc v9;
	v9 =	vmul.f32 $-4.500000000e+00, v45;
	v52 =	vnsel vm6, $0x0, v62  }
0x130: {  	v48 =	vld [tilespmem:s29+$0xFFFFFFD0];
	v23 =	vnsel vm1, $0x0, v50;
	vm1 =	vlt.f32 v43, $-1.000000000e+00;
	v43 =	vnsel vm2, $0x0, v37  }
0x131: {  	v49 =	vld [tilespmem:s29+$0xFFFFFFC0];
	vm2 =	vle.f32 v45, $1.000000000e+00;
	v45 =	vmul.f32 v44, v44;
	[tilespmem:$0x1FFF0] =	vst v0;
	v0 =	vnsel vm7, $0x0, v34  }
0x132: {  	v55 =	vld [tilespmem:s10+$0xFFFFFFE0];
	(erf) = vpow2.f32 v21;
	v1 =	vadd.f32 v23, v1;
	v23 =	vnsel vm4, $0x0, v38  }
0x133: {  	v21 =	vld [tilespmem:s10+$0xFFFFFFD0];
	v63 =	vadd.f32 v52, v63;
	v30 =	vnsel vm1, $0x0, v30;
	vm1 =	vlt.f32 v39, $-1.000000000e+00  }
0x134: {  	vm4 =	vle.f32 v41, $1.000000000e+00;
	v39 =	vld [tilespmem:s29+$0xFFFFFFE0];
	v4 =	vadd.f32 v43, v4;
	v51 =	vmul.f32 v61, v61  }
0x135: {  	v41 =	vld [tilespmem:s10+$0x0];
	v9 =	vmul.f32 $1.442695020e+00, v9;
	v26 =	vadd.f32 v0, v26;
	v24 =	vadd.f32 v23, v24  }
0x136: {  	v23 =	vld [tilespmem:s10+$0x10];
	v15 =	vadd.f32 v30, v15;
	v54 =	vmul.f32 $-4.500000000e+00, v45;
	vm6 =	vle.f32 v45, $1.000000000e+00;
	v38 =	vpop (erf)  }
0x137: {  	v53 =	vld.idx.msk [tilespmem:v53+s7+$0x0], $0xffff;
	v51 =	vnsel vm5, $0x0, v51;
	(erf) = vpow2.f32 v9;
	v34 =	vmul.f32 $1.196826820e+00, v38  }
0x138: {  	vm5 =	vlt.f32 v42, $-1.000000000e+00;
	v42 =	vld [tilespmem:s29+$0x0];
	v54 =	vmul.f32 $1.442695020e+00, v54;
	v16 =	vadd.f32 v51, v2;
	v52 =	vpop (erf)  }
0x139: {  	v9 =	vld [tilespmem:s10+$0xFFFFFFC0];
	v0 =	vnsel vm5, $0x0, v31;
	v34 =	vsub.f32 v22, v34;
	v37 =	vmul.f32 $1.196826820e+00, v52  }
0x13a: {  	v51 =	vld [tilespmem:s9+$0xFFFFFFE0];
	vm5 =	vle.f32 v3, $1.000000000e+00;
	v25 =	vadd.f32 v0, v25;
	v52 =	vnsel vm1, $0x0, v33  }
0x13b: {  	v33 =	vld [tilespmem:s9+$0x20];
	vm1 =	vle.f32 v36, $1.000000000e+00;
	v44 =	vpop (erf);
	v31 =	vmul.f32 v34, v34;
	v27 =	vsub.f32 v27, v37  }
0x13c: {  	v61 =	vld [tilespmem:s9+$0xFFFFFFD0];
	v59 =	vmul.f32 v41, v41;
	v28 =	vadd.f32 v52, v28;
	v44 =	vmul.f32 $1.196826820e+00, v44  }
0x13d: {  	v38 =	vld [tilespmem:s10+$0x30];
	v2 =	vmovc v1;
	v42 =	vsub.f32 v42, v53;
	v0 =	vnsel vm4, $0x0, v31;
	v37 =	vmul.f32 v27, v27  }
0x13e: {  	v34 =	vmul.f32 v23, v23;
	v30 =	vpop (erf);
	v44 =	vsub.f32 v18, v44;
	v8 =	vadd.f32 v0, v8;
	v0 =	vld [tilespmem:s9+$0xFFFFFFF0]  }
0x13f: {  	v1 =	vmovc v63;
	v31 =	vmul.f32 $1.196826820e+00, v30;
	v30 =	vmul.f32 v9, v9;
	v27 =	vmovc v41;
	v41 =	vld [tilespmem:s9+$0x30];
	v63 =	vnsel vm1, $0x0, v37  }
0x140: {  	v18 =	vmovc v55;
	v37 =	vmul.f32 v55, v55;
	vm1 =	vle.f32 v35, $1.000000000e+00;
	v44 =	vmul.f32 v44, v44;
	v35 =	vld.idx.msk [tilespmem:v58+s7+$0x0], $0xffff  }
0x141: {  	v55 =	vld.idx.msk [tilespmem:v60+s7+$0x0], $0xffff;
	v58 =	vnsel vm0, $0x0, v5;
	v29 =	vpop (erf);
	v31 =	vsub.f32 v20, v31;
	(erf) = vpow2.f32 v54  }
0x142: {  	v22 =	vmovc v56;
	vm0 =	vlt.f32 v42, $-1.000000000e+00;
	v51 =	vld.idx.msk [tilespmem:v51+s7+$0x0], $0xffff;
	v36 =	vmul.f32 $1.196826820e+00, v29;
	v29 =	vmul.f32 v38, v38  }
0x143: {  	v7 =	vadd.f32 v63, v7;
	v54 =	vld.idx.msk [tilespmem:v33+s7+$0x0], $0xffff;
	v33 =	vmul.f32 v56, v22;
	v62 =	vmul.f32 v31, v31  }
0x144: {  	v50 =	vld [tilespmem:s29+$0x20];
	v20 =	vmovc v57;
	v6 =	vadd.f32 v58, v6;
	(erf) = vpow2.f32 v46;
	v31 =	vmul.f32 v21, v21  }
0x145: {  	v52 =	vld [tilespmem:s29+$0x30];
	v36 =	vsub.f32 v13, v36;
	v13 =	vmovc v38;
	v38 =	vmul.f32 v57, v20;
	v57 =	vnsel vm3, $0x0, v62  }
0x146: {  	v53 =	vld.idx.msk [tilespmem:v61+s7+$0x0], $0xffff;
	vm3 =	vle.f32 v32, $1.000000000e+00;
	v43 =	vsub.f32 v49, v35;
	v10 =	vadd.f32 v57, v10  }
0x147: {  	v62 =	vld [tilespmem:s29+$0xFFFFFFF0];
	v32 =	vnsel vm3, $0x0, v44;
	v36 =	vmul.f32 v36, v36;
	v61 =	vsub.f32 v39, v51  }
0x148: {  	(erf) = vpow2.f32 v40;
	v44 =	vsub.f32 v47, v55;
	v12 =	vadd.f32 v32, v12;
	v56 =	vld.idx.msk [tilespmem:v41+s7+$0x0], $0xffff  }
0x149: {  	v5 =	vmovc v59;
	v0 =	vld.idx.msk [tilespmem:v0+s7+$0x0], $0xffff;
	v39 =	vsub.f32 v50, v54;
	v59 =	vmul.f32 v43, v43;
	v60 =	vnsel vm2, $0x0, v36  }
0x14a: {  	v36 =	vmul.f32 v42, v42;
	v32 =	vmul.f32 v61, v61;
	vm2 =	vlt.f32 v61, $-1.000000000e+00  }
0x14b: {  	s30 =	sadd.s32 $0x80, s30;
	v42 =	vsub.f32 v48, v53;
	v41 =	vmul.f32 v39, v39;
	v61 =	vmul.f32 $-4.500000000e+00, v59  }
0x14c: {  	p0 =	slt.u32 s30, $0x1F80;
	v63 =	vmovc v1;
	v11 =	vadd.f32 v60, v11;
	v57 =	vmul.f32 $-4.500000000e+00, v36;
	v51 =	vmul.f32 $-4.500000000e+00, v32  }
.Ltmp4:
0x14d: {  	v58 =	vpop (erf);
	v35 =	vmul.f32 v42, v42;
	v60 =	vmul.f32 $-4.500000000e+00, v41;
	v52 =	vsub.f32 v52, v56;
	(pc) =	sbr.rel @p0 .LBB2_11-.Ltmp4, $4  }
0x14e: {  	v1 =	vmovc v2;
	v2 =	vmovc v16;
	v48 =	vmul.f32 $1.196826820e+00, v58;
	v40 =	vmul.f32 $1.442695020e+00, v61;
	v47 =	vsub.f32 v62, v0  }
0x14f: {  	v16 =	vmov v17;
	v49 =	vmul.f32 $1.442695020e+00, v57;
	v62 =	vpop (erf);
	v0 =	vmul.f32 $1.442695020e+00, v60  }
0x150: {  	v17 =	vmovc v19;
	v3 =	vmovc v59;
	v46 =	vmul.f32 $-4.500000000e+00, v35;
	v50 =	vmul.f32 $1.196826820e+00, v62;
	vm4 =	vlt.f32 v47, $-1.000000000e+00  }
0x151: {  	s10 =	sadd.s32 $0x80, s10;
	s9 =	sadd.s32 $0x80, s9;
	v45 =	vmul.f32 v52, v52;
	vm3 =	vlt.f32 v52, $-1.000000000e+00;
	(erf) = vpow2.f32 v0;
	v52 =	vpop (erf)  }
0x152: {  	v53 =	vmul.f32 v47, v47  }
0x153: {  	v0 =	vmul.f32 $1.442695020e+00, v51  }
0x154: {  	v47 =	vmul.f32 v44, v44;
	v58 =	vmul.f32 $-4.500000000e+00, v53  }
0x155: {  	(erf) = vpow2.f32 v49;
	v59 =	vmul.f32 $-4.500000000e+00, v45  }
0x156: {  	v54 =	vmul.f32 $-4.500000000e+00, v47;
	v51 =	vmul.f32 $1.442695020e+00, v58  }
0x157: {  	(erf) = vpow2.f32 v0;
	v49 =	vmul.f32 $1.442695020e+00, v59  }
0x158: {  	v0 =	vmul.f32 $1.442695020e+00, v54;
	(erf) = vpow2.f32 v51  }
0x159: {  	v46 =	vmul.f32 $1.442695020e+00, v46;
	(erf) = vpow2.f32 v49  }
0x15a: {  	(erf) = vpow2.f32 v0  }
0x15b: {  	(erf) = vpow2.f32 v46  }
0x15c: {  	(erf) = vpow2.f32 v40  }
0x15d: {  	s29 =	sshll.u32 s28, $0xF;
	p0 =	seq.s32 s28, $0x3  }
0x15e: {  	s9 =	sadd.s32 @!p0 s29, s31;
	v0 =	vpop (erf)  }
0x15f: {  	s9 =	sshrl.u32 @!p0 s9, $0x3;
	v46 =	vpop (erf)  }
0x160: {  	s11 =	simm.s32 @!p0 $0x0;
	s30 =	simm.s32 @!p0 $0x2C00;
	s10 =	sadd.s32 @!p0 s0, s9;
	v49 =	vpop (erf)  }
0x161: {  	[tilespmem:s30], [sflag:$0x1] =	stream.linear.gather @!p0 [hbm4b:s10+s11], $0x2000, $0x38;
	v51 =	vpop (erf);
	[tilespmem:$0x1AC00] =	vst v63  }
0x162: {  	s10 =	sadd.s32 @!p0 s1, s9;
	s30 =	simm.s32 @!p0 $0xAC00;
	v54 =	vpop (erf)  }
0x163: {  	[tilespmem:s30], [sflag:$0x1] =	stream.linear.gather @!p0 [hbm4b:s10+s11], $0x2000, $0x38;
	v55 =	vpop (erf);
	[tilespmem:$0x1AC00] =	vst v63  }
0x164: {  	s9 =	sadd.s32 @!p0 s4, s9;
	s10 =	simm.s32 @!p0 $0x12C00;
	v56 =	vpop (erf)  }
0x165: {  	[tilespmem:s10], [sflag:$0x1] =	stream.linear.gather @!p0 [hbm4b:s9+s11], $0x2000, $0x38;
	v57 =	vpop (erf);
	[tilespmem:$0x1AC00] =	vst v63  }
0x166: {  	_ =	swait.ge [sflag:s23], $0x2000  }
0x167: {  	[sflag:s23] =	ssyncset.done $0x0  }
0x168: {  	[sflag:s23] =	ssyncadd.s32 $0xFFFFE000  }
0x169: {  	_ =	swait.ge [sflag:s23], $0x2000  }
0x16a: {  	[sflag:s23] =	ssyncset.done $0x0  }
0x16b: {  	[sflag:s23] =	ssyncadd.s32 $0xFFFFE000  }
0x16c: {  	_ =	swait.ge [sflag:s23], $0x2000  }
0x16d: {  	v61 =	vsub.f32 v17, v48;
	[sflag:s23] =	ssyncset.done $0x0;
	v17 =	vld [tilespmem:$0x1FFF0]  }
0x16e: {  	v16 =	vsub.f32 v16, v50;
	s10 =	simm.s32 $0x14C40;
	[sflag:s23] =	ssyncadd.s32 $0xFFFFE000  }
0x16f: {  	s9 =	simm.s32 $0x4C40;
	v48 =	vld [tilespmem:s10+$0x0]  }
0x170: {  	v60 =	vmul.f32 $1.196826820e+00, v52;
	vm7 =	vlt.f32 v44, $-1.000000000e+00;
	v16 =	vmul.f32 v16, v16;
	v50 =	vld [tilespmem:s9+$0xFFFFFFD0]  }
0x171: {  	v37 =	vnsel vm2, $0x0, v37;
	vm2 =	vlt.f32 v39, $-1.000000000e+00;
	v19 =	vmul.f32 v61, v61;
	s11 =	simm.s32 $0xCC40;
	v44 =	vld [tilespmem:s9+$0xFFFFFFC0]  }
0x172: {  	v29 =	vnsel vm3, $0x0, v29;
	v62 =	vnsel vm1, $0x0, v16;
	v40 =	vld [tilespmem:s11+$0xFFFFFFE0];
	v17 =	vsub.f32 v17, v60  }
0x173: {  	v19 =	vnsel vm6, $0x0, v19;
	vm1 =	vlt.f32 v43, $-1.000000000e+00;
	v52 =	vadd.f32 v62, v1;
	v16 =	vld [tilespmem:s11+$0x20]  }
0x174: {  	v1 =	vnsel vm4, $0x0, v38;
	vm4 =	vle.f32 v41, $1.000000000e+00;
	v59 =	vld [tilespmem:s9+$0x20];
	v17 =	vmul.f32 v17, v17  }
0x175: {  	v38 =	vadd.f32 v1, v24;
	v24 =	vnsel vm1, $0x0, v30;
	vm1 =	vle.f32 v45, $1.000000000e+00;
	v1 =	vld [tilespmem:s11+$0x10]  }
0x176: {  	v15 =	vadd.f32 v24, v15;
	v45 =	vmul.f32 $1.196826820e+00, v46;
	v41 =	vld [tilespmem:s9+$0xFFFFFFE0];
	v58 =	vnsel vm5, $0x0, v17  }
0x177: {  	v61 =	vld [tilespmem:s10+$0xFFFFFFE0];
	vm5 =	vlt.f32 v42, $-1.000000000e+00;
	v58 =	vadd.f32 v58, v2;
	v2 =	vmul.f32 $1.196826820e+00, v0  }
0x178: {  	v62 =	vld [tilespmem:s10+$0x10];
	v24 =	vnsel vm5, $0x0, v31;
	v31 =	vadd.f32 v29, v14;
	v14 =	vsub.f32 v27, v45  }
0x179: {  	v34 =	vnsel vm7, $0x0, v34;
	v60 =	vadd.f32 v19, v63;
	v63 =	vld [tilespmem:s11+$0xFFFFFFD0];
	v30 =	vsub.f32 v22, v2  }
0x17a: {  	v5 =	vnsel vm0, $0x0, v5;
	v17 =	vadd.f32 v34, v26;
	v42 =	vld [tilespmem:s10+$0x20];
	v14 =	vmul.f32 v14, v14  }
0x17b: {  	v26 =	vld [tilespmem:s11+$0xFFFFFFF0];
	v46 =	vmul.f32 v30, v30;
	v30 =	vadd.f32 v24, v25;
	v24 =	vmul.f32 $1.196826820e+00, v51  }
0x17c: {  	v33 =	vnsel vm2, $0x0, v33;
	vm2 =	vle.f32 v36, $1.000000000e+00;
	v34 =	vld [tilespmem:s11+$0x0];
	v25 =	vmul.f32 $1.196826820e+00, v49  }
0x17d: {  	v0 =	vld [tilespmem:s11+$0xFFFFFFC0];
	v14 =	vnsel vm2, $0x0, v14;
	v27 =	vnsel vm4, $0x0, v46;
	v20 =	vsub.f32 v20, v24  }
0x17e: {  	v22 =	vld [tilespmem:s11+$0x30];
	v19 =	vsub.f32 v18, v25;
	v29 =	vadd.f32 v27, v8;
	v8 =	vmul.f32 $1.196826820e+00, v54  }
0x17f: {  	v36 =	vadd.f32 v5, v6;
	v24 =	vadd.f32 v14, v7;
	v14 =	vld [tilespmem:s10+$0x30];
	v20 =	vmul.f32 v20, v20  }
0x180: {  	vm3 =	vle.f32 v53, $1.000000000e+00;
	v8 =	vsub.f32 v13, v8;
	v13 =	vmul.f32 v19, v19;
	v19 =	vld [tilespmem:s10+$0xFFFFFFC0]  }
0x181: {  	vm2 =	vle.f32 v32, $1.000000000e+00;
	v25 =	vadd.f32 v33, v28;
	v54 =	vld [tilespmem:s9+$0x0];
	v20 =	vnsel vm3, $0x0, v20  }
0x182: {  	v5 =	vld.idx.msk [tilespmem:v42+s7+$0x0], $0xffff;
	v39 =	vadd.f32 v20, v10;
	v7 =	vnsel vm2, $0x0, v13;
	v8 =	vmul.f32 v8, v8  }
0x183: {  	v10 =	vld [tilespmem:s10+$0xFFFFFFD0];
	v13 =	vmul.f32 $1.196826820e+00, v56;
	v28 =	vadd.f32 v7, v12;
	v12 =	vmul.f32 $1.196826820e+00, v55  }
0x184: {  	v32 =	vadd.f32 v37, v4;
	v4 =	vmul.f32 $1.196826820e+00, v57;
	v7 =	vld [tilespmem:s10+$0xFFFFFFF0]  }
0x185: {  	v6 =	vnsel vm1, $0x0, v8;
	v8 =	vsub.f32 v23, v12;
	v12 =	vsub.f32 v21, v13;
	v13 =	vld.idx.msk [tilespmem:v48+s7+$0x0], $0xffff  }
0x186: {  	v37 =	vmul.f32 v40, v40;
	v4 =	vsub.f32 v9, v4;
	v27 =	vadd.f32 v6, v11;
	v6 =	vld.idx.msk [tilespmem:v61+s7+$0x0], $0xffff  }
0x187: {  	vm0 =	vle.f32 v35, $1.000000000e+00;
	v45 =	vmul.f32 v26, v26;
	v9 =	vmul.f32 v12, v12;
	v12 =	vld [tilespmem:s9+$0x30]  }
0x188: {  	v33 =	vmul.f32 v63, v63;
	vm2 =	vle.f32 v3, $1.000000000e+00;
	v3 =	vmul.f32 v4, v4;
	v11 =	vld.idx.msk [tilespmem:v19+s7+$0x0], $0xffff;
	[tilespmem:$0x1FFE0] =	vst v0  }
0x189: {  	v4 =	vmul.f32 v1, v1;
	v20 =	vsub.f32 v59, v5;
	vm1 =	vle.f32 v47, $1.000000000e+00;
	v14 =	vld.idx.msk [tilespmem:v14+s7+$0x0], $0xffff  }
0x18a: {  	v47 =	vmul.f32 v16, v16;
	v3 =	vnsel vm2, $0x0, v3;
	v23 =	vmul.f32 v34, v34;
	v51 =	vld [tilespmem:s9+$0x10]  }
0x18b: {  	v21 =	vmul.f32 v22, v22;
	v8 =	vmul.f32 v8, v8;
	v49 =	vld.idx.msk [tilespmem:v62+s7+$0x0], $0xffff;
	v5 =	vsub.f32 v54, v13  }
0x18c: {  	v43 =	vmul.f32 v20, v20;
	v19 =	vmul.f32 v0, v0;
	v10 =	vld.idx.msk [tilespmem:v10+s7+$0x0], $0xffff;
	v6 =	vsub.f32 v41, v6  }
0x18d: {  	v9 =	vnsel vm0, $0x0, v9;
	v13 =	vnsel vm1, $0x0, v8;
	v8 =	vld [tilespmem:s9+$0xFFFFFFF0];
	v41 =	vmul.f32 v5, v5  }
0x18e: {  	v7 =	vld.idx.msk [tilespmem:v7+s7+$0x0], $0xffff;
	v48 =	vmul.f32 v6, v6;
	vm0 =	vlt.f32 v5, $-1.000000000e+00;
	vm1 =	vlt.f32 v6, $-1.000000000e+00  }
0x18f: {  	v44 =	vsub.f32 v44, v11;
	v11 =	vmul.f32 $-4.500000000e+00, v43;
	v23 =	vnsel vm0, $0x0, v23  }
0x190: {  	v59 =	vmul.f32 $-4.500000000e+00, v41;
	v54 =	vmul.f32 $-4.500000000e+00, v48;
	v12 =	vsub.f32 v12, v14  }
0x191: {  	s30 =	simm.s32 $0x4CC0;
	v49 =	vsub.f32 v51, v49;
	v23 =	vadd.f32 v23, v36;
	v46 =	vmul.f32 v44, v44  }
0x192: {  	s11 =	simm.s32 $0xCCC0;
	v35 =	vld [tilespmem:s30+$0x10];
	v11 =	vmul.f32 $1.442695020e+00, v11;
	v50 =	vsub.f32 v50, v10;
	v10 =	vadd.f32 v13, v60  }
0x193: {  	v0 =	vld [tilespmem:s11+$0xFFFFFFE0];
	s9 =	simm.s32 $0x14CC0;
	v42 =	vmul.f32 $1.442695020e+00, v59;
	v53 =	vsub.f32 v8, v7;
	v7 =	vadd.f32 v9, v52  }
0x194: {  	v60 =	vld [tilespmem:s9+$0x30];
	v8 =	vadd.f32 v3, v58;
	v62 =	vmul.f32 v12, v12;
	v5 =	vmul.f32 $1.442695020e+00, v54  }
0x195: {  	v52 =	vld [tilespmem:s9+$0x0];
	vm2 =	vlt.f32 v49, $-1.000000000e+00;
	(erf) = vpow2.f32 v11;
	v9 =	vmul.f32 $-4.500000000e+00, v46  }
0x196: {  	v54 =	vld [tilespmem:s30+$0xFFFFFFC0];
	vm4 =	vlt.f32 v12, $-1.000000000e+00;
	v56 =	vmul.f32 v50, v50;
	v61 =	vmul.f32 v53, v53  }
0x197: {  	v59 =	vld [tilespmem:s30+$0x20];
	v4 =	vnsel vm2, $0x0, v4;
	vm2 =	vlt.f32 v44, $-1.000000000e+00;
	(erf) = vpow2.f32 v42  }
0x198: {  	v44 =	vnsel vm1, $0x0, v37;
	vm1 =	vlt.f32 v20, $-1.000000000e+00;
	v20 =	vld [tilespmem:s11+$0x0];
	v11 =	vmul.f32 $-4.500000000e+00, v61  }
0x199: {  	vm5 =	vlt.f32 v50, $-1.000000000e+00;
	v50 =	vmul.f32 v49, v49;
	v49 =	vld [tilespmem:s9+$0x20];
	v13 =	vmul.f32 $-4.500000000e+00, v62  }
0x19a: {  	v21 =	vnsel vm4, $0x0, v21;
	v42 =	vld [tilespmem:s30+$0xFFFFFFD0];
	v51 =	vmul.f32 $1.442695020e+00, v9;
	v9 =	vmul.f32 $1.442695020e+00, v11  }
0x19b: {  	vm3 =	vlt.f32 v53, $-1.000000000e+00;
	v18 =	vadd.f32 v4, v17;
	v4 =	vld [tilespmem:s11+$0xFFFFFFC0];
	(erf) = vpow2.f32 v5  }
0x19c: {  	v17 =	vnsel vm2, $0x0, v19;
	(erf) = vpow2.f32 v9;
	v9 =	vnsel vm3, $0x0, v45;
	v45 =	vld [tilespmem:s30+$0x0]  }
0x19d: {  	vm2 =	vle.f32 v62, $1.000000000e+00;
	v47 =	vnsel vm1, $0x0, v47;
	v58 =	vmul.f32 $-4.500000000e+00, v56;
	v52 =	vld.idx.msk [tilespmem:v52+s7+$0x0], $0xffff  }
0x19e: {  	v53 =	vld [tilespmem:s9+$0xFFFFFFC0];
	vm1 =	vle.f32 v41, $1.000000000e+00;
	v55 =	vmul.f32 $-4.500000000e+00, v50;
	v6 =	vmul.f32 $1.442695020e+00, v13;
	v12 =	vpop (erf)  }
0x19f: {  	v25 =	vadd.f32 v47, v25;
	vm6 =	vle.f32 v50, $1.000000000e+00;
	v13 =	vld [tilespmem:s11+$0x10];
	v12 =	vmul.f32 $1.196826820e+00, v12  }
0x1a0: {  	v41 =	vld [tilespmem:s9+$0x10];
	v55 =	vmul.f32 $1.442695020e+00, v55;
	vm3 =	vle.f32 v43, $1.000000000e+00;
	(erf) = vpow2.f32 v6;
	v19 =	vpop (erf)  }
0x1a1: {  	v62 =	vld [tilespmem:s9+$0xFFFFFFF0];
	v14 =	vadd.f32 v9, v38;
	v19 =	vmul.f32 $1.196826820e+00, v19;
	v12 =	vsub.f32 v16, v12  }
0x1a2: {  	v6 =	vld [tilespmem:s11+$0xFFFFFFD0];
	v16 =	vadd.f32 v17, v15;
	v15 =	vnsel vm5, $0x0, v33;
	v45 =	vsub.f32 v45, v52  }
0x1a3: {  	v9 =	vld [tilespmem:s11+$0x30];
	(erf) = vpow2.f32 v55;
	v17 =	vadd.f32 v15, v30;
	v15 =	vadd.f32 v21, v31  }
0x1a4: {  	v33 =	vld [tilespmem:s9+$0xFFFFFFE0];
	v21 =	vpop (erf);
	v31 =	vsub.f32 v34, v19;
	v34 =	vmul.f32 v13, v13;
	v12 =	vmul.f32 v12, v12  }
0x1a5: {  	v5 =	vld [tilespmem:s11+$0xFFFFFFF0];
	vm5 =	vle.f32 v46, $1.000000000e+00;
	v30 =	vmul.f32 v4, v4;
	v21 =	vmul.f32 $1.196826820e+00, v21;
	v19 =	vpop (erf)  }
0x1a6: {  	v47 =	vld [tilespmem:s30+$0x30];
	v36 =	vmul.f32 v45, v45;
	v12 =	vnsel vm3, $0x0, v12;
	v57 =	vmul.f32 $1.196826820e+00, v19  }
0x1a7: {  	v11 =	vld [tilespmem:s11+$0x20];
	v37 =	vmul.f32 v31, v31;
	v31 =	vmul.f32 v6, v6;
	v21 =	vsub.f32 v40, v21  }
0x1a8: {  	vm3 =	vle.f32 v61, $1.000000000e+00;
	v19 =	vadd.f32 v12, v29;
	v26 =	vsub.f32 v26, v57;
	v57 =	vld [tilespmem:s9+$0xFFFFFFD0]  }
0x1a9: {  	v43 =	vld [tilespmem:s30+$0xFFFFFFE0];
	v29 =	vmul.f32 v9, v9;
	v61 =	vnsel vm1, $0x0, v37;
	v37 =	vmul.f32 v0, v0;
	v12 =	vpop (erf)  }
0x1aa: {  	v49 =	vld.idx.msk [tilespmem:v49+s7+$0x0], $0xffff;
	vm0 =	vlt.f32 v45, $-1.000000000e+00;
	v38 =	vmul.f32 $1.196826820e+00, v12;
	v26 =	vmul.f32 v26, v26  }
0x1ab: {  	v53 =	vld.idx.msk [tilespmem:v53+s7+$0x0], $0xffff;
	vm1 =	vle.f32 v56, $1.000000000e+00;
	v55 =	vmul.f32 v21, v21;
	v24 =	vadd.f32 v61, v24  }
0x1ac: {  	v12 =	vmul.f32 v20, v20;
	v40 =	vld.idx.msk [tilespmem:v33+s7+$0x0], $0xffff;
	v22 =	vsub.f32 v22, v38;
	v26 =	vnsel vm3, $0x0, v26  }
0x1ad: {  	v60 =	vld.idx.msk [tilespmem:v60+s7+$0x0], $0xffff;
	vm3 =	vle.f32 v48, $1.000000000e+00;
	v21 =	vadd.f32 v26, v39;
	v39 =	vmul.f32 $1.442695020e+00, v58  }
0x1ae: {  	v61 =	vld.idx.msk [tilespmem:v62+s7+$0x0], $0xffff;
	v33 =	vmul.f32 v11, v11;
	v38 =	vmul.f32 v5, v5;
	v26 =	vnsel vm3, $0x0, v55  }
0x1af: {  	v48 =	vld.idx.msk [tilespmem:v41+s7+$0x0], $0xffff;
	v58 =	vmul.f32 v22, v22;
	v22 =	vadd.f32 v44, v32;
	(erf) = vpow2.f32 v39  }
0x1b0: {  	v26 =	vadd.f32 v26, v28;
	v39 =	vsub.f32 v59, v49;
	v52 =	vld.idx.msk [tilespmem:v57+s7+$0x0], $0xffff;
	(erf) = vpow2.f32 v51  }
0x1b1: {  	v62 =	vld [tilespmem:s30+$0xFFFFFFF0];
	v40 =	vsub.f32 v43, v40;
	v43 =	vsub.f32 v54, v53;
	v54 =	vmul.f32 $-4.500000000e+00, v36  }
0x1b2: {  	v28 =	vnsel vm2, $0x0, v58;
	v59 =	vsub.f32 v47, v60;
	v41 =	vmul.f32 v39, v39  }
0x1b3: {  	v28 =	vadd.f32 v28, v27;
	v32 =	vmul.f32 v40, v40;
	v27 =	vmul.f32 v43, v43  }
0x1b4: {  	v60 =	vpop (erf);
	v49 =	vmul.f32 $1.442695020e+00, v54;
	v44 =	vsub.f32 v35, v48;
	v57 =	vmul.f32 $-4.500000000e+00, v41  }
0x1b5: {  	v45 =	vmul.f32 v59, v59;
	v48 =	vmul.f32 $1.196826820e+00, v60;
	v42 =	vsub.f32 v42, v52  }
0x1b6: {  	v47 =	vsub.f32 v62, v61;
	v58 =	vmul.f32 $-4.500000000e+00, v27;
	v61 =	vmul.f32 $1.442695020e+00, v57  }
0x1b7: {  	v2 =	vmovc v0;
	vm2 =	vlt.f32 v40, $-1.000000000e+00;
	v51 =	vmul.f32 $-4.500000000e+00, v32;
	v35 =	vmul.f32 v42, v42  }
0x1b8: {  	vm4 =	vlt.f32 v47, $-1.000000000e+00;
	v40 =	vmul.f32 $1.442695020e+00, v58;
	(erf) = vpow2.f32 v61;
	v62 =	vpop (erf)  }
0x1b9: {  	s10 =	simm.s32 $0x14D40;
	s11 =	simm.s32 $0xCD40;
	s9 =	simm.s32 $0x80;
	vm3 =	vlt.f32 v59, $-1.000000000e+00;
	v46 =	vmul.f32 $-4.500000000e+00, v35;
	v50 =	vmul.f32 $1.196826820e+00, v62;
	v52 =	vpop (erf)  }
.LBB2_13:
0x1ba: {  	v53 =	vld [tilespmem:s10+$0x0];
	v54 =	vmul.f32 v47, v47  }
0x1bb: {  	v52 =	vmul.f32 $1.196826820e+00, v52;
	v0 =	vld [tilespmem:$0x1FFE0];
	vm7 =	vlt.f32 v44, $-1.000000000e+00;
	v55 =	vsub.f32 v1, v48  }
0x1bc: {  	v3 =	vmovc v13;
	v56 =	vld [tilespmem:s11+$0x20];
	v13 =	vmul.f32 $1.442695020e+00, v51;
	(erf) = vpow2.f32 v49;
	v50 =	vsub.f32 v63, v50  }
0x1bd: {  	v57 =	vld [tilespmem:s11+$0xFFFFFFF0];
	v29 =	vnsel vm3, $0x0, v29;
	v1 =	vmovc v6;
	v46 =	vmul.f32 $1.442695020e+00, v46;
	v6 =	vmul.f32 $-4.500000000e+00, v54  }
0x1be: {  	v58 =	vld [tilespmem:s10+$0xFFFFFFC0];
	v15 =	vadd.f32 v29, v15;
	v63 =	vmul.f32 v55, v55;
	v50 =	vmul.f32 v50, v50  }
0x1bf: {  	v60 =	vld [tilespmem:s10+$0x10];
	vm3 =	vle.f32 v54, $1.000000000e+00;
	(erf) = vpow2.f32 v13;
	v6 =	vmul.f32 $1.442695020e+00, v6  }
0x1c0: {  	s30 =	sadd.s32 $0x80, s30;
	v61 =	vld [tilespmem:s10+$0xFFFFFFD0];
	v62 =	vsub.f32 v0, v52;
	v0 =	vmovc v4;
	v4 =	vmul.f32 $-4.500000000e+00, v45;
	v52 =	vnsel vm6, $0x0, v63  }
0x1c1: {  	v47 =	vld [tilespmem:s30+$0x10];
	v13 =	vnsel vm1, $0x0, v50;
	vm1 =	vlt.f32 v43, $-1.000000000e+00;
	v43 =	vnsel vm2, $0x0, v37  }
0x1c2: {  	v48 =	vld [tilespmem:s30+$0xFFFFFFD0];
	vm2 =	vle.f32 v45, $1.000000000e+00;
	v45 =	vmul.f32 v44, v44;
	[tilespmem:$0x1FFE0] =	vst v0;
	v0 =	vnsel vm7, $0x0, v34  }
0x1c3: {  	v49 =	vld [tilespmem:s30+$0xFFFFFFC0];
	(erf) = vpow2.f32 v6;
	v7 =	vadd.f32 v13, v7;
	v13 =	vnsel vm4, $0x0, v38  }
0x1c4: {  	v55 =	vld [tilespmem:s11+$0xFFFFFFE0];
	v10 =	vadd.f32 v52, v10;
	v30 =	vnsel vm1, $0x0, v30;
	vm1 =	vlt.f32 v39, $-1.000000000e+00  }
0x1c5: {  	v6 =	vld [tilespmem:s11+$0xFFFFFFD0];
	vm4 =	vle.f32 v41, $1.000000000e+00;
	v22 =	vadd.f32 v43, v22;
	v51 =	vmul.f32 v62, v62  }
0x1c6: {  	v41 =	vld [tilespmem:s11+$0x0];
	v4 =	vmul.f32 $1.442695020e+00, v4;
	v18 =	vadd.f32 v0, v18;
	v14 =	vadd.f32 v13, v14  }
0x1c7: {  	v13 =	vld [tilespmem:s11+$0x10];
	v16 =	vadd.f32 v30, v16;
	v54 =	vmul.f32 $-4.500000000e+00, v45;
	vm6 =	vle.f32 v45, $1.000000000e+00;
	v38 =	vpop (erf)  }
0x1c8: {  	v53 =	vld.idx.msk [tilespmem:v53+s7+$0x0], $0xffff;
	v51 =	vnsel vm5, $0x0, v51;
	(erf) = vpow2.f32 v4;
	v34 =	vmul.f32 $1.196826820e+00, v38  }
0x1c9: {  	vm5 =	vlt.f32 v42, $-1.000000000e+00;
	v42 =	vld [tilespmem:s30+$0x0];
	v54 =	vmul.f32 $1.442695020e+00, v54;
	v8 =	vadd.f32 v51, v8;
	v52 =	vpop (erf)  }
0x1ca: {  	v4 =	vld [tilespmem:s11+$0xFFFFFFC0];
	v0 =	vnsel vm5, $0x0, v31;
	v34 =	vsub.f32 v11, v34;
	v37 =	vmul.f32 $1.196826820e+00, v52  }
0x1cb: {  	v51 =	vld [tilespmem:s10+$0xFFFFFFE0];
	vm5 =	vle.f32 v27, $1.000000000e+00;
	v17 =	vadd.f32 v0, v17;
	v52 =	vnsel vm1, $0x0, v33  }
0x1cc: {  	v33 =	vld [tilespmem:s10+$0x20];
	vm1 =	vle.f32 v36, $1.000000000e+00;
	v44 =	vpop (erf);
	v31 =	vmul.f32 v34, v34;
	v20 =	vsub.f32 v20, v37  }
0x1cd: {  	v39 =	vld [tilespmem:s30+$0xFFFFFFE0];
	v59 =	vmul.f32 v41, v41;
	v25 =	vadd.f32 v52, v25;
	v44 =	vmul.f32 $1.196826820e+00, v44  }
0x1ce: {  	v38 =	vld [tilespmem:s11+$0x30];
	v42 =	vsub.f32 v42, v53;
	v0 =	vnsel vm4, $0x0, v31;
	v37 =	vmul.f32 v20, v20  }
0x1cf: {  	v34 =	vmul.f32 v13, v13;
	v30 =	vpop (erf);
	v44 =	vsub.f32 v2, v44;
	v19 =	vadd.f32 v0, v19;
	v0 =	vld [tilespmem:s10+$0xFFFFFFF0]  }
0x1d0: {  	v31 =	vmul.f32 $1.196826820e+00, v30;
	v30 =	vmul.f32 v4, v4;
	v20 =	vmovc v41;
	v41 =	vld [tilespmem:s10+$0x30];
	v63 =	vnsel vm1, $0x0, v37  }
0x1d1: {  	v2 =	vmovc v55;
	v37 =	vmul.f32 v55, v55;
	vm1 =	vle.f32 v35, $1.000000000e+00;
	v44 =	vmul.f32 v44, v44;
	v35 =	vld.idx.msk [tilespmem:v58+s7+$0x0], $0xffff  }
0x1d2: {  	v55 =	vld.idx.msk [tilespmem:v60+s7+$0x0], $0xffff;
	v58 =	vnsel vm0, $0x0, v12;
	v29 =	vpop (erf);
	v31 =	vsub.f32 v5, v31;
	(erf) = vpow2.f32 v54  }
0x1d3: {  	v11 =	vmovc v56;
	vm0 =	vlt.f32 v42, $-1.000000000e+00;
	v51 =	vld.idx.msk [tilespmem:v51+s7+$0x0], $0xffff;
	v36 =	vmul.f32 $1.196826820e+00, v29;
	v29 =	vmul.f32 v38, v38  }
0x1d4: {  	v24 =	vadd.f32 v63, v24;
	v54 =	vld.idx.msk [tilespmem:v33+s7+$0x0], $0xffff;
	v33 =	vmul.f32 v56, v11;
	v62 =	vmul.f32 v31, v31  }
0x1d5: {  	v50 =	vld [tilespmem:s30+$0x20];
	v5 =	vmovc v57;
	v23 =	vadd.f32 v58, v23;
	(erf) = vpow2.f32 v46;
	v31 =	vmul.f32 v6, v6  }
0x1d6: {  	v52 =	vld [tilespmem:s30+$0x30];
	v36 =	vsub.f32 v9, v36;
	v9 =	vmovc v38;
	v38 =	vmul.f32 v57, v5;
	v57 =	vnsel vm3, $0x0, v62  }
0x1d7: {  	v53 =	vld.idx.msk [tilespmem:v61+s7+$0x0], $0xffff;
	vm3 =	vle.f32 v32, $1.000000000e+00;
	v43 =	vsub.f32 v49, v35;
	v21 =	vadd.f32 v57, v21  }
0x1d8: {  	v62 =	vld [tilespmem:s30+$0xFFFFFFF0];
	v32 =	vnsel vm3, $0x0, v44;
	v36 =	vmul.f32 v36, v36;
	v61 =	vsub.f32 v39, v51  }
0x1d9: {  	(erf) = vpow2.f32 v40;
	v44 =	vsub.f32 v47, v55;
	v26 =	vadd.f32 v32, v26;
	v56 =	vld.idx.msk [tilespmem:v41+s7+$0x0], $0xffff  }
0x1da: {  	v12 =	vmovc v59;
	v0 =	vld.idx.msk [tilespmem:v0+s7+$0x0], $0xffff;
	v39 =	vsub.f32 v50, v54;
	v59 =	vmul.f32 v43, v43;
	v60 =	vnsel vm2, $0x0, v36  }
0x1db: {  	v36 =	vmul.f32 v42, v42;
	v32 =	vmul.f32 v61, v61;
	vm2 =	vlt.f32 v61, $-1.000000000e+00  }
0x1dc: {  	s9 =	sadd.s32 $0x80, s9;
	v42 =	vsub.f32 v48, v53;
	v41 =	vmul.f32 v39, v39;
	v61 =	vmul.f32 $-4.500000000e+00, v59  }
0x1dd: {  	p1 =	slt.u32 s9, $0x1F80;
	v28 =	vadd.f32 v60, v28;
	v57 =	vmul.f32 $-4.500000000e+00, v36;
	v51 =	vmul.f32 $-4.500000000e+00, v32  }
.Ltmp5:
0x1de: {  	v58 =	vpop (erf);
	v35 =	vmul.f32 v42, v42;
	v60 =	vmul.f32 $-4.500000000e+00, v41;
	v52 =	vsub.f32 v52, v56;
	(pc) =	sbr.rel @p1 .LBB2_13-.Ltmp5, $4  }
0x1df: {  	v48 =	vmul.f32 $1.196826820e+00, v58;
	v40 =	vmul.f32 $1.442695020e+00, v61;
	v47 =	vsub.f32 v62, v0  }
0x1e0: {  	v63 =	vmov v1;
	v49 =	vmul.f32 $1.442695020e+00, v57;
	v62 =	vpop (erf);
	v0 =	vmul.f32 $1.442695020e+00, v60  }
0x1e1: {  	v1 =	vmovc v3;
	v27 =	vmovc v59;
	v46 =	vmul.f32 $-4.500000000e+00, v35;
	v50 =	vmul.f32 $1.196826820e+00, v62;
	vm4 =	vlt.f32 v47, $-1.000000000e+00  }
0x1e2: {  	s11 =	sadd.s32 $0x80, s11;
	s10 =	sadd.s32 $0x80, s10;
	v45 =	vmul.f32 v52, v52;
	vm3 =	vlt.f32 v52, $-1.000000000e+00;
	(erf) = vpow2.f32 v0;
	v52 =	vpop (erf)  }
0x1e3: {  	v53 =	vmul.f32 v47, v47  }
0x1e4: {  	v0 =	vmul.f32 $1.442695020e+00, v51  }
0x1e5: {  	v47 =	vmul.f32 v44, v44;
	v59 =	vmul.f32 $-4.500000000e+00, v53  }
0x1e6: {  	(erf) = vpow2.f32 v49;
	v60 =	vmul.f32 $-4.500000000e+00, v45  }
0x1e7: {  	v54 =	vmul.f32 $-4.500000000e+00, v47;
	v51 =	vmul.f32 $1.442695020e+00, v59  }
0x1e8: {  	(erf) = vpow2.f32 v0;
	v49 =	vmul.f32 $1.442695020e+00, v60  }
0x1e9: {  	v0 =	vmul.f32 $1.442695020e+00, v54;
	(erf) = vpow2.f32 v51  }
0x1ea: {  	v46 =	vmul.f32 $1.442695020e+00, v46;
	(erf) = vpow2.f32 v49  }
0x1eb: {  	(erf) = vpow2.f32 v0  }
0x1ec: {  	(erf) = vpow2.f32 v46  }
0x1ed: {  	(erf) = vpow2.f32 v40;
	_ =	sdelay $0x1  }
0x1ee: {  	s9 =	sadd.s32 @!p0 s29, s2;
	v0 =	vpop (erf)  }
0x1ef: {  	s9 =	sshrl.u32 @!p0 s9, $0x3;
	v46 =	vpop (erf)  }
0x1f0: {  	s11 =	simm.s32 @!p0 $0x0;
	s30 =	simm.s32 @!p0 $0x4C00;
	s10 =	sadd.s32 @!p0 s0, s9;
	v49 =	vpop (erf)  }
0x1f1: {  	[tilespmem:s30], [sflag:$0x2] =	stream.linear.gather @!p0 [hbm4b:s10+s11], $0x2000, $0x38;
	v51 =	vpop (erf);
	[tilespmem:$0x1AC00] =	vst v63  }
0x1f2: {  	s10 =	sadd.s32 @!p0 s1, s9;
	s30 =	simm.s32 @!p0 $0xCC00;
	v54 =	vpop (erf)  }
0x1f3: {  	[tilespmem:s30], [sflag:$0x2] =	stream.linear.gather @!p0 [hbm4b:s10+s11], $0x2000, $0x38;
	v55 =	vpop (erf);
	[tilespmem:$0x1AC00] =	vst v63  }
0x1f4: {  	s9 =	sadd.s32 @!p0 s4, s9;
	s10 =	simm.s32 @!p0 $0x14C00;
	v56 =	vpop (erf)  }
0x1f5: {  	[tilespmem:s10], [sflag:$0x2] =	stream.linear.gather @!p0 [hbm4b:s9+s11], $0x2000, $0x38;
	v57 =	vpop (erf);
	[tilespmem:$0x1AC00] =	vst v63  }
0x1f6: {  	_ =	swait.ge [sflag:s24], $0x2000  }
0x1f7: {  	[sflag:s24] =	ssyncset.done $0x0  }
0x1f8: {  	[sflag:s24] =	ssyncadd.s32 $0xFFFFE000  }
0x1f9: {  	_ =	swait.ge [sflag:s24], $0x2000  }
0x1fa: {  	[sflag:s24] =	ssyncset.done $0x0  }
0x1fb: {  	[sflag:s24] =	ssyncadd.s32 $0xFFFFE000  }
0x1fc: {  	_ =	swait.ge [sflag:s24], $0x2000  }
0x1fd: {  	v62 =	vsub.f32 v1, v48;
	[sflag:s24] =	ssyncset.done $0x0;
	v1 =	vld [tilespmem:$0x1FFE0]  }
0x1fe: {  	s10 =	simm.s32 $0x16C40;
	[sflag:s24] =	ssyncadd.s32 $0xFFFFE000  }
0x1ff: {  	v61 =	vmul.f32 $1.196826820e+00, v52;
	v58 =	vsub.f32 v63, v50;
	vm7 =	vlt.f32 v44, $-1.000000000e+00;
	s9 =	simm.s32 $0x6C40;
	v50 =	vld [tilespmem:s10+$0x0]  }
0x200: {  	v37 =	vnsel vm2, $0x0, v37;
	vm2 =	vlt.f32 v39, $-1.000000000e+00;
	v29 =	vnsel vm3, $0x0, v29;
	v52 =	vld [tilespmem:s9+$0xFFFFFFD0]  }
0x201: {  	v12 =	vnsel vm0, $0x0, v12;
	v34 =	vnsel vm7, $0x0, v34;
	v15 =	vadd.f32 v29, v15;
	s11 =	simm.s32 $0xEC40;
	v48 =	vld [tilespmem:s9+$0xFFFFFFC0]  }
0x202: {  	v33 =	vnsel vm2, $0x0, v33;
	vm2 =	vle.f32 v36, $1.000000000e+00;
	v40 =	vld [tilespmem:s11+$0xFFFFFFE0];
	v1 =	vsub.f32 v1, v61  }
0x203: {  	v22 =	vadd.f32 v37, v22;
	v18 =	vadd.f32 v34, v18;
	v59 =	vmul.f32 v58, v58;
	v34 =	vld [tilespmem:s11+$0x20]  }
0x204: {  	v23 =	vadd.f32 v12, v23;
	v3 =	vmul.f32 v62, v62;
	v58 =	vld [tilespmem:s9+$0x20];
	v1 =	vmul.f32 v1, v1  }
0x205: {  	v60 =	vnsel vm4, $0x0, v38;
	v44 =	vnsel vm1, $0x0, v59;
	vm1 =	vlt.f32 v43, $-1.000000000e+00;
	v38 =	vld [tilespmem:s11+$0xFFFFFFF0]  }
0x206: {  	vm3 =	vle.f32 v53, $1.000000000e+00;
	v30 =	vnsel vm1, $0x0, v30;
	v63 =	vld [tilespmem:s11+$0xFFFFFFD0];
	v1 =	vnsel vm5, $0x0, v1  }
0x207: {  	v62 =	vld [tilespmem:s9+$0xFFFFFFE0];
	v61 =	vmul.f32 $1.196826820e+00, v46;
	v8 =	vadd.f32 v1, v8;
	v1 =	vmul.f32 $1.196826820e+00, v0  }
0x208: {  	v3 =	vnsel vm6, $0x0, v3;
	v16 =	vadd.f32 v30, v16;
	v29 =	vld [tilespmem:s11+$0x0];
	vm5 =	vlt.f32 v42, $-1.000000000e+00  }
0x209: {  	v59 =	vld [tilespmem:s9+$0x30];
	v20 =	vsub.f32 v20, v61;
	v30 =	vnsel vm5, $0x0, v31;
	v11 =	vsub.f32 v11, v1  }
0x20a: {  	v49 =	vmul.f32 $1.196826820e+00, v49;
	v0 =	vld [tilespmem:s11+$0xFFFFFFC0];
	v17 =	vadd.f32 v30, v17;
	v30 =	vmul.f32 $1.196826820e+00, v51  }
0x20b: {  	v10 =	vadd.f32 v3, v10;
	v20 =	vmul.f32 v20, v20;
	v31 =	vld [tilespmem:s11+$0x30];
	v11 =	vmul.f32 v11, v11  }
0x20c: {  	vm4 =	vle.f32 v41, $1.000000000e+00;
	v3 =	vsub.f32 v2, v49;
	v51 =	vld [tilespmem:s9+$0x0];
	v5 =	vsub.f32 v5, v30  }
0x20d: {  	v20 =	vnsel vm2, $0x0, v20;
	vm2 =	vle.f32 v32, $1.000000000e+00;
	v32 =	vld [tilespmem:s10+$0x10];
	v11 =	vnsel vm4, $0x0, v11  }
0x20e: {  	v30 =	vld [tilespmem:s10+$0x20];
	v5 =	vmul.f32 v5, v5;
	v19 =	vadd.f32 v11, v19;
	v11 =	vmul.f32 $1.196826820e+00, v54  }
0x20f: {  	v25 =	vadd.f32 v33, v25;
	v3 =	vmul.f32 v3, v3;
	v12 =	vmul.f32 $1.196826820e+00, v57;
	v54 =	vld [tilespmem:s10+$0xFFFFFFE0]  }
0x210: {  	v14 =	vadd.f32 v60, v14;
	v5 =	vnsel vm3, $0x0, v5;
	v9 =	vsub.f32 v9, v11;
	v11 =	vld [tilespmem:s10+$0xFFFFFFC0]  }
0x211: {  	v4 =	vsub.f32 v4, v12;
	v3 =	vnsel vm2, $0x0, v3;
	v21 =	vadd.f32 v5, v21;
	v5 =	vld [tilespmem:s10+$0xFFFFFFD0]  }
0x212: {  	v24 =	vadd.f32 v20, v24;
	v20 =	vmul.f32 $1.196826820e+00, v55;
	v26 =	vadd.f32 v3, v26;
	v3 =	vld [tilespmem:s10+$0xFFFFFFF0]  }
0x213: {  	v7 =	vadd.f32 v44, v7;
	v4 =	vmul.f32 v4, v4;
	v55 =	vmul.f32 $1.196826820e+00, v56;
	v56 =	vld [tilespmem:s10+$0x30]  }
0x214: {  	v43 =	vmul.f32 v63, v63;
	v13 =	vsub.f32 v13, v20;
	v20 =	vld.idx.msk [tilespmem:v50+s7+$0x0], $0xffff;
	v9 =	vmul.f32 v9, v9  }
0x215: {  	vm1 =	vle.f32 v45, $1.000000000e+00;
	v39 =	vmul.f32 v40, v40;
	v45 =	vmul.f32 v38, v38;
	v1 =	vld [tilespmem:s11+$0x10]  }
0x216: {  	vm2 =	vle.f32 v27, $1.000000000e+00;
	v6 =	vsub.f32 v6, v55;
	v30 =	vld.idx.msk [tilespmem:v30+s7+$0x0], $0xffff;
	v9 =	vnsel vm1, $0x0, v9  }
0x217: {  	v27 =	vmul.f32 v29, v29;
	v4 =	vnsel vm2, $0x0, v4;
	v28 =	vadd.f32 v9, v28;
	v9 =	vld.idx.msk [tilespmem:v54+s7+$0x0], $0xffff  }
0x218: {  	vm0 =	vle.f32 v35, $1.000000000e+00;
	v8 =	vadd.f32 v4, v8;
	v6 =	vmul.f32 v6, v6;
	v11 =	vld.idx.msk [tilespmem:v11+s7+$0x0], $0xffff;
	[tilespmem:$0x1FFD0] =	vst v0  }
0x219: {  	v36 =	vmul.f32 v0, v0;
	v37 =	vmul.f32 v31, v31;
	v20 =	vsub.f32 v51, v20;
	v5 =	vld.idx.msk [tilespmem:v5+s7+$0x0], $0xffff  }
0x21a: {  	v12 =	vmul.f32 v13, v13;
	v13 =	vmul.f32 v1, v1;
	v6 =	vnsel vm0, $0x0, v6;
	v3 =	vld.idx.msk [tilespmem:v3+s7+$0x0], $0xffff  }
0x21b: {  	v7 =	vadd.f32 v6, v7;
	v41 =	vmul.f32 v20, v20;
	v30 =	vsub.f32 v58, v30;
	v60 =	vld [tilespmem:s9+$0xFFFFFFF0]  }
0x21c: {  	vm0 =	vlt.f32 v20, $-1.000000000e+00;
	vm1 =	vle.f32 v47, $1.000000000e+00;
	v47 =	vmul.f32 v34, v34;
	v42 =	vld.idx.msk [tilespmem:v56+s7+$0x0], $0xffff  }
0x21d: {  	v27 =	vnsel vm0, $0x0, v27;
	v61 =	vmul.f32 $-4.500000000e+00, v41;
	v44 =	vmul.f32 v30, v30  }
0x21e: {  	v23 =	vadd.f32 v27, v23;
	v12 =	vnsel vm1, $0x0, v12;
	v9 =	vsub.f32 v62, v9  }
0x21f: {  	s11 =	simm.s32 $0xECC0;
	v49 =	vmul.f32 $1.442695020e+00, v61;
	v48 =	vsub.f32 v48, v11;
	v11 =	vmul.f32 $-4.500000000e+00, v44  }
0x220: {  	s30 =	simm.s32 $0x6CC0;
	v0 =	vld [tilespmem:s11+$0xFFFFFFE0];
	v50 =	vmul.f32 v9, v9;
	v52 =	vsub.f32 v52, v5;
	v5 =	vsub.f32 v60, v3  }
0x221: {  	v58 =	vld [tilespmem:s30+$0x20];
	v33 =	vsub.f32 v59, v42;
	v46 =	vmul.f32 v48, v48;
	v11 =	vmul.f32 $1.442695020e+00, v11  }
0x222: {  	v10 =	vadd.f32 v12, v10;
	v62 =	vld [tilespmem:s9+$0x10];
	s9 =	simm.s32 $0x16CC0;
	v60 =	vmul.f32 $-4.500000000e+00, v50;
	v54 =	vmul.f32 v5, v5  }
0x223: {  	v53 =	vld [tilespmem:s9+$0x0];
	vm1 =	vlt.f32 v9, $-1.000000000e+00;
	v55 =	vmul.f32 v52, v52;
	v61 =	vmul.f32 v33, v33  }
0x224: {  	v3 =	vld.idx.msk [tilespmem:v32+s7+$0x0], $0xffff;
	vm3 =	vlt.f32 v5, $-1.000000000e+00;
	vm4 =	vlt.f32 v33, $-1.000000000e+00;
	(erf) = vpow2.f32 v11  }
0x225: {  	v42 =	vld [tilespmem:s30+$0xFFFFFFD0];
	vm5 =	vlt.f32 v52, $-1.000000000e+00;
	v6 =	vmul.f32 $-4.500000000e+00, v46;
	v12 =	vmul.f32 $1.442695020e+00, v60  }
0x226: {  	v32 =	vld [tilespmem:s30+$0xFFFFFFC0];
	v9 =	vnsel vm3, $0x0, v45;
	vm3 =	vle.f32 v44, $1.000000000e+00;
	v56 =	vnsel vm4, $0x0, v37  }
0x227: {  	v5 =	vld [tilespmem:s11+$0xFFFFFFF0];
	v59 =	vnsel vm5, $0x0, v43;
	(erf) = vpow2.f32 v49;
	v4 =	vmul.f32 $-4.500000000e+00, v54  }
0x228: {  	v52 =	vld [tilespmem:s9+$0xFFFFFFC0];
	vm5 =	vle.f32 v46, $1.000000000e+00;
	v20 =	vmul.f32 $-4.500000000e+00, v61;
	v57 =	vmul.f32 $-4.500000000e+00, v55  }
0x229: {  	v11 =	vld [tilespmem:s11+$0x20];
	v62 =	vsub.f32 v62, v3;
	(erf) = vpow2.f32 v12;
	v4 =	vmul.f32 $1.442695020e+00, v4  }
0x22a: {  	v43 =	vld [tilespmem:s30+$0x0];
	v14 =	vadd.f32 v9, v14;
	v17 =	vadd.f32 v59, v17;
	v51 =	vmul.f32 $1.442695020e+00, v6  }
0x22b: {  	v6 =	vmul.f32 $1.442695020e+00, v20;
	v53 =	vld.idx.msk [tilespmem:v53+s7+$0x0], $0xffff;
	vm2 =	vlt.f32 v62, $-1.000000000e+00;
	(erf) = vpow2.f32 v4  }
0x22c: {  	v44 =	vld [tilespmem:s9+$0xFFFFFFE0];
	v15 =	vadd.f32 v56, v15;
	v45 =	vmul.f32 v62, v62;
	v4 =	vnsel vm2, $0x0, v13  }
0x22d: {  	v9 =	vld [tilespmem:s11+$0x30];
	vm2 =	vlt.f32 v48, $-1.000000000e+00;
	(erf) = vpow2.f32 v6;
	v18 =	vadd.f32 v4, v18  }
0x22e: {  	v13 =	vld [tilespmem:s11+$0x10];
	v48 =	vnsel vm2, $0x0, v36;
	v36 =	vnsel vm1, $0x0, v39;
	vm1 =	vlt.f32 v30, $-1.000000000e+00  }
0x22f: {  	v4 =	vld [tilespmem:s11+$0xFFFFFFC0];
	vm2 =	vle.f32 v61, $1.000000000e+00;
	vm6 =	vle.f32 v45, $1.000000000e+00;
	v16 =	vadd.f32 v48, v16;
	v12 =	vpop (erf)  }
0x230: {  	v56 =	vld [tilespmem:s9+$0x10];
	v47 =	vnsel vm1, $0x0, v47;
	v43 =	vsub.f32 v43, v53;
	v12 =	vmul.f32 $1.196826820e+00, v12  }
0x231: {  	vm1 =	vle.f32 v41, $1.000000000e+00;
	v52 =	vld.idx.msk [tilespmem:v52+s7+$0x0], $0xffff;
	v22 =	vadd.f32 v36, v22;
	v25 =	vadd.f32 v47, v25;
	v20 =	vpop (erf)  }
0x232: {  	v49 =	vld [tilespmem:s9+$0xFFFFFFD0];
	v36 =	vmul.f32 v43, v43;
	v30 =	vmul.f32 $1.196826820e+00, v20;
	v60 =	vpop (erf);
	v12 =	vsub.f32 v34, v12  }
0x233: {  	v48 =	vld [tilespmem:s9+$0x20];
	vm0 =	vlt.f32 v43, $-1.000000000e+00;
	v34 =	vmul.f32 v13, v13;
	v33 =	vmul.f32 $1.196826820e+00, v60  }
0x234: {  	v59 =	vld [tilespmem:s9+$0x30];
	v61 =	vsub.f32 v29, v30;
	v30 =	vmul.f32 v4, v4;
	v12 =	vmul.f32 v12, v12;
	v29 =	vpop (erf)  }
0x235: {  	v6 =	vld [tilespmem:s11+$0xFFFFFFD0];
	v40 =	vsub.f32 v40, v33;
	v33 =	vmul.f32 v11, v11;
	v62 =	vmul.f32 $1.196826820e+00, v29  }
0x236: {  	v39 =	vld [tilespmem:s30+$0xFFFFFFE0];
	v43 =	vsub.f32 v32, v52;
	v29 =	vmul.f32 v9, v9;
	v37 =	vmul.f32 v61, v61  }
0x237: {  	v44 =	vld.idx.msk [tilespmem:v44+s7+$0x0], $0xffff;
	v12 =	vnsel vm3, $0x0, v12;
	vm3 =	vle.f32 v54, $1.000000000e+00;
	v54 =	vmul.f32 $-4.500000000e+00, v45  }
0x238: {  	v40 =	vmul.f32 v40, v40;
	v19 =	vadd.f32 v12, v19;
	v38 =	vsub.f32 v38, v62;
	v62 =	vld [tilespmem:s9+$0xFFFFFFF0]  }
0x239: {  	v47 =	vld [tilespmem:s30+$0x30];
	v61 =	vnsel vm1, $0x0, v37;
	v37 =	vmul.f32 v0, v0;
	v54 =	vmul.f32 $1.442695020e+00, v54  }
0x23a: {  	v20 =	vld [tilespmem:s11+$0x0];
	vm1 =	vle.f32 v55, $1.000000000e+00;
	v12 =	vpop (erf);
	v60 =	vmul.f32 v38, v38;
	v38 =	vmul.f32 v5, v5  }
0x23b: {  	v48 =	vld.idx.msk [tilespmem:v48+s7+$0x0], $0xffff;
	v24 =	vadd.f32 v61, v24;
	v41 =	vmul.f32 $1.196826820e+00, v12;
	(erf) = vpow2.f32 v54  }
0x23c: {  	v54 =	vmul.f32 $1.442695020e+00, v57;
	v60 =	vnsel vm3, $0x0, v60;
	vm3 =	vle.f32 v50, $1.000000000e+00;
	v50 =	vld.idx.msk [tilespmem:v56+s7+$0x0], $0xffff  }
0x23d: {  	v41 =	vsub.f32 v31, v41;
	v21 =	vadd.f32 v60, v21;
	v40 =	vnsel vm3, $0x0, v40;
	v60 =	vld.idx.msk [tilespmem:v59+s7+$0x0], $0xffff  }
0x23e: {  	v56 =	vmul.f32 $-4.500000000e+00, v36;
	(erf) = vpow2.f32 v54;
	v26 =	vadd.f32 v40, v26;
	v40 =	vld.idx.msk [tilespmem:v49+s7+$0x0], $0xffff  }
0x23f: {  	v35 =	vld [tilespmem:s30+$0x10];
	v57 =	vsub.f32 v39, v44;
	(erf) = vpow2.f32 v51;
	v41 =	vmul.f32 v41, v41  }
0x240: {  	v12 =	vmul.f32 v20, v20;
	v39 =	vsub.f32 v58, v48;
	v31 =	vmul.f32 v6, v6;
	v61 =	vld.idx.msk [tilespmem:v62+s7+$0x0], $0xffff  }
0x241: {  	v32 =	vmul.f32 v57, v57;
	v49 =	vmul.f32 $1.442695020e+00, v56;
	v62 =	vld [tilespmem:s30+$0xFFFFFFF0];
	v27 =	vnsel vm2, $0x0, v41  }
0x242: {  	v41 =	vmul.f32 v39, v39;
	v28 =	vadd.f32 v27, v28;
	v27 =	vmul.f32 v43, v43  }
0x243: {  	v51 =	vmul.f32 $-4.500000000e+00, v32;
	v59 =	vsub.f32 v47, v60;
	v42 =	vsub.f32 v42, v40  }
0x244: {  	vm2 =	vlt.f32 v57, $-1.000000000e+00;
	v57 =	vmul.f32 $-4.500000000e+00, v41;
	v58 =	vmul.f32 $-4.500000000e+00, v27  }
0x245: {  	v44 =	vsub.f32 v35, v50;
	v60 =	vpop (erf);
	v45 =	vmul.f32 v59, v59;
	v35 =	vmul.f32 v42, v42  }
0x246: {  	v2 =	vmovc v0;
	v47 =	vsub.f32 v62, v61;
	v61 =	vmul.f32 $1.442695020e+00, v57;
	v48 =	vmul.f32 $1.196826820e+00, v60  }
0x247: {  	vm3 =	vlt.f32 v59, $-1.000000000e+00;
	v40 =	vmul.f32 $1.442695020e+00, v58;
	v62 =	vpop (erf);
	v46 =	vmul.f32 $-4.500000000e+00, v35  }
0x248: {  	s10 =	simm.s32 $0x16D40;
	s11 =	simm.s32 $0xED40;
	s9 =	simm.s32 $0x80;
	vm4 =	vlt.f32 v47, $-1.000000000e+00;
	(erf) = vpow2.f32 v61;
	v50 =	vmul.f32 $1.196826820e+00, v62;
	v52 =	vpop (erf)  }
.LBB2_15:
0x249: {  	v53 =	vld [tilespmem:s10+$0x0];
	v54 =	vmul.f32 v47, v47  }
0x24a: {  	v52 =	vmul.f32 $1.196826820e+00, v52;
	v0 =	vld [tilespmem:$0x1FFD0];
	vm7 =	vlt.f32 v44, $-1.000000000e+00;
	v55 =	vsub.f32 v1, v48  }
0x24b: {  	v3 =	vmovc v13;
	v56 =	vld [tilespmem:s11+$0x20];
	v13 =	vmul.f32 $1.442695020e+00, v51;
	(erf) = vpow2.f32 v49;
	v50 =	vsub.f32 v63, v50  }
0x24c: {  	v57 =	vld [tilespmem:s11+$0xFFFFFFF0];
	v29 =	vnsel vm3, $0x0, v29;
	v1 =	vmovc v6;
	v46 =	vmul.f32 $1.442695020e+00, v46;
	v6 =	vmul.f32 $-4.500000000e+00, v54  }
0x24d: {  	v58 =	vld [tilespmem:s10+$0xFFFFFFC0];
	v15 =	vadd.f32 v29, v15;
	v63 =	vmul.f32 v55, v55;
	v50 =	vmul.f32 v50, v50  }
0x24e: {  	v60 =	vld [tilespmem:s10+$0x10];
	vm3 =	vle.f32 v54, $1.000000000e+00;
	(erf) = vpow2.f32 v13;
	v6 =	vmul.f32 $1.442695020e+00, v6  }
0x24f: {  	s30 =	sadd.s32 $0x80, s30;
	v61 =	vld [tilespmem:s10+$0xFFFFFFD0];
	v62 =	vsub.f32 v0, v52;
	v0 =	vmovc v4;
	v4 =	vmul.f32 $-4.500000000e+00, v45;
	v52 =	vnsel vm6, $0x0, v63  }
0x250: {  	v47 =	vld [tilespmem:s30+$0x10];
	v13 =	vnsel vm1, $0x0, v50;
	vm1 =	vlt.f32 v43, $-1.000000000e+00;
	v43 =	vnsel vm2, $0x0, v37  }
0x251: {  	v48 =	vld [tilespmem:s30+$0xFFFFFFD0];
	vm2 =	vle.f32 v45, $1.000000000e+00;
	v45 =	vmul.f32 v44, v44;
	[tilespmem:$0x1FFD0] =	vst v0;
	v0 =	vnsel vm7, $0x0, v34  }
0x252: {  	v49 =	vld [tilespmem:s30+$0xFFFFFFC0];
	(erf) = vpow2.f32 v6;
	v7 =	vadd.f32 v13, v7;
	v13 =	vnsel vm4, $0x0, v38  }
0x253: {  	v55 =	vld [tilespmem:s11+$0xFFFFFFE0];
	v10 =	vadd.f32 v52, v10;
	v30 =	vnsel vm1, $0x0, v30;
	vm1 =	vlt.f32 v39, $-1.000000000e+00  }
0x254: {  	v6 =	vld [tilespmem:s11+$0xFFFFFFD0];
	vm4 =	vle.f32 v41, $1.000000000e+00;
	v22 =	vadd.f32 v43, v22;
	v51 =	vmul.f32 v62, v62  }
0x255: {  	v41 =	vld [tilespmem:s11+$0x0];
	v4 =	vmul.f32 $1.442695020e+00, v4;
	v18 =	vadd.f32 v0, v18;
	v14 =	vadd.f32 v13, v14  }
0x256: {  	v13 =	vld [tilespmem:s11+$0x10];
	v16 =	vadd.f32 v30, v16;
	v54 =	vmul.f32 $-4.500000000e+00, v45;
	vm6 =	vle.f32 v45, $1.000000000e+00;
	v38 =	vpop (erf)  }
0x257: {  	v53 =	vld.idx.msk [tilespmem:v53+s7+$0x0], $0xffff;
	v51 =	vnsel vm5, $0x0, v51;
	(erf) = vpow2.f32 v4;
	v34 =	vmul.f32 $1.196826820e+00, v38  }
0x258: {  	vm5 =	vlt.f32 v42, $-1.000000000e+00;
	v42 =	vld [tilespmem:s30+$0x0];
	v54 =	vmul.f32 $1.442695020e+00, v54;
	v8 =	vadd.f32 v51, v8;
	v52 =	vpop (erf)  }
0x259: {  	v4 =	vld [tilespmem:s11+$0xFFFFFFC0];
	v0 =	vnsel vm5, $0x0, v31;
	v34 =	vsub.f32 v11, v34;
	v37 =	vmul.f32 $1.196826820e+00, v52  }
0x25a: {  	v51 =	vld [tilespmem:s10+$0xFFFFFFE0];
	vm5 =	vle.f32 v27, $1.000000000e+00;
	v17 =	vadd.f32 v0, v17;
	v52 =	vnsel vm1, $0x0, v33  }
0x25b: {  	v33 =	vld [tilespmem:s10+$0x20];
	vm1 =	vle.f32 v36, $1.000000000e+00;
	v44 =	vpop (erf);
	v31 =	vmul.f32 v34, v34;
	v20 =	vsub.f32 v20, v37  }
0x25c: {  	v39 =	vld [tilespmem:s30+$0xFFFFFFE0];
	v59 =	vmul.f32 v41, v41;
	v25 =	vadd.f32 v52, v25;
	v44 =	vmul.f32 $1.196826820e+00, v44  }
0x25d: {  	v38 =	vld [tilespmem:s11+$0x30];
	v42 =	vsub.f32 v42, v53;
	v0 =	vnsel vm4, $0x0, v31;
	v37 =	vmul.f32 v20, v20  }
0x25e: {  	v34 =	vmul.f32 v13, v13;
	v30 =	vpop (erf);
	v44 =	vsub.f32 v2, v44;
	v19 =	vadd.f32 v0, v19;
	v0 =	vld [tilespmem:s10+$0xFFFFFFF0]  }
0x25f: {  	v31 =	vmul.f32 $1.196826820e+00, v30;
	v30 =	vmul.f32 v4, v4;
	v20 =	vmovc v41;
	v41 =	vld [tilespmem:s10+$0x30];
	v63 =	vnsel vm1, $0x0, v37  }
0x260: {  	v2 =	vmovc v55;
	v37 =	vmul.f32 v55, v55;
	vm1 =	vle.f32 v35, $1.000000000e+00;
	v44 =	vmul.f32 v44, v44;
	v35 =	vld.idx.msk [tilespmem:v58+s7+$0x0], $0xffff  }
0x261: {  	v55 =	vld.idx.msk [tilespmem:v60+s7+$0x0], $0xffff;
	v58 =	vnsel vm0, $0x0, v12;
	v29 =	vpop (erf);
	v31 =	vsub.f32 v5, v31;
	(erf) = vpow2.f32 v54  }
0x262: {  	v11 =	vmovc v56;
	vm0 =	vlt.f32 v42, $-1.000000000e+00;
	v51 =	vld.idx.msk [tilespmem:v51+s7+$0x0], $0xffff;
	v36 =	vmul.f32 $1.196826820e+00, v29;
	v29 =	vmul.f32 v38, v38  }
0x263: {  	v24 =	vadd.f32 v63, v24;
	v54 =	vld.idx.msk [tilespmem:v33+s7+$0x0], $0xffff;
	v33 =	vmul.f32 v56, v11;
	v62 =	vmul.f32 v31, v31  }
0x264: {  	v50 =	vld [tilespmem:s30+$0x20];
	v5 =	vmovc v57;
	v23 =	vadd.f32 v58, v23;
	(erf) = vpow2.f32 v46;
	v31 =	vmul.f32 v6, v6  }
0x265: {  	v52 =	vld [tilespmem:s30+$0x30];
	v36 =	vsub.f32 v9, v36;
	v9 =	vmovc v38;
	v38 =	vmul.f32 v57, v5;
	v57 =	vnsel vm3, $0x0, v62  }
0x266: {  	v53 =	vld.idx.msk [tilespmem:v61+s7+$0x0], $0xffff;
	vm3 =	vle.f32 v32, $1.000000000e+00;
	v43 =	vsub.f32 v49, v35;
	v21 =	vadd.f32 v57, v21  }
0x267: {  	v62 =	vld [tilespmem:s30+$0xFFFFFFF0];
	v32 =	vnsel vm3, $0x0, v44;
	v36 =	vmul.f32 v36, v36;
	v61 =	vsub.f32 v39, v51  }
0x268: {  	(erf) = vpow2.f32 v40;
	v44 =	vsub.f32 v47, v55;
	v26 =	vadd.f32 v32, v26;
	v56 =	vld.idx.msk [tilespmem:v41+s7+$0x0], $0xffff  }
0x269: {  	v12 =	vmovc v59;
	v0 =	vld.idx.msk [tilespmem:v0+s7+$0x0], $0xffff;
	v39 =	vsub.f32 v50, v54;
	v59 =	vmul.f32 v43, v43;
	v60 =	vnsel vm2, $0x0, v36  }
0x26a: {  	v36 =	vmul.f32 v42, v42;
	v32 =	vmul.f32 v61, v61;
	vm2 =	vlt.f32 v61, $-1.000000000e+00  }
0x26b: {  	s9 =	sadd.s32 $0x80, s9;
	v42 =	vsub.f32 v48, v53;
	v41 =	vmul.f32 v39, v39;
	v61 =	vmul.f32 $-4.500000000e+00, v59  }
0x26c: {  	p1 =	slt.u32 s9, $0x1F80;
	v28 =	vadd.f32 v60, v28;
	v57 =	vmul.f32 $-4.500000000e+00, v36;
	v51 =	vmul.f32 $-4.500000000e+00, v32  }
.Ltmp6:
0x26d: {  	v58 =	vpop (erf);
	v35 =	vmul.f32 v42, v42;
	v60 =	vmul.f32 $-4.500000000e+00, v41;
	v52 =	vsub.f32 v52, v56;
	(pc) =	sbr.rel @p1 .LBB2_15-.Ltmp6, $4  }
0x26e: {  	v48 =	vmul.f32 $1.196826820e+00, v58;
	v40 =	vmul.f32 $1.442695020e+00, v61;
	v47 =	vsub.f32 v62, v0  }
0x26f: {  	v63 =	vmov v1;
	v49 =	vmul.f32 $1.442695020e+00, v57;
	v62 =	vpop (erf);
	v0 =	vmul.f32 $1.442695020e+00, v60  }
0x270: {  	v1 =	vmovc v3;
	v27 =	vmovc v59;
	v46 =	vmul.f32 $-4.500000000e+00, v35;
	v50 =	vmul.f32 $1.196826820e+00, v62;
	vm4 =	vlt.f32 v47, $-1.000000000e+00  }
0x271: {  	s11 =	sadd.s32 $0x80, s11;
	s10 =	sadd.s32 $0x80, s10;
	v45 =	vmul.f32 v52, v52;
	vm3 =	vlt.f32 v52, $-1.000000000e+00;
	(erf) = vpow2.f32 v0;
	v52 =	vpop (erf)  }
0x272: {  	v53 =	vmul.f32 v47, v47  }
0x273: {  	v0 =	vmul.f32 $1.442695020e+00, v51  }
0x274: {  	v47 =	vmul.f32 v44, v44;
	v56 =	vmul.f32 $-4.500000000e+00, v53  }
0x275: {  	(erf) = vpow2.f32 v49;
	v57 =	vmul.f32 $-4.500000000e+00, v45  }
0x276: {  	v54 =	vmul.f32 $-4.500000000e+00, v47;
	v51 =	vmul.f32 $1.442695020e+00, v56  }
0x277: {  	(erf) = vpow2.f32 v0;
	v49 =	vmul.f32 $1.442695020e+00, v57  }
0x278: {  	v0 =	vmul.f32 $1.442695020e+00, v54;
	(erf) = vpow2.f32 v51  }
0x279: {  	v46 =	vmul.f32 $1.442695020e+00, v46;
	(erf) = vpow2.f32 v49  }
0x27a: {  	(erf) = vpow2.f32 v0  }
0x27b: {  	(erf) = vpow2.f32 v46  }
0x27c: {  	(erf) = vpow2.f32 v40;
	_ =	sdelay $0x1  }
0x27d: {  	s9 =	sadd.s32 @!p0 s29, s5;
	v0 =	vpop (erf)  }
0x27e: {  	s9 =	sshrl.u32 @!p0 s9, $0x3;
	v46 =	vpop (erf)  }
0x27f: {  	s11 =	simm.s32 @!p0 $0x0;
	s30 =	simm.s32 @!p0 $0x6C00;
	s10 =	sadd.s32 @!p0 s0, s9;
	v49 =	vpop (erf)  }
0x280: {  	[tilespmem:s30], [sflag:$0x3] =	stream.linear.gather @!p0 [hbm4b:s10+s11], $0x2000, $0x38;
	v51 =	vpop (erf);
	[tilespmem:$0x1AC00] =	vst v63  }
0x281: {  	s10 =	sadd.s32 @!p0 s1, s9;
	s30 =	simm.s32 @!p0 $0xEC00;
	v54 =	vpop (erf)  }
0x282: {  	[tilespmem:s30], [sflag:$0x3] =	stream.linear.gather @!p0 [hbm4b:s10+s11], $0x2000, $0x38;
	v55 =	vpop (erf);
	[tilespmem:$0x1AC00] =	vst v63  }
0x283: {  	s9 =	sadd.s32 @!p0 s4, s9;
	s10 =	simm.s32 @!p0 $0x16C00;
	v56 =	vpop (erf)  }
0x284: {  	[tilespmem:s10], [sflag:$0x3] =	stream.linear.gather @!p0 [hbm4b:s9+s11], $0x2000, $0x38;
	v57 =	vpop (erf);
	[tilespmem:$0x1AC00] =	vst v63  }
0x285: {  	_ =	swait.ge [sflag:s25], $0x2000  }
0x286: {  	[sflag:s25] =	ssyncset.done $0x0  }
0x287: {  	[sflag:s25] =	ssyncadd.s32 $0xFFFFE000  }
0x288: {  	v60 =	vsub.f32 v63, v50;
	_ =	swait.ge [sflag:s25], $0x2000  }
0x289: {  	[sflag:s25] =	ssyncset.done $0x0  }
0x28a: {  	v61 =	vmul.f32 v60, v60;
	[sflag:s25] =	ssyncadd.s32 $0xFFFFE000  }
0x28b: {  	v58 =	vmul.f32 $1.196826820e+00, v52;
	_ =	swait.ge [sflag:s25], $0x2000  }
0x28c: {  	v59 =	vsub.f32 v1, v48;
	vm7 =	vlt.f32 v44, $-1.000000000e+00;
	v44 =	vnsel vm1, $0x0, v61;
	[sflag:s25] =	ssyncset.done $0x0;
	v1 =	vld [tilespmem:$0x1FFD0]  }
0x28d: {  	v34 =	vnsel vm7, $0x0, v34;
	v44 =	vadd.f32 v44, v7;
	v7 =	vnsel vm4, $0x0, v38;
	s10 =	simm.s32 $0x18C40;
	[sflag:s25] =	ssyncadd.s32 $0xFFFFE000  }
0x28e: {  	v3 =	vmul.f32 v59, v59;
	vm1 =	vlt.f32 v43, $-1.000000000e+00;
	v7 =	vadd.f32 v7, v14;
	s9 =	simm.s32 $0x8C40;
	v50 =	vld [tilespmem:s10+$0x0]  }
0x28f: {  	v14 =	vnsel vm1, $0x0, v30;
	vm1 =	vle.f32 v45, $1.000000000e+00;
	v45 =	vmul.f32 $1.196826820e+00, v46;
	v52 =	vld [tilespmem:s9+$0xFFFFFFD0]  }
0x290: {  	v34 =	vadd.f32 v34, v18;
	v3 =	vnsel vm6, $0x0, v3;
	s11 =	simm.s32 $0x10C40;
	v48 =	vld [tilespmem:s9+$0xFFFFFFC0]  }
0x291: {  	v20 =	vsub.f32 v20, v45;
	v59 =	vmul.f32 $1.196826820e+00, v49;
	v40 =	vld [tilespmem:s11+$0xFFFFFFE0];
	v1 =	vsub.f32 v1, v58  }
0x292: {  	v10 =	vadd.f32 v3, v10;
	v30 =	vnsel vm2, $0x0, v37;
	vm2 =	vlt.f32 v39, $-1.000000000e+00;
	v18 =	vld [tilespmem:s11+$0x20]  }
0x293: {  	v3 =	vsub.f32 v2, v59;
	v20 =	vmul.f32 v20, v20;
	v60 =	vld [tilespmem:s10+$0x20];
	v1 =	vmul.f32 v1, v1  }
0x294: {  	v33 =	vnsel vm2, $0x0, v33;
	vm2 =	vle.f32 v36, $1.000000000e+00;
	v46 =	vnsel vm3, $0x0, v29;
	v38 =	vld [tilespmem:s11+$0xFFFFFFF0]  }
0x295: {  	v3 =	vmul.f32 v3, v3;
	v20 =	vnsel vm2, $0x0, v20;
	v63 =	vld [tilespmem:s11+$0xFFFFFFD0];
	v1 =	vnsel vm5, $0x0, v1  }
0x296: {  	vm2 =	vle.f32 v32, $1.000000000e+00;
	v29 =	vld [tilespmem:s11+$0x30];
	v8 =	vadd.f32 v1, v8;
	v1 =	vmul.f32 $1.196826820e+00, v0  }
0x297: {  	v3 =	vnsel vm2, $0x0, v3;
	v39 =	vld [tilespmem:s11+$0x0];
	vm5 =	vlt.f32 v42, $-1.000000000e+00  }
0x298: {  	v61 =	vld [tilespmem:s10+$0xFFFFFFE0];
	v62 =	vsub.f32 v11, v1;
	v11 =	vadd.f32 v14, v16;
	v14 =	vnsel vm5, $0x0, v31  }
0x299: {  	v32 =	vadd.f32 v3, v26;
	v3 =	vld [tilespmem:s10+$0xFFFFFFF0];
	v31 =	vadd.f32 v14, v17;
	v14 =	vmul.f32 $1.196826820e+00, v51  }
0x29a: {  	v58 =	vld [tilespmem:s9+$0x20];
	v16 =	vmul.f32 v62, v62  }
0x29b: {  	vm4 =	vle.f32 v41, $1.000000000e+00;
	v42 =	vadd.f32 v30, v22;
	v22 =	vld.idx.msk [tilespmem:v60+s7+$0x0], $0xffff;
	v5 =	vsub.f32 v5, v14  }
0x29c: {  	v37 =	vadd.f32 v20, v24;
	v20 =	vmul.f32 $1.196826820e+00, v55;
	v24 =	vld [tilespmem:s10+$0x30];
	v16 =	vnsel vm4, $0x0, v16  }
0x29d: {  	v0 =	vld [tilespmem:s11+$0xFFFFFFC0];
	v14 =	vadd.f32 v16, v19;
	v16 =	vmul.f32 $1.196826820e+00, v54;
	v5 =	vmul.f32 v5, v5  }
0x29e: {  	vm3 =	vle.f32 v53, $1.000000000e+00;
	v13 =	vsub.f32 v13, v20;
	v20 =	vld.idx.msk [tilespmem:v50+s7+$0x0], $0xffff  }
0x29f: {  	v9 =	vsub.f32 v9, v16;
	v16 =	vld [tilespmem:s10+$0xFFFFFFC0];
	v5 =	vnsel vm3, $0x0, v5  }
0x2a0: {  	v22 =	vsub.f32 v58, v22;
	v43 =	vadd.f32 v5, v21;
	v5 =	vld [tilespmem:s10+$0xFFFFFFD0]  }
0x2a1: {  	v12 =	vnsel vm0, $0x0, v12;
	vm0 =	vle.f32 v35, $1.000000000e+00;
	v1 =	vld [tilespmem:s11+$0x10]  }
0x2a2: {  	v23 =	vadd.f32 v12, v23;
	v12 =	vmul.f32 $1.196826820e+00, v57;
	v17 =	vld [tilespmem:s9+$0xFFFFFFE0];
	v35 =	vmul.f32 v22, v22  }
0x2a3: {  	v41 =	vadd.f32 v33, v25;
	v19 =	vld [tilespmem:s9+$0x0];
	v21 =	vmul.f32 $1.196826820e+00, v56;
	v9 =	vmul.f32 v9, v9  }
0x2a4: {  	vm2 =	vle.f32 v27, $1.000000000e+00;
	v4 =	vsub.f32 v4, v12;
	v12 =	vmul.f32 v13, v13;
	v62 =	vld [tilespmem:s10+$0x10]  }
0x2a5: {  	v60 =	vmul.f32 $-4.500000000e+00, v35;
	v6 =	vsub.f32 v6, v21;
	v21 =	vld [tilespmem:s9+$0x30];
	v9 =	vnsel vm1, $0x0, v9  }
0x2a6: {  	v4 =	vmul.f32 v4, v4;
	v27 =	vmul.f32 v39, v39;
	v30 =	vadd.f32 v9, v28;
	v9 =	vld.idx.msk [tilespmem:v61+s7+$0x0], $0xffff  }
0x2a7: {  	v15 =	vadd.f32 v46, v15;
	v26 =	vmul.f32 v29, v29;
	v45 =	vmul.f32 $1.442695020e+00, v60;
	v13 =	vld.idx.msk [tilespmem:v16+s7+$0x0], $0xffff;
	[tilespmem:$0x1FFC0] =	vst v0  }
0x2a8: {  	v36 =	vmul.f32 v38, v38;
	v25 =	vmul.f32 v0, v0;
	v19 =	vsub.f32 v19, v20;
	v5 =	vld.idx.msk [tilespmem:v5+s7+$0x0], $0xffff  }
0x2a9: {  	v4 =	vnsel vm2, $0x0, v4;
	v20 =	vmul.f32 v40, v40;
	(erf) = vpow2.f32 v45;
	v3 =	vld.idx.msk [tilespmem:v3+s7+$0x0], $0xffff  }
0x2aa: {  	vm1 =	vle.f32 v47, $1.000000000e+00;
	v6 =	vmul.f32 v6, v6;
	v50 =	vmul.f32 v19, v19;
	v59 =	vld [tilespmem:s9+$0xFFFFFFF0]  }
0x2ab: {  	v28 =	vmul.f32 v63, v63;
	v12 =	vnsel vm1, $0x0, v12;
	v9 =	vsub.f32 v17, v9  }
0x2ac: {  	v6 =	vnsel vm0, $0x0, v6;
	v61 =	vmul.f32 $-4.500000000e+00, v50;
	v16 =	vmul.f32 v1, v1  }
0x2ad: {  	vm0 =	vlt.f32 v19, $-1.000000000e+00;
	v17 =	vld.idx.msk [tilespmem:v24+s7+$0x0], $0xffff;
	v24 =	vmul.f32 v18, v18;
	v51 =	vmul.f32 v9, v9  }
0x2ae: {  	vm1 =	vlt.f32 v9, $-1.000000000e+00;
	v13 =	vsub.f32 v48, v13;
	v52 =	vsub.f32 v52, v5  }
0x2af: {  	v53 =	vld [tilespmem:s9+$0x10];
	v48 =	vmul.f32 $1.442695020e+00, v61;
	v33 =	vsub.f32 v59, v3;
	v5 =	vadd.f32 v6, v44  }
0x2b0: {  	s30 =	simm.s32 $0x8CC0;
	v3 =	vld.idx.msk [tilespmem:v62+s7+$0x0], $0xffff;
	v62 =	vmul.f32 $-4.500000000e+00, v51;
	v6 =	vadd.f32 v4, v8;
	v8 =	vadd.f32 v12, v10  }
0x2b1: {  	v45 =	vld [tilespmem:s30+$0x10];
	v59 =	vnsel vm1, $0x0, v20;
	vm1 =	vlt.f32 v22, $-1.000000000e+00;
	v47 =	vmul.f32 v13, v13  }
0x2b2: {  	v49 =	vld [tilespmem:s30+$0xFFFFFFD0];
	v17 =	vsub.f32 v21, v17;
	(erf) = vpow2.f32 v48;
	v48 =	vnsel vm1, $0x0, v24  }
0x2b3: {  	s11 =	simm.s32 $0x10CC0;
	v46 =	vld [tilespmem:s30+$0xFFFFFFC0];
	vm1 =	vle.f32 v50, $1.000000000e+00;
	v60 =	vmul.f32 v33, v33;
	v55 =	vmul.f32 v52, v52  }
0x2b4: {  	v0 =	vld [tilespmem:s11+$0xFFFFFFE0];
	v12 =	vmul.f32 $1.442695020e+00, v62;
	vm3 =	vlt.f32 v33, $-1.000000000e+00;
	v61 =	vmul.f32 v17, v17  }
0x2b5: {  	s9 =	simm.s32 $0x18CC0;
	v58 =	vld [tilespmem:s30+$0x20];
	vm5 =	vlt.f32 v52, $-1.000000000e+00;
	v21 =	vmul.f32 $-4.500000000e+00, v47;
	v4 =	vmul.f32 $-4.500000000e+00, v60  }
0x2b6: {  	v56 =	vld [tilespmem:s9+$0xFFFFFFC0];
	(erf) = vpow2.f32 v12;
	v19 =	vmul.f32 $-4.500000000e+00, v61;
	v62 =	vsub.f32 v53, v3  }
0x2b7: {  	v44 =	vld [tilespmem:s9+$0x0];
	vm4 =	vlt.f32 v17, $-1.000000000e+00;
	v57 =	vmul.f32 $-4.500000000e+00, v55;
	v4 =	vmul.f32 $1.442695020e+00, v4  }
0x2b8: {  	v10 =	vld [tilespmem:s11+$0x20];
	v53 =	vmul.f32 $1.442695020e+00, v21;
	v9 =	vmul.f32 $1.442695020e+00, v19;
	vm2 =	vlt.f32 v62, $-1.000000000e+00  }
0x2b9: {  	v22 =	vld [tilespmem:s11+$0x0];
	v52 =	vmul.f32 v62, v62;
	(erf) = vpow2.f32 v4;
	v12 =	vnsel vm2, $0x0, v16  }
0x2ba: {  	v24 =	vld [tilespmem:s9+$0x20];
	vm2 =	vlt.f32 v13, $-1.000000000e+00;
	(erf) = vpow2.f32 v9;
	v9 =	vadd.f32 v12, v34  }
0x2bb: {  	v50 =	vld [tilespmem:s9+$0x10];
	v12 =	vnsel vm3, $0x0, v36;
	v19 =	vpop (erf);
	v21 =	vnsel vm2, $0x0, v25;
	vm3 =	vle.f32 v35, $1.000000000e+00  }
0x2bc: {  	v33 =	vld [tilespmem:s9+$0xFFFFFFE0];
	v54 =	vmul.f32 $-4.500000000e+00, v52;
	v13 =	vadd.f32 v12, v7;
	v12 =	vmul.f32 $1.196826820e+00, v19  }
0x2bd: {  	vm2 =	vle.f32 v61, $1.000000000e+00;
	vm6 =	vle.f32 v52, $1.000000000e+00;
	v19 =	vld [tilespmem:s11+$0x10];
	v11 =	vadd.f32 v21, v11  }
0x2be: {  	v16 =	vld [tilespmem:s11+$0xFFFFFFD0];
	v20 =	vpop (erf);
	v21 =	vnsel vm5, $0x0, v28;
	v54 =	vmul.f32 $1.442695020e+00, v54;
	v12 =	vsub.f32 v18, v12  }
0x2bf: {  	v17 =	vld [tilespmem:s11+$0xFFFFFFC0];
	vm5 =	vle.f32 v47, $1.000000000e+00;
	v18 =	vmul.f32 $1.196826820e+00, v20;
	v20 =	vnsel vm4, $0x0, v26  }
0x2c0: {  	v62 =	vld [tilespmem:s9+$0xFFFFFFF0];
	v20 =	vadd.f32 v20, v15;
	v26 =	vpop (erf);
	(erf) = vpow2.f32 v54;
	v25 =	vmul.f32 v12, v12  }
0x2c1: {  	v4 =	vld [tilespmem:s11+$0xFFFFFFF0];
	v12 =	vadd.f32 v21, v31;
	v31 =	vsub.f32 v39, v18;
	v26 =	vmul.f32 $1.196826820e+00, v26  }
0x2c2: {  	v44 =	vld.idx.msk [tilespmem:v44+s7+$0x0], $0xffff;
	v34 =	vmul.f32 v19, v19;
	v15 =	vnsel vm3, $0x0, v25;
	vm3 =	vle.f32 v60, $1.000000000e+00  }
0x2c3: {  	v7 =	vld [tilespmem:s11+$0x30];
	v39 =	vmul.f32 v31, v31;
	v31 =	vmul.f32 v16, v16;
	v26 =	vsub.f32 v40, v26;
	v18 =	vpop (erf)  }
0x2c4: {  	v40 =	vld.idx.msk [tilespmem:v33+s7+$0x0], $0xffff;
	v33 =	vmul.f32 v10, v10;
	v21 =	vadd.f32 v15, v14;
	v25 =	vmul.f32 $1.196826820e+00, v18  }
0x2c5: {  	v60 =	vld [tilespmem:s9+$0x30];
	v15 =	vmul.f32 v17, v17;
	v18 =	vmul.f32 v22, v22;
	v61 =	vnsel vm1, $0x0, v39  }
0x2c6: {  	v39 =	vmul.f32 v4, v4;
	vm1 =	vle.f32 v55, $1.000000000e+00;
	v25 =	vsub.f32 v38, v25;
	v38 =	vld [tilespmem:s9+$0xFFFFFFD0]  }
0x2c7: {  	v28 =	vld [tilespmem:s30+$0x0];
	v14 =	vpop (erf);
	v26 =	vmul.f32 v26, v26;
	v55 =	vmul.f32 $1.442695020e+00, v57;
	v57 =	vnsel vm0, $0x0, v27  }
0x2c8: {  	v35 =	vld [tilespmem:s30+$0xFFFFFFE0];
	v27 =	vadd.f32 v59, v42;
	v36 =	vmul.f32 $1.196826820e+00, v14;
	v25 =	vmul.f32 v25, v25  }
0x2c9: {  	v54 =	vld.idx.msk [tilespmem:v24+s7+$0x0], $0xffff;
	v14 =	vmul.f32 v7, v7;
	v23 =	vadd.f32 v57, v23;
	(erf) = vpow2.f32 v55  }
0x2ca: {  	v29 =	vsub.f32 v29, v36;
	v25 =	vnsel vm3, $0x0, v25;
	vm3 =	vle.f32 v51, $1.000000000e+00;
	v51 =	vld [tilespmem:s30+$0x30]  }
0x2cb: {  	v36 =	vmul.f32 v0, v0;
	v24 =	vadd.f32 v25, v43;
	v43 =	vld.idx.msk [tilespmem:v56+s7+$0x0], $0xffff;
	v25 =	vadd.f32 v61, v37  }
0x2cc: {  	v37 =	vld.idx.msk [tilespmem:v50+s7+$0x0], $0xffff;
	v56 =	vnsel vm3, $0x0, v26;
	v26 =	vadd.f32 v48, v41;
	v41 =	vsub.f32 v28, v44  }
0x2cd: {  	v40 =	vsub.f32 v35, v40;
	(erf) = vpow2.f32 v53;
	v29 =	vmul.f32 v29, v29;
	v61 =	vld.idx.msk [tilespmem:v60+s7+$0x0], $0xffff  }
0x2ce: {  	v35 =	vmul.f32 v41, v41;
	vm0 =	vlt.f32 v41, $-1.000000000e+00;
	v41 =	vsub.f32 v58, v54;
	v38 =	vld.idx.msk [tilespmem:v38+s7+$0x0], $0xffff  }
0x2cf: {  	v62 =	vld.idx.msk [tilespmem:v62+s7+$0x0], $0xffff;
	v29 =	vnsel vm2, $0x0, v29;
	v60 =	vpop (erf);
	v28 =	vadd.f32 v56, v32;
	v32 =	vmul.f32 v40, v40  }
0x2d0: {  	v56 =	vld [tilespmem:s30+$0xFFFFFFF0];
	v29 =	vadd.f32 v29, v30;
	v47 =	vmul.f32 $1.196826820e+00, v60;
	v44 =	vmul.f32 v41, v41  }
0x2d1: {  	v57 =	vmul.f32 $-4.500000000e+00, v35;
	v48 =	vsub.f32 v46, v43;
	v46 =	vsub.f32 v45, v37  }
0x2d2: {  	v43 =	vmul.f32 $-4.500000000e+00, v32;
	v51 =	vsub.f32 v51, v61;
	v58 =	vmul.f32 $-4.500000000e+00, v44  }
0x2d3: {  	v50 =	vmul.f32 $1.442695020e+00, v57;
	v30 =	vmul.f32 v48, v48;
	v45 =	vsub.f32 v49, v38  }
0x2d4: {  	vm2 =	vlt.f32 v40, $-1.000000000e+00;
	v61 =	vmul.f32 $1.442695020e+00, v58;
	v49 =	vmul.f32 v51, v51  }
0x2d5: {  	v42 =	vsub.f32 v56, v62;
	v62 =	vpop (erf);
	v59 =	vmul.f32 $-4.500000000e+00, v30;
	v38 =	vmul.f32 v45, v45  }
0x2d6: {  	v2 =	vmovc v0;
	vm3 =	vlt.f32 v51, $-1.000000000e+00;
	v51 =	vmul.f32 $1.196826820e+00, v62;
	(erf) = vpow2.f32 v61  }
0x2d7: {  	s10 =	simm.s32 $0x18D40;
	s11 =	simm.s32 $0x10D40;
	s9 =	simm.s32 $0x80;
	v52 =	vpop (erf);
	vm4 =	vlt.f32 v42, $-1.000000000e+00;
	v37 =	vmul.f32 $1.442695020e+00, v59;
	v40 =	vmul.f32 $-4.500000000e+00, v38  }
.LBB2_17:
0x2d8: {  	v53 =	vld [tilespmem:s10+$0x0]  }
0x2d9: {  	v54 =	vmul.f32 v42, v42;
	v52 =	vmul.f32 $1.196826820e+00, v52;
	v0 =	vld [tilespmem:$0x1FFC0];
	vm7 =	vlt.f32 v46, $-1.000000000e+00  }
0x2da: {  	v3 =	vmovc v19;
	v55 =	vld [tilespmem:s11+$0xFFFFFFE0];
	v14 =	vnsel vm3, $0x0, v14;
	v47 =	vsub.f32 v1, v47;
	v19 =	vmul.f32 $1.442695020e+00, v43  }
0x2db: {  	s30 =	sadd.s32 $0x80, s30;
	v56 =	vld [tilespmem:s11+$0x20];
	(erf) = vpow2.f32 v50;
	v57 =	vsub.f32 v63, v51;
	v40 =	vmul.f32 $1.442695020e+00, v40  }
0x2dc: {  	v42 =	vld [tilespmem:s30+$0x10];
	v1 =	vmovc v16;
	v20 =	vadd.f32 v14, v20;
	v16 =	vmul.f32 $-4.500000000e+00, v54;
	v59 =	vmul.f32 v47, v47  }
0x2dd: {  	v43 =	vld [tilespmem:s30+$0xFFFFFFD0];
	vm3 =	vle.f32 v54, $1.000000000e+00;
	v50 =	vmul.f32 v57, v57;
	(erf) = vpow2.f32 v19  }
0x2de: {  	v47 =	vld [tilespmem:s30+$0xFFFFFFC0];
	v16 =	vmul.f32 $1.442695020e+00, v16;
	v58 =	vsub.f32 v0, v52;
	v0 =	vmovc v17;
	v17 =	vmul.f32 $-4.500000000e+00, v49  }
0x2df: {  	v57 =	vld [tilespmem:s11+$0xFFFFFFF0];
	v52 =	vnsel vm6, $0x0, v59;
	v19 =	vnsel vm1, $0x0, v50;
	vm1 =	vlt.f32 v48, $-1.000000000e+00  }
0x2e0: {  	v50 =	vld [tilespmem:s30+$0x20];
	v48 =	vnsel vm2, $0x0, v36;
	vm2 =	vle.f32 v49, $1.000000000e+00;
	v49 =	vmul.f32 v46, v46  }
0x2e1: {  	[tilespmem:$0x1FFC0] =	vst v0;
	v0 =	vnsel vm7, $0x0, v34;
	(erf) = vpow2.f32 v16;
	v5 =	vadd.f32 v19, v5;
	v16 =	vld [tilespmem:s11+$0xFFFFFFD0]  }
0x2e2: {  	v19 =	vnsel vm4, $0x0, v39;
	v8 =	vadd.f32 v52, v8;
	v15 =	vnsel vm1, $0x0, v15;
	v39 =	vld [tilespmem:s11+$0x30]  }
0x2e3: {  	vm1 =	vlt.f32 v41, $-1.000000000e+00;
	vm4 =	vle.f32 v44, $1.000000000e+00;
	v44 =	vld [tilespmem:s11+$0x0];
	v27 =	vadd.f32 v48, v27  }
0x2e4: {  	v51 =	vmul.f32 v58, v58;
	v17 =	vmul.f32 $1.442695020e+00, v17;
	v13 =	vadd.f32 v19, v13;
	v19 =	vld [tilespmem:s11+$0x10]  }
0x2e5: {  	v9 =	vadd.f32 v0, v9;
	v11 =	vadd.f32 v15, v11;
	v52 =	vnsel vm1, $0x0, v33;
	v33 =	vld [tilespmem:s10+$0x20]  }
0x2e6: {  	vm1 =	vle.f32 v35, $1.000000000e+00;
	v54 =	vmul.f32 $-4.500000000e+00, v49;
	v60 =	vpop (erf);
	v53 =	vld.idx.msk [tilespmem:v53+s7+$0x0], $0xffff;
	v51 =	vnsel vm5, $0x0, v51  }
0x2e7: {  	(erf) = vpow2.f32 v17;
	v34 =	vmul.f32 $1.196826820e+00, v60;
	vm5 =	vlt.f32 v45, $-1.000000000e+00;
	v45 =	vld [tilespmem:s30+$0x0]  }
0x2e8: {  	vm6 =	vle.f32 v49, $1.000000000e+00;
	v26 =	vadd.f32 v52, v26;
	v17 =	vld [tilespmem:s11+$0xFFFFFFC0];
	v6 =	vadd.f32 v51, v6;
	v61 =	vpop (erf)  }
0x2e9: {  	v0 =	vnsel vm5, $0x0, v31;
	v51 =	vld [tilespmem:s10+$0xFFFFFFE0];
	v34 =	vsub.f32 v10, v34;
	v36 =	vmul.f32 $1.196826820e+00, v61  }
0x2ea: {  	v41 =	vld [tilespmem:s30+$0xFFFFFFE0];
	v54 =	vmul.f32 $1.442695020e+00, v54;
	vm5 =	vle.f32 v30, $1.000000000e+00;
	v12 =	vadd.f32 v0, v12;
	v46 =	vpop (erf)  }
0x2eb: {  	v61 =	vld [tilespmem:s10+$0xFFFFFFD0];
	v31 =	vmul.f32 v34, v34;
	v22 =	vsub.f32 v22, v36;
	v46 =	vmul.f32 $1.196826820e+00, v46  }
0x2ec: {  	v58 =	vld [tilespmem:s10+$0xFFFFFFC0];
	v59 =	vmul.f32 v44, v44;
	v34 =	vmul.f32 v19, v19;
	v45 =	vsub.f32 v45, v53  }
0x2ed: {  	v60 =	vld [tilespmem:s10+$0x10];
	v0 =	vnsel vm4, $0x0, v31;
	v15 =	vpop (erf);
	v36 =	vmul.f32 v22, v22;
	v46 =	vsub.f32 v2, v46  }
0x2ee: {  	v31 =	vmul.f32 $1.196826820e+00, v15;
	v21 =	vadd.f32 v0, v21;
	v15 =	vmul.f32 v17, v17;
	v0 =	vld [tilespmem:s10+$0xFFFFFFF0]  }
0x2ef: {  	v10 =	vmovc v56;
	v22 =	vmovc v44;
	v44 =	vld [tilespmem:s10+$0x30];
	v63 =	vnsel vm1, $0x0, v36;
	v36 =	vmul.f32 v55, v55;
	v46 =	vmul.f32 v46, v46  }
0x2f0: {  	v14 =	vpop (erf);
	v31 =	vsub.f32 v4, v31;
	(erf) = vpow2.f32 v54;
	v54 =	vld.idx.msk [tilespmem:v33+s7+$0x0], $0xffff;
	v33 =	vmul.f32 v56, v10  }
0x2f1: {  	vm1 =	vle.f32 v38, $1.000000000e+00;
	v51 =	vld.idx.msk [tilespmem:v51+s7+$0x0], $0xffff;
	v35 =	vmul.f32 $1.196826820e+00, v14;
	v14 =	vmul.f32 v39, v39  }
0x2f2: {  	v52 =	vld [tilespmem:s30+$0x30];
	v25 =	vadd.f32 v63, v25;
	(erf) = vpow2.f32 v40;
	v62 =	vmul.f32 v31, v31  }
0x2f3: {  	v4 =	vmovc v57;
	v53 =	vld.idx.msk [tilespmem:v61+s7+$0x0], $0xffff;
	v31 =	vmul.f32 v16, v16;
	(erf) = vpow2.f32 v37;
	v35 =	vsub.f32 v7, v35  }
0x2f4: {  	v7 =	vmovc v39;
	v39 =	vmul.f32 v57, v4;
	v57 =	vld.idx.msk [tilespmem:v58+s7+$0x0], $0xffff;
	v58 =	vnsel vm0, $0x0, v18;
	v62 =	vnsel vm3, $0x0, v62  }
0x2f5: {  	v2 =	vmovc v55;
	v55 =	vld.idx.msk [tilespmem:v60+s7+$0x0], $0xffff;
	vm0 =	vlt.f32 v45, $-1.000000000e+00;
	v24 =	vadd.f32 v62, v24;
	v35 =	vmul.f32 v35, v35  }
0x2f6: {  	vm3 =	vle.f32 v32, $1.000000000e+00;
	v61 =	vsub.f32 v41, v51;
	v41 =	vsub.f32 v50, v54;
	v62 =	vld [tilespmem:s30+$0xFFFFFFF0]  }
0x2f7: {  	v32 =	vnsel vm3, $0x0, v46;
	v0 =	vld.idx.msk [tilespmem:v0+s7+$0x0], $0xffff;
	v60 =	vnsel vm2, $0x0, v35;
	v35 =	vmul.f32 v45, v45  }
0x2f8: {  	v28 =	vadd.f32 v32, v28;
	v51 =	vld.idx.msk [tilespmem:v44+s7+$0x0], $0xffff;
	v32 =	vmul.f32 v61, v61;
	v44 =	vmul.f32 v41, v41  }
0x2f9: {  	v45 =	vsub.f32 v43, v53;
	v48 =	vsub.f32 v47, v57;
	v57 =	vmul.f32 $-4.500000000e+00, v35  }
0x2fa: {  	s9 =	sadd.s32 $0x80, s9;
	v18 =	vmovc v59;
	v29 =	vadd.f32 v60, v29;
	v43 =	vmul.f32 $-4.500000000e+00, v32;
	v60 =	vmul.f32 $-4.500000000e+00, v44  }
0x2fb: {  	p1 =	slt.u32 s9, $0x1F80;
	v23 =	vadd.f32 v58, v23;
	v58 =	vpop (erf);
	v38 =	vmul.f32 v45, v45;
	v59 =	vmul.f32 v48, v48  }
.Ltmp7:
0x2fc: {  	v46 =	vsub.f32 v42, v55;
	v47 =	vmul.f32 $1.196826820e+00, v58;
	v50 =	vmul.f32 $1.442695020e+00, v57;
	(pc) =	sbr.rel @p1 .LBB2_17-.Ltmp7, $4  }
0x2fd: {  	v63 =	vmovc v1;
	v42 =	vsub.f32 v62, v0;
	v0 =	vmul.f32 $1.442695020e+00, v60;
	v51 =	vsub.f32 v52, v51  }
0x2fe: {  	vm2 =	vlt.f32 v61, $-1.000000000e+00;
	v40 =	vmul.f32 $-4.500000000e+00, v38;
	v62 =	vpop (erf);
	v61 =	vmul.f32 $-4.500000000e+00, v59  }
0x2ff: {  	v1 =	vmovc v3;
	v30 =	vmovc v59;
	vm4 =	vlt.f32 v42, $-1.000000000e+00;
	(erf) = vpow2.f32 v0;
	v49 =	vmul.f32 v51, v51  }
0x300: {  	s11 =	sadd.s32 $0x80, s11;
	s10 =	sadd.s32 $0x80, s10;
	v52 =	vpop (erf);
	v37 =	vmul.f32 $1.442695020e+00, v61;
	vm3 =	vlt.f32 v51, $-1.000000000e+00;
	v51 =	vmul.f32 $1.196826820e+00, v62  }
0x301: {  	v62 =	vsub.f32 v1, v47;
	v1 =	vld [tilespmem:$0x1FFC0];
	_ =	sdelay $0x1  }
0x302: {  	v0 =	vmul.f32 v42, v42  }
0x303: {  	v61 =	vmul.f32 $1.196826820e+00, v52;
	v43 =	vmul.f32 $1.442695020e+00, v43  }
0x304: {  	(erf) = vpow2.f32 v50;
	v54 =	vmul.f32 $-4.500000000e+00, v0  }
0x305: {  	v55 =	vmul.f32 $-4.500000000e+00, v49;
	v57 =	vmul.f32 v46, v46;
	v1 =	vsub.f32 v1, v61  }
0x306: {  	v53 =	vsub.f32 v63, v51;
	v3 =	vmul.f32 v62, v62;
	v50 =	vmul.f32 $1.442695020e+00, v54  }
0x307: {  	vm7 =	vlt.f32 v46, $-1.000000000e+00;
	(erf) = vpow2.f32 v43;
	v1 =	vmul.f32 v1, v1  }
0x308: {  	vm13 =	vlt.f32 v48, $-1.000000000e+00;
	v47 =	vmul.f32 v53, v53;
	(erf) = vpow2.f32 v50  }
0x309: {  	vm14 =	vlt.f32 v41, $-1.000000000e+00;
	v42 =	vmul.f32 $1.442695020e+00, v55;
	v1 =	vnsel vm5, $0x0, v1  }
0x30a: {  	vm15 =	vle.f32 v44, $1.000000000e+00;
	v3 =	vnsel vm6, $0x0, v3;
	v56 =	vnsel vm1, $0x0, v47  }
0x30b: {  	v60 =	vadd.f32 v3, v8;
	v3 =	vmul.f32 $-4.500000000e+00, v57;
	(erf) = vpow2.f32 v42  }
0x30c: {  	vm9 =	vlt.f32 v45, $-1.000000000e+00;
	v58 =	vadd.f32 v56, v5;
	v59 =	vadd.f32 v1, v6;
	v1 =	vpop (erf)  }
0x30d: {  	v5 =	vnsel vm4, $0x0, v39;
	v3 =	vmul.f32 $1.442695020e+00, v3;
	v1 =	vmul.f32 $1.196826820e+00, v1  }
0x30e: {  	v8 =	vmul.f32 $1.442695020e+00, v40;
	v13 =	vadd.f32 v5, v13;
	v5 =	vnsel vm13, $0x0, v15  }
0x30f: {  	v15 =	vadd.f32 v5, v11;
	(erf) = vpow2.f32 v3;
	v1 =	vsub.f32 v10, v1;
	v10 =	vpop (erf)  }
0x310: {  	(erf) = vpow2.f32 v8;
	v8 =	vnsel vm9, $0x0, v31;
	v3 =	vmul.f32 $1.196826820e+00, v10;
	v61 =	vpop (erf)  }
0x311: {  	v10 =	vnsel vm3, $0x0, v14;
	(erf) = vpow2.f32 v37;
	v1 =	vmul.f32 v1, v1;
	v62 =	vpop (erf)  }
0x312: {  	v14 =	vadd.f32 v8, v12;
	v5 =	vadd.f32 v10, v20;
	v8 =	vmul.f32 $1.196826820e+00, v62  }
0x313: {  	v12 =	vmul.f32 $1.196826820e+00, v61;
	v3 =	vsub.f32 v22, v3;
	v1 =	vnsel vm15, $0x0, v1  }
0x314: {  	vm8 =	vle.f32 v49, $1.000000000e+00;
	v10 =	vpop (erf);
	v4 =	vsub.f32 v4, v8;
	v8 =	vadd.f32 v1, v21  }
0x315: {  	v1 =	vmul.f32 $1.196826820e+00, v10;
	v10 =	vmul.f32 v3, v3;
	v3 =	vsub.f32 v2, v12  }
0x316: {  	vm10 =	vle.f32 v35, $1.000000000e+00;
	v34 =	vnsel vm7, $0x0, v34;
	vm11 =	vle.f32 v0, $1.000000000e+00  }
0x317: {  	v0 =	vsub.f32 v7, v1;
	v1 =	vnsel vm10, $0x0, v10;
	v3 =	vmul.f32 v3, v3  }
0x318: {  	vm12 =	vle.f32 v38, $1.000000000e+00;
	v9 =	vadd.f32 v34, v9;
	v4 =	vmul.f32 v4, v4  }
0x319: {  	vm13 =	vle.f32 v32, $1.000000000e+00;
	v11 =	vnsel vm14, $0x0, v33;
	v6 =	vnsel vm2, $0x0, v36;
	v63 =	vpop (erf)  }
0x31a: {  	v7 =	vadd.f32 v1, v25;
	v2 =	vnsel vm11, $0x0, v4;
	v4 =	vadd.f32 v11, v26;
	v1 =	vpop (erf)  }
0x31b: {  	v10 =	vadd.f32 v2, v24;
	v2 =	vnsel vm13, $0x0, v3;
	v1 =	vmul.f32 $1.196826820e+00, v1;
	v3 =	vpop (erf)  }
0x31c: {  	v12 =	vadd.f32 v2, v28;
	v2 =	vmul.f32 $1.196826820e+00, v63;
	v3 =	vmul.f32 $1.196826820e+00, v3  }
0x31d: {  	v0 =	vmul.f32 v0, v0;
	v11 =	vadd.f32 v6, v27;
	v1 =	vsub.f32 v16, v1  }
0x31e: {  	vm14 =	vle.f32 v57, $1.000000000e+00;
	v2 =	vsub.f32 v19, v2;
	v16 =	vsub.f32 v17, v3  }
.Ltmp8:
0x31f: {  	v6 =	vnsel vm0, $0x0, v18;
	v0 =	vnsel vm8, $0x0, v0;
	v1 =	vmul.f32 v1, v1;
	(pc) =	sbr.rel @p0 .LBB2_19-.Ltmp8, $4  }
0x320: {  	v3 =	vadd.f32 v0, v29;
	v0 =	vmul.f32 v2, v2;
	v2 =	vmul.f32 v16, v16  }
0x321: {  	vm15 =	vle.f32 v30, $1.000000000e+00;
	v6 =	vadd.f32 v6, v23;
	v1 =	vnsel vm12, $0x0, v1  }
0x322: {  	v0 =	vnsel vm14, $0x0, v0;
	v2 =	vnsel vm15, $0x0, v2;
	v1 =	vadd.f32 v1, v58  }
0x323: {  	v63 =	vadd.f32 v0, v60;
	v2 =	vadd.f32 v2, v59  }
0x324: {  	s9 =	sadd.s32 s29, s6  }
0x325: {  	s9 =	sshrl.u32 s9, $0x3  }
0x326: {  	s10 =	sadd.s32 s0, s9  }
0x327: {  	[tilespmem:s17], [sflag:$0x4] =	stream.linear.gather [hbm4b:s10+s7], $0x2000, $0x38;
	[tilespmem:$0x1AC00] =	vst v63  }
.Ltmp9:
0x328: {  	_ = 	snop;
	(pc) =	sbr.rel .LBB2_10-.Ltmp9, $4  }
0x329: {  	s30 =	sadd.s32 s1, s9  }
0x32a: {  	[tilespmem:s18], [sflag:$0x4] =	stream.linear.gather [hbm4b:s30+s7], $0x2000, $0x38;
	[tilespmem:$0x1AC00] =	vst v63  }
0x32b: {  	s28 =	sadd.s32 $0x1, s28;
	s9 =	sadd.s32 s4, s9  }
0x32c: {  	[tilespmem:s19], [sflag:$0x4] =	stream.linear.gather [hbm4b:s9+s7], $0x2000, $0x38;
	[tilespmem:$0x1AC00] =	vst v63  }
.LBB2_19:
0x32d: {  	s11 =	simm.s32 $0x2800  }
0x32e: {  	s10 =	simm.s32 $0x2A00;
	v0 =	vld [tilespmem:s11+$0x0]  }
0x32f: {  	v21 =	vld [tilespmem:s10+$0x0];
	_ =	sdelay $0x2  }
0x330: {  	s9 =	simm.s32 $0x2000  }
0x331: {  	v16 =	vld [tilespmem:s9+$0x0];
	v0 =	vadd.f32 $1.000000000e+00, v0  }
0x332: {  	vm0 =	vgt.f32 v21, $5.000000000e-01  }
0x333: {  	v33 =	vnsel vm0, $0x40000000, v0  }
0x334: {  	v0 =	vcvt.s32.f32 v33;
	_ =	sdelay $0x1  }
0x335: {  	v32 =	vadd.f32 $1.000000000e+00, v16;
	v0 =	vmul.f32 $8.262958320e-08, v0;
	_ =	sdelay $0x1  }
0x336: {  	s10 =	simm.s32 $0x2810;
	v16 =	vcvt.s32.f32 v32;
	v0 =	vadd.f32 $-8.798996730e+01, v0  }
0x337: {  	s11 =	simm.s32 $0x2A10;
	v18 =	vld [tilespmem:s10+$0x0]  }
0x338: {  	v20 =	vld [tilespmem:s11+$0x0];
	v16 =	vmul.f32 $8.262958320e-08, v16;
	v17 =	vsub.f32 $0.0e+00, v0;
	_ =	sdelay $0x1  }
0x339: {  	v22 =	vadd.f32 $-8.798996730e+01, v16;
	v17 =	vmul.f32 $1.442695020e+00, v17  }
0x33a: {  	s29 =	simm.s32 $0x2010  }
0x33b: {  	v18 =	vadd.f32 $1.000000000e+00, v18;
	v16 =	vld [tilespmem:s29+$0x0];
	(erf) = vpow2.f32 v17;
	v17 =	vsub.f32 $0.0e+00, v22  }
0x33c: {  	vm12 =	vgt.f32 v20, $5.000000000e-01  }
0x33d: {  	v28 =	vnsel vm12, $0x40000000, v18;
	v17 =	vmul.f32 $1.442695020e+00, v17  }
0x33e: {  	v18 =	vcvt.s32.f32 v28  }
0x33f: {  	(erf) = vpow2.f32 v17  }
0x340: {  	v16 =	vadd.f32 $1.000000000e+00, v16;
	v17 =	vmul.f32 $8.262958320e-08, v18;
	_ =	sdelay $0x1  }
0x341: {  	v18 =	vcvt.s32.f32 v16;
	v17 =	vadd.f32 $-8.798996730e+01, v17  }
0x342: {  	s10 =	simm.s32 $0x2020  }
0x343: {  	s11 =	simm.s32 $0x2820;
	v25 =	vld [tilespmem:s10+$0x0];
	v18 =	vmul.f32 $8.262958320e-08, v18;
	v24 =	vsub.f32 $0.0e+00, v17;
	v23 =	vpop (erf)  }
0x344: {  	v27 =	vld [tilespmem:s11+$0x0];
	s29 =	simm.s32 $0x2A20;
	v0 =	vadd.f32 $-1.000000000e+00, v0;
	v23 =	vmul.f32 v23, v33  }
0x345: {  	v26 =	vadd.f32 $-8.798996730e+01, v18;
	v18 =	vld [tilespmem:s29+$0x0];
	v24 =	vmul.f32 $1.442695020e+00, v24  }
0x346: {  	v0 =	vadd.f32 v23, v0  }
0x347: {  	v23 =	vsub.f32 $0.0e+00, v26;
	(erf) = vpow2.f32 v24;
	v29 =	vpop (erf)  }
0x348: {  	s11 =	simm.s32 $0x2830;
	v30 =	vadd.f32 $-1.000000000e+00, v22;
	v24 =	vsub.f32 $0.0e+00, v0;
	v29 =	vmul.f32 v29, v32  }
0x349: {  	v36 =	vld [tilespmem:s11+$0x0];
	v22 =	vadd.f32 $1.000000000e+00, v25;
	v25 =	vadd.f32 $1.000000000e+00, v27;
	v23 =	vmul.f32 $1.442695020e+00, v23  }
0x34a: {  	vm13 =	vgt.f32 v18, $5.000000000e-01;
	v24 =	vmul.f32 $1.442695020e+00, v24;
	v27 =	vadd.f32 v29, v30  }
0x34b: {  	(erf) = vpow2.f32 v23;
	v29 =	vcvt.s32.f32 v22;
	v23 =	vnsel vm13, $0x40000000, v25  }
0x34c: {  	(erf) = vpow2.f32 v24;
	v24 =	vcvt.s32.f32 v23;
	v25 =	vsub.f32 $0.0e+00, v27  }
0x34d: {  	v29 =	vmul.f32 $8.262958320e-08, v29  }
0x34e: {  	v51 =	vadd.f32 $1.000000000e+00, v36;
	v24 =	vmul.f32 $8.262958320e-08, v24;
	v25 =	vmul.f32 $1.442695020e+00, v25  }
0x34f: {  	v19 =	vimm.f32 $0.0e+00;
	v0 =	vadd.f32 $-1.000000000e+00, v0;
	v29 =	vadd.f32 $-8.798996730e+01, v29  }
0x350: {  	s10 =	simm.s32 $0x2030;
	v30 =	vadd.f32 v21, v19;
	v31 =	vpop (erf);
	v24 =	vadd.f32 $-8.798996730e+01, v24;
	(erf) = vpow2.f32 v25  }
0x351: {  	v34 =	vld [tilespmem:s10+$0x0];
	v25 =	vadd.f32 $-1.000000000e+00, v17;
	v17 =	vsub.f32 $0.0e+00, v29;
	v31 =	vmul.f32 v31, v28  }
0x352: {  	s29 =	simm.s32 $0x2A30;
	v30 =	vadd.f32 v20, v30;
	v35 =	vsub.f32 $0.0e+00, v24  }
0x353: {  	v50 =	vadd.f32 $-1.000000000e+00, v27;
	v38 =	vmul.f32 $1.442695020e+00, v17;
	v17 =	vld [tilespmem:s29+$0x0];
	v25 =	vadd.f32 v31, v25  }
0x354: {  	v30 =	vadd.f32 v18, v30;
	v62 =	vadd.f32 $-1.000000000e+00, v29;
	v37 =	vpop (erf);
	v35 =	vmul.f32 $1.442695020e+00, v35  }
0x355: {  	v31 =	vadd.f32 $-1.000000000e+00, v26;
	v37 =	vmul.f32 v37, v16;
	v40 =	vsub.f32 $0.0e+00, v25;
	v26 =	vpop (erf)  }
0x356: {  	v39 =	vmul.f32 v26, v33;
	(erf) = vpow2.f32 v35;
	v26 =	vadd.f32 $1.000000000e+00, v34  }
0x357: {  	v57 =	vadd.f32 $-1.000000000e+00, v24;
	v27 =	vmul.f32 $1.442695020e+00, v40;
	v31 =	vadd.f32 v37, v31  }
0x358: {  	(erf) = vpow2.f32 v38;
	vm14 =	vgt.f32 v17, $5.000000000e-01;
	v52 =	vcvt.s32.f32 v26  }
0x359: {  	v0 =	vadd.f32 v39, v0;
	v53 =	vpop (erf);
	(erf) = vpow2.f32 v27;
	v27 =	vnsel vm14, $0x40000000, v51  }
0x35a: {  	v25 =	vadd.f32 $-1.000000000e+00, v25;
	v56 =	vcvt.s32.f32 v27;
	v24 =	vmul.f32 $8.262958320e-08, v52  }
0x35b: {  	s29 =	simm.s32 $0x2840;
	v58 =	vsub.f32 $0.0e+00, v31;
	v54 =	vsub.f32 $0.0e+00, v0;
	v55 =	vmul.f32 v53, v32  }
0x35c: {  	v46 =	vld [tilespmem:s29+$0x0];
	v30 =	vadd.f32 v17, v30;
	v59 =	vmul.f32 $8.262958320e-08, v56;
	v60 =	vadd.f32 $-8.798996730e+01, v24  }
0x35d: {  	v34 =	vmul.f32 $1.442695020e+00, v54;
	v37 =	vadd.f32 v55, v50;
	v24 =	vmul.f32 $1.442695020e+00, v58  }
0x35e: {  	v35 =	vadd.f32 $-8.798996730e+01, v59;
	v45 =	vsub.f32 $0.0e+00, v60  }
0x35f: {  	s10 =	simm.s32 $0x2040;
	v48 =	vadd.f32 $-1.000000000e+00, v31;
	v61 =	vsub.f32 $0.0e+00, v37;
	(erf) = vpow2.f32 v34;
	v29 =	vpop (erf)  }
0x360: {  	v42 =	vld [tilespmem:s10+$0x0];
	(erf) = vpow2.f32 v24;
	v41 =	vsub.f32 $0.0e+00, v35;
	v29 =	vmul.f32 v29, v23  }
0x361: {  	s11 =	simm.s32 $0x2A40;
	v39 =	vadd.f32 $1.000000000e+00, v46;
	v24 =	vpop (erf);
	v36 =	vmul.f32 $1.442695020e+00, v61;
	v43 =	vmul.f32 $1.442695020e+00, v45  }
0x362: {  	v44 =	vmul.f32 v24, v22;
	v24 =	vld [tilespmem:s11+$0x0];
	v45 =	vpop (erf);
	v41 =	vmul.f32 $1.442695020e+00, v41;
	v34 =	vadd.f32 v29, v57  }
0x363: {  	v49 =	vadd.f32 $-1.000000000e+00, v37;
	(erf) = vpow2.f32 v36;
	v29 =	vmul.f32 v45, v28  }
0x364: {  	v37 =	vadd.f32 v44, v62;
	v47 =	vsub.f32 $0.0e+00, v34  }
0x365: {  	(erf) = vpow2.f32 v41;
	v31 =	vadd.f32 v29, v25;
	v29 =	vadd.f32 $1.000000000e+00, v42  }
0x366: {  	v0 =	vadd.f32 $-1.000000000e+00, v0;
	(erf) = vpow2.f32 v43;
	v36 =	vmul.f32 $1.442695020e+00, v47  }
0x367: {  	v56 =	vsub.f32 $0.0e+00, v37;
	v25 =	vadd.f32 v24, v30;
	v30 =	vcvt.s32.f32 v29  }
0x368: {  	v35 =	vadd.f32 $-1.000000000e+00, v35;
	vm15 =	vgt.f32 v24, $5.000000000e-01;
	v50 =	vpop (erf);
	(erf) = vpow2.f32 v36  }
0x369: {  	v61 =	vmul.f32 $1.442695020e+00, v56;
	v51 =	vpop (erf);
	v53 =	vmul.f32 $8.262958320e-08, v30;
	v30 =	vnsel vm15, $0x40000000, v39  }
0x36a: {  	v52 =	vsub.f32 $0.0e+00, v31;
	v54 =	vmul.f32 v51, v16;
	v55 =	vcvt.s32.f32 v30  }
0x36b: {  	v57 =	vmul.f32 v50, v33;
	v33 =	vadd.f32 $-1.000000000e+00, v60;
	v38 =	vadd.f32 $-8.798996730e+01, v53  }
0x36c: {  	v46 =	vmul.f32 $1.442695020e+00, v52;
	v36 =	vadd.f32 v54, v48;
	v58 =	vpop (erf);
	v59 =	vmul.f32 $8.262958320e-08, v55  }
0x36d: {  	v39 =	vadd.f32 v57, v0;
	v32 =	vmul.f32 v58, v32;
	v60 =	vsub.f32 $0.0e+00, v38  }
0x36e: {  	(erf) = vpow2.f32 v46;
	v47 =	vsub.f32 $0.0e+00, v36;
	v62 =	vpop (erf);
	v40 =	vadd.f32 $-8.798996730e+01, v59  }
0x36f: {  	s28 =	simm.s32 $0x2A50;
	s30 =	simm.s32 $0x2880;
	(erf) = vpow2.f32 v61;
	v32 =	vadd.f32 v32, v49;
	v45 =	vmul.f32 v62, v27  }
0x370: {  	s9 =	simm.s32 $0x40;
	s10 =	simm.s32 $0x2050;
	s11 =	simm.s32 $0x2850;
	v42 =	vpop (erf);
	v41 =	vmul.f32 $1.442695020e+00, v60;
	v43 =	vmul.f32 $1.442695020e+00, v47;
	v44 =	vsub.f32 $0.0e+00, v40  }
.LBB2_20:
0x371: {  	v0 =	vld [tilespmem:s10+$0x0];
	s9 =	sadd.s32 $0x10, s9;
	v42 =	vmul.f32 v42, v26;
	v46 =	vpop (erf);
	v47 =	vadd.f32 $-1.000000000e+00, v31;
	v31 =	vsub.f32 v32, v39  }
0x372: {  	v48 =	vmovc v27;
	v27 =	vmovc v30;
	v32 =	vld [tilespmem:s28+$0x0];
	p0 =	slt.u32 s9, $0x70;
	v39 =	vmul.f32 $1.442695020e+00, v44;
	v44 =	vadd.f32 v45, v35;
	v35 =	vadd.f32 $-1.000000000e+00, v40  }
0x373: {  	v40 =	vadd.f32 $-1.000000000e+00, v34;
	v45 =	vmul.f32 v46, v23;
	v30 =	vld [tilespmem:s11+$0x0];
	(erf) = vpow2.f32 v43;
	v43 =	vmovc v38  }
0x374: {  	(erf) = vpow2.f32 v39;
	v38 =	vsub.f32 $0.0e+00, v44;
	v39 =	vand.u32 $0x7FFFFFFF, v31;
	v34 =	vmovc v44  }
0x375: {  	v44 =	vadd.f32 $-1.000000000e+00, v37;
	v31 =	vadd.f32 v45, v40;
	v37 =	vmul.f32 v39, v21;
	v21 =	vmovc v20;
	v20 =	vmovc v18  }
0x376: {  	v39 =	vadd.f32 $-1.000000000e+00, v36;
	v18 =	vmovc v17;
	v17 =	vmovc v24;
	v0 =	vadd.f32 $1.000000000e+00, v0;
	(erf) = vpow2.f32 v41  }
0x377: {  	v41 =	vmul.f32 $1.442695020e+00, v38;
	vm0 =	vgt.f32 v32, $5.000000000e-01;
	v25 =	vadd.f32 v32, v25;
	v40 =	vpop (erf)  }
0x378: {  	v19 =	vadd.f32 v37, v19;
	v36 =	vcvt.s32.f32 v0;
	v30 =	vadd.f32 $1.000000000e+00, v30;
	v38 =	vpop (erf)  }
0x379: {  	v37 =	vadd.f32 v42, v33;
	v33 =	vsub.f32 $0.0e+00, v31;
	v24 =	vmovc v32;
	(erf) = vpow2.f32 v41  }
0x37a: {  	v46 =	vmul.f32 $8.262958320e-08, v36;
	v30 =	vnsel vm0, $0x40000000, v30;
	v36 =	vmul.f32 v38, v22  }
0x37b: {  	v42 =	vsub.f32 $0.0e+00, v37;
	v45 =	vmul.f32 $1.442695020e+00, v33;
	v41 =	vcvt.s32.f32 v30  }
0x37c: {  	v28 =	vmul.f32 v40, v28;
	v38 =	vadd.f32 $-8.798996730e+01, v46;
	v36 =	vadd.f32 v36, v44;
	v32 =	vpop (erf)  }
.Ltmp10:
0x37d: {  	v33 =	vadd.f32 $-1.000000000e+00, v43;
	v40 =	vmul.f32 $8.262958320e-08, v41;
	v43 =	vpop (erf);
	v32 =	vmul.f32 v32, v16;
	(pc) =	sbr.rel @p0 .LBB2_20-.Ltmp10, $4  }
0x37e: {  	v44 =	vmul.f32 $1.442695020e+00, v42;
	v16 =	vmovc v22;
	v22 =	vmovc v26;
	v41 =	vsub.f32 $0.0e+00, v38;
	v46 =	vsub.f32 $0.0e+00, v36  }
0x37f: {  	v40 =	vadd.f32 $-8.798996730e+01, v40;
	v42 =	vpop (erf);
	(erf) = vpow2.f32 v45;
	v32 =	vadd.f32 v32, v39  }
0x380: {  	v26 =	vmovc v29;
	v29 =	vmovc v0;
	v39 =	vadd.f32 v28, v47;
	v41 =	vmul.f32 $1.442695020e+00, v41;
	(erf) = vpow2.f32 v44  }
0x381: {  	s10 =	sadd.s32 $0x10, s10;
	s28 =	sadd.s32 $0x10, s28;
	s11 =	sadd.s32 $0x10, s11;
	v45 =	vmul.f32 v43, v27;
	v28 =	vmovc v23;
	v23 =	vmovc v48;
	v43 =	vmul.f32 $1.442695020e+00, v46;
	v44 =	vsub.f32 $0.0e+00, v40  }
0x382: {  	_ = 	snop  }
0x383: {  	v0 =	vadd.f32 v45, v35;
	_ =	sdelay $0x1  }
0x384: {  	v48 =	vmul.f32 $1.442695020e+00, v44;
	v49 =	vsub.f32 $0.0e+00, v0  }
0x385: {  	(erf) = vpow2.f32 v43  }
0x386: {  	(erf) = vpow2.f32 v48;
	v50 =	vmul.f32 $1.442695020e+00, v49  }
0x387: {  	(erf) = vpow2.f32 v41  }
0x388: {  	(erf) = vpow2.f32 v50;
	_ =	sdelay $0x2  }
0x389: {  	v51 =	vpop (erf)  }
0x38a: {  	v41 =	vpop (erf)  }
0x38b: {  	v52 =	vpop (erf)  }
0x38c: {  	v34 =	vadd.f32 $-1.000000000e+00, v34;
	v35 =	vmul.f32 v51, v23;
	v44 =	vpop (erf)  }
0x38d: {  	v42 =	vmul.f32 v42, v26;
	v40 =	vadd.f32 $-1.000000000e+00, v40;
	v37 =	vadd.f32 $-1.000000000e+00, v37;
	v53 =	vpop (erf)  }
0x38e: {  	v38 =	vadd.f32 $-1.000000000e+00, v38;
	v34 =	vadd.f32 v35, v34;
	v54 =	vmul.f32 v52, v22;
	v55 =	vpop (erf)  }
0x38f: {  	v33 =	vadd.f32 v42, v33;
	v0 =	vadd.f32 $-1.000000000e+00, v0;
	v35 =	vmul.f32 v53, v30;
	v47 =	vpop (erf)  }
0x390: {  	v56 =	vsub.f32 $0.0e+00, v34;
	v37 =	vadd.f32 v54, v37;
	v57 =	vmul.f32 v47, v27  }
0x391: {  	v46 =	vsub.f32 $0.0e+00, v33;
	v43 =	vmul.f32 v55, v29;
	v35 =	vadd.f32 v35, v40  }
0x392: {  	v58 =	vmul.f32 $1.442695020e+00, v56;
	v59 =	vsub.f32 $0.0e+00, v37;
	v0 =	vadd.f32 v57, v0  }
0x393: {  	v60 =	vmul.f32 $1.442695020e+00, v46;
	v38 =	vadd.f32 v43, v38;
	v61 =	vsub.f32 $0.0e+00, v35  }
0x394: {  	(erf) = vpow2.f32 v58;
	v62 =	vmul.f32 $1.442695020e+00, v59;
	v48 =	vsub.f32 $0.0e+00, v0  }
0x395: {  	(erf) = vpow2.f32 v60;
	v50 =	vsub.f32 $0.0e+00, v38;
	v49 =	vmul.f32 $1.442695020e+00, v61  }
0x396: {  	(erf) = vpow2.f32 v62;
	v51 =	vmul.f32 $1.442695020e+00, v48  }
0x397: {  	v52 =	vmul.f32 $1.442695020e+00, v50;
	(erf) = vpow2.f32 v49  }
0x398: {  	v31 =	vadd.f32 $-1.000000000e+00, v31;
	v28 =	vmul.f32 v41, v28;
	(erf) = vpow2.f32 v51  }
0x399: {  	v32 =	vsub.f32 v32, v39;
	s9 =	simm.s32 $0x2880;
	(erf) = vpow2.f32 v52  }
0x39a: {  	v36 =	vadd.f32 $-1.000000000e+00, v36;
	s10 =	simm.s32 $0x2A80;
	v28 =	vadd.f32 v28, v31;
	v54 =	vld [tilespmem:s9+$0x0];
	v53 =	vmul.f32 v44, v16  }
0x39b: {  	v32 =	vand.u32 $0x7FFFFFFF, v32;
	v16 =	vld [tilespmem:s10+$0x0]  }
0x39c: {  	v21 =	vmul.f32 v32, v21;
	v55 =	vadd.f32 v53, v36  }
0x39d: {  	v31 =	vpop (erf)  }
0x39e: {  	v21 =	vadd.f32 v21, v19;
	v19 =	vsub.f32 v55, v28;
	v28 =	vpop (erf)  }
0x39f: {  	s29 =	simm.s32 $0x2080;
	v56 =	vadd.f32 $-1.000000000e+00, v33;
	v58 =	vadd.f32 $1.000000000e+00, v54;
	v28 =	vmul.f32 v28, v26;
	v57 =	vpop (erf)  }
0x3a0: {  	v34 =	vadd.f32 $-1.000000000e+00, v34;
	v60 =	vld [tilespmem:s29+$0x0];
	vm0 =	vgt.f32 v16, $5.000000000e-01;
	v19 =	vand.u32 $0x7FFFFFFF, v19;
	v59 =	vpop (erf)  }
0x3a1: {  	v32 =	vnsel vm0, $0x40000000, v58;
	v20 =	vmul.f32 v19, v20;
	v61 =	vadd.f32 v28, v56;
	v62 =	vpop (erf)  }
0x3a2: {  	v19 =	vadd.f32 $-1.000000000e+00, v35;
	v45 =	vcvt.s32.f32 v32;
	v28 =	vmul.f32 v59, v30;
	v44 =	vpop (erf)  }
0x3a3: {  	v38 =	vadd.f32 $-1.000000000e+00, v38;
	v46 =	vsub.f32 $0.0e+00, v61;
	v33 =	vmul.f32 v44, v29  }
0x3a4: {  	v37 =	vadd.f32 $-1.000000000e+00, v37;
	v47 =	vadd.f32 v28, v19;
	v19 =	vmul.f32 $8.262958320e-08, v45  }
0x3a5: {  	v28 =	vmul.f32 $1.442695020e+00, v46;
	v48 =	vadd.f32 v33, v38;
	v33 =	vadd.f32 $1.000000000e+00, v60  }
0x3a6: {  	v23 =	vmul.f32 v31, v23;
	v22 =	vmul.f32 v57, v22;
	v49 =	vsub.f32 $0.0e+00, v47  }
0x3a7: {  	v50 =	vadd.f32 $-8.798996730e+01, v19;
	(erf) = vpow2.f32 v28;
	v28 =	vcvt.s32.f32 v33  }
0x3a8: {  	s10 =	simm.s32 $0x2890;
	v23 =	vadd.f32 v23, v34;
	v31 =	vmul.f32 $1.442695020e+00, v49;
	v19 =	vsub.f32 $0.0e+00, v48  }
0x3a9: {  	s11 =	simm.s32 $0x2A90;
	v52 =	vld [tilespmem:s10+$0x0];
	v22 =	vadd.f32 v22, v37;
	v51 =	vsub.f32 $0.0e+00, v50;
	v28 =	vmul.f32 $8.262958320e-08, v28  }
0x3aa: {  	v20 =	vadd.f32 v20, v21;
	(erf) = vpow2.f32 v31;
	v53 =	vmul.f32 $1.442695020e+00, v19;
	v19 =	vld [tilespmem:s11+$0x0]  }
0x3ab: {  	v21 =	vsub.f32 v22, v23;
	v31 =	vmul.f32 $1.442695020e+00, v51;
	v54 =	vadd.f32 $-8.798996730e+01, v28  }
0x3ac: {  	s29 =	simm.s32 $0x2090;
	(erf) = vpow2.f32 v53  }
0x3ad: {  	v22 =	vld [tilespmem:s29+$0x0];
	v21 =	vand.u32 $0x7FFFFFFF, v21;
	(erf) = vpow2.f32 v31;
	v23 =	vsub.f32 $0.0e+00, v54  }
0x3ae: {  	v25 =	vadd.f32 v16, v25;
	v18 =	vmul.f32 v21, v18;
	v28 =	vadd.f32 $1.000000000e+00, v52  }
0x3af: {  	v0 =	vadd.f32 $-1.000000000e+00, v0;
	v27 =	vmul.f32 v62, v27;
	vm12 =	vgt.f32 v19, $5.000000000e-01  }
0x3b0: {  	v18 =	vadd.f32 v18, v20;
	v21 =	vmul.f32 $1.442695020e+00, v23;
	v28 =	vnsel vm12, $0x40000000, v28  }
0x3b1: {  	v0 =	vadd.f32 v27, v0;
	v31 =	vadd.f32 $-1.000000000e+00, v61;
	v55 =	vcvt.s32.f32 v28;
	v23 =	vpop (erf)  }
0x3b2: {  	(erf) = vpow2.f32 v21;
	v26 =	vmul.f32 v23, v26;
	v23 =	vadd.f32 $1.000000000e+00, v22  }
0x3b3: {  	v27 =	vadd.f32 $-1.000000000e+00, v47;
	v56 =	vadd.f32 $-1.000000000e+00, v50;
	s11 =	simm.s32 $0x28A0;
	v20 =	vmul.f32 $8.262958320e-08, v55;
	v22 =	vpop (erf)  }
0x3b4: {  	v59 =	vld [tilespmem:s11+$0x0];
	v22 =	vmul.f32 v22, v30;
	v21 =	vadd.f32 v26, v31;
	v26 =	vcvt.s32.f32 v23  }
0x3b5: {  	v30 =	vpop (erf);
	v31 =	vadd.f32 $-8.798996730e+01, v20;
	v20 =	vadd.f32 $-1.000000000e+00, v48  }
0x3b6: {  	v29 =	vmul.f32 v30, v29;
	v30 =	vpop (erf);
	v22 =	vadd.f32 v22, v27;
	v26 =	vmul.f32 $8.262958320e-08, v26  }
0x3b7: {  	s10 =	simm.s32 $0x20A0;
	v57 =	vsub.f32 $0.0e+00, v31;
	v30 =	vmul.f32 v30, v32;
	v0 =	vsub.f32 v21, v0  }
0x3b8: {  	v58 =	vld [tilespmem:s10+$0x0];
	s29 =	simm.s32 $0x2AA0;
	v29 =	vadd.f32 v29, v20;
	v26 =	vadd.f32 $-8.798996730e+01, v26  }
0x3b9: {  	v61 =	vadd.f32 $1.000000000e+00, v59;
	v20 =	vld [tilespmem:s29+$0x0];
	v27 =	vmul.f32 $1.442695020e+00, v57;
	v35 =	vadd.f32 v30, v56  }
0x3ba: {  	v0 =	vand.u32 $0x7FFFFFFF, v0;
	v29 =	vsub.f32 v29, v22;
	v21 =	vsub.f32 $0.0e+00, v26  }
0x3bb: {  	v0 =	vmul.f32 v0, v17;
	v22 =	vpop (erf);
	(erf) = vpow2.f32 v27;
	v27 =	vsub.f32 $0.0e+00, v35  }
0x3bc: {  	v30 =	vadd.f32 $-1.000000000e+00, v54;
	v22 =	vmul.f32 v22, v33;
	v60 =	vmul.f32 $1.442695020e+00, v21  }
0x3bd: {  	v0 =	vadd.f32 v0, v18;
	v21 =	vadd.f32 $1.000000000e+00, v58;
	v27 =	vmul.f32 $1.442695020e+00, v27  }
0x3be: {  	vm13 =	vgt.f32 v20, $5.000000000e-01;
	v62 =	vadd.f32 v22, v30;
	(erf) = vpow2.f32 v60  }
0x3bf: {  	v22 =	vnsel vm13, $0x40000000, v61;
	v30 =	vcvt.s32.f32 v21;
	(erf) = vpow2.f32 v27  }
0x3c0: {  	v18 =	vadd.f32 v19, v25;
	v27 =	vcvt.s32.f32 v22;
	v43 =	vsub.f32 $0.0e+00, v62  }
0x3c1: {  	s29 =	simm.s32 $0x2AB0;
	v17 =	vand.u32 $0x7FFFFFFF, v29;
	v29 =	vmul.f32 $8.262958320e-08, v30  }
0x3c2: {  	v45 =	vadd.f32 v20, v18;
	v18 =	vld [tilespmem:s29+$0x0];
	v27 =	vmul.f32 $8.262958320e-08, v27;
	v30 =	vmul.f32 $1.442695020e+00, v43  }
0x3c3: {  	v17 =	vmul.f32 v17, v24;
	v24 =	vadd.f32 $-8.798996730e+01, v29  }
0x3c4: {  	s11 =	simm.s32 $0x28B0;
	v29 =	vadd.f32 $-8.798996730e+01, v27;
	(erf) = vpow2.f32 v30;
	v27 =	vadd.f32 $-1.000000000e+00, v31  }
0x3c5: {  	s10 =	simm.s32 $0x20B0;
	v25 =	vpop (erf);
	v30 =	vadd.f32 v17, v0;
	v17 =	vld [tilespmem:s11+$0x0];
	v31 =	vsub.f32 $0.0e+00, v24  }
0x3c6: {  	v44 =	vld [tilespmem:s10+$0x0];
	v35 =	vadd.f32 $-1.000000000e+00, v35;
	v25 =	vmul.f32 v25, v28;
	v0 =	vsub.f32 $0.0e+00, v29  }
0x3c7: {  	vm14 =	vgt.f32 v18, $5.000000000e-01;
	v54 =	vadd.f32 v18, v45;
	v31 =	vmul.f32 $1.442695020e+00, v31;
	v46 =	vpop (erf)  }
0x3c8: {  	v25 =	vadd.f32 v25, v27;
	v27 =	vadd.f32 $-1.000000000e+00, v26;
	v0 =	vmul.f32 $1.442695020e+00, v0;
	v26 =	vpop (erf)  }
0x3c9: {  	v57 =	vadd.f32 $-1.000000000e+00, v24;
	v38 =	vmul.f32 v46, v23;
	v47 =	vmul.f32 v26, v32  }
0x3ca: {  	v48 =	vsub.f32 $0.0e+00, v25;
	v17 =	vadd.f32 $1.000000000e+00, v17;
	(erf) = vpow2.f32 v0  }
0x3cb: {  	v26 =	vadd.f32 $1.000000000e+00, v44;
	(erf) = vpow2.f32 v31;
	v49 =	vadd.f32 v47, v35  }
0x3cc: {  	v31 =	vmul.f32 $1.442695020e+00, v48;
	v38 =	vadd.f32 v38, v27;
	v27 =	vnsel vm14, $0x40000000, v17  }
0x3cd: {  	v50 =	vcvt.s32.f32 v26;
	v52 =	vcvt.s32.f32 v27;
	v51 =	vpop (erf);
	v17 =	vsub.f32 $0.0e+00, v49  }
0x3ce: {  	v0 =	vadd.f32 $-1.000000000e+00, v62;
	(erf) = vpow2.f32 v31;
	v31 =	vmul.f32 v51, v33  }
0x3cf: {  	v29 =	vadd.f32 $-1.000000000e+00, v29;
	v35 =	vmul.f32 $8.262958320e-08, v50;
	v17 =	vmul.f32 $1.442695020e+00, v17  }
0x3d0: {  	v53 =	vsub.f32 $0.0e+00, v38;
	v0 =	vadd.f32 v31, v0  }
0x3d1: {  	v45 =	vadd.f32 $-1.000000000e+00, v49;
	v31 =	vmul.f32 $8.262958320e-08, v52;
	v40 =	vadd.f32 $-8.798996730e+01, v35  }
0x3d2: {  	s10 =	simm.s32 $0x20C0;
	v50 =	vadd.f32 $-1.000000000e+00, v38;
	v55 =	vmul.f32 $1.442695020e+00, v53;
	v56 =	vsub.f32 $0.0e+00, v0  }
0x3d3: {  	s29 =	simm.s32 $0x28C0;
	v60 =	vld [tilespmem:s10+$0x0];
	v31 =	vadd.f32 $-8.798996730e+01, v31;
	(erf) = vpow2.f32 v17;
	v24 =	vsub.f32 $0.0e+00, v40;
	v17 =	vpop (erf)  }
0x3d4: {  	v49 =	vld [tilespmem:s29+$0x0];
	v0 =	vadd.f32 $-1.000000000e+00, v0;
	(erf) = vpow2.f32 v55;
	v17 =	vmul.f32 v17, v22  }
0x3d5: {  	s11 =	simm.s32 $0x2AC0;
	v59 =	vsub.f32 $0.0e+00, v31;
	v37 =	vmul.f32 $1.442695020e+00, v56;
	v61 =	vmul.f32 $1.442695020e+00, v24;
	v58 =	vpop (erf)  }
0x3d6: {  	v24 =	vld [tilespmem:s11+$0x0];
	v35 =	vadd.f32 $-1.000000000e+00, v31;
	v62 =	vmul.f32 v58, v21;
	v34 =	vadd.f32 v17, v29  }
0x3d7: {  	v48 =	vpop (erf);
	v41 =	vmul.f32 $1.442695020e+00, v59;
	(erf) = vpow2.f32 v37;
	v17 =	vadd.f32 $-1.000000000e+00, v25  }
0x3d8: {  	v25 =	vmul.f32 v48, v28;
	v29 =	vadd.f32 $1.000000000e+00, v60;
	v31 =	vsub.f32 $0.0e+00, v34  }
0x3d9: {  	v53 =	vadd.f32 $1.000000000e+00, v49;
	(erf) = vpow2.f32 v41;
	v37 =	vadd.f32 v62, v57  }
0x3da: {  	v17 =	vadd.f32 v25, v17;
	v52 =	vcvt.s32.f32 v29;
	v31 =	vmul.f32 $1.442695020e+00, v31  }
0x3db: {  	(erf) = vpow2.f32 v61;
	vm15 =	vgt.f32 v24, $5.000000000e-01;
	v25 =	vadd.f32 v24, v54  }
0x3dc: {  	v57 =	vsub.f32 $0.0e+00, v37;
	v51 =	vpop (erf);
	v36 =	vmul.f32 $8.262958320e-08, v52;
	(erf) = vpow2.f32 v31  }
0x3dd: {  	v55 =	vsub.f32 $0.0e+00, v17;
	v54 =	vpop (erf);
	v42 =	vmul.f32 v51, v32;
	v31 =	vnsel vm15, $0x40000000, v53  }
0x3de: {  	v43 =	vmul.f32 v54, v23;
	v38 =	vadd.f32 $-8.798996730e+01, v36;
	v56 =	vcvt.s32.f32 v31  }
0x3df: {  	v32 =	vadd.f32 $-1.000000000e+00, v40;
	v61 =	vmul.f32 $1.442695020e+00, v57;
	v39 =	vmul.f32 $1.442695020e+00, v55  }
0x3e0: {  	v36 =	vadd.f32 v43, v50;
	v58 =	vpop (erf);
	v60 =	vsub.f32 $0.0e+00, v38;
	v59 =	vmul.f32 $8.262958320e-08, v56  }
0x3e1: {  	(erf) = vpow2.f32 v39;
	v39 =	vadd.f32 v42, v45;
	v33 =	vmul.f32 v58, v33  }
0x3e2: {  	v62 =	vsub.f32 $0.0e+00, v36;
	v40 =	vadd.f32 $-8.798996730e+01, v59  }
0x3e3: {  	s28 =	simm.s32 $0x20D0;
	(erf) = vpow2.f32 v61;
	v41 =	vmul.f32 $1.442695020e+00, v60;
	v33 =	vadd.f32 v33, v0;
	v0 =	vpop (erf)  }
0x3e4: {  	s9 =	simm.s32 $0x40;
	s10 =	simm.s32 $0x28D0;
	s11 =	simm.s32 $0x2AD0;
	v42 =	vpop (erf);
	v45 =	vmul.f32 v0, v27;
	v43 =	vmul.f32 $1.442695020e+00, v62;
	v44 =	vsub.f32 $0.0e+00, v40  }
.LBB2_22:
0x3e5: {  	v0 =	vld [tilespmem:s28+$0x0];
	s9 =	sadd.s32 $0x10, s9;
	v42 =	vmul.f32 v42, v26;
	v46 =	vpop (erf);
	v47 =	vadd.f32 $-1.000000000e+00, v17;
	v17 =	vsub.f32 v33, v39  }
0x3e6: {  	v48 =	vmovc v27;
	v27 =	vmovc v31;
	v33 =	vld [tilespmem:s11+$0x0];
	p0 =	slt.u32 s9, $0x70;
	v39 =	vmul.f32 $1.442695020e+00, v44;
	v44 =	vadd.f32 v45, v35;
	v35 =	vadd.f32 $-1.000000000e+00, v40  }
0x3e7: {  	v40 =	vadd.f32 $-1.000000000e+00, v34;
	v45 =	vmul.f32 v46, v22;
	v31 =	vld [tilespmem:s10+$0x0];
	(erf) = vpow2.f32 v43;
	v43 =	vmovc v38  }
0x3e8: {  	(erf) = vpow2.f32 v39;
	v38 =	vsub.f32 $0.0e+00, v44;
	v39 =	vand.u32 $0x7FFFFFFF, v17;
	v34 =	vmovc v44  }
0x3e9: {  	v44 =	vadd.f32 $-1.000000000e+00, v37;
	v17 =	vadd.f32 v45, v40;
	v37 =	vmul.f32 v39, v16;
	v16 =	vmovc v19;
	v19 =	vmovc v20  }
0x3ea: {  	v39 =	vadd.f32 $-1.000000000e+00, v36;
	v20 =	vmovc v18;
	v18 =	vmovc v24;
	v0 =	vadd.f32 $1.000000000e+00, v0;
	(erf) = vpow2.f32 v41  }
0x3eb: {  	v41 =	vmul.f32 $1.442695020e+00, v38;
	vm0 =	vgt.f32 v33, $5.000000000e-01;
	v25 =	vadd.f32 v33, v25;
	v40 =	vpop (erf)  }
0x3ec: {  	v30 =	vadd.f32 v37, v30;
	v36 =	vcvt.s32.f32 v0;
	v31 =	vadd.f32 $1.000000000e+00, v31;
	v38 =	vpop (erf)  }
0x3ed: {  	v37 =	vadd.f32 v42, v32;
	v32 =	vsub.f32 $0.0e+00, v17;
	v24 =	vmovc v33;
	(erf) = vpow2.f32 v41  }
0x3ee: {  	v46 =	vmul.f32 $8.262958320e-08, v36;
	v31 =	vnsel vm0, $0x40000000, v31;
	v36 =	vmul.f32 v38, v21  }
0x3ef: {  	v42 =	vsub.f32 $0.0e+00, v37;
	v45 =	vmul.f32 $1.442695020e+00, v32;
	v41 =	vcvt.s32.f32 v31  }
0x3f0: {  	v28 =	vmul.f32 v40, v28;
	v38 =	vadd.f32 $-8.798996730e+01, v46;
	v36 =	vadd.f32 v36, v44;
	v33 =	vpop (erf)  }
.Ltmp11:
0x3f1: {  	v32 =	vadd.f32 $-1.000000000e+00, v43;
	v40 =	vmul.f32 $8.262958320e-08, v41;
	v43 =	vpop (erf);
	v33 =	vmul.f32 v33, v23;
	(pc) =	sbr.rel @p0 .LBB2_22-.Ltmp11, $4  }
0x3f2: {  	v44 =	vmul.f32 $1.442695020e+00, v42;
	v23 =	vmovc v21;
	v21 =	vmovc v26;
	v41 =	vsub.f32 $0.0e+00, v38;
	v46 =	vsub.f32 $0.0e+00, v36  }
0x3f3: {  	v40 =	vadd.f32 $-8.798996730e+01, v40;
	v42 =	vpop (erf);
	(erf) = vpow2.f32 v45;
	v33 =	vadd.f32 v33, v39  }
0x3f4: {  	v26 =	vmovc v29;
	v29 =	vmovc v0;
	v39 =	vadd.f32 v28, v47;
	v41 =	vmul.f32 $1.442695020e+00, v41;
	(erf) = vpow2.f32 v44  }
0x3f5: {  	s28 =	sadd.s32 $0x10, s28;
	s11 =	sadd.s32 $0x10, s11;
	s10 =	sadd.s32 $0x10, s10;
	v45 =	vmul.f32 v43, v27;
	v28 =	vmovc v22;
	v22 =	vmovc v48;
	v43 =	vmul.f32 $1.442695020e+00, v46;
	v44 =	vsub.f32 $0.0e+00, v40  }
0x3f6: {  	_ = 	snop  }
0x3f7: {  	v0 =	vadd.f32 v45, v35;
	_ =	sdelay $0x1  }
0x3f8: {  	v61 =	vmul.f32 $1.442695020e+00, v44;
	v62 =	vsub.f32 $0.0e+00, v0  }
0x3f9: {  	(erf) = vpow2.f32 v43  }
0x3fa: {  	(erf) = vpow2.f32 v61;
	v46 =	vmul.f32 $1.442695020e+00, v62  }
0x3fb: {  	(erf) = vpow2.f32 v41  }
0x3fc: {  	(erf) = vpow2.f32 v46;
	_ =	sdelay $0x1  }
0x3fd: {  	v47 =	vpop (erf)  }
0x3fe: {  	v34 =	vadd.f32 $-1.000000000e+00, v34;
	v35 =	vmul.f32 v47, v22  }
0x3ff: {  	v42 =	vmul.f32 v42, v26;
	v41 =	vpop (erf)  }
0x400: {  	v34 =	vadd.f32 v35, v34;
	v48 =	vpop (erf)  }
0x401: {  	v40 =	vadd.f32 $-1.000000000e+00, v40;
	v32 =	vadd.f32 v42, v32;
	v44 =	vpop (erf)  }
0x402: {  	v37 =	vadd.f32 $-1.000000000e+00, v37;
	v52 =	vsub.f32 $0.0e+00, v34;
	v50 =	vmul.f32 v48, v21;
	v49 =	vpop (erf)  }
0x403: {  	v38 =	vadd.f32 $-1.000000000e+00, v38;
	v46 =	vsub.f32 $0.0e+00, v32;
	v51 =	vpop (erf);
	v35 =	vmul.f32 v49, v31  }
0x404: {  	v0 =	vadd.f32 $-1.000000000e+00, v0;
	v54 =	vmul.f32 $1.442695020e+00, v52;
	v37 =	vadd.f32 v50, v37;
	v47 =	vpop (erf)  }
0x405: {  	v56 =	vmul.f32 $1.442695020e+00, v46;
	v35 =	vadd.f32 v35, v40;
	v53 =	vmul.f32 v47, v27  }
0x406: {  	(erf) = vpow2.f32 v54;
	v55 =	vsub.f32 $0.0e+00, v37;
	v43 =	vmul.f32 v51, v29  }
0x407: {  	(erf) = vpow2.f32 v56;
	v57 =	vsub.f32 $0.0e+00, v35;
	v0 =	vadd.f32 v53, v0  }
0x408: {  	v28 =	vmul.f32 v41, v28;
	v58 =	vmul.f32 $1.442695020e+00, v55;
	v38 =	vadd.f32 v43, v38  }
0x409: {  	v23 =	vmul.f32 v44, v23;
	v60 =	vmul.f32 $1.442695020e+00, v57;
	v59 =	vsub.f32 $0.0e+00, v0  }
0x40a: {  	(erf) = vpow2.f32 v58;
	v47 =	vadd.f32 $-1.000000000e+00, v17;
	v61 =	vsub.f32 $0.0e+00, v38  }
0x40b: {  	v48 =	vadd.f32 $-1.000000000e+00, v36;
	(erf) = vpow2.f32 v60;
	v62 =	vmul.f32 $1.442695020e+00, v59  }
0x40c: {  	v17 =	vsub.f32 v33, v39;
	v28 =	vadd.f32 v28, v47;
	v46 =	vmul.f32 $1.442695020e+00, v61  }
0x40d: {  	(erf) = vpow2.f32 v62  }
0x40e: {  	s9 =	simm.s32 $0x2900;
	v23 =	vadd.f32 v23, v48;
	v39 =	vand.u32 $0x7FFFFFFF, v17;
	(erf) = vpow2.f32 v46  }
0x40f: {  	v49 =	vld [tilespmem:s9+$0x0];
	v50 =	vpop (erf);
	v16 =	vmul.f32 v39, v16  }
0x410: {  	s10 =	simm.s32 $0x2B00;
	v23 =	vsub.f32 v23, v28;
	v28 =	vpop (erf)  }
0x411: {  	v17 =	vld [tilespmem:s10+$0x0];
	v16 =	vadd.f32 v16, v30;
	v30 =	vadd.f32 $-1.000000000e+00, v32;
	v28 =	vmul.f32 v28, v26;
	_ =	sdelay $0x1  }
0x412: {  	v23 =	vand.u32 $0x7FFFFFFF, v23;
	v51 =	vpop (erf);
	v30 =	vadd.f32 v28, v30  }
0x413: {  	s29 =	simm.s32 $0x2100;
	v34 =	vadd.f32 $-1.000000000e+00, v34;
	v52 =	vadd.f32 $1.000000000e+00, v49;
	v23 =	vmul.f32 v23, v19;
	v53 =	vpop (erf)  }
0x414: {  	v54 =	vld [tilespmem:s29+$0x0];
	v19 =	vadd.f32 $-1.000000000e+00, v35;
	v58 =	vsub.f32 $0.0e+00, v30;
	v28 =	vmul.f32 v53, v31  }
0x415: {  	v37 =	vadd.f32 $-1.000000000e+00, v37;
	v22 =	vmul.f32 v50, v22;
	vm0 =	vgt.f32 v17, $5.000000000e-01;
	v55 =	vpop (erf)  }
0x416: {  	v32 =	vnsel vm0, $0x40000000, v52;
	v59 =	vadd.f32 v28, v19;
	v28 =	vmul.f32 $1.442695020e+00, v58;
	v56 =	vpop (erf)  }
0x417: {  	v38 =	vadd.f32 $-1.000000000e+00, v38;
	v57 =	vcvt.s32.f32 v32;
	v33 =	vmul.f32 v56, v29  }
0x418: {  	v22 =	vadd.f32 v22, v34;
	v21 =	vmul.f32 v51, v21;
	(erf) = vpow2.f32 v28  }
0x419: {  	v19 =	vmul.f32 $8.262958320e-08, v57;
	v60 =	vadd.f32 v33, v38;
	v33 =	vadd.f32 $1.000000000e+00, v54  }
0x41a: {  	v21 =	vadd.f32 v21, v37;
	v61 =	vsub.f32 $0.0e+00, v59  }
0x41b: {  	s10 =	simm.s32 $0x2910;
	v62 =	vadd.f32 $-8.798996730e+01, v19;
	v19 =	vsub.f32 $0.0e+00, v60;
	v28 =	vcvt.s32.f32 v33  }
0x41c: {  	s11 =	simm.s32 $0x2B10;
	v45 =	vld [tilespmem:s10+$0x0];
	v23 =	vadd.f32 v23, v16;
	v16 =	vsub.f32 v21, v22;
	v36 =	vmul.f32 $1.442695020e+00, v61  }
0x41d: {  	s29 =	simm.s32 $0x2110;
	v44 =	vsub.f32 $0.0e+00, v62;
	v46 =	vmul.f32 $1.442695020e+00, v19;
	v28 =	vmul.f32 $8.262958320e-08, v28;
	v19 =	vld [tilespmem:s11+$0x0]  }
0x41e: {  	v21 =	vld [tilespmem:s29+$0x0];
	v16 =	vand.u32 $0x7FFFFFFF, v16;
	(erf) = vpow2.f32 v36  }
0x41f: {  	v47 =	vmul.f32 $1.442695020e+00, v44;
	v48 =	vadd.f32 $-8.798996730e+01, v28  }
0x420: {  	v20 =	vmul.f32 v16, v20;
	(erf) = vpow2.f32 v46  }
0x421: {  	v28 =	vadd.f32 $1.000000000e+00, v45;
	v16 =	vpop (erf);
	(erf) = vpow2.f32 v47;
	v22 =	vsub.f32 $0.0e+00, v48  }
0x422: {  	v30 =	vadd.f32 $-1.000000000e+00, v30;
	v26 =	vmul.f32 v16, v26;
	vm12 =	vgt.f32 v19, $5.000000000e-01  }
0x423: {  	v16 =	vadd.f32 $1.000000000e+00, v21;
	v22 =	vmul.f32 $1.442695020e+00, v22;
	v28 =	vnsel vm12, $0x40000000, v28  }
0x424: {  	v0 =	vadd.f32 $-1.000000000e+00, v0;
	v27 =	vmul.f32 v55, v27;
	v49 =	vcvt.s32.f32 v28  }
0x425: {  	v21 =	vadd.f32 v26, v30;
	v26 =	vcvt.s32.f32 v16;
	(erf) = vpow2.f32 v22  }
0x426: {  	v23 =	vadd.f32 v20, v23;
	v20 =	vmul.f32 $8.262958320e-08, v49  }
0x427: {  	v25 =	vadd.f32 v17, v25;
	v0 =	vadd.f32 v27, v0;
	v26 =	vmul.f32 $8.262958320e-08, v26;
	v22 =	vpop (erf)  }
0x428: {  	v27 =	vadd.f32 $-1.000000000e+00, v59;
	v22 =	vmul.f32 v22, v31;
	v31 =	vadd.f32 $-8.798996730e+01, v20  }
0x429: {  	s11 =	simm.s32 $0x2920;
	v26 =	vadd.f32 $-8.798996730e+01, v26;
	v30 =	vpop (erf);
	v20 =	vadd.f32 $-1.000000000e+00, v60  }
0x42a: {  	v53 =	vld [tilespmem:s11+$0x0];
	s11 =	simm.s32 $0x2930;
	v29 =	vmul.f32 v30, v29;
	v30 =	vpop (erf);
	v51 =	vsub.f32 $0.0e+00, v31;
	v22 =	vadd.f32 v22, v27  }
0x42b: {  	s29 =	simm.s32 $0x2B20;
	v50 =	vadd.f32 $-1.000000000e+00, v62;
	v62 =	vld [tilespmem:s11+$0x0];
	v0 =	vsub.f32 v21, v0;
	v30 =	vmul.f32 v30, v32  }
0x42c: {  	s10 =	simm.s32 $0x2120;
	v21 =	vsub.f32 $0.0e+00, v26;
	v29 =	vadd.f32 v29, v20;
	v20 =	vld [tilespmem:s29+$0x0];
	v27 =	vmul.f32 $1.442695020e+00, v51  }
0x42d: {  	v52 =	vld [tilespmem:s10+$0x0];
	v54 =	vadd.f32 $-1.000000000e+00, v48;
	v30 =	vadd.f32 v30, v50  }
0x42e: {  	v55 =	vmul.f32 $1.442695020e+00, v21;
	v29 =	vsub.f32 v29, v22;
	v22 =	vpop (erf);
	(erf) = vpow2.f32 v27  }
0x42f: {  	v56 =	vadd.f32 $1.000000000e+00, v53;
	v27 =	vsub.f32 $0.0e+00, v30;
	v22 =	vmul.f32 v22, v33  }
0x430: {  	v47 =	vadd.f32 $1.000000000e+00, v62;
	v0 =	vand.u32 $0x7FFFFFFF, v0;
	(erf) = vpow2.f32 v55  }
0x431: {  	v27 =	vmul.f32 $1.442695020e+00, v27;
	vm13 =	vgt.f32 v20, $5.000000000e-01;
	v34 =	vadd.f32 v22, v54  }
0x432: {  	v0 =	vmul.f32 v0, v18;
	v21 =	vadd.f32 $1.000000000e+00, v52;
	v22 =	vnsel vm13, $0x40000000, v56  }
0x433: {  	(erf) = vpow2.f32 v27;
	v27 =	vcvt.s32.f32 v22;
	v58 =	vsub.f32 $0.0e+00, v34  }
0x434: {  	v26 =	vadd.f32 $-1.000000000e+00, v26;
	v0 =	vadd.f32 v0, v23;
	v57 =	vcvt.s32.f32 v21  }
0x435: {  	v18 =	vand.u32 $0x7FFFFFFF, v29;
	v27 =	vmul.f32 $8.262958320e-08, v27;
	v59 =	vmul.f32 $1.442695020e+00, v58  }
0x436: {  	v31 =	vadd.f32 $-1.000000000e+00, v31;
	v29 =	vmul.f32 $8.262958320e-08, v57;
	v18 =	vmul.f32 v18, v24  }
0x437: {  	s29 =	simm.s32 $0x2B30;
	v24 =	vadd.f32 v19, v25;
	v27 =	vadd.f32 $-8.798996730e+01, v27;
	v25 =	vpop (erf);
	(erf) = vpow2.f32 v59  }
0x438: {  	v23 =	vadd.f32 $-8.798996730e+01, v29;
	v29 =	vadd.f32 v18, v0;
	v18 =	vld [tilespmem:s29+$0x0];
	v25 =	vmul.f32 v25, v28  }
0x439: {  	v30 =	vadd.f32 $-1.000000000e+00, v30;
	v0 =	vsub.f32 $0.0e+00, v27  }
0x43a: {  	s10 =	simm.s32 $0x2130;
	v60 =	vsub.f32 $0.0e+00, v23;
	v43 =	vpop (erf);
	v31 =	vadd.f32 v25, v31  }
0x43b: {  	v61 =	vld [tilespmem:s10+$0x0];
	v24 =	vadd.f32 v20, v24;
	v38 =	vmul.f32 v43, v16;
	v0 =	vmul.f32 $1.442695020e+00, v0  }
0x43c: {  	v56 =	vadd.f32 $-1.000000000e+00, v23;
	v35 =	vmul.f32 $1.442695020e+00, v60;
	v45 =	vsub.f32 $0.0e+00, v31  }
0x43d: {  	vm14 =	vgt.f32 v18, $5.000000000e-01;
	v38 =	vadd.f32 v38, v26;
	v25 =	vpop (erf);
	(erf) = vpow2.f32 v0  }
0x43e: {  	v26 =	vnsel vm14, $0x40000000, v47;
	v44 =	vmul.f32 v25, v32;
	v46 =	vmul.f32 $1.442695020e+00, v45  }
0x43f: {  	v24 =	vadd.f32 v18, v24;
	v51 =	vcvt.s32.f32 v26;
	(erf) = vpow2.f32 v35  }
0x440: {  	v25 =	vadd.f32 $1.000000000e+00, v61;
	v30 =	vadd.f32 v44, v30;
	v48 =	vpop (erf);
	(erf) = vpow2.f32 v46  }
0x441: {  	v27 =	vadd.f32 $-1.000000000e+00, v27;
	v0 =	vadd.f32 $-1.000000000e+00, v34;
	v53 =	vmul.f32 $8.262958320e-08, v51  }
0x442: {  	v36 =	vcvt.s32.f32 v25;
	v49 =	vsub.f32 $0.0e+00, v30;
	v50 =	vmul.f32 v48, v33  }
0x443: {  	v52 =	vsub.f32 $0.0e+00, v38;
	v35 =	vadd.f32 $-8.798996730e+01, v53  }
0x444: {  	v36 =	vmul.f32 $8.262958320e-08, v36;
	v34 =	vmul.f32 $1.442695020e+00, v49;
	v0 =	vadd.f32 v50, v0  }
0x445: {  	v54 =	vmul.f32 $1.442695020e+00, v52;
	v45 =	vadd.f32 $-1.000000000e+00, v30;
	v59 =	vsub.f32 $0.0e+00, v35  }
0x446: {  	s10 =	simm.s32 $0x2140;
	v40 =	vadd.f32 $-8.798996730e+01, v36;
	v55 =	vsub.f32 $0.0e+00, v0;
	(erf) = vpow2.f32 v34;
	v23 =	vpop (erf)  }
0x447: {  	s29 =	simm.s32 $0x2940;
	v61 =	vld [tilespmem:s10+$0x0];
	v35 =	vadd.f32 $-1.000000000e+00, v35;
	(erf) = vpow2.f32 v54;
	v60 =	vmul.f32 v23, v22  }
0x448: {  	v48 =	vld [tilespmem:s29+$0x0];
	v50 =	vadd.f32 $-1.000000000e+00, v38;
	v57 =	vsub.f32 $0.0e+00, v40;
	v58 =	vpop (erf);
	v37 =	vmul.f32 $1.442695020e+00, v55  }
0x449: {  	s11 =	simm.s32 $0x2B40;
	v0 =	vadd.f32 $-1.000000000e+00, v0;
	v36 =	vmul.f32 v58, v21;
	v34 =	vadd.f32 v60, v27;
	v30 =	vpop (erf)  }
0x44a: {  	v23 =	vld [tilespmem:s11+$0x0];
	v27 =	vadd.f32 $-1.000000000e+00, v31;
	(erf) = vpow2.f32 v37;
	v30 =	vmul.f32 v30, v28  }
0x44b: {  	v41 =	vmul.f32 $1.442695020e+00, v59;
	v37 =	vadd.f32 v36, v56;
	v49 =	vsub.f32 $0.0e+00, v34  }
0x44c: {  	v62 =	vmul.f32 $1.442695020e+00, v57;
	v31 =	vadd.f32 v30, v27;
	v27 =	vadd.f32 $1.000000000e+00, v61  }
0x44d: {  	v42 =	vadd.f32 $1.000000000e+00, v48;
	(erf) = vpow2.f32 v41;
	v30 =	vmul.f32 $1.442695020e+00, v49  }
0x44e: {  	(erf) = vpow2.f32 v62;
	v56 =	vsub.f32 $0.0e+00, v37;
	v52 =	vcvt.s32.f32 v27  }
0x44f: {  	vm15 =	vgt.f32 v23, $5.000000000e-01;
	v24 =	vadd.f32 v23, v24;
	v51 =	vpop (erf);
	(erf) = vpow2.f32 v30  }
0x450: {  	v61 =	vmul.f32 $1.442695020e+00, v56;
	v30 =	vnsel vm15, $0x40000000, v42;
	v53 =	vpop (erf);
	v38 =	vmul.f32 $8.262958320e-08, v52  }
0x451: {  	v54 =	vsub.f32 $0.0e+00, v31;
	v42 =	vcvt.s32.f32 v30;
	v55 =	vmul.f32 v53, v16  }
0x452: {  	v58 =	vmul.f32 v51, v32;
	v32 =	vadd.f32 $-1.000000000e+00, v40;
	v38 =	vadd.f32 $-8.798996730e+01, v38  }
0x453: {  	v57 =	vmul.f32 $1.442695020e+00, v54;
	v42 =	vmul.f32 $8.262958320e-08, v42;
	v36 =	vadd.f32 v55, v50;
	v59 =	vpop (erf)  }
0x454: {  	v39 =	vadd.f32 v58, v45;
	v33 =	vmul.f32 v59, v33;
	v60 =	vsub.f32 $0.0e+00, v38  }
0x455: {  	(erf) = vpow2.f32 v57;
	v40 =	vadd.f32 $-8.798996730e+01, v42;
	v62 =	vsub.f32 $0.0e+00, v36  }
0x456: {  	s28 =	simm.s32 $0x2150;
	(erf) = vpow2.f32 v61;
	v33 =	vadd.f32 v33, v0;
	v0 =	vpop (erf);
	v41 =	vmul.f32 $1.442695020e+00, v60  }
0x457: {  	s9 =	simm.s32 $0x40;
	s10 =	simm.s32 $0x2950;
	s11 =	simm.s32 $0x2B50;
	v44 =	vsub.f32 $0.0e+00, v40;
	v42 =	vpop (erf);
	v45 =	vmul.f32 v0, v26;
	v43 =	vmul.f32 $1.442695020e+00, v62  }
.LBB2_24:
0x458: {  	v0 =	vld [tilespmem:s28+$0x0];
	s9 =	sadd.s32 $0x10, s9;
	v42 =	vmul.f32 v42, v25;
	v46 =	vpop (erf);
	v47 =	vadd.f32 $-1.000000000e+00, v31;
	v31 =	vsub.f32 v33, v39  }
0x459: {  	v48 =	vmovc v26;
	v26 =	vmovc v30;
	v33 =	vld [tilespmem:s11+$0x0];
	p0 =	slt.u32 s9, $0x70;
	v39 =	vmul.f32 $1.442695020e+00, v44;
	v44 =	vadd.f32 v45, v35;
	v35 =	vadd.f32 $-1.000000000e+00, v40  }
0x45a: {  	v40 =	vadd.f32 $-1.000000000e+00, v34;
	v45 =	vmul.f32 v46, v22;
	v30 =	vld [tilespmem:s10+$0x0];
	(erf) = vpow2.f32 v43;
	v43 =	vmovc v38  }
0x45b: {  	(erf) = vpow2.f32 v39;
	v38 =	vsub.f32 $0.0e+00, v44;
	v39 =	vand.u32 $0x7FFFFFFF, v31;
	v34 =	vmovc v44  }
0x45c: {  	v44 =	vadd.f32 $-1.000000000e+00, v37;
	v31 =	vadd.f32 v45, v40;
	v37 =	vmul.f32 v39, v17;
	v17 =	vmovc v19;
	v19 =	vmovc v20  }
0x45d: {  	v39 =	vadd.f32 $-1.000000000e+00, v36;
	v20 =	vmovc v18;
	v18 =	vmovc v23;
	v0 =	vadd.f32 $1.000000000e+00, v0;
	(erf) = vpow2.f32 v41  }
0x45e: {  	v41 =	vmul.f32 $1.442695020e+00, v38;
	vm0 =	vgt.f32 v33, $5.000000000e-01;
	v24 =	vadd.f32 v33, v24;
	v40 =	vpop (erf)  }
0x45f: {  	v29 =	vadd.f32 v37, v29;
	v36 =	vcvt.s32.f32 v0;
	v30 =	vadd.f32 $1.000000000e+00, v30;
	v38 =	vpop (erf)  }
0x460: {  	v37 =	vadd.f32 v42, v32;
	v32 =	vsub.f32 $0.0e+00, v31;
	v23 =	vmovc v33;
	(erf) = vpow2.f32 v41  }
0x461: {  	v46 =	vmul.f32 $8.262958320e-08, v36;
	v30 =	vnsel vm0, $0x40000000, v30;
	v36 =	vmul.f32 v38, v21  }
0x462: {  	v42 =	vsub.f32 $0.0e+00, v37;
	v45 =	vmul.f32 $1.442695020e+00, v32;
	v41 =	vcvt.s32.f32 v30  }
0x463: {  	v28 =	vmul.f32 v40, v28;
	v38 =	vadd.f32 $-8.798996730e+01, v46;
	v36 =	vadd.f32 v36, v44;
	v33 =	vpop (erf)  }
.Ltmp12:
0x464: {  	v32 =	vadd.f32 $-1.000000000e+00, v43;
	v40 =	vmul.f32 $8.262958320e-08, v41;
	v43 =	vpop (erf);
	v33 =	vmul.f32 v33, v16;
	(pc) =	sbr.rel @p0 .LBB2_24-.Ltmp12, $4  }
0x465: {  	v44 =	vmul.f32 $1.442695020e+00, v42;
	v16 =	vmovc v21;
	v21 =	vmovc v25;
	v41 =	vsub.f32 $0.0e+00, v38;
	v46 =	vsub.f32 $0.0e+00, v36  }
0x466: {  	v40 =	vadd.f32 $-8.798996730e+01, v40;
	v42 =	vpop (erf);
	(erf) = vpow2.f32 v45;
	v33 =	vadd.f32 v33, v39  }
0x467: {  	v25 =	vmovc v27;
	v27 =	vmovc v0;
	v39 =	vadd.f32 v28, v47;
	v41 =	vmul.f32 $1.442695020e+00, v41;
	(erf) = vpow2.f32 v44  }
0x468: {  	s28 =	sadd.s32 $0x10, s28;
	s11 =	sadd.s32 $0x10, s11;
	s10 =	sadd.s32 $0x10, s10;
	v45 =	vmul.f32 v43, v26;
	v28 =	vmovc v22;
	v22 =	vmovc v48;
	v43 =	vmul.f32 $1.442695020e+00, v46;
	v44 =	vsub.f32 $0.0e+00, v40  }
0x469: {  	_ = 	snop  }
0x46a: {  	v0 =	vadd.f32 v45, v35;
	_ =	sdelay $0x1  }
0x46b: {  	v56 =	vmul.f32 $1.442695020e+00, v44;
	v57 =	vsub.f32 $0.0e+00, v0  }
0x46c: {  	(erf) = vpow2.f32 v43  }
0x46d: {  	(erf) = vpow2.f32 v56;
	v58 =	vmul.f32 $1.442695020e+00, v57  }
0x46e: {  	(erf) = vpow2.f32 v41  }
0x46f: {  	(erf) = vpow2.f32 v58;
	_ =	sdelay $0x1  }
0x470: {  	v59 =	vpop (erf)  }
0x471: {  	v34 =	vadd.f32 $-1.000000000e+00, v34;
	v35 =	vmul.f32 v59, v22  }
0x472: {  	v42 =	vmul.f32 v42, v25;
	v40 =	vadd.f32 $-1.000000000e+00, v40;
	v41 =	vpop (erf)  }
0x473: {  	v37 =	vadd.f32 $-1.000000000e+00, v37;
	v34 =	vadd.f32 v35, v34;
	v60 =	vpop (erf)  }
0x474: {  	v38 =	vadd.f32 $-1.000000000e+00, v38;
	v32 =	vadd.f32 v42, v32;
	v44 =	vpop (erf)  }
0x475: {  	v31 =	vadd.f32 $-1.000000000e+00, v31;
	v49 =	vsub.f32 $0.0e+00, v34;
	v61 =	vpop (erf)  }
0x476: {  	v33 =	vsub.f32 v33, v39;
	v46 =	vsub.f32 $0.0e+00, v32;
	v62 =	vmul.f32 v60, v21;
	v48 =	vpop (erf)  }
0x477: {  	v0 =	vadd.f32 $-1.000000000e+00, v0;
	v51 =	vmul.f32 $1.442695020e+00, v49;
	v35 =	vmul.f32 v61, v30;
	v47 =	vpop (erf)  }
0x478: {  	v53 =	vmul.f32 $1.442695020e+00, v46;
	v37 =	vadd.f32 v62, v37;
	v50 =	vmul.f32 v47, v26  }
0x479: {  	(erf) = vpow2.f32 v51;
	v43 =	vmul.f32 v48, v27;
	v35 =	vadd.f32 v35, v40  }
0x47a: {  	(erf) = vpow2.f32 v53;
	v52 =	vsub.f32 $0.0e+00, v37;
	v0 =	vadd.f32 v50, v0  }
0x47b: {  	v38 =	vadd.f32 v43, v38;
	v54 =	vsub.f32 $0.0e+00, v35  }
0x47c: {  	v28 =	vmul.f32 v41, v28;
	v55 =	vmul.f32 $1.442695020e+00, v52;
	v56 =	vsub.f32 $0.0e+00, v0  }
0x47d: {  	v61 =	vmul.f32 v44, v16;
	v58 =	vsub.f32 $0.0e+00, v38;
	v57 =	vmul.f32 $1.442695020e+00, v54  }
0x47e: {  	v36 =	vadd.f32 $-1.000000000e+00, v36;
	(erf) = vpow2.f32 v55;
	v59 =	vmul.f32 $1.442695020e+00, v56  }
0x47f: {  	v28 =	vadd.f32 v28, v31;
	v60 =	vmul.f32 $1.442695020e+00, v58;
	(erf) = vpow2.f32 v57  }
0x480: {  	v33 =	vand.u32 $0x7FFFFFFF, v33;
	(erf) = vpow2.f32 v59  }
0x481: {  	s9 =	simm.s32 $0x2980;
	v17 =	vmul.f32 v33, v17;
	v44 =	vadd.f32 v61, v36;
	(erf) = vpow2.f32 v60  }
0x482: {  	s10 =	simm.s32 $0x2B80;
	v62 =	vld [tilespmem:s9+$0x0];
	v45 =	vpop (erf)  }
0x483: {  	v29 =	vadd.f32 v17, v29;
	v16 =	vld [tilespmem:s10+$0x0];
	v17 =	vsub.f32 v44, v28;
	v28 =	vpop (erf)  }
0x484: {  	v31 =	vadd.f32 $-1.000000000e+00, v32;
	v28 =	vmul.f32 v28, v25;
	_ =	sdelay $0x1  }
0x485: {  	s29 =	simm.s32 $0x2180;
	v28 =	vadd.f32 v28, v31  }
0x486: {  	v34 =	vadd.f32 $-1.000000000e+00, v34;
	v49 =	vld [tilespmem:s29+$0x0];
	v47 =	vadd.f32 $1.000000000e+00, v62;
	v17 =	vand.u32 $0x7FFFFFFF, v17;
	v46 =	vpop (erf)  }
0x487: {  	vm0 =	vgt.f32 v16, $5.000000000e-01;
	v19 =	vmul.f32 v17, v19;
	v54 =	vsub.f32 $0.0e+00, v28;
	v48 =	vpop (erf)  }
0x488: {  	v17 =	vadd.f32 $-1.000000000e+00, v35;
	v31 =	vnsel vm0, $0x40000000, v47;
	v51 =	vmul.f32 v48, v30;
	v50 =	vpop (erf)  }
0x489: {  	v37 =	vadd.f32 $-1.000000000e+00, v37;
	v53 =	vcvt.s32.f32 v31;
	v56 =	vmul.f32 $1.442695020e+00, v54;
	v52 =	vpop (erf)  }
0x48a: {  	v38 =	vadd.f32 $-1.000000000e+00, v38;
	v55 =	vadd.f32 v51, v17;
	v35 =	vmul.f32 v52, v27  }
0x48b: {  	v32 =	vadd.f32 $1.000000000e+00, v49;
	(erf) = vpow2.f32 v56;
	v17 =	vmul.f32 $8.262958320e-08, v53  }
0x48c: {  	v22 =	vmul.f32 v45, v22;
	v57 =	vsub.f32 $0.0e+00, v55;
	v35 =	vadd.f32 v35, v38  }
0x48d: {  	v59 =	vcvt.s32.f32 v32;
	v21 =	vmul.f32 v46, v21;
	v58 =	vadd.f32 $-8.798996730e+01, v17  }
0x48e: {  	s10 =	simm.s32 $0x2990;
	v22 =	vadd.f32 v22, v34;
	v33 =	vmul.f32 $1.442695020e+00, v57;
	v17 =	vsub.f32 $0.0e+00, v35  }
0x48f: {  	s11 =	simm.s32 $0x2B90;
	v61 =	vld [tilespmem:s10+$0x0];
	v39 =	vmul.f32 $8.262958320e-08, v59;
	v21 =	vadd.f32 v21, v37;
	v60 =	vsub.f32 $0.0e+00, v58  }
0x490: {  	(erf) = vpow2.f32 v33;
	v62 =	vmul.f32 $1.442695020e+00, v17;
	v17 =	vld [tilespmem:s11+$0x0]  }
0x491: {  	s29 =	simm.s32 $0x2190;
	v44 =	vadd.f32 $-8.798996730e+01, v39;
	v21 =	vsub.f32 v21, v22;
	v42 =	vmul.f32 $1.442695020e+00, v60  }
0x492: {  	v24 =	vadd.f32 v16, v24;
	v19 =	vadd.f32 v19, v29;
	v22 =	vld [tilespmem:s29+$0x0];
	(erf) = vpow2.f32 v62  }
0x493: {  	v29 =	vsub.f32 $0.0e+00, v44;
	v21 =	vand.u32 $0x7FFFFFFF, v21;
	(erf) = vpow2.f32 v42  }
0x494: {  	v45 =	vadd.f32 $1.000000000e+00, v61;
	v0 =	vadd.f32 $-1.000000000e+00, v0;
	v46 =	vmul.f32 v21, v20;
	v20 =	vpop (erf)  }
0x495: {  	v29 =	vmul.f32 $1.442695020e+00, v29;
	v25 =	vmul.f32 v20, v25;
	vm12 =	vgt.f32 v17, $5.000000000e-01  }
0x496: {  	v28 =	vadd.f32 $-1.000000000e+00, v28;
	v26 =	vmul.f32 v50, v26;
	v21 =	vnsel vm12, $0x40000000, v45  }
0x497: {  	v20 =	vadd.f32 $1.000000000e+00, v22;
	(erf) = vpow2.f32 v29;
	v33 =	vcvt.s32.f32 v21  }
0x498: {  	v0 =	vadd.f32 v26, v0;
	v22 =	vadd.f32 v25, v28  }
0x499: {  	v26 =	vcvt.s32.f32 v20;
	v29 =	vadd.f32 v46, v19;
	v25 =	vpop (erf);
	v19 =	vmul.f32 $8.262958320e-08, v33  }
0x49a: {  	v47 =	vadd.f32 $-1.000000000e+00, v58;
	v28 =	vadd.f32 $-1.000000000e+00, v55;
	v25 =	vmul.f32 v25, v30  }
0x49b: {  	s10 =	simm.s32 $0x21A0;
	v26 =	vmul.f32 $8.262958320e-08, v26;
	v0 =	vsub.f32 v22, v0;
	v30 =	vpop (erf);
	v33 =	vadd.f32 $-8.798996730e+01, v19  }
0x49c: {  	v49 =	vld [tilespmem:s10+$0x0];
	s11 =	simm.s32 $0x29A0;
	v25 =	vadd.f32 v25, v28;
	v19 =	vadd.f32 $-1.000000000e+00, v35;
	v27 =	vmul.f32 v30, v27;
	v30 =	vpop (erf)  }
0x49d: {  	s29 =	simm.s32 $0x2BA0;
	v50 =	vld [tilespmem:s11+$0x0];
	v26 =	vadd.f32 $-8.798996730e+01, v26;
	v48 =	vsub.f32 $0.0e+00, v33;
	v30 =	vmul.f32 v30, v31  }
0x49e: {  	v34 =	vadd.f32 $-1.000000000e+00, v44;
	v0 =	vand.u32 $0x7FFFFFFF, v0;
	v27 =	vadd.f32 v27, v19;
	v19 =	vld [tilespmem:s29+$0x0]  }
0x49f: {  	v22 =	vsub.f32 $0.0e+00, v26;
	v28 =	vmul.f32 $1.442695020e+00, v48;
	v30 =	vadd.f32 v30, v47  }
0x4a0: {  	v0 =	vmul.f32 v0, v18;
	v61 =	vadd.f32 $-1.000000000e+00, v26;
	v27 =	vsub.f32 v27, v25;
	v25 =	vpop (erf)  }
0x4a1: {  	(erf) = vpow2.f32 v28;
	v28 =	vsub.f32 $0.0e+00, v30;
	v25 =	vmul.f32 v25, v32  }
0x4a2: {  	s11 =	simm.s32 $0x29B0;
	v51 =	vmul.f32 $1.442695020e+00, v22;
	v22 =	vadd.f32 $1.000000000e+00, v49;
	v52 =	vadd.f32 $1.000000000e+00, v50  }
0x4a3: {  	v59 =	vld [tilespmem:s11+$0x0];
	v28 =	vmul.f32 $1.442695020e+00, v28;
	vm13 =	vgt.f32 v19, $5.000000000e-01;
	v34 =	vadd.f32 v25, v34  }
0x4a4: {  	v53 =	vcvt.s32.f32 v22;
	(erf) = vpow2.f32 v51;
	v25 =	vnsel vm13, $0x40000000, v52  }
0x4a5: {  	(erf) = vpow2.f32 v28;
	v28 =	vcvt.s32.f32 v25;
	v54 =	vsub.f32 $0.0e+00, v34  }
0x4a6: {  	v24 =	vadd.f32 v17, v24;
	v18 =	vand.u32 $0x7FFFFFFF, v27;
	v27 =	vmul.f32 $8.262958320e-08, v53  }
0x4a7: {  	v0 =	vadd.f32 v0, v29;
	v28 =	vmul.f32 $8.262958320e-08, v28;
	v55 =	vmul.f32 $1.442695020e+00, v54  }
0x4a8: {  	v46 =	vadd.f32 $1.000000000e+00, v59;
	v27 =	vadd.f32 $-8.798996730e+01, v27  }
0x4a9: {  	v18 =	vmul.f32 v18, v23;
	v28 =	vadd.f32 $-8.798996730e+01, v28;
	(erf) = vpow2.f32 v55  }
0x4aa: {  	s10 =	simm.s32 $0x21B0;
	v29 =	vadd.f32 $-1.000000000e+00, v33;
	v56 =	vsub.f32 $0.0e+00, v27;
	v23 =	vpop (erf)  }
0x4ab: {  	v58 =	vld [tilespmem:s10+$0x0];
	s29 =	simm.s32 $0x2BB0;
	v57 =	vmul.f32 v23, v21;
	v23 =	vadd.f32 v18, v0;
	v0 =	vsub.f32 $0.0e+00, v28  }
0x4ac: {  	v30 =	vadd.f32 $-1.000000000e+00, v30;
	v60 =	vadd.f32 v19, v24;
	v18 =	vld [tilespmem:s29+$0x0]  }
0x4ad: {  	v33 =	vmul.f32 $1.442695020e+00, v56;
	v24 =	vpop (erf);
	v29 =	vadd.f32 v57, v29;
	v0 =	vmul.f32 $1.442695020e+00, v0  }
0x4ae: {  	v55 =	vadd.f32 $-1.000000000e+00, v27;
	v51 =	vadd.f32 $-1.000000000e+00, v28;
	v24 =	vmul.f32 v24, v20;
	v26 =	vpop (erf)  }
0x4af: {  	v62 =	vmul.f32 v26, v31;
	v44 =	vsub.f32 $0.0e+00, v29;
	(erf) = vpow2.f32 v0  }
0x4b0: {  	v39 =	vadd.f32 v24, v61;
	v26 =	vadd.f32 $1.000000000e+00, v58;
	(erf) = vpow2.f32 v33  }
0x4b1: {  	vm14 =	vgt.f32 v18, $5.000000000e-01;
	v45 =	vmul.f32 $1.442695020e+00, v44;
	v30 =	vadd.f32 v62, v30  }
0x4b2: {  	v0 =	vadd.f32 $-1.000000000e+00, v34;
	v36 =	vcvt.s32.f32 v26;
	v24 =	vnsel vm14, $0x40000000, v46;
	v47 =	vpop (erf)  }
0x4b3: {  	s29 =	simm.s32 $0x29C0;
	(erf) = vpow2.f32 v45;
	v48 =	vsub.f32 $0.0e+00, v30;
	v49 =	vmul.f32 v47, v32  }
0x4b4: {  	v52 =	vsub.f32 $0.0e+00, v39;
	v62 =	vld [tilespmem:s29+$0x0];
	v50 =	vcvt.s32.f32 v24;
	v28 =	vmul.f32 $8.262958320e-08, v36  }
0x4b5: {  	v38 =	vadd.f32 v18, v60;
	v33 =	vmul.f32 $1.442695020e+00, v48;
	v0 =	vadd.f32 v49, v0  }
0x4b6: {  	v53 =	vmul.f32 $8.262958320e-08, v50;
	v40 =	vadd.f32 $-8.798996730e+01, v28;
	v28 =	vmul.f32 $1.442695020e+00, v52  }
0x4b7: {  	v39 =	vadd.f32 $-1.000000000e+00, v39;
	v54 =	vsub.f32 $0.0e+00, v0;
	(erf) = vpow2.f32 v33  }
0x4b8: {  	v46 =	vadd.f32 $-1.000000000e+00, v30;
	v34 =	vadd.f32 $-8.798996730e+01, v53;
	v27 =	vpop (erf);
	(erf) = vpow2.f32 v28  }
0x4b9: {  	s10 =	simm.s32 $0x21C0;
	v50 =	vadd.f32 $1.000000000e+00, v62;
	v27 =	vmul.f32 v27, v25;
	v58 =	vmul.f32 $1.442695020e+00, v54  }
0x4ba: {  	s11 =	simm.s32 $0x2BC0;
	v59 =	vld [tilespmem:s10+$0x0];
	v56 =	vsub.f32 $0.0e+00, v40;
	v57 =	vsub.f32 $0.0e+00, v34;
	v28 =	vpop (erf)  }
0x4bb: {  	v61 =	vmul.f32 v28, v22;
	v28 =	vld [tilespmem:s11+$0x0];
	v35 =	vadd.f32 v27, v51;
	(erf) = vpow2.f32 v58  }
0x4bc: {  	v0 =	vadd.f32 $-1.000000000e+00, v0;
	v36 =	vadd.f32 $-1.000000000e+00, v34;
	v41 =	vmul.f32 $1.442695020e+00, v57;
	v30 =	vpop (erf)  }
0x4bd: {  	v27 =	vadd.f32 $-1.000000000e+00, v29;
	v29 =	vmul.f32 v30, v21;
	v47 =	vsub.f32 $0.0e+00, v35  }
0x4be: {  	v60 =	vmul.f32 $1.442695020e+00, v56;
	(erf) = vpow2.f32 v41;
	v37 =	vadd.f32 v61, v55  }
0x4bf: {  	v30 =	vadd.f32 v29, v27;
	v29 =	vadd.f32 $1.000000000e+00, v59;
	v34 =	vmul.f32 $1.442695020e+00, v47  }
0x4c0: {  	(erf) = vpow2.f32 v60;
	v55 =	vsub.f32 $0.0e+00, v37;
	vm15 =	vgt.f32 v28, $5.000000000e-01;
	v48 =	vpop (erf)  }
0x4c1: {  	v33 =	vnsel vm15, $0x40000000, v50;
	v49 =	vcvt.s32.f32 v29;
	v51 =	vpop (erf);
	(erf) = vpow2.f32 v34  }
0x4c2: {  	v27 =	vadd.f32 v28, v38;
	v54 =	vcvt.s32.f32 v33;
	v53 =	vmul.f32 v51, v20  }
0x4c3: {  	v52 =	vsub.f32 $0.0e+00, v30;
	v57 =	vmul.f32 v48, v31;
	v38 =	vmul.f32 $8.262958320e-08, v49  }
0x4c4: {  	v31 =	vadd.f32 $-1.000000000e+00, v40;
	v59 =	vmul.f32 $8.262958320e-08, v54;
	v34 =	vadd.f32 v53, v39;
	v58 =	vpop (erf)  }
0x4c5: {  	v56 =	vmul.f32 $1.442695020e+00, v52;
	v38 =	vadd.f32 $-8.798996730e+01, v38;
	v32 =	vmul.f32 v58, v32  }
0x4c6: {  	v61 =	vmul.f32 $1.442695020e+00, v55;
	v40 =	vadd.f32 $-8.798996730e+01, v59;
	v62 =	vsub.f32 $0.0e+00, v34  }
0x4c7: {  	(erf) = vpow2.f32 v56;
	v60 =	vsub.f32 $0.0e+00, v38;
	v32 =	vadd.f32 v32, v0;
	v0 =	vpop (erf)  }
0x4c8: {  	s28 =	simm.s32 $0x21D0;
	v39 =	vadd.f32 v57, v46;
	(erf) = vpow2.f32 v61;
	v45 =	vmul.f32 v0, v24  }
0x4c9: {  	s9 =	simm.s32 $0x40;
	s10 =	simm.s32 $0x29D0;
	s11 =	simm.s32 $0x2BD0;
	v44 =	vsub.f32 $0.0e+00, v40;
	v42 =	vpop (erf);
	v43 =	vmul.f32 $1.442695020e+00, v62;
	v41 =	vmul.f32 $1.442695020e+00, v60  }
.LBB2_26:
0x4ca: {  	v0 =	vld [tilespmem:s28+$0x0];
	s9 =	sadd.s32 $0x10, s9;
	v42 =	vmul.f32 v42, v26;
	v46 =	vpop (erf);
	v47 =	vadd.f32 $-1.000000000e+00, v30;
	v30 =	vsub.f32 v32, v39  }
0x4cb: {  	v48 =	vmovc v24;
	v24 =	vmovc v33;
	v32 =	vld [tilespmem:s11+$0x0];
	p0 =	slt.u32 s9, $0x70;
	v39 =	vmul.f32 $1.442695020e+00, v44;
	v44 =	vadd.f32 v45, v36;
	v36 =	vadd.f32 $-1.000000000e+00, v40  }
0x4cc: {  	v40 =	vadd.f32 $-1.000000000e+00, v35;
	v45 =	vmul.f32 v46, v25;
	v33 =	vld [tilespmem:s10+$0x0];
	(erf) = vpow2.f32 v43;
	v43 =	vmovc v38  }
0x4cd: {  	(erf) = vpow2.f32 v39;
	v38 =	vsub.f32 $0.0e+00, v44;
	v39 =	vand.u32 $0x7FFFFFFF, v30;
	v35 =	vmovc v44  }
0x4ce: {  	v44 =	vadd.f32 $-1.000000000e+00, v37;
	v30 =	vadd.f32 v45, v40;
	v37 =	vmul.f32 v39, v16;
	v16 =	vmovc v17;
	v17 =	vmovc v19  }
0x4cf: {  	v39 =	vadd.f32 $-1.000000000e+00, v34;
	v19 =	vmovc v18;
	v18 =	vmovc v28;
	v0 =	vadd.f32 $1.000000000e+00, v0;
	(erf) = vpow2.f32 v41  }
0x4d0: {  	v41 =	vmul.f32 $1.442695020e+00, v38;
	vm0 =	vgt.f32 v32, $5.000000000e-01;
	v27 =	vadd.f32 v32, v27;
	v40 =	vpop (erf)  }
0x4d1: {  	v23 =	vadd.f32 v37, v23;
	v34 =	vcvt.s32.f32 v0;
	v33 =	vadd.f32 $1.000000000e+00, v33;
	v38 =	vpop (erf)  }
0x4d2: {  	v37 =	vadd.f32 v42, v31;
	v31 =	vsub.f32 $0.0e+00, v30;
	v28 =	vmovc v32;
	(erf) = vpow2.f32 v41  }
0x4d3: {  	v46 =	vmul.f32 $8.262958320e-08, v34;
	v33 =	vnsel vm0, $0x40000000, v33;
	v34 =	vmul.f32 v38, v22  }
0x4d4: {  	v42 =	vsub.f32 $0.0e+00, v37;
	v45 =	vmul.f32 $1.442695020e+00, v31;
	v41 =	vcvt.s32.f32 v33  }
0x4d5: {  	v21 =	vmul.f32 v40, v21;
	v38 =	vadd.f32 $-8.798996730e+01, v46;
	v34 =	vadd.f32 v34, v44;
	v32 =	vpop (erf)  }
.Ltmp13:
0x4d6: {  	v31 =	vadd.f32 $-1.000000000e+00, v43;
	v40 =	vmul.f32 $8.262958320e-08, v41;
	v43 =	vpop (erf);
	v32 =	vmul.f32 v32, v20;
	(pc) =	sbr.rel @p0 .LBB2_26-.Ltmp13, $4  }
0x4d7: {  	v44 =	vmul.f32 $1.442695020e+00, v42;
	v20 =	vmovc v22;
	v22 =	vmovc v26;
	v41 =	vsub.f32 $0.0e+00, v38;
	v46 =	vsub.f32 $0.0e+00, v34  }
0x4d8: {  	v40 =	vadd.f32 $-8.798996730e+01, v40;
	v42 =	vpop (erf);
	(erf) = vpow2.f32 v45;
	v32 =	vadd.f32 v32, v39  }
0x4d9: {  	v26 =	vmovc v29;
	v29 =	vmovc v0;
	v39 =	vadd.f32 v21, v47;
	v41 =	vmul.f32 $1.442695020e+00, v41;
	(erf) = vpow2.f32 v44  }
0x4da: {  	s28 =	sadd.s32 $0x10, s28;
	s11 =	sadd.s32 $0x10, s11;
	s10 =	sadd.s32 $0x10, s10;
	v45 =	vmul.f32 v43, v24;
	v21 =	vmovc v25;
	v25 =	vmovc v48;
	v43 =	vmul.f32 $1.442695020e+00, v46;
	v44 =	vsub.f32 $0.0e+00, v40  }
0x4db: {  	_ = 	snop  }
0x4dc: {  	v0 =	vadd.f32 v45, v36;
	_ =	sdelay $0x1  }
0x4dd: {  	v52 =	vmul.f32 $1.442695020e+00, v44;
	v53 =	vsub.f32 $0.0e+00, v0  }
0x4de: {  	(erf) = vpow2.f32 v43  }
0x4df: {  	(erf) = vpow2.f32 v52;
	v54 =	vmul.f32 $1.442695020e+00, v53  }
0x4e0: {  	(erf) = vpow2.f32 v41  }
0x4e1: {  	(erf) = vpow2.f32 v54;
	_ =	sdelay $0x2  }
0x4e2: {  	v55 =	vpop (erf)  }
0x4e3: {  	v41 =	vpop (erf)  }
0x4e4: {  	v56 =	vpop (erf)  }
0x4e5: {  	v35 =	vadd.f32 $-1.000000000e+00, v35;
	v36 =	vmul.f32 v55, v25;
	v43 =	vpop (erf)  }
0x4e6: {  	v42 =	vmul.f32 v42, v26;
	v40 =	vadd.f32 $-1.000000000e+00, v40;
	v37 =	vadd.f32 $-1.000000000e+00, v37;
	v58 =	vpop (erf)  }
0x4e7: {  	v38 =	vadd.f32 $-1.000000000e+00, v38;
	v35 =	vadd.f32 v36, v35;
	v36 =	vmul.f32 v56, v22;
	v59 =	vpop (erf)  }
0x4e8: {  	v31 =	vadd.f32 v42, v31;
	v0 =	vadd.f32 $-1.000000000e+00, v0;
	v44 =	vmul.f32 v58, v33;
	v47 =	vpop (erf)  }
0x4e9: {  	v57 =	vsub.f32 $0.0e+00, v35;
	v36 =	vadd.f32 v36, v37;
	v60 =	vmul.f32 v47, v24  }
0x4ea: {  	v46 =	vsub.f32 $0.0e+00, v31;
	v45 =	vmul.f32 v59, v29;
	v40 =	vadd.f32 v44, v40  }
0x4eb: {  	v42 =	vmul.f32 $1.442695020e+00, v57;
	v62 =	vsub.f32 $0.0e+00, v36;
	v0 =	vadd.f32 v60, v0  }
0x4ec: {  	v61 =	vmul.f32 $1.442695020e+00, v46;
	v38 =	vadd.f32 v45, v38;
	v48 =	vsub.f32 $0.0e+00, v40  }
0x4ed: {  	(erf) = vpow2.f32 v42;
	v49 =	vmul.f32 $1.442695020e+00, v62;
	v50 =	vsub.f32 $0.0e+00, v0  }
0x4ee: {  	(erf) = vpow2.f32 v61;
	v45 =	vsub.f32 $0.0e+00, v38;
	v37 =	vmul.f32 $1.442695020e+00, v48  }
0x4ef: {  	(erf) = vpow2.f32 v49;
	v51 =	vmul.f32 $1.442695020e+00, v50  }
0x4f0: {  	v52 =	vmul.f32 $1.442695020e+00, v45;
	(erf) = vpow2.f32 v37  }
0x4f1: {  	(erf) = vpow2.f32 v51  }
0x4f2: {  	(erf) = vpow2.f32 v52;
	_ =	sdelay $0x3  }
0x4f3: {  	v53 =	vpop (erf)  }
0x4f4: {  	v54 =	vpop (erf)  }
0x4f5: {  	v31 =	vadd.f32 $-1.000000000e+00, v31;
	v42 =	vmul.f32 v54, v26;
	v55 =	vpop (erf)  }
0x4f6: {  	v56 =	vpop (erf)  }
0x4f7: {  	v31 =	vadd.f32 v42, v31;
	v57 =	vpop (erf)  }
0x4f8: {  	v40 =	vadd.f32 $-1.000000000e+00, v40;
	v42 =	vmul.f32 v56, v33;
	v59 =	vpop (erf)  }
0x4f9: {  	v38 =	vadd.f32 $-1.000000000e+00, v38;
	v58 =	vsub.f32 $0.0e+00, v31;
	v47 =	vmul.f32 v59, v29  }
0x4fa: {  	v40 =	vadd.f32 v42, v40  }
0x4fb: {  	v60 =	vmul.f32 $1.442695020e+00, v58;
	v38 =	vadd.f32 v47, v38  }
0x4fc: {  	v61 =	vsub.f32 $0.0e+00, v40  }
0x4fd: {  	v32 =	vsub.f32 v32, v39;
	(erf) = vpow2.f32 v60;
	v62 =	vsub.f32 $0.0e+00, v38  }
0x4fe: {  	v1 =	vadd.f32 v1, v2;
	v42 =	vmul.f32 $1.442695020e+00, v61  }
0x4ff: {  	v14 =	vadd.f32 v14, v15;
	v32 =	vand.u32 $0x7FFFFFFF, v32;
	v39 =	vmul.f32 $1.442695020e+00, v62  }
0x500: {  	v1 =	vadd.f32 v12, v1;
	v16 =	vmul.f32 v32, v16;
	(erf) = vpow2.f32 v42  }
0x501: {  	v30 =	vadd.f32 $-1.000000000e+00, v30;
	v21 =	vmul.f32 v41, v21;
	(erf) = vpow2.f32 v39  }
0x502: {  	v11 =	vadd.f32 v11, v14;
	v1 =	vadd.f32 v10, v1  }
0x503: {  	v16 =	vadd.f32 v16, v23;
	v21 =	vadd.f32 v21, v30;
	v20 =	vmul.f32 v43, v20  }
0x504: {  	v43 =	vadd.f32 $-1.000000000e+00, v36;
	v0 =	vadd.f32 $-1.000000000e+00, v0;
	v46 =	vmul.f32 v55, v22  }
0x505: {  	v48 =	vmul.f32 v53, v25;
	v50 =	vadd.f32 $-1.000000000e+00, v31;
	v42 =	vadd.f32 $-1.000000000e+00, v34  }
0x506: {  	v22 =	vadd.f32 v46, v43;
	v51 =	vmul.f32 v57, v24;
	v49 =	vpop (erf);
	v47 =	vadd.f32 $-1.000000000e+00, v35  }
0x507: {  	v54 =	vadd.f32 $-1.000000000e+00, v40;
	v23 =	vmul.f32 v49, v26;
	v20 =	vadd.f32 v20, v42  }
0x508: {  	v0 =	vadd.f32 v51, v0;
	v25 =	vadd.f32 v48, v47  }
0x509: {  	v23 =	vadd.f32 v23, v50;
	v20 =	vsub.f32 v20, v21;
	v52 =	vpop (erf)  }
0x50a: {  	v56 =	vadd.f32 $-1.000000000e+00, v38;
	v22 =	vsub.f32 v22, v25;
	v55 =	vpop (erf)  }
0x50b: {  	v53 =	vand.u32 $0x7FFFFFFF, v20;
	v57 =	vmul.f32 v52, v33;
	v24 =	vmul.f32 v55, v29  }
0x50c: {  	v11 =	vadd.f32 v13, v11;
	v0 =	vsub.f32 v23, v0;
	v2 =	vmul.f32 v53, v17  }
0x50d: {  	v59 =	vand.u32 $0x7FFFFFFF, v22;
	v12 =	vadd.f32 v57, v54;
	v58 =	vadd.f32 v24, v56  }
0x50e: {  	v1 =	vadd.f32 v7, v1;
	v10 =	vmul.f32 v59, v19;
	v2 =	vadd.f32 v2, v16  }
0x50f: {  	v6 =	vadd.f32 v6, v11;
	v0 =	vand.u32 $0x7FFFFFFF, v0;
	v60 =	vsub.f32 v58, v12  }
0x510: {  	v1 =	vadd.f32 v63, v1;
	v0 =	vmul.f32 v0, v18;
	v2 =	vadd.f32 v10, v2  }
0x511: {  	v6 =	vadd.f32 v9, v6;
	v7 =	vand.u32 $0x7FFFFFFF, v60  }
0x512: {  	v1 =	vadd.f32 v8, v1;
	v0 =	vadd.f32 v0, v2;
	v61 =	vmul.f32 v7, v28  }
0x513: {  	v63 =	vmul.f32 $5.000000000e-01, v27;
	v4 =	vadd.f32 v4, v6  }
0x514: {  	v1 =	vadd.f32 v3, v1;
	v0 =	vadd.f32 v61, v0  }
0x515: {  	[tilespmem:$0x2380] =	vst v63;
	v62 =	vadd.f32 v5, v4  }
0x516: {  	[tilespmem:$0x2200] =	vst v1;
	v0 =	vmul.f32 $5.000000000e-01, v0  }
0x517: {  	[tilespmem:$0x2280] =	vst v62  }
0x518: {  	s9 =	rddreg [dreg:$0x1e];
	s10 =	simm.s32 $0x2200;
	[tilespmem:$0x2300] =	vst v0  }
0x519: {  	[hbm4b:s9+s7] =	stream.linear.scatter [tilespmem:s10], [sflag:$0x6], $0x200, $0x38;
	[tilespmem:$0x1AC00] =	vst v63  }
0x51a: {  	_ =	swait.ge [sflag:s21], $0x200  }
0x51b: {  	s26 =	sadd.s32 $0x1, s26;
	s29 =	rddreg [dreg:$0x1f]  }
0x51c: {  	p0 =	sne.s32 s26, s29  }
.Ltmp14:
0x51d: {  	_ = 	snop;
	(pc) =	sbr.rel @p0 .LBB2_1-.Ltmp14, $3  }
0x51e: {  	_ =	sdelay $0x1  }
0x51f: {  	[sflag:s21] =	ssyncset.done $0x0  }
0x520: {  	[sflag:s21] =	ssyncadd.s32 $0xFFFFFE00  }
0x521: {  	_ =	sfence.sel $0x180000  }
0x522: {  	[bflag:$0x0] =	sbarrier.arrive $0xFFFF  }
0x523: {  	_ =	strace $0x90000047  }
0x524: {  	s0 =	stileid.u32;
	[bflag:$0x2] =	sbarrier.arrive $0xFFFF  }
0x525: {  	p0 =	sne.s32 s0, $0x0;
	s0 =	rddreg [dreg:$0x8]  }
0x526: {  	s0 =	sadd.s32 @!p0 $0x100000, s0  }
0x527: {  	[sflag:s0] =	ssyncadd.tile.s32 @!p0 $0x1;
	_ =	shalt  }
.Lfunc_end2:
_tile_overlayer_lowered:
.L_overlay_start_2:
0x528: {  	(tag) =	ssettag $0x2  }
0x529: {  	s0 =	rddreg [dreg:$0x0];
	s2 =	stileid.u32  }
0x52a: {  	s1 =	rddreg [dreg:$0x1];
	p0 =	sne.s32 s2, $0x0  }
0x52b: {  	s3 =	rddreg [dreg:$0x2];
	[bflag:$0x3] =	sbarrier.arrive $0xFFFF;
	s2 =	simm.s32 @!p0 $0x1C06  }
0x52c: {  	[timem:s3], [sflag:s2] =	dma.local @!p0 [hbm:s0], s1  }
0x52d: {  	s0 =	simm.s32 @!p0 $0x6  }
0x52e: {  	_ =	swait.ge @!p0 [sflag:s0], s1  }
0x52f: {  	s1 =	ssub.s32 @!p0 $0x0, s1;
	[sflag:s0] =	ssyncset.done @!p0 $0x0  }
0x530: {  	[sflag:s0] =	ssyncadd.s32 @!p0 s1  }
0x531: {  	[bflag:$0x3] =	sbarrier.arrive $0xFFFF  }
0x532: {  	_ =	shalt  }

</sc_bundles>
